<compile_context>
chip_gen: v7x
topology: tpu7x:2x2x1
jax: 0.10.2.dev20260603
libtpu: 0.0.44.dev20260713+nightly
codegen_flags: <defaults>
</compile_context>

<pallas_src>
import functools

import jax
import jax.numpy as jnp
from jax import lax
from jax.experimental import pallas as pl
from jax.experimental.pallas import tpu as pltpu
from jax.experimental.pallas import tpu_sc as plsc

_N = 10000
_NP = 10240
_E = 320000
_D = 128
_W = 64
_HID = 32
_NTILES = 16
_CHUNK = 128
_NCHUNK = 160
_NBUF = 5
_EP = _NTILES * _NCHUNK * _CHUNK
_RPT = _NP // 16
_B = 1024
_GRID = _NP // _B


@functools.lru_cache(maxsize=None)
def _sc_degree_fn():
    mesh = plsc.VectorSubcoreMesh(core_axis_name="c", subcore_axis_name="s",
                                  num_cores=1, num_subcores=_NTILES)

    @functools.partial(
        pl.kernel,
        out_type=jax.ShapeDtypeStruct((_NP,), jnp.float32),
        mesh=mesh,
        scratch_types=[
            pltpu.VMEM((_NCHUNK, _CHUNK), jnp.int32),
            pltpu.VMEM((_CHUNK,), jnp.float32),
            pltpu.VMEM_SHARED((_NP,), jnp.float32),
            pltpu.SemaphoreType.DMA,
        ],
    )
    def deg_kernel(src_h, ones_h, zeros_h, deg_out, idx_v, ones_v, deg_sh,
                   sem):
        s = lax.axis_index("s")
        pltpu.sync_copy(zeros_h, deg_sh.at[pl.ds(s * _RPT, _RPT)])
        pltpu.sync_copy(ones_h, ones_v)
        pltpu.sync_copy(src_h.at[s], idx_v)
        plsc.subcore_barrier()

        def fire(j, carry):
            pltpu.async_copy(ones_v, deg_sh.at[idx_v.at[j]], sem, add=True)
            return carry

        lax.fori_loop(0, _NCHUNK, fire, 0)

        def drain(j, carry):
            pltpu.make_async_copy(ones_v, deg_sh.at[idx_v.at[j]], sem).wait()
            return carry

        lax.fori_loop(0, _NCHUNK, drain, 0)
        plsc.subcore_barrier()
        pltpu.sync_copy(deg_sh.at[pl.ds(s * _RPT, _RPT)],
                        deg_out.at[pl.ds(s * _RPT, _RPT)])

    return deg_kernel


@functools.lru_cache(maxsize=None)
def _sc_scatter_fn():
    mesh = plsc.VectorSubcoreMesh(core_axis_name="c", subcore_axis_name="s",
                                  num_cores=1, num_subcores=_NTILES)

    @functools.partial(
        pl.kernel,
        out_type=jax.ShapeDtypeStruct((_NP, _W), jnp.float32),
        mesh=mesh,
        scratch_types=[
            pltpu.VMEM((_NCHUNK, _CHUNK), jnp.int32),
            pltpu.VMEM((_NCHUNK, _CHUNK), jnp.int32),
        ] + [pltpu.VMEM((_CHUNK, _W), jnp.float32) for _ in range(_NBUF)]
          + [pltpu.VMEM_SHARED((_NP, _W), jnp.float32)]
          + [pltpu.SemaphoreType.DMA for _ in range(2 * _NBUF)],
        compiler_params=pltpu.CompilerParams(use_tc_tiling_on_sc=False),
    )
    def scat_kernel(table_h, src_h, dst_h, zrows_h, s_out,
                    sidx, didx, *bufs_and_sems):
        rows = bufs_and_sems[:_NBUF]
        acc_sh = bufs_and_sems[_NBUF]
        gsem = bufs_and_sems[_NBUF + 1:2 * _NBUF + 1]
        ssem = bufs_and_sems[2 * _NBUF + 1:]
        s = lax.axis_index("s")
        cz = pltpu.async_copy(zrows_h, acc_sh.at[pl.ds(s * _RPT, _RPT)],
                              gsem[0])
        cs = pltpu.async_copy(src_h.at[s], sidx, gsem[1])
        cd = pltpu.async_copy(dst_h.at[s], didx, gsem[2])
        cz.wait()
        cs.wait()
        cd.wait()
        plsc.subcore_barrier()

        def gather(j, b):
            pltpu.async_copy(table_h.at[sidx.at[j]], rows[b], gsem[b])

        def gather_wait(j, b):
            pltpu.make_async_copy(table_h.at[sidx.at[j]], rows[b],
                                  gsem[b]).wait()

        def scat(j, b):
            pltpu.async_copy(rows[b], acc_sh.at[didx.at[j]], ssem[b],
                             add=True)

        def scat_wait(j, b):
            pltpu.make_async_copy(rows[b], acc_sh.at[didx.at[j]],
                                  ssem[b]).wait()

        for b in range(_NBUF):
            gather(b, b)

        def grp(g, carry):
            j0 = g * _NBUF
            for b in range(_NBUF):
                gather_wait(j0 + b, b)
                scat(j0 + b, b)
            for b in range(_NBUF):
                scat_wait(j0 + b, b)
                gather(j0 + b + _NBUF, b)
            return carry

        lax.fori_loop(0, _NCHUNK // _NBUF - 1, grp, 0)
        j0 = _NCHUNK - _NBUF
        for b in range(_NBUF):
            gather_wait(j0 + b, b)
            scat(j0 + b, b)
        for b in range(_NBUF):
            scat_wait(j0 + b, b)
        plsc.subcore_barrier()
        pltpu.sync_copy(acc_sh.at[pl.ds(s * _RPT, _RPT)],
                        s_out.at[pl.ds(s * _RPT, _RPT)])

    return scat_kernel


def _sc_degree(src3, ones_h, zeros_h):
    return _sc_degree_fn()(src3, ones_h, zeros_h)


def _sc_scatter(table, src3, dst3, zrows_h):
    return _sc_scatter_fn()(table, src3, dst3, zrows_h)



def _tc1_body(x_ref, deg_ref, w_ref, b_ref,
              c1_ref, p_ref, a_ref, dinv_ref):
    deg = deg_ref[...]
    dinv = jnp.where(deg > 0.0, lax.rsqrt(jnp.maximum(deg, 1e-12)), 0.0)
    y = jnp.dot(x_ref[...], w_ref[...], preferred_element_type=jnp.float32)
    y2 = y[:, 0:_W]
    y1 = y[:, _W:2 * _W]
    y0 = y[:, 2 * _W:3 * _W]
    c1_ref[...] = dinv * y2
    p_ref[...] = dinv * y1
    a_ref[...] = y0 + b_ref[...] - y2
    dinv_ref[...] = dinv


def _tc1(x, deg, wp, bsum):
    row = lambda i: (i, 0)
    zero = lambda i: (0, 0)
    return pl.pallas_call(
        _tc1_body,
        grid=(_GRID,),
        in_specs=[
            pl.BlockSpec((_B, _D), row),
            pl.BlockSpec((_B, 1), row),
            pl.BlockSpec((_D, 3 * _W), zero),
            pl.BlockSpec((1, _W), zero),
        ],
        out_specs=[
            pl.BlockSpec((_B, _W), row),
            pl.BlockSpec((_B, _W), row),
            pl.BlockSpec((_B, _W), row),
            pl.BlockSpec((_B, 1), row),
        ],
        out_shape=[
            jax.ShapeDtypeStruct((_NP, _W), jnp.float32),
            jax.ShapeDtypeStruct((_NP, _W), jnp.float32),
            jax.ShapeDtypeStruct((_NP, _W), jnp.float32),
            jax.ShapeDtypeStruct((_NP, 1), jnp.float32),
        ],
    )(x, deg, wp, bsum)


def _tcq_body(s1_ref, p_ref, dinv_ref, q_ref):
    dinv = dinv_ref[...]
    q_ref[...] = p_ref[...] - 2.0 * dinv * dinv * s1_ref[...]


def _tc_q(s1, p, dinv):
    row = lambda i: (i, 0)
    return pl.pallas_call(
        _tcq_body,
        grid=(_GRID,),
        in_specs=[
            pl.BlockSpec((_B, _W), row),
            pl.BlockSpec((_B, _W), row),
            pl.BlockSpec((_B, 1), row),
        ],
        out_specs=pl.BlockSpec((_B, _W), row),
        out_shape=jax.ShapeDtypeStruct((_NP, _W), jnp.float32),
    )(s1, p, dinv)


def _gate_h(a, s2, dinv):
    cheb = a - dinv * s2
    z = jax.nn.sigmoid(cheb[:, 0:_HID])
    ht = jnp.tanh(cheb[:, _HID:2 * _HID])
    return jax.nn.relu((1.0 - z) * ht)


def _tc3_body(a_ref, s2_ref, dinv_ref, w_ref, b_ref,
              c1_ref, p_ref, a2_ref):
    h = _gate_h(a_ref[...], s2_ref[...], dinv_ref[...])
    dinv = dinv_ref[...]
    y = jnp.dot(h, w_ref[...], preferred_element_type=jnp.float32)
    y2 = y[:, 0:_W]
    y1 = y[:, _W:2 * _W]
    y0 = y[:, 2 * _W:3 * _W]
    c1_ref[...] = dinv * y2
    p_ref[...] = dinv * y1
    a2_ref[...] = y0 + b_ref[...] - y2


def _tc3(a, s2, dinv, wp, bsum):
    row = lambda i: (i, 0)
    zero = lambda i: (0, 0)
    return pl.pallas_call(
        _tc3_body,
        grid=(_GRID,),
        in_specs=[
            pl.BlockSpec((_B, _W), row),
            pl.BlockSpec((_B, _W), row),
            pl.BlockSpec((_B, 1), row),
            pl.BlockSpec((_HID, 3 * _W), zero),
            pl.BlockSpec((1, _W), zero),
        ],
        out_specs=[
            pl.BlockSpec((_B, _W), row),
            pl.BlockSpec((_B, _W), row),
            pl.BlockSpec((_B, _W), row),
        ],
        out_shape=[
            jax.ShapeDtypeStruct((_NP, _W), jnp.float32),
            jax.ShapeDtypeStruct((_NP, _W), jnp.float32),
            jax.ShapeDtypeStruct((_NP, _W), jnp.float32),
        ],
    )(a, s2, dinv, wp, bsum)


def _tc5_body(a_ref, s2_ref, dinv_ref, lw_ref, lb_ref,
              hsum_ref, out_ref):
    i = pl.program_id(0)
    h = _gate_h(a_ref[...], s2_ref[...], dinv_ref[...])
    rows = i * _B + lax.broadcasted_iota(jnp.int32, (_B, 1), 0)
    h = jnp.where(rows < _N, h, 0.0)
    part = jnp.sum(h, axis=0, keepdims=True)

    @pl.when(i == 0)
    def _():
        hsum_ref[...] = jnp.zeros_like(hsum_ref)
        out_ref[...] = jnp.zeros_like(out_ref)

    hsum_ref[...] += part

    @pl.when(i == pl.num_programs(0) - 1)
    def _():
        pooled = hsum_ref[...] * (1.0 / _N)
        out_ref[...] = (jnp.dot(pooled, lw_ref[...],
                                preferred_element_type=jnp.float32)
                        + lb_ref[...])


def _tc5(a, s2, dinv, lw, lb):
    row = lambda i: (i, 0)
    zero = lambda i: (0, 0)
    return pl.pallas_call(
        _tc5_body,
        grid=(_GRID,),
        in_specs=[
            pl.BlockSpec((_B, _W), row),
            pl.BlockSpec((_B, _W), row),
            pl.BlockSpec((_B, 1), row),
            pl.BlockSpec((_HID, 11), zero),
            pl.BlockSpec((1, 11), zero),
        ],
        out_specs=[
            pl.BlockSpec((1, _HID), zero),
            pl.BlockSpec((1, 11), zero),
        ],
        out_shape=[
            jax.ShapeDtypeStruct((1, _HID), jnp.float32),
            jax.ShapeDtypeStruct((1, 11), jnp.float32),
        ],
    )(a, s2, dinv, lw, lb)



def _pack(wx):
    return jnp.concatenate(
        [wx[0, 2], wx[2, 2], wx[0, 1], wx[2, 1], wx[0, 0], wx[2, 0]], axis=1)


def kernel(obs, edge_index, gru1_Wx, gru1_bx, gru1_Wh, gru1_bh,
           gru2_Wx, gru2_bx, gru2_Wh, gru2_bh, lin_W, lin_b):
    f32 = jnp.float32
    src = edge_index[0]
    dst = edge_index[1]
    padv = _N + (jnp.arange(_EP - _E, dtype=jnp.int32) % (_NP - _N))
    src3 = jnp.concatenate([src, padv]).reshape(_NTILES, _NCHUNK, _CHUNK)
    dst3 = jnp.concatenate([dst, padv]).reshape(_NTILES, _NCHUNK, _CHUNK)
    obs_p = jnp.zeros((_NP, _D), f32).at[:_N].set(obs)

    wp1 = _pack(gru1_Wx)
    wp2 = _pack(gru2_Wx)
    bsum1 = jnp.concatenate(
        [gru1_bx[0] + gru1_bh[0], gru1_bx[2] + gru1_bh[2]]).reshape(1, _W)
    bsum2 = jnp.concatenate(
        [gru2_bx[0] + gru2_bh[0], gru2_bx[2] + gru2_bh[2]]).reshape(1, _W)

    ones_h = jnp.ones((_CHUNK,), f32)
    zeros_deg = jnp.zeros((_RPT,), f32)
    zeros_rows = jnp.zeros((_RPT, _W), f32)

    deg = _sc_degree(src3, ones_h, zeros_deg).reshape(_NP, 1)

    c1, p, a, dinv = _tc1(obs_p, deg, wp1, bsum1)
    s1 = _sc_scatter(c1, src3, dst3, zeros_rows)
    q = _tc_q(s1, p, dinv)
    s2 = _sc_scatter(q, src3, dst3, zeros_rows)

    c1b, pb, ab = _tc3(a, s2, dinv, wp2, bsum2)
    s1b = _sc_scatter(c1b, src3, dst3, zeros_rows)
    qb = _tc_q(s1b, pb, dinv)
    s2b = _sc_scatter(qb, src3, dst3, zeros_rows)

    _, out11 = _tc5(ab, s2b, dinv, lin_W, lin_b.reshape(1, 11))
    return out11[0, 1:]

# --- scband reference (transcript-rebuilt; emitter-appended) ---
"""Pipeline reference for scband-recurrent-gcn-61512521613339 (READ-ONLY COPY).

The authoritative reference and input builder live on the scoring server;
editing this copy changes nothing except your own understanding.
"""

import jax, jax.numpy as jnp
import numpy as np

N = 10000
E = 320000
D = 128
HID = 32
OUT = 11
K = 3


def setup_inputs(seed: int = 0) -> dict:
    key = jax.random.key(seed)
    ks = jax.random.split(key, 10)
    s = 0.05
    obs = jax.random.normal(ks[0], (N, D), dtype=jnp.float32)
    edge_index = jax.random.randint(ks[1], (2, E), 0, N, dtype=jnp.int32)
    # GConvGRU1: gates ordered (z, r, h); each gate has an x-ChebConv and an h-ChebConv with K=3
    gru1_Wx = jax.random.normal(ks[2], (3, K, D, HID), dtype=jnp.float32) * s
    gru1_bx = jnp.zeros((3, HID), dtype=jnp.float32)
    gru1_Wh = jax.random.normal(ks[3], (3, K, HID, HID), dtype=jnp.float32) * s
    gru1_bh = jnp.zeros((3, HID), dtype=jnp.float32)
    # GConvGRU2
    gru2_Wx = jax.random.normal(ks[4], (3, K, HID, HID), dtype=jnp.float32) * s
    gru2_bx = jnp.zeros((3, HID), dtype=jnp.float32)
    gru2_Wh = jax.random.normal(ks[5], (3, K, HID, HID), dtype=jnp.float32) * s
    gru2_bh = jnp.zeros((3, HID), dtype=jnp.float32)
    lin_W = jax.random.normal(ks[6], (HID, OUT), dtype=jnp.float32) * s
    lin_b = jnp.zeros((OUT,), dtype=jnp.float32)
    return {
        "obs": obs, "edge_index": edge_index,
        "gru1_Wx": gru1_Wx, "gru1_bx": gru1_bx, "gru1_Wh": gru1_Wh, "gru1_bh": gru1_bh,
        "gru2_Wx": gru2_Wx, "gru2_bx": gru2_bx, "gru2_Wh": gru2_Wh, "gru2_bh": gru2_bh,
        "lin_W": lin_W, "lin_b": lin_b,
    }


def _cheb_conv(x, W, b, src, dst, dinv, n):
    # ChebConv, sym norm, lambda_max=2 -> L_hat = -D^{-1/2} A D^{-1/2}
    norm = -(dinv[src] * dinv[dst])

    def Lhat(v):
        return jax.ops.segment_sum(norm[:, None] * v[src], dst, num_segments=n)

    Tx0 = x
    out = Tx0 @ W[0] + b
    Tx1 = Lhat(Tx0)
    out = out + Tx1 @ W[1]
    Tx2 = 2.0 * Lhat(Tx1) - Tx0
    out = out + Tx2 @ W[2]
    return out


def _gconv_gru(x, Wx, bx, Wh, bh, src, dst, dinv, n, h_dim):
    Hst = jnp.zeros((n, h_dim), dtype=x.dtype)  # H=None -> zeros
    Z = jax.nn.sigmoid(_cheb_conv(x, Wx[0], bx[0], src, dst, dinv, n)
                       + _cheb_conv(Hst, Wh[0], bh[0], src, dst, dinv, n))
    Rg = jax.nn.sigmoid(_cheb_conv(x, Wx[1], bx[1], src, dst, dinv, n)
                        + _cheb_conv(Hst, Wh[1], bh[1], src, dst, dinv, n))
    Ht = jnp.tanh(_cheb_conv(x, Wx[2], bx[2], src, dst, dinv, n)
                  + _cheb_conv(Hst * Rg, Wh[2], bh[2], src, dst, dinv, n))
    return Z * Hst + (1.0 - Z) * Ht


def reference(obs, edge_index, gru1_Wx, gru1_bx, gru1_Wh, gru1_bh,
              gru2_Wx, gru2_bx, gru2_Wh, gru2_bh, lin_W, lin_b):
    src = edge_index[0]
    dst = edge_index[1]
    deg = jax.ops.segment_sum(jnp.ones((E,), jnp.float32), src, num_segments=N)
    dinv = jnp.where(deg > 0, 1.0 / jnp.sqrt(jnp.maximum(deg, 1e-12)), 0.0)
    h = jax.nn.relu(_gconv_gru(obs, gru1_Wx, gru1_bx, gru1_Wh, gru1_bh, src, dst, dinv, N, HID))
    h = jax.nn.relu(_gconv_gru(h, gru2_Wx, gru2_bx, gru2_Wh, gru2_bh, src, dst, dinv, N, HID))
    pooled = jnp.mean(h, axis=0, keepdims=True)  # global_mean_pool, batch=None -> [1, 32]
    out = pooled @ lin_W + lin_b
    out = out.reshape(-1, 11)[:, 1:].reshape(-1)
    return out

if __name__ == "__main__":
    import jax
    _d = setup_inputs()
    print(jax.jit(kernel)(*tuple(_d.values())))

</pallas_src>

<mosaic_0001>
#map = affine_map<(d0, d1) -> (0, 0, 0)>
#map1 = affine_map<(d0, d1) -> (0)>
module attributes {stable_mosaic.version = 14 : i64} {
  func.func @deg_kernel(%arg0: i32, %arg1: i32, %arg2: memref<16x160x128xi32, #tpu.memory_space<hbm>>, %arg3: memref<128xf32, #tpu.memory_space<hbm>>, %arg4: memref<640xf32, #tpu.memory_space<hbm>>, %arg5: memref<10240xf32, #tpu.memory_space<hbm>>, %arg6: memref<160x128xi32, #tpu.memory_space<vmem>>, %arg7: memref<128xf32, #tpu.memory_space<vmem>>, %arg8: memref<10240xf32, #tpu.memory_space<vmem_shared>>, %arg9: memref<!tpu.dma_semaphore, #tpu.memory_space<semaphore_mem>>) attributes {dimension_semantics = [#tpu.dimension_semantics<core_parallel>, #tpu.dimension_semantics<subcore_parallel>], iteration_bounds = array<i64: 1, 16>, scalar_prefetch = 0 : i64, scratch_operands = 4 : i64, tpu.core_type = #tpu.core_type<sc_vector_subcore>, window_params = [{transform_indices = #map}, {transform_indices = #map1}, {transform_indices = #map1}, {transform_indices = #map1}]} {
    %mul3A = arith.constant 640 : i32
    %mul3A_0 = arith.muli %arg1, %mul3A : i32
    "tpu.region"() ({
      %run_scoped3A = tpu.sem_alloc : memref<!tpu.dma_semaphore, #tpu.memory_space<semaphore_mem>>
      %dma_start3A = tpu.memref_slice %arg8[%mul3A_0] : memref<10240xf32, #tpu.memory_space<vmem_shared>> -> memref<640xf32, #tpu.memory_space<vmem_shared>>
      tpu.enqueue_dma source(%arg4 : memref<640xf32, #tpu.memory_space<hbm>>) target(%dma_start3A : memref<640xf32, #tpu.memory_space<vmem_shared>>) target_semaphore(%run_scoped3A : memref<!tpu.dma_semaphore, #tpu.memory_space<semaphore_mem>>)
      %dma_wait3A = tpu.memref_slice %arg8[%mul3A_0] : memref<10240xf32, #tpu.memory_space<vmem_shared>> -> memref<640xf32, #tpu.memory_space<vmem_shared>>
      tpu.wait_dma2 semaphore(%run_scoped3A : memref<!tpu.dma_semaphore, #tpu.memory_space<semaphore_mem>>) src(%arg4 : memref<640xf32, #tpu.memory_space<hbm>>) dst(%dma_wait3A : memref<640xf32, #tpu.memory_space<vmem_shared>>)
      tpu.yield
    }) : () -> ()
    "tpu.region"() ({
      %run_scoped3A = tpu.sem_alloc : memref<!tpu.dma_semaphore, #tpu.memory_space<semaphore_mem>>
      tpu.enqueue_dma source(%arg3 : memref<128xf32, #tpu.memory_space<hbm>>) target(%arg7 : memref<128xf32, #tpu.memory_space<vmem>>) target_semaphore(%run_scoped3A : memref<!tpu.dma_semaphore, #tpu.memory_space<semaphore_mem>>)
      tpu.wait_dma2 semaphore(%run_scoped3A : memref<!tpu.dma_semaphore, #tpu.memory_space<semaphore_mem>>) src(%arg3 : memref<128xf32, #tpu.memory_space<hbm>>) dst(%arg7 : memref<128xf32, #tpu.memory_space<vmem>>)
      tpu.yield
    }) : () -> ()
    "tpu.region"() ({
      %run_scoped3A = tpu.sem_alloc : memref<!tpu.dma_semaphore, #tpu.memory_space<semaphore_mem>>
      %dma_start3A = arith.constant 0 : i32
      %dma_start3A_17 = arith.constant 0 : i32
      %dma_start3A_18 = tpu.memref_slice %arg2[%arg1, %dma_start3A, %dma_start3A_17] : memref<16x160x128xi32, #tpu.memory_space<hbm>> -> memref<1x160x128xi32, #tpu.memory_space<hbm>>
      %dma_start3A_19 = tpu.memref_squeeze %dma_start3A_18 : memref<1x160x128xi32, #tpu.memory_space<hbm>> -> memref<160x128xi32, #tpu.memory_space<hbm>>
      %dma_start3A_20 = arith.constant 0 : i32
      %dma_start3A_21 = arith.constant 0 : i32
      %dma_start3A_22 = tpu.memref_slice %arg2[%arg1, %dma_start3A_20, %dma_start3A_21] : memref<16x160x128xi32, #tpu.memory_space<hbm>> -> memref<1x160x128xi32, #tpu.memory_space<hbm>>
      %dma_start3A_23 = tpu.memref_squeeze %dma_start3A_22 : memref<1x160x128xi32, #tpu.memory_space<hbm>> -> memref<160x128xi32, #tpu.memory_space<hbm>>
      tpu.enqueue_dma source(%dma_start3A_23 : memref<160x128xi32, #tpu.memory_space<hbm>>) target(%arg6 : memref<160x128xi32, #tpu.memory_space<vmem>>) target_semaphore(%run_scoped3A : memref<!tpu.dma_semaphore, #tpu.memory_space<semaphore_mem>>)
      %dma_wait3A = arith.constant 0 : i32
      %dma_wait3A_24 = arith.constant 0 : i32
      %dma_wait3A_25 = tpu.memref_slice %arg2[%arg1, %dma_wait3A, %dma_wait3A_24] : memref<16x160x128xi32, #tpu.memory_space<hbm>> -> memref<1x160x128xi32, #tpu.memory_space<hbm>>
      %dma_wait3A_26 = tpu.memref_squeeze %dma_wait3A_25 : memref<1x160x128xi32, #tpu.memory_space<hbm>> -> memref<160x128xi32, #tpu.memory_space<hbm>>
      %dma_wait3A_27 = arith.constant 0 : i32
      %dma_wait3A_28 = arith.constant 0 : i32
      %dma_wait3A_29 = tpu.memref_slice %arg2[%arg1, %dma_wait3A_27, %dma_wait3A_28] : memref<16x160x128xi32, #tpu.memory_space<hbm>> -> memref<1x160x128xi32, #tpu.memory_space<hbm>>
      %dma_wait3A_30 = tpu.memref_squeeze %dma_wait3A_29 : memref<1x160x128xi32, #tpu.memory_space<hbm>> -> memref<160x128xi32, #tpu.memory_space<hbm>>
      tpu.wait_dma2 semaphore(%run_scoped3A : memref<!tpu.dma_semaphore, #tpu.memory_space<semaphore_mem>>) src(%dma_wait3A_30 : memref<160x128xi32, #tpu.memory_space<hbm>>) dst(%arg6 : memref<160x128xi32, #tpu.memory_space<vmem>>)
      tpu.yield
    }) : () -> ()
    %barrier3A = arith.constant 0 : index
    tpu.barrier barrier_id(%barrier3A)
    %scan3A = arith.constant 0 : i32
    %scan3A_1 = arith.constant 0 : i32
    %scan3A_2 = arith.constant 160 : i32
    %scan3A_3 = arith.addi %scan3A_1, %scan3A_2 : i32
    %scan3A_4 = arith.constant 1 : i32
    scf.for %scan3A_17 = %scan3A_1 to %scan3A_3 step %scan3A_4  : i32 {
      %dma_start3A = arith.constant 0 : i32
      %dma_start3A_18 = tpu.memref_slice %arg6[%scan3A_17, %dma_start3A] : memref<160x128xi32, #tpu.memory_space<vmem>> -> memref<1x128xi32, #tpu.memory_space<vmem>>
      %dma_start3A_19 = tpu.memref_squeeze %dma_start3A_18 : memref<1x128xi32, #tpu.memory_space<vmem>> -> memref<128xi32, #tpu.memory_space<vmem>>
      %dma_start3A_20 = arith.constant 0 : i32
      %dma_start3A_21 = tpu.memref_slice %arg8[%dma_start3A_20] : memref<10240xf32, #tpu.memory_space<vmem_shared>> -> memref<10240xf32, #tpu.memory_space<vmem_shared>>
      tpu.enqueue_indirect_dma source(%arg7 : memref<128xf32, #tpu.memory_space<vmem>>) target(%dma_start3A_21 : memref<10240xf32, #tpu.memory_space<vmem_shared>>) offsets(%dma_start3A_19 : memref<128xi32, #tpu.memory_space<vmem>>) semaphore(%arg9 : memref<!tpu.dma_semaphore, #tpu.memory_space<semaphore_mem>>) {add = true}
    }
    %scan3A_5 = arith.constant 160 : i32
    %scan3A_6 = arith.constant 0 : i32
    %scan3A_7 = arith.constant 0 : i32
    %scan3A_8 = arith.constant 160 : i32
    %scan3A_9 = arith.addi %scan3A_7, %scan3A_8 : i32
    %scan3A_10 = arith.constant 1 : i32
    scf.for %scan3A_17 = %scan3A_7 to %scan3A_9 step %scan3A_10  : i32 {
      %dma_wait3A = arith.constant 0 : i32
      %dma_wait3A_18 = tpu.memref_slice %arg6[%scan3A_17, %dma_wait3A] : memref<160x128xi32, #tpu.memory_space<vmem>> -> memref<1x128xi32, #tpu.memory_space<vmem>>
      %dma_wait3A_19 = tpu.memref_squeeze %dma_wait3A_18 : memref<1x128xi32, #tpu.memory_space<vmem>> -> memref<128xi32, #tpu.memory_space<vmem>>
      %dma_wait3A_20 = arith.constant 0 : i32
      %dma_wait3A_21 = tpu.memref_slice %arg8[%dma_wait3A_20] : memref<10240xf32, #tpu.memory_space<vmem_shared>> -> memref<10240xf32, #tpu.memory_space<vmem_shared>>
      tpu.wait_indirect_dma semaphore(%arg9 : memref<!tpu.dma_semaphore, #tpu.memory_space<semaphore_mem>>) src(%arg7 : memref<128xf32, #tpu.memory_space<vmem>>) dst(%dma_wait3A_21 : memref<10240xf32, #tpu.memory_space<vmem_shared>>)
    }
    %scan3A_11 = arith.constant 160 : i32
    %barrier3A_12 = arith.constant 0 : index
    tpu.barrier barrier_id(%barrier3A_12)
    %mul3A_13 = arith.constant 640 : i32
    %mul3A_14 = arith.muli %arg1, %mul3A_13 : i32
    %mul3A_15 = arith.constant 640 : i32
    %mul3A_16 = arith.muli %arg1, %mul3A_15 : i32
    "tpu.region"() ({
      %run_scoped3A = tpu.sem_alloc : memref<!tpu.dma_semaphore, #tpu.memory_space<semaphore_mem>>
      %dma_start3A = tpu.memref_slice %arg5[%mul3A_16] : memref<10240xf32, #tpu.memory_space<hbm>> -> memref<640xf32, #tpu.memory_space<hbm>>
      %dma_start3A_17 = tpu.memref_slice %arg8[%mul3A_14] : memref<10240xf32, #tpu.memory_space<vmem_shared>> -> memref<640xf32, #tpu.memory_space<vmem_shared>>
      tpu.enqueue_dma source(%dma_start3A_17 : memref<640xf32, #tpu.memory_space<vmem_shared>>) target(%dma_start3A : memref<640xf32, #tpu.memory_space<hbm>>) target_semaphore(%run_scoped3A : memref<!tpu.dma_semaphore, #tpu.memory_space<semaphore_mem>>)
      %dma_wait3A = tpu.memref_slice %arg5[%mul3A_16] : memref<10240xf32, #tpu.memory_space<hbm>> -> memref<640xf32, #tpu.memory_space<hbm>>
      %dma_wait3A_18 = tpu.memref_slice %arg8[%mul3A_14] : memref<10240xf32, #tpu.memory_space<vmem_shared>> -> memref<640xf32, #tpu.memory_space<vmem_shared>>
      tpu.wait_dma2 semaphore(%run_scoped3A : memref<!tpu.dma_semaphore, #tpu.memory_space<semaphore_mem>>) src(%dma_wait3A_18 : memref<640xf32, #tpu.memory_space<vmem_shared>>) dst(%dma_wait3A : memref<640xf32, #tpu.memory_space<hbm>>)
      tpu.yield
    }) : () -> ()
    return
  }
}

#map = affine_map<(d0, d1) -> (0, 0)>
#map1 = affine_map<(d0, d1) -> (0, 0, 0)>
module attributes {stable_mosaic.version = 14 : i64} {
  func.func @scat_kernel(%arg0: i32, %arg1: i32, %arg2: memref<10240x64xf32, #tpu.memory_space<hbm>>, %arg3: memref<16x160x128xi32, #tpu.memory_space<hbm>>, %arg4: memref<16x160x128xi32, #tpu.memory_space<hbm>>, %arg5: memref<640x64xf32, #tpu.memory_space<hbm>>, %arg6: memref<10240x64xf32, #tpu.memory_space<hbm>>, %arg7: memref<160x128xi32, #tpu.memory_space<vmem>>, %arg8: memref<160x128xi32, #tpu.memory_space<vmem>>, %arg9: memref<128x64xf32, #tpu.memory_space<vmem>>, %arg10: memref<128x64xf32, #tpu.memory_space<vmem>>, %arg11: memref<128x64xf32, #tpu.memory_space<vmem>>, %arg12: memref<128x64xf32, #tpu.memory_space<vmem>>, %arg13: memref<128x64xf32, #tpu.memory_space<vmem>>, %arg14: memref<10240x64xf32, #tpu.memory_space<vmem_shared>>, %arg15: memref<!tpu.dma_semaphore, #tpu.memory_space<semaphore_mem>>, %arg16: memref<!tpu.dma_semaphore, #tpu.memory_space<semaphore_mem>>, %arg17: memref<!tpu.dma_semaphore, #tpu.memory_space<semaphore_mem>>, %arg18: memref<!tpu.dma_semaphore, #tpu.memory_space<semaphore_mem>>, %arg19: memref<!tpu.dma_semaphore, #tpu.memory_space<semaphore_mem>>, %arg20: memref<!tpu.dma_semaphore, #tpu.memory_space<semaphore_mem>>, %arg21: memref<!tpu.dma_semaphore, #tpu.memory_space<semaphore_mem>>, %arg22: memref<!tpu.dma_semaphore, #tpu.memory_space<semaphore_mem>>, %arg23: memref<!tpu.dma_semaphore, #tpu.memory_space<semaphore_mem>>, %arg24: memref<!tpu.dma_semaphore, #tpu.memory_space<semaphore_mem>>) attributes {dimension_semantics = [#tpu.dimension_semantics<core_parallel>, #tpu.dimension_semantics<subcore_parallel>], iteration_bounds = array<i64: 1, 16>, scalar_prefetch = 0 : i64, scratch_operands = 18 : i64, tpu.core_type = #tpu.core_type<sc_vector_subcore>, window_params = [{transform_indices = #map}, {transform_indices = #map1}, {transform_indices = #map1}, {transform_indices = #map}, {transform_indices = #map}]} {
    %mul3A = arith.constant 640 : i32
    %mul3A_0 = arith.muli %arg1, %mul3A : i32
    %dma_start3A = arith.constant 0 : i32
    %dma_start3A_1 = tpu.memref_slice %arg14[%mul3A_0, %dma_start3A] : memref<10240x64xf32, #tpu.memory_space<vmem_shared>> -> memref<640x64xf32, #tpu.memory_space<vmem_shared>>
    tpu.enqueue_dma source(%arg5 : memref<640x64xf32, #tpu.memory_space<hbm>>) target(%dma_start3A_1 : memref<640x64xf32, #tpu.memory_space<vmem_shared>>) target_semaphore(%arg15 : memref<!tpu.dma_semaphore, #tpu.memory_space<semaphore_mem>>)
    %dma_start3A_2 = arith.constant 0 : i32
    %dma_start3A_3 = arith.constant 0 : i32
    %dma_start3A_4 = tpu.memref_slice %arg3[%arg1, %dma_start3A_2, %dma_start3A_3] : memref<16x160x128xi32, #tpu.memory_space<hbm>> -> memref<1x160x128xi32, #tpu.memory_space<hbm>>
    %dma_start3A_5 = tpu.memref_squeeze %dma_start3A_4 : memref<1x160x128xi32, #tpu.memory_space<hbm>> -> memref<160x128xi32, #tpu.memory_space<hbm>>
    %dma_start3A_6 = arith.constant 0 : i32
    %dma_start3A_7 = arith.constant 0 : i32
    %dma_start3A_8 = tpu.memref_slice %arg3[%arg1, %dma_start3A_6, %dma_start3A_7] : memref<16x160x128xi32, #tpu.memory_space<hbm>> -> memref<1x160x128xi32, #tpu.memory_space<hbm>>
    %dma_start3A_9 = tpu.memref_squeeze %dma_start3A_8 : memref<1x160x128xi32, #tpu.memory_space<hbm>> -> memref<160x128xi32, #tpu.memory_space<hbm>>
    tpu.enqueue_dma source(%dma_start3A_9 : memref<160x128xi32, #tpu.memory_space<hbm>>) target(%arg7 : memref<160x128xi32, #tpu.memory_space<vmem>>) target_semaphore(%arg16 : memref<!tpu.dma_semaphore, #tpu.memory_space<semaphore_mem>>)
    %dma_start3A_10 = arith.constant 0 : i32
    %dma_start3A_11 = arith.constant 0 : i32
    %dma_start3A_12 = tpu.memref_slice %arg4[%arg1, %dma_start3A_10, %dma_start3A_11] : memref<16x160x128xi32, #tpu.memory_space<hbm>> -> memref<1x160x128xi32, #tpu.memory_space<hbm>>
    %dma_start3A_13 = tpu.memref_squeeze %dma_start3A_12 : memref<1x160x128xi32, #tpu.memory_space<hbm>> -> memref<160x128xi32, #tpu.memory_space<hbm>>
    %dma_start3A_14 = arith.constant 0 : i32
    %dma_start3A_15 = arith.constant 0 : i32
    %dma_start3A_16 = tpu.memref_slice %arg4[%arg1, %dma_start3A_14, %dma_start3A_15] : memref<16x160x128xi32, #tpu.memory_space<hbm>> -> memref<1x160x128xi32, #tpu.memory_space<hbm>>
    %dma_start3A_17 = tpu.memref_squeeze %dma_start3A_16 : memref<1x160x128xi32, #tpu.memory_space<hbm>> -> memref<160x128xi32, #tpu.memory_space<hbm>>
    tpu.enqueue_dma source(%dma_start3A_17 : memref<160x128xi32, #tpu.memory_space<hbm>>) target(%arg8 : memref<160x128xi32, #tpu.memory_space<vmem>>) target_semaphore(%arg17 : memref<!tpu.dma_semaphore, #tpu.memory_space<semaphore_mem>>)
    %dma_wait3A = arith.constant 0 : i32
    %dma_wait3A_18 = tpu.memref_slice %arg14[%mul3A_0, %dma_wait3A] : memref<10240x64xf32, #tpu.memory_space<vmem_shared>> -> memref<640x64xf32, #tpu.memory_space<vmem_shared>>
    tpu.wait_dma2 semaphore(%arg15 : memref<!tpu.dma_semaphore, #tpu.memory_space<semaphore_mem>>) src(%arg5 : memref<640x64xf32, #tpu.memory_space<hbm>>) dst(%dma_wait3A_18 : memref<640x64xf32, #tpu.memory_space<vmem_shared>>)
    %dma_wait3A_19 = arith.constant 0 : i32
    %dma_wait3A_20 = arith.constant 0 : i32
    %dma_wait3A_21 = tpu.memref_slice %arg3[%arg1, %dma_wait3A_19, %dma_wait3A_20] : memref<16x160x128xi32, #tpu.memory_space<hbm>> -> memref<1x160x128xi32, #tpu.memory_space<hbm>>
    %dma_wait3A_22 = tpu.memref_squeeze %dma_wait3A_21 : memref<1x160x128xi32, #tpu.memory_space<hbm>> -> memref<160x128xi32, #tpu.memory_space<hbm>>
    %dma_wait3A_23 = arith.constant 0 : i32
    %dma_wait3A_24 = arith.constant 0 : i32
    %dma_wait3A_25 = tpu.memref_slice %arg3[%arg1, %dma_wait3A_23, %dma_wait3A_24] : memref<16x160x128xi32, #tpu.memory_space<hbm>> -> memref<1x160x128xi32, #tpu.memory_space<hbm>>
    %dma_wait3A_26 = tpu.memref_squeeze %dma_wait3A_25 : memref<1x160x128xi32, #tpu.memory_space<hbm>> -> memref<160x128xi32, #tpu.memory_space<hbm>>
    tpu.wait_dma2 semaphore(%arg16 : memref<!tpu.dma_semaphore, #tpu.memory_space<semaphore_mem>>) src(%dma_wait3A_26 : memref<160x128xi32, #tpu.memory_space<hbm>>) dst(%arg7 : memref<160x128xi32, #tpu.memory_space<vmem>>)
    %dma_wait3A_27 = arith.constant 0 : i32
    %dma_wait3A_28 = arith.constant 0 : i32
    %dma_wait3A_29 = tpu.memref_slice %arg4[%arg1, %dma_wait3A_27, %dma_wait3A_28] : memref<16x160x128xi32, #tpu.memory_space<hbm>> -> memref<1x160x128xi32, #tpu.memory_space<hbm>>
    %dma_wait3A_30 = tpu.memref_squeeze %dma_wait3A_29 : memref<1x160x128xi32, #tpu.memory_space<hbm>> -> memref<160x128xi32, #tpu.memory_space<hbm>>
    %dma_wait3A_31 = arith.constant 0 : i32
    %dma_wait3A_32 = arith.constant 0 : i32
    %dma_wait3A_33 = tpu.memref_slice %arg4[%arg1, %dma_wait3A_31, %dma_wait3A_32] : memref<16x160x128xi32, #tpu.memory_space<hbm>> -> memref<1x160x128xi32, #tpu.memory_space<hbm>>
    %dma_wait3A_34 = tpu.memref_squeeze %dma_wait3A_33 : memref<1x160x128xi32, #tpu.memory_space<hbm>> -> memref<160x128xi32, #tpu.memory_space<hbm>>
    tpu.wait_dma2 semaphore(%arg17 : memref<!tpu.dma_semaphore, #tpu.memory_space<semaphore_mem>>) src(%dma_wait3A_34 : memref<160x128xi32, #tpu.memory_space<hbm>>) dst(%arg8 : memref<160x128xi32, #tpu.memory_space<vmem>>)
    %barrier3A = arith.constant 0 : index
    tpu.barrier barrier_id(%barrier3A)
    %dma_start3A_35 = arith.constant 0 : i32
    %dma_start3A_36 = arith.constant 0 : i32
    %dma_start3A_37 = tpu.memref_slice %arg7[%dma_start3A_35, %dma_start3A_36] : memref<160x128xi32, #tpu.memory_space<vmem>> -> memref<1x128xi32, #tpu.memory_space<vmem>>
    %dma_start3A_38 = tpu.memref_squeeze %dma_start3A_37 : memref<1x128xi32, #tpu.memory_space<vmem>> -> memref<128xi32, #tpu.memory_space<vmem>>
    %dma_start3A_39 = arith.constant 0 : i32
    %dma_start3A_40 = arith.constant 0 : i32
    %dma_start3A_41 = tpu.memref_slice %arg2[%dma_start3A_39, %dma_start3A_40] : memref<10240x64xf32, #tpu.memory_space<hbm>> -> memref<10240x64xf32, #tpu.memory_space<hbm>>
    tpu.enqueue_indirect_dma source(%dma_start3A_41 : memref<10240x64xf32, #tpu.memory_space<hbm>>) target(%arg9 : memref<128x64xf32, #tpu.memory_space<vmem>>) offsets(%dma_start3A_38 : memref<128xi32, #tpu.memory_space<vmem>>) semaphore(%arg15 : memref<!tpu.dma_semaphore, #tpu.memory_space<semaphore_mem>>)
    %dma_start3A_42 = arith.constant 1 : i32
    %dma_start3A_43 = arith.constant 0 : i32
    %dma_start3A_44 = tpu.memref_slice %arg7[%dma_start3A_42, %dma_start3A_43] : memref<160x128xi32, #tpu.memory_space<vmem>> -> memref<1x128xi32, #tpu.memory_space<vmem>>
    %dma_start3A_45 = tpu.memref_squeeze %dma_start3A_44 : memref<1x128xi32, #tpu.memory_space<vmem>> -> memref<128xi32, #tpu.memory_space<vmem>>
    %dma_start3A_46 = arith.constant 0 : i32
    %dma_start3A_47 = arith.constant 0 : i32
    %dma_start3A_48 = tpu.memref_slice %arg2[%dma_start3A_46, %dma_start3A_47] : memref<10240x64xf32, #tpu.memory_space<hbm>> -> memref<10240x64xf32, #tpu.memory_space<hbm>>
    tpu.enqueue_indirect_dma source(%dma_start3A_48 : memref<10240x64xf32, #tpu.memory_space<hbm>>) target(%arg10 : memref<128x64xf32, #tpu.memory_space<vmem>>) offsets(%dma_start3A_45 : memref<128xi32, #tpu.memory_space<vmem>>) semaphore(%arg16 : memref<!tpu.dma_semaphore, #tpu.memory_space<semaphore_mem>>)
    %dma_start3A_49 = arith.constant 2 : i32
    %dma_start3A_50 = arith.constant 0 : i32
    %dma_start3A_51 = tpu.memref_slice %arg7[%dma_start3A_49, %dma_start3A_50] : memref<160x128xi32, #tpu.memory_space<vmem>> -> memref<1x128xi32, #tpu.memory_space<vmem>>
    %dma_start3A_52 = tpu.memref_squeeze %dma_start3A_51 : memref<1x128xi32, #tpu.memory_space<vmem>> -> memref<128xi32, #tpu.memory_space<vmem>>
    %dma_start3A_53 = arith.constant 0 : i32
    %dma_start3A_54 = arith.constant 0 : i32
    %dma_start3A_55 = tpu.memref_slice %arg2[%dma_start3A_53, %dma_start3A_54] : memref<10240x64xf32, #tpu.memory_space<hbm>> -> memref<10240x64xf32, #tpu.memory_space<hbm>>
    tpu.enqueue_indirect_dma source(%dma_start3A_55 : memref<10240x64xf32, #tpu.memory_space<hbm>>) target(%arg11 : memref<128x64xf32, #tpu.memory_space<vmem>>) offsets(%dma_start3A_52 : memref<128xi32, #tpu.memory_space<vmem>>) semaphore(%arg17 : memref<!tpu.dma_semaphore, #tpu.memory_space<semaphore_mem>>)
    %dma_start3A_56 = arith.constant 3 : i32
    %dma_start3A_57 = arith.constant 0 : i32
    %dma_start3A_58 = tpu.memref_slice %arg7[%dma_start3A_56, %dma_start3A_57] : memref<160x128xi32, #tpu.memory_space<vmem>> -> memref<1x128xi32, #tpu.memory_space<vmem>>
    %dma_start3A_59 = tpu.memref_squeeze %dma_start3A_58 : memref<1x128xi32, #tpu.memory_space<vmem>> -> memref<128xi32, #tpu.memory_space<vmem>>
    %dma_start3A_60 = arith.constant 0 : i32
    %dma_start3A_61 = arith.constant 0 : i32
    %dma_start3A_62 = tpu.memref_slice %arg2[%dma_start3A_60, %dma_start3A_61] : memref<10240x64xf32, #tpu.memory_space<hbm>> -> memref<10240x64xf32, #tpu.memory_space<hbm>>
    tpu.enqueue_indirect_dma source(%dma_start3A_62 : memref<10240x64xf32, #tpu.memory_space<hbm>>) target(%arg12 : memref<128x64xf32, #tpu.memory_space<vmem>>) offsets(%dma_start3A_59 : memref<128xi32, #tpu.memory_space<vmem>>) semaphore(%arg18 : memref<!tpu.dma_semaphore, #tpu.memory_space<semaphore_mem>>)
    %dma_start3A_63 = arith.constant 4 : i32
    %dma_start3A_64 = arith.constant 0 : i32
    %dma_start3A_65 = tpu.memref_slice %arg7[%dma_start3A_63, %dma_start3A_64] : memref<160x128xi32, #tpu.memory_space<vmem>> -> memref<1x128xi32, #tpu.memory_space<vmem>>
    %dma_start3A_66 = tpu.memref_squeeze %dma_start3A_65 : memref<1x128xi32, #tpu.memory_space<vmem>> -> memref<128xi32, #tpu.memory_space<vmem>>
    %dma_start3A_67 = arith.constant 0 : i32
    %dma_start3A_68 = arith.constant 0 : i32
    %dma_start3A_69 = tpu.memref_slice %arg2[%dma_start3A_67, %dma_start3A_68] : memref<10240x64xf32, #tpu.memory_space<hbm>> -> memref<10240x64xf32, #tpu.memory_space<hbm>>
    tpu.enqueue_indirect_dma source(%dma_start3A_69 : memref<10240x64xf32, #tpu.memory_space<hbm>>) target(%arg13 : memref<128x64xf32, #tpu.memory_space<vmem>>) offsets(%dma_start3A_66 : memref<128xi32, #tpu.memory_space<vmem>>) semaphore(%arg19 : memref<!tpu.dma_semaphore, #tpu.memory_space<semaphore_mem>>)
    %scan3A = arith.constant 0 : i32
    %scan3A_70 = arith.constant 0 : i32
    %scan3A_71 = arith.constant 31 : i32
    %scan3A_72 = arith.addi %scan3A_70, %scan3A_71 : i32
    %scan3A_73 = arith.constant 1 : i32
    scf.for %scan3A_185 = %scan3A_70 to %scan3A_72 step %scan3A_73  : i32 {
      %mul3A_186 = arith.constant 5 : i32
      %mul3A_187 = arith.muli %scan3A_185, %mul3A_186 : i32
      %add3A = arith.constant 0 : i32
      %add3A_188 = arith.addi %mul3A_187, %add3A : i32
      %dma_wait3A_189 = arith.constant 0 : i32
      %dma_wait3A_190 = tpu.memref_slice %arg7[%add3A_188, %dma_wait3A_189] : memref<160x128xi32, #tpu.memory_space<vmem>> -> memref<1x128xi32, #tpu.memory_space<vmem>>
      %dma_wait3A_191 = tpu.memref_squeeze %dma_wait3A_190 : memref<1x128xi32, #tpu.memory_space<vmem>> -> memref<128xi32, #tpu.memory_space<vmem>>
      %dma_wait3A_192 = arith.constant 0 : i32
      %dma_wait3A_193 = arith.constant 0 : i32
      %dma_wait3A_194 = tpu.memref_slice %arg2[%dma_wait3A_192, %dma_wait3A_193] : memref<10240x64xf32, #tpu.memory_space<hbm>> -> memref<10240x64xf32, #tpu.memory_space<hbm>>
      tpu.wait_indirect_dma semaphore(%arg15 : memref<!tpu.dma_semaphore, #tpu.memory_space<semaphore_mem>>) src(%dma_wait3A_194 : memref<10240x64xf32, #tpu.memory_space<hbm>>) dst(%arg9 : memref<128x64xf32, #tpu.memory_space<vmem>>)
      %add3A_195 = arith.constant 0 : i32
      %add3A_196 = arith.addi %mul3A_187, %add3A_195 : i32
      %dma_start3A_197 = arith.constant 0 : i32
      %dma_start3A_198 = tpu.memref_slice %arg8[%add3A_196, %dma_start3A_197] : memref<160x128xi32, #tpu.memory_space<vmem>> -> memref<1x128xi32, #tpu.memory_space<vmem>>
      %dma_start3A_199 = tpu.memref_squeeze %dma_start3A_198 : memref<1x128xi32, #tpu.memory_space<vmem>> -> memref<128xi32, #tpu.memory_space<vmem>>
      %dma_start3A_200 = arith.constant 0 : i32
      %dma_start3A_201 = arith.constant 0 : i32
      %dma_start3A_202 = tpu.memref_slice %arg14[%dma_start3A_200, %dma_start3A_201] : memref<10240x64xf32, #tpu.memory_space<vmem_shared>> -> memref<10240x64xf32, #tpu.memory_space<vmem_shared>>
      tpu.enqueue_indirect_dma source(%arg9 : memref<128x64xf32, #tpu.memory_space<vmem>>) target(%dma_start3A_202 : memref<10240x64xf32, #tpu.memory_space<vmem_shared>>) offsets(%dma_start3A_199 : memref<128xi32, #tpu.memory_space<vmem>>) semaphore(%arg20 : memref<!tpu.dma_semaphore, #tpu.memory_space<semaphore_mem>>) {add = true}
      %add3A_203 = arith.constant 1 : i32
      %add3A_204 = arith.addi %mul3A_187, %add3A_203 : i32
      %dma_wait3A_205 = arith.constant 0 : i32
      %dma_wait3A_206 = tpu.memref_slice %arg7[%add3A_204, %dma_wait3A_205] : memref<160x128xi32, #tpu.memory_space<vmem>> -> memref<1x128xi32, #tpu.memory_space<vmem>>
      %dma_wait3A_207 = tpu.memref_squeeze %dma_wait3A_206 : memref<1x128xi32, #tpu.memory_space<vmem>> -> memref<128xi32, #tpu.memory_space<vmem>>
      %dma_wait3A_208 = arith.constant 0 : i32
      %dma_wait3A_209 = arith.constant 0 : i32
      %dma_wait3A_210 = tpu.memref_slice %arg2[%dma_wait3A_208, %dma_wait3A_209] : memref<10240x64xf32, #tpu.memory_space<hbm>> -> memref<10240x64xf32, #tpu.memory_space<hbm>>
      tpu.wait_indirect_dma semaphore(%arg16 : memref<!tpu.dma_semaphore, #tpu.memory_space<semaphore_mem>>) src(%dma_wait3A_210 : memref<10240x64xf32, #tpu.memory_space<hbm>>) dst(%arg10 : memref<128x64xf32, #tpu.memory_space<vmem>>)
      %add3A_211 = arith.constant 1 : i32
      %add3A_212 = arith.addi %mul3A_187, %add3A_211 : i32
      %dma_start3A_213 = arith.constant 0 : i32
      %dma_start3A_214 = tpu.memref_slice %arg8[%add3A_212, %dma_start3A_213] : memref<160x128xi32, #tpu.memory_space<vmem>> -> memref<1x128xi32, #tpu.memory_space<vmem>>
      %dma_start3A_215 = tpu.memref_squeeze %dma_start3A_214 : memref<1x128xi32, #tpu.memory_space<vmem>> -> memref<128xi32, #tpu.memory_space<vmem>>
      %dma_start3A_216 = arith.constant 0 : i32
      %dma_start3A_217 = arith.constant 0 : i32
      %dma_start3A_218 = tpu.memref_slice %arg14[%dma_start3A_216, %dma_start3A_217] : memref<10240x64xf32, #tpu.memory_space<vmem_shared>> -> memref<10240x64xf32, #tpu.memory_space<vmem_shared>>
      tpu.enqueue_indirect_dma source(%arg10 : memref<128x64xf32, #tpu.memory_space<vmem>>) target(%dma_start3A_218 : memref<10240x64xf32, #tpu.memory_space<vmem_shared>>) offsets(%dma_start3A_215 : memref<128xi32, #tpu.memory_space<vmem>>) semaphore(%arg21 : memref<!tpu.dma_semaphore, #tpu.memory_space<semaphore_mem>>) {add = true}
      %add3A_219 = arith.constant 2 : i32
      %add3A_220 = arith.addi %mul3A_187, %add3A_219 : i32
      %dma_wait3A_221 = arith.constant 0 : i32
      %dma_wait3A_222 = tpu.memref_slice %arg7[%add3A_220, %dma_wait3A_221] : memref<160x128xi32, #tpu.memory_space<vmem>> -> memref<1x128xi32, #tpu.memory_space<vmem>>
      %dma_wait3A_223 = tpu.memref_squeeze %dma_wait3A_222 : memref<1x128xi32, #tpu.memory_space<vmem>> -> memref<128xi32, #tpu.memory_space<vmem>>
      %dma_wait3A_224 = arith.constant 0 : i32
      %dma_wait3A_225 = arith.constant 0 : i32
      %dma_wait3A_226 = tpu.memref_slice %arg2[%dma_wait3A_224, %dma_wait3A_225] : memref<10240x64xf32, #tpu.memory_space<hbm>> -> memref<10240x64xf32, #tpu.memory_space<hbm>>
      tpu.wait_indirect_dma semaphore(%arg17 : memref<!tpu.dma_semaphore, #tpu.memory_space<semaphore_mem>>) src(%dma_wait3A_226 : memref<10240x64xf32, #tpu.memory_space<hbm>>) dst(%arg11 : memref<128x64xf32, #tpu.memory_space<vmem>>)
      %add3A_227 = arith.constant 2 : i32
      %add3A_228 = arith.addi %mul3A_187, %add3A_227 : i32
      %dma_start3A_229 = arith.constant 0 : i32
      %dma_start3A_230 = tpu.memref_slice %arg8[%add3A_228, %dma_start3A_229] : memref<160x128xi32, #tpu.memory_space<vmem>> -> memref<1x128xi32, #tpu.memory_space<vmem>>
      %dma_start3A_231 = tpu.memref_squeeze %dma_start3A_230 : memref<1x128xi32, #tpu.memory_space<vmem>> -> memref<128xi32, #tpu.memory_space<vmem>>
      %dma_start3A_232 = arith.constant 0 : i32
      %dma_start3A_233 = arith.constant 0 : i32
      %dma_start3A_234 = tpu.memref_slice %arg14[%dma_start3A_232, %dma_start3A_233] : memref<10240x64xf32, #tpu.memory_space<vmem_shared>> -> memref<10240x64xf32, #tpu.memory_space<vmem_shared>>
      tpu.enqueue_indirect_dma source(%arg11 : memref<128x64xf32, #tpu.memory_space<vmem>>) target(%dma_start3A_234 : memref<10240x64xf32, #tpu.memory_space<vmem_shared>>) offsets(%dma_start3A_231 : memref<128xi32, #tpu.memory_space<vmem>>) semaphore(%arg22 : memref<!tpu.dma_semaphore, #tpu.memory_space<semaphore_mem>>) {add = true}
      %add3A_235 = arith.constant 3 : i32
      %add3A_236 = arith.addi %mul3A_187, %add3A_235 : i32
      %dma_wait3A_237 = arith.constant 0 : i32
      %dma_wait3A_238 = tpu.memref_slice %arg7[%add3A_236, %dma_wait3A_237] : memref<160x128xi32, #tpu.memory_space<vmem>> -> memref<1x128xi32, #tpu.memory_space<vmem>>
      %dma_wait3A_239 = tpu.memref_squeeze %dma_wait3A_238 : memref<1x128xi32, #tpu.memory_space<vmem>> -> memref<128xi32, #tpu.memory_space<vmem>>
      %dma_wait3A_240 = arith.constant 0 : i32
      %dma_wait3A_241 = arith.constant 0 : i32
      %dma_wait3A_242 = tpu.memref_slice %arg2[%dma_wait3A_240, %dma_wait3A_241] : memref<10240x64xf32, #tpu.memory_space<hbm>> -> memref<10240x64xf32, #tpu.memory_space<hbm>>
      tpu.wait_indirect_dma semaphore(%arg18 : memref<!tpu.dma_semaphore, #tpu.memory_space<semaphore_mem>>) src(%dma_wait3A_242 : memref<10240x64xf32, #tpu.memory_space<hbm>>) dst(%arg12 : memref<128x64xf32, #tpu.memory_space<vmem>>)
      %add3A_243 = arith.constant 3 : i32
      %add3A_244 = arith.addi %mul3A_187, %add3A_243 : i32
      %dma_start3A_245 = arith.constant 0 : i32
      %dma_start3A_246 = tpu.memref_slice %arg8[%add3A_244, %dma_start3A_245] : memref<160x128xi32, #tpu.memory_space<vmem>> -> memref<1x128xi32, #tpu.memory_space<vmem>>
      %dma_start3A_247 = tpu.memref_squeeze %dma_start3A_246 : memref<1x128xi32, #tpu.memory_space<vmem>> -> memref<128xi32, #tpu.memory_space<vmem>>
      %dma_start3A_248 = arith.constant 0 : i32
      %dma_start3A_249 = arith.constant 0 : i32
      %dma_start3A_250 = tpu.memref_slice %arg14[%dma_start3A_248, %dma_start3A_249] : memref<10240x64xf32, #tpu.memory_space<vmem_shared>> -> memref<10240x64xf32, #tpu.memory_space<vmem_shared>>
      tpu.enqueue_indirect_dma source(%arg12 : memref<128x64xf32, #tpu.memory_space<vmem>>) target(%dma_start3A_250 : memref<10240x64xf32, #tpu.memory_space<vmem_shared>>) offsets(%dma_start3A_247 : memref<128xi32, #tpu.memory_space<vmem>>) semaphore(%arg23 : memref<!tpu.dma_semaphore, #tpu.memory_space<semaphore_mem>>) {add = true}
      %add3A_251 = arith.constant 4 : i32
      %add3A_252 = arith.addi %mul3A_187, %add3A_251 : i32
      %dma_wait3A_253 = arith.constant 0 : i32
      %dma_wait3A_254 = tpu.memref_slice %arg7[%add3A_252, %dma_wait3A_253] : memref<160x128xi32, #tpu.memory_space<vmem>> -> memref<1x128xi32, #tpu.memory_space<vmem>>
      %dma_wait3A_255 = tpu.memref_squeeze %dma_wait3A_254 : memref<1x128xi32, #tpu.memory_space<vmem>> -> memref<128xi32, #tpu.memory_space<vmem>>
      %dma_wait3A_256 = arith.constant 0 : i32
      %dma_wait3A_257 = arith.constant 0 : i32
      %dma_wait3A_258 = tpu.memref_slice %arg2[%dma_wait3A_256, %dma_wait3A_257] : memref<10240x64xf32, #tpu.memory_space<hbm>> -> memref<10240x64xf32, #tpu.memory_space<hbm>>
      tpu.wait_indirect_dma semaphore(%arg19 : memref<!tpu.dma_semaphore, #tpu.memory_space<semaphore_mem>>) src(%dma_wait3A_258 : memref<10240x64xf32, #tpu.memory_space<hbm>>) dst(%arg13 : memref<128x64xf32, #tpu.memory_space<vmem>>)
      %add3A_259 = arith.constant 4 : i32
      %add3A_260 = arith.addi %mul3A_187, %add3A_259 : i32
      %dma_start3A_261 = arith.constant 0 : i32
      %dma_start3A_262 = tpu.memref_slice %arg8[%add3A_260, %dma_start3A_261] : memref<160x128xi32, #tpu.memory_space<vmem>> -> memref<1x128xi32, #tpu.memory_space<vmem>>
      %dma_start3A_263 = tpu.memref_squeeze %dma_start3A_262 : memref<1x128xi32, #tpu.memory_space<vmem>> -> memref<128xi32, #tpu.memory_space<vmem>>
      %dma_start3A_264 = arith.constant 0 : i32
      %dma_start3A_265 = arith.constant 0 : i32
      %dma_start3A_266 = tpu.memref_slice %arg14[%dma_start3A_264, %dma_start3A_265] : memref<10240x64xf32, #tpu.memory_space<vmem_shared>> -> memref<10240x64xf32, #tpu.memory_space<vmem_shared>>
      tpu.enqueue_indirect_dma source(%arg13 : memref<128x64xf32, #tpu.memory_space<vmem>>) target(%dma_start3A_266 : memref<10240x64xf32, #tpu.memory_space<vmem_shared>>) offsets(%dma_start3A_263 : memref<128xi32, #tpu.memory_space<vmem>>) semaphore(%arg24 : memref<!tpu.dma_semaphore, #tpu.memory_space<semaphore_mem>>) {add = true}
      %add3A_267 = arith.constant 0 : i32
      %add3A_268 = arith.addi %mul3A_187, %add3A_267 : i32
      %dma_wait3A_269 = arith.constant 0 : i32
      %dma_wait3A_270 = tpu.memref_slice %arg8[%add3A_268, %dma_wait3A_269] : memref<160x128xi32, #tpu.memory_space<vmem>> -> memref<1x128xi32, #tpu.memory_space<vmem>>
      %dma_wait3A_271 = tpu.memref_squeeze %dma_wait3A_270 : memref<1x128xi32, #tpu.memory_space<vmem>> -> memref<128xi32, #tpu.memory_space<vmem>>
      %dma_wait3A_272 = arith.constant 0 : i32
      %dma_wait3A_273 = arith.constant 0 : i32
      %dma_wait3A_274 = tpu.memref_slice %arg14[%dma_wait3A_272, %dma_wait3A_273] : memref<10240x64xf32, #tpu.memory_space<vmem_shared>> -> memref<10240x64xf32, #tpu.memory_space<vmem_shared>>
      tpu.wait_indirect_dma semaphore(%arg20 : memref<!tpu.dma_semaphore, #tpu.memory_space<semaphore_mem>>) src(%arg9 : memref<128x64xf32, #tpu.memory_space<vmem>>) dst(%dma_wait3A_274 : memref<10240x64xf32, #tpu.memory_space<vmem_shared>>)
      %add3A_275 = arith.constant 0 : i32
      %add3A_276 = arith.addi %mul3A_187, %add3A_275 : i32
      %add3A_277 = arith.constant 5 : i32
      %add3A_278 = arith.addi %add3A_276, %add3A_277 : i32
      %dma_start3A_279 = arith.constant 0 : i32
      %dma_start3A_280 = tpu.memref_slice %arg7[%add3A_278, %dma_start3A_279] : memref<160x128xi32, #tpu.memory_space<vmem>> -> memref<1x128xi32, #tpu.memory_space<vmem>>
      %dma_start3A_281 = tpu.memref_squeeze %dma_start3A_280 : memref<1x128xi32, #tpu.memory_space<vmem>> -> memref<128xi32, #tpu.memory_space<vmem>>
      %dma_start3A_282 = arith.constant 0 : i32
      %dma_start3A_283 = arith.constant 0 : i32
      %dma_start3A_284 = tpu.memref_slice %arg2[%dma_start3A_282, %dma_start3A_283] : memref<10240x64xf32, #tpu.memory_space<hbm>> -> memref<10240x64xf32, #tpu.memory_space<hbm>>
      tpu.enqueue_indirect_dma source(%dma_start3A_284 : memref<10240x64xf32, #tpu.memory_space<hbm>>) target(%arg9 : memref<128x64xf32, #tpu.memory_space<vmem>>) offsets(%dma_start3A_281 : memref<128xi32, #tpu.memory_space<vmem>>) semaphore(%arg15 : memref<!tpu.dma_semaphore, #tpu.memory_space<semaphore_mem>>)
      %add3A_285 = arith.constant 1 : i32
      %add3A_286 = arith.addi %mul3A_187, %add3A_285 : i32
      %dma_wait3A_287 = arith.constant 0 : i32
      %dma_wait3A_288 = tpu.memref_slice %arg8[%add3A_286, %dma_wait3A_287] : memref<160x128xi32, #tpu.memory_space<vmem>> -> memref<1x128xi32, #tpu.memory_space<vmem>>
      %dma_wait3A_289 = tpu.memref_squeeze %dma_wait3A_288 : memref<1x128xi32, #tpu.memory_space<vmem>> -> memref<128xi32, #tpu.memory_space<vmem>>
      %dma_wait3A_290 = arith.constant 0 : i32
      %dma_wait3A_291 = arith.constant 0 : i32
      %dma_wait3A_292 = tpu.memref_slice %arg14[%dma_wait3A_290, %dma_wait3A_291] : memref<10240x64xf32, #tpu.memory_space<vmem_shared>> -> memref<10240x64xf32, #tpu.memory_space<vmem_shared>>
      tpu.wait_indirect_dma semaphore(%arg21 : memref<!tpu.dma_semaphore, #tpu.memory_space<semaphore_mem>>) src(%arg10 : memref<128x64xf32, #tpu.memory_space<vmem>>) dst(%dma_wait3A_292 : memref<10240x64xf32, #tpu.memory_space<vmem_shared>>)
      %add3A_293 = arith.constant 1 : i32
      %add3A_294 = arith.addi %mul3A_187, %add3A_293 : i32
      %add3A_295 = arith.constant 5 : i32
      %add3A_296 = arith.addi %add3A_294, %add3A_295 : i32
      %dma_start3A_297 = arith.constant 0 : i32
      %dma_start3A_298 = tpu.memref_slice %arg7[%add3A_296, %dma_start3A_297] : memref<160x128xi32, #tpu.memory_space<vmem>> -> memref<1x128xi32, #tpu.memory_space<vmem>>
      %dma_start3A_299 = tpu.memref_squeeze %dma_start3A_298 : memref<1x128xi32, #tpu.memory_space<vmem>> -> memref<128xi32, #tpu.memory_space<vmem>>
      %dma_start3A_300 = arith.constant 0 : i32
      %dma_start3A_301 = arith.constant 0 : i32
      %dma_start3A_302 = tpu.memref_slice %arg2[%dma_start3A_300, %dma_start3A_301] : memref<10240x64xf32, #tpu.memory_space<hbm>> -> memref<10240x64xf32, #tpu.memory_space<hbm>>
      tpu.enqueue_indirect_dma source(%dma_start3A_302 : memref<10240x64xf32, #tpu.memory_space<hbm>>) target(%arg10 : memref<128x64xf32, #tpu.memory_space<vmem>>) offsets(%dma_start3A_299 : memref<128xi32, #tpu.memory_space<vmem>>) semaphore(%arg16 : memref<!tpu.dma_semaphore, #tpu.memory_space<semaphore_mem>>)
      %add3A_303 = arith.constant 2 : i32
      %add3A_304 = arith.addi %mul3A_187, %add3A_303 : i32
      %dma_wait3A_305 = arith.constant 0 : i32
      %dma_wait3A_306 = tpu.memref_slice %arg8[%add3A_304, %dma_wait3A_305] : memref<160x128xi32, #tpu.memory_space<vmem>> -> memref<1x128xi32, #tpu.memory_space<vmem>>
      %dma_wait3A_307 = tpu.memref_squeeze %dma_wait3A_306 : memref<1x128xi32, #tpu.memory_space<vmem>> -> memref<128xi32, #tpu.memory_space<vmem>>
      %dma_wait3A_308 = arith.constant 0 : i32
      %dma_wait3A_309 = arith.constant 0 : i32
      %dma_wait3A_310 = tpu.memref_slice %arg14[%dma_wait3A_308, %dma_wait3A_309] : memref<10240x64xf32, #tpu.memory_space<vmem_shared>> -> memref<10240x64xf32, #tpu.memory_space<vmem_shared>>
      tpu.wait_indirect_dma semaphore(%arg22 : memref<!tpu.dma_semaphore, #tpu.memory_space<semaphore_mem>>) src(%arg11 : memref<128x64xf32, #tpu.memory_space<vmem>>) dst(%dma_wait3A_310 : memref<10240x64xf32, #tpu.memory_space<vmem_shared>>)
      %add3A_311 = arith.constant 2 : i32
      %add3A_312 = arith.addi %mul3A_187, %add3A_311 : i32
      %add3A_313 = arith.constant 5 : i32
      %add3A_314 = arith.addi %add3A_312, %add3A_313 : i32
      %dma_start3A_315 = arith.constant 0 : i32
      %dma_start3A_316 = tpu.memref_slice %arg7[%add3A_314, %dma_start3A_315] : memref<160x128xi32, #tpu.memory_space<vmem>> -> memref<1x128xi32, #tpu.memory_space<vmem>>
      %dma_start3A_317 = tpu.memref_squeeze %dma_start3A_316 : memref<1x128xi32, #tpu.memory_space<vmem>> -> memref<128xi32, #tpu.memory_space<vmem>>
      %dma_start3A_318 = arith.constant 0 : i32
      %dma_start3A_319 = arith.constant 0 : i32
      %dma_start3A_320 = tpu.memref_slice %arg2[%dma_start3A_318, %dma_start3A_319] : memref<10240x64xf32, #tpu.memory_space<hbm>> -> memref<10240x64xf32, #tpu.memory_space<hbm>>
      tpu.enqueue_indirect_dma source(%dma_start3A_320 : memref<10240x64xf32, #tpu.memory_space<hbm>>) target(%arg11 : memref<128x64xf32, #tpu.memory_space<vmem>>) offsets(%dma_start3A_317 : memref<128xi32, #tpu.memory_space<vmem>>) semaphore(%arg17 : memref<!tpu.dma_semaphore, #tpu.memory_space<semaphore_mem>>)
      %add3A_321 = arith.constant 3 : i32
      %add3A_322 = arith.addi %mul3A_187, %add3A_321 : i32
      %dma_wait3A_323 = arith.constant 0 : i32
      %dma_wait3A_324 = tpu.memref_slice %arg8[%add3A_322, %dma_wait3A_323] : memref<160x128xi32, #tpu.memory_space<vmem>> -> memref<1x128xi32, #tpu.memory_space<vmem>>
      %dma_wait3A_325 = tpu.memref_squeeze %dma_wait3A_324 : memref<1x128xi32, #tpu.memory_space<vmem>> -> memref<128xi32, #tpu.memory_space<vmem>>
      %dma_wait3A_326 = arith.constant 0 : i32
      %dma_wait3A_327 = arith.constant 0 : i32
      %dma_wait3A_328 = tpu.memref_slice %arg14[%dma_wait3A_326, %dma_wait3A_327] : memref<10240x64xf32, #tpu.memory_space<vmem_shared>> -> memref<10240x64xf32, #tpu.memory_space<vmem_shared>>
      tpu.wait_indirect_dma semaphore(%arg23 : memref<!tpu.dma_semaphore, #tpu.memory_space<semaphore_mem>>) src(%arg12 : memref<128x64xf32, #tpu.memory_space<vmem>>) dst(%dma_wait3A_328 : memref<10240x64xf32, #tpu.memory_space<vmem_shared>>)
      %add3A_329 = arith.constant 3 : i32
      %add3A_330 = arith.addi %mul3A_187, %add3A_329 : i32
      %add3A_331 = arith.constant 5 : i32
      %add3A_332 = arith.addi %add3A_330, %add3A_331 : i32
      %dma_start3A_333 = arith.constant 0 : i32
      %dma_start3A_334 = tpu.memref_slice %arg7[%add3A_332, %dma_start3A_333] : memref<160x128xi32, #tpu.memory_space<vmem>> -> memref<1x128xi32, #tpu.memory_space<vmem>>
      %dma_start3A_335 = tpu.memref_squeeze %dma_start3A_334 : memref<1x128xi32, #tpu.memory_space<vmem>> -> memref<128xi32, #tpu.memory_space<vmem>>
      %dma_start3A_336 = arith.constant 0 : i32
      %dma_start3A_337 = arith.constant 0 : i32
      %dma_start3A_338 = tpu.memref_slice %arg2[%dma_start3A_336, %dma_start3A_337] : memref<10240x64xf32, #tpu.memory_space<hbm>> -> memref<10240x64xf32, #tpu.memory_space<hbm>>
      tpu.enqueue_indirect_dma source(%dma_start3A_338 : memref<10240x64xf32, #tpu.memory_space<hbm>>) target(%arg12 : memref<128x64xf32, #tpu.memory_space<vmem>>) offsets(%dma_start3A_335 : memref<128xi32, #tpu.memory_space<vmem>>) semaphore(%arg18 : memref<!tpu.dma_semaphore, #tpu.memory_space<semaphore_mem>>)
      %add3A_339 = arith.constant 4 : i32
      %add3A_340 = arith.addi %mul3A_187, %add3A_339 : i32
      %dma_wait3A_341 = arith.constant 0 : i32
      %dma_wait3A_342 = tpu.memref_slice %arg8[%add3A_340, %dma_wait3A_341] : memref<160x128xi32, #tpu.memory_space<vmem>> -> memref<1x128xi32, #tpu.memory_space<vmem>>
      %dma_wait3A_343 = tpu.memref_squeeze %dma_wait3A_342 : memref<1x128xi32, #tpu.memory_space<vmem>> -> memref<128xi32, #tpu.memory_space<vmem>>
      %dma_wait3A_344 = arith.constant 0 : i32
      %dma_wait3A_345 = arith.constant 0 : i32
      %dma_wait3A_346 = tpu.memref_slice %arg14[%dma_wait3A_344, %dma_wait3A_345] : memref<10240x64xf32, #tpu.memory_space<vmem_shared>> -> memref<10240x64xf32, #tpu.memory_space<vmem_shared>>
      tpu.wait_indirect_dma semaphore(%arg24 : memref<!tpu.dma_semaphore, #tpu.memory_space<semaphore_mem>>) src(%arg13 : memref<128x64xf32, #tpu.memory_space<vmem>>) dst(%dma_wait3A_346 : memref<10240x64xf32, #tpu.memory_space<vmem_shared>>)
      %add3A_347 = arith.constant 4 : i32
      %add3A_348 = arith.addi %mul3A_187, %add3A_347 : i32
      %add3A_349 = arith.constant 5 : i32
      %add3A_350 = arith.addi %add3A_348, %add3A_349 : i32
      %dma_start3A_351 = arith.constant 0 : i32
      %dma_start3A_352 = tpu.memref_slice %arg7[%add3A_350, %dma_start3A_351] : memref<160x128xi32, #tpu.memory_space<vmem>> -> memref<1x128xi32, #tpu.memory_space<vmem>>
      %dma_start3A_353 = tpu.memref_squeeze %dma_start3A_352 : memref<1x128xi32, #tpu.memory_space<vmem>> -> memref<128xi32, #tpu.memory_space<vmem>>
      %dma_start3A_354 = arith.constant 0 : i32
      %dma_start3A_355 = arith.constant 0 : i32
      %dma_start3A_356 = tpu.memref_slice %arg2[%dma_start3A_354, %dma_start3A_355] : memref<10240x64xf32, #tpu.memory_space<hbm>> -> memref<10240x64xf32, #tpu.memory_space<hbm>>
      tpu.enqueue_indirect_dma source(%dma_start3A_356 : memref<10240x64xf32, #tpu.memory_space<hbm>>) target(%arg13 : memref<128x64xf32, #tpu.memory_space<vmem>>) offsets(%dma_start3A_353 : memref<128xi32, #tpu.memory_space<vmem>>) semaphore(%arg19 : memref<!tpu.dma_semaphore, #tpu.memory_space<semaphore_mem>>)
    }
    %scan3A_74 = arith.constant 31 : i32
    %dma_wait3A_75 = arith.constant 155 : i32
    %dma_wait3A_76 = arith.constant 0 : i32
    %dma_wait3A_77 = tpu.memref_slice %arg7[%dma_wait3A_75, %dma_wait3A_76] : memref<160x128xi32, #tpu.memory_space<vmem>> -> memref<1x128xi32, #tpu.memory_space<vmem>>
    %dma_wait3A_78 = tpu.memref_squeeze %dma_wait3A_77 : memref<1x128xi32, #tpu.memory_space<vmem>> -> memref<128xi32, #tpu.memory_space<vmem>>
    %dma_wait3A_79 = arith.constant 0 : i32
    %dma_wait3A_80 = arith.constant 0 : i32
    %dma_wait3A_81 = tpu.memref_slice %arg2[%dma_wait3A_79, %dma_wait3A_80] : memref<10240x64xf32, #tpu.memory_space<hbm>> -> memref<10240x64xf32, #tpu.memory_space<hbm>>
    tpu.wait_indirect_dma semaphore(%arg15 : memref<!tpu.dma_semaphore, #tpu.memory_space<semaphore_mem>>) src(%dma_wait3A_81 : memref<10240x64xf32, #tpu.memory_space<hbm>>) dst(%arg9 : memref<128x64xf32, #tpu.memory_space<vmem>>)
    %dma_start3A_82 = arith.constant 155 : i32
    %dma_start3A_83 = arith.constant 0 : i32
    %dma_start3A_84 = tpu.memref_slice %arg8[%dma_start3A_82, %dma_start3A_83] : memref<160x128xi32, #tpu.memory_space<vmem>> -> memref<1x128xi32, #tpu.memory_space<vmem>>
    %dma_start3A_85 = tpu.memref_squeeze %dma_start3A_84 : memref<1x128xi32, #tpu.memory_space<vmem>> -> memref<128xi32, #tpu.memory_space<vmem>>
    %dma_start3A_86 = arith.constant 0 : i32
    %dma_start3A_87 = arith.constant 0 : i32
    %dma_start3A_88 = tpu.memref_slice %arg14[%dma_start3A_86, %dma_start3A_87] : memref<10240x64xf32, #tpu.memory_space<vmem_shared>> -> memref<10240x64xf32, #tpu.memory_space<vmem_shared>>
    tpu.enqueue_indirect_dma source(%arg9 : memref<128x64xf32, #tpu.memory_space<vmem>>) target(%dma_start3A_88 : memref<10240x64xf32, #tpu.memory_space<vmem_shared>>) offsets(%dma_start3A_85 : memref<128xi32, #tpu.memory_space<vmem>>) semaphore(%arg20 : memref<!tpu.dma_semaphore, #tpu.memory_space<semaphore_mem>>) {add = true}
    %dma_wait3A_89 = arith.constant 156 : i32
    %dma_wait3A_90 = arith.constant 0 : i32
    %dma_wait3A_91 = tpu.memref_slice %arg7[%dma_wait3A_89, %dma_wait3A_90] : memref<160x128xi32, #tpu.memory_space<vmem>> -> memref<1x128xi32, #tpu.memory_space<vmem>>
    %dma_wait3A_92 = tpu.memref_squeeze %dma_wait3A_91 : memref<1x128xi32, #tpu.memory_space<vmem>> -> memref<128xi32, #tpu.memory_space<vmem>>
    %dma_wait3A_93 = arith.constant 0 : i32
    %dma_wait3A_94 = arith.constant 0 : i32
    %dma_wait3A_95 = tpu.memref_slice %arg2[%dma_wait3A_93, %dma_wait3A_94] : memref<10240x64xf32, #tpu.memory_space<hbm>> -> memref<10240x64xf32, #tpu.memory_space<hbm>>
    tpu.wait_indirect_dma semaphore(%arg16 : memref<!tpu.dma_semaphore, #tpu.memory_space<semaphore_mem>>) src(%dma_wait3A_95 : memref<10240x64xf32, #tpu.memory_space<hbm>>) dst(%arg10 : memref<128x64xf32, #tpu.memory_space<vmem>>)
    %dma_start3A_96 = arith.constant 156 : i32
    %dma_start3A_97 = arith.constant 0 : i32
    %dma_start3A_98 = tpu.memref_slice %arg8[%dma_start3A_96, %dma_start3A_97] : memref<160x128xi32, #tpu.memory_space<vmem>> -> memref<1x128xi32, #tpu.memory_space<vmem>>
    %dma_start3A_99 = tpu.memref_squeeze %dma_start3A_98 : memref<1x128xi32, #tpu.memory_space<vmem>> -> memref<128xi32, #tpu.memory_space<vmem>>
    %dma_start3A_100 = arith.constant 0 : i32
    %dma_start3A_101 = arith.constant 0 : i32
    %dma_start3A_102 = tpu.memref_slice %arg14[%dma_start3A_100, %dma_start3A_101] : memref<10240x64xf32, #tpu.memory_space<vmem_shared>> -> memref<10240x64xf32, #tpu.memory_space<vmem_shared>>
    tpu.enqueue_indirect_dma source(%arg10 : memref<128x64xf32, #tpu.memory_space<vmem>>) target(%dma_start3A_102 : memref<10240x64xf32, #tpu.memory_space<vmem_shared>>) offsets(%dma_start3A_99 : memref<128xi32, #tpu.memory_space<vmem>>) semaphore(%arg21 : memref<!tpu.dma_semaphore, #tpu.memory_space<semaphore_mem>>) {add = true}
    %dma_wait3A_103 = arith.constant 157 : i32
    %dma_wait3A_104 = arith.constant 0 : i32
    %dma_wait3A_105 = tpu.memref_slice %arg7[%dma_wait3A_103, %dma_wait3A_104] : memref<160x128xi32, #tpu.memory_space<vmem>> -> memref<1x128xi32, #tpu.memory_space<vmem>>
    %dma_wait3A_106 = tpu.memref_squeeze %dma_wait3A_105 : memref<1x128xi32, #tpu.memory_space<vmem>> -> memref<128xi32, #tpu.memory_space<vmem>>
    %dma_wait3A_107 = arith.constant 0 : i32
    %dma_wait3A_108 = arith.constant 0 : i32
    %dma_wait3A_109 = tpu.memref_slice %arg2[%dma_wait3A_107, %dma_wait3A_108] : memref<10240x64xf32, #tpu.memory_space<hbm>> -> memref<10240x64xf32, #tpu.memory_space<hbm>>
    tpu.wait_indirect_dma semaphore(%arg17 : memref<!tpu.dma_semaphore, #tpu.memory_space<semaphore_mem>>) src(%dma_wait3A_109 : memref<10240x64xf32, #tpu.memory_space<hbm>>) dst(%arg11 : memref<128x64xf32, #tpu.memory_space<vmem>>)
    %dma_start3A_110 = arith.constant 157 : i32
    %dma_start3A_111 = arith.constant 0 : i32
    %dma_start3A_112 = tpu.memref_slice %arg8[%dma_start3A_110, %dma_start3A_111] : memref<160x128xi32, #tpu.memory_space<vmem>> -> memref<1x128xi32, #tpu.memory_space<vmem>>
    %dma_start3A_113 = tpu.memref_squeeze %dma_start3A_112 : memref<1x128xi32, #tpu.memory_space<vmem>> -> memref<128xi32, #tpu.memory_space<vmem>>
    %dma_start3A_114 = arith.constant 0 : i32
    %dma_start3A_115 = arith.constant 0 : i32
    %dma_start3A_116 = tpu.memref_slice %arg14[%dma_start3A_114, %dma_start3A_115] : memref<10240x64xf32, #tpu.memory_space<vmem_shared>> -> memref<10240x64xf32, #tpu.memory_space<vmem_shared>>
    tpu.enqueue_indirect_dma source(%arg11 : memref<128x64xf32, #tpu.memory_space<vmem>>) target(%dma_start3A_116 : memref<10240x64xf32, #tpu.memory_space<vmem_shared>>) offsets(%dma_start3A_113 : memref<128xi32, #tpu.memory_space<vmem>>) semaphore(%arg22 : memref<!tpu.dma_semaphore, #tpu.memory_space<semaphore_mem>>) {add = true}
    %dma_wait3A_117 = arith.constant 158 : i32
    %dma_wait3A_118 = arith.constant 0 : i32
    %dma_wait3A_119 = tpu.memref_slice %arg7[%dma_wait3A_117, %dma_wait3A_118] : memref<160x128xi32, #tpu.memory_space<vmem>> -> memref<1x128xi32, #tpu.memory_space<vmem>>
    %dma_wait3A_120 = tpu.memref_squeeze %dma_wait3A_119 : memref<1x128xi32, #tpu.memory_space<vmem>> -> memref<128xi32, #tpu.memory_space<vmem>>
    %dma_wait3A_121 = arith.constant 0 : i32
    %dma_wait3A_122 = arith.constant 0 : i32
    %dma_wait3A_123 = tpu.memref_slice %arg2[%dma_wait3A_121, %dma_wait3A_122] : memref<10240x64xf32, #tpu.memory_space<hbm>> -> memref<10240x64xf32, #tpu.memory_space<hbm>>
    tpu.wait_indirect_dma semaphore(%arg18 : memref<!tpu.dma_semaphore, #tpu.memory_space<semaphore_mem>>) src(%dma_wait3A_123 : memref<10240x64xf32, #tpu.memory_space<hbm>>) dst(%arg12 : memref<128x64xf32, #tpu.memory_space<vmem>>)
    %dma_start3A_124 = arith.constant 158 : i32
    %dma_start3A_125 = arith.constant 0 : i32
    %dma_start3A_126 = tpu.memref_slice %arg8[%dma_start3A_124, %dma_start3A_125] : memref<160x128xi32, #tpu.memory_space<vmem>> -> memref<1x128xi32, #tpu.memory_space<vmem>>
    %dma_start3A_127 = tpu.memref_squeeze %dma_start3A_126 : memref<1x128xi32, #tpu.memory_space<vmem>> -> memref<128xi32, #tpu.memory_space<vmem>>
    %dma_start3A_128 = arith.constant 0 : i32
    %dma_start3A_129 = arith.constant 0 : i32
    %dma_start3A_130 = tpu.memref_slice %arg14[%dma_start3A_128, %dma_start3A_129] : memref<10240x64xf32, #tpu.memory_space<vmem_shared>> -> memref<10240x64xf32, #tpu.memory_space<vmem_shared>>
    tpu.enqueue_indirect_dma source(%arg12 : memref<128x64xf32, #tpu.memory_space<vmem>>) target(%dma_start3A_130 : memref<10240x64xf32, #tpu.memory_space<vmem_shared>>) offsets(%dma_start3A_127 : memref<128xi32, #tpu.memory_space<vmem>>) semaphore(%arg23 : memref<!tpu.dma_semaphore, #tpu.memory_space<semaphore_mem>>) {add = true}
    %dma_wait3A_131 = arith.constant 159 : i32
    %dma_wait3A_132 = arith.constant 0 : i32
    %dma_wait3A_133 = tpu.memref_slice %arg7[%dma_wait3A_131, %dma_wait3A_132] : memref<160x128xi32, #tpu.memory_space<vmem>> -> memref<1x128xi32, #tpu.memory_space<vmem>>
    %dma_wait3A_134 = tpu.memref_squeeze %dma_wait3A_133 : memref<1x128xi32, #tpu.memory_space<vmem>> -> memref<128xi32, #tpu.memory_space<vmem>>
    %dma_wait3A_135 = arith.constant 0 : i32
    %dma_wait3A_136 = arith.constant 0 : i32
    %dma_wait3A_137 = tpu.memref_slice %arg2[%dma_wait3A_135, %dma_wait3A_136] : memref<10240x64xf32, #tpu.memory_space<hbm>> -> memref<10240x64xf32, #tpu.memory_space<hbm>>
    tpu.wait_indirect_dma semaphore(%arg19 : memref<!tpu.dma_semaphore, #tpu.memory_space<semaphore_mem>>) src(%dma_wait3A_137 : memref<10240x64xf32, #tpu.memory_space<hbm>>) dst(%arg13 : memref<128x64xf32, #tpu.memory_space<vmem>>)
    %dma_start3A_138 = arith.constant 159 : i32
    %dma_start3A_139 = arith.constant 0 : i32
    %dma_start3A_140 = tpu.memref_slice %arg8[%dma_start3A_138, %dma_start3A_139] : memref<160x128xi32, #tpu.memory_space<vmem>> -> memref<1x128xi32, #tpu.memory_space<vmem>>
    %dma_start3A_141 = tpu.memref_squeeze %dma_start3A_140 : memref<1x128xi32, #tpu.memory_space<vmem>> -> memref<128xi32, #tpu.memory_space<vmem>>
    %dma_start3A_142 = arith.constant 0 : i32
    %dma_start3A_143 = arith.constant 0 : i32
    %dma_start3A_144 = tpu.memref_slice %arg14[%dma_start3A_142, %dma_start3A_143] : memref<10240x64xf32, #tpu.memory_space<vmem_shared>> -> memref<10240x64xf32, #tpu.memory_space<vmem_shared>>
    tpu.enqueue_indirect_dma source(%arg13 : memref<128x64xf32, #tpu.memory_space<vmem>>) target(%dma_start3A_144 : memref<10240x64xf32, #tpu.memory_space<vmem_shared>>) offsets(%dma_start3A_141 : memref<128xi32, #tpu.memory_space<vmem>>) semaphore(%arg24 : memref<!tpu.dma_semaphore, #tpu.memory_space<semaphore_mem>>) {add = true}
    %dma_wait3A_145 = arith.constant 155 : i32
    %dma_wait3A_146 = arith.constant 0 : i32
    %dma_wait3A_147 = tpu.memref_slice %arg8[%dma_wait3A_145, %dma_wait3A_146] : memref<160x128xi32, #tpu.memory_space<vmem>> -> memref<1x128xi32, #tpu.memory_space<vmem>>
    %dma_wait3A_148 = tpu.memref_squeeze %dma_wait3A_147 : memref<1x128xi32, #tpu.memory_space<vmem>> -> memref<128xi32, #tpu.memory_space<vmem>>
    %dma_wait3A_149 = arith.constant 0 : i32
    %dma_wait3A_150 = arith.constant 0 : i32
    %dma_wait3A_151 = tpu.memref_slice %arg14[%dma_wait3A_149, %dma_wait3A_150] : memref<10240x64xf32, #tpu.memory_space<vmem_shared>> -> memref<10240x64xf32, #tpu.memory_space<vmem_shared>>
    tpu.wait_indirect_dma semaphore(%arg20 : memref<!tpu.dma_semaphore, #tpu.memory_space<semaphore_mem>>) src(%arg9 : memref<128x64xf32, #tpu.memory_space<vmem>>) dst(%dma_wait3A_151 : memref<10240x64xf32, #tpu.memory_space<vmem_shared>>)
    %dma_wait3A_152 = arith.constant 156 : i32
    %dma_wait3A_153 = arith.constant 0 : i32
    %dma_wait3A_154 = tpu.memref_slice %arg8[%dma_wait3A_152, %dma_wait3A_153] : memref<160x128xi32, #tpu.memory_space<vmem>> -> memref<1x128xi32, #tpu.memory_space<vmem>>
    %dma_wait3A_155 = tpu.memref_squeeze %dma_wait3A_154 : memref<1x128xi32, #tpu.memory_space<vmem>> -> memref<128xi32, #tpu.memory_space<vmem>>
    %dma_wait3A_156 = arith.constant 0 : i32
    %dma_wait3A_157 = arith.constant 0 : i32
    %dma_wait3A_158 = tpu.memref_slice %arg14[%dma_wait3A_156, %dma_wait3A_157] : memref<10240x64xf32, #tpu.memory_space<vmem_shared>> -> memref<10240x64xf32, #tpu.memory_space<vmem_shared>>
    tpu.wait_indirect_dma semaphore(%arg21 : memref<!tpu.dma_semaphore, #tpu.memory_space<semaphore_mem>>) src(%arg10 : memref<128x64xf32, #tpu.memory_space<vmem>>) dst(%dma_wait3A_158 : memref<10240x64xf32, #tpu.memory_space<vmem_shared>>)
    %dma_wait3A_159 = arith.constant 157 : i32
    %dma_wait3A_160 = arith.constant 0 : i32
    %dma_wait3A_161 = tpu.memref_slice %arg8[%dma_wait3A_159, %dma_wait3A_160] : memref<160x128xi32, #tpu.memory_space<vmem>> -> memref<1x128xi32, #tpu.memory_space<vmem>>
    %dma_wait3A_162 = tpu.memref_squeeze %dma_wait3A_161 : memref<1x128xi32, #tpu.memory_space<vmem>> -> memref<128xi32, #tpu.memory_space<vmem>>
    %dma_wait3A_163 = arith.constant 0 : i32
    %dma_wait3A_164 = arith.constant 0 : i32
    %dma_wait3A_165 = tpu.memref_slice %arg14[%dma_wait3A_163, %dma_wait3A_164] : memref<10240x64xf32, #tpu.memory_space<vmem_shared>> -> memref<10240x64xf32, #tpu.memory_space<vmem_shared>>
    tpu.wait_indirect_dma semaphore(%arg22 : memref<!tpu.dma_semaphore, #tpu.memory_space<semaphore_mem>>) src(%arg11 : memref<128x64xf32, #tpu.memory_space<vmem>>) dst(%dma_wait3A_165 : memref<10240x64xf32, #tpu.memory_space<vmem_shared>>)
    %dma_wait3A_166 = arith.constant 158 : i32
    %dma_wait3A_167 = arith.constant 0 : i32
    %dma_wait3A_168 = tpu.memref_slice %arg8[%dma_wait3A_166, %dma_wait3A_167] : memref<160x128xi32, #tpu.memory_space<vmem>> -> memref<1x128xi32, #tpu.memory_space<vmem>>
    %dma_wait3A_169 = tpu.memref_squeeze %dma_wait3A_168 : memref<1x128xi32, #tpu.memory_space<vmem>> -> memref<128xi32, #tpu.memory_space<vmem>>
    %dma_wait3A_170 = arith.constant 0 : i32
    %dma_wait3A_171 = arith.constant 0 : i32
    %dma_wait3A_172 = tpu.memref_slice %arg14[%dma_wait3A_170, %dma_wait3A_171] : memref<10240x64xf32, #tpu.memory_space<vmem_shared>> -> memref<10240x64xf32, #tpu.memory_space<vmem_shared>>
    tpu.wait_indirect_dma semaphore(%arg23 : memref<!tpu.dma_semaphore, #tpu.memory_space<semaphore_mem>>) src(%arg12 : memref<128x64xf32, #tpu.memory_space<vmem>>) dst(%dma_wait3A_172 : memref<10240x64xf32, #tpu.memory_space<vmem_shared>>)
    %dma_wait3A_173 = arith.constant 159 : i32
    %dma_wait3A_174 = arith.constant 0 : i32
    %dma_wait3A_175 = tpu.memref_slice %arg8[%dma_wait3A_173, %dma_wait3A_174] : memref<160x128xi32, #tpu.memory_space<vmem>> -> memref<1x128xi32, #tpu.memory_space<vmem>>
    %dma_wait3A_176 = tpu.memref_squeeze %dma_wait3A_175 : memref<1x128xi32, #tpu.memory_space<vmem>> -> memref<128xi32, #tpu.memory_space<vmem>>
    %dma_wait3A_177 = arith.constant 0 : i32
    %dma_wait3A_178 = arith.constant 0 : i32
    %dma_wait3A_179 = tpu.memref_slice %arg14[%dma_wait3A_177, %dma_wait3A_178] : memref<10240x64xf32, #tpu.memory_space<vmem_shared>> -> memref<10240x64xf32, #tpu.memory_space<vmem_shared>>
    tpu.wait_indirect_dma semaphore(%arg24 : memref<!tpu.dma_semaphore, #tpu.memory_space<semaphore_mem>>) src(%arg13 : memref<128x64xf32, #tpu.memory_space<vmem>>) dst(%dma_wait3A_179 : memref<10240x64xf32, #tpu.memory_space<vmem_shared>>)
    %barrier3A_180 = arith.constant 0 : index
    tpu.barrier barrier_id(%barrier3A_180)
    %mul3A_181 = arith.constant 640 : i32
    %mul3A_182 = arith.muli %arg1, %mul3A_181 : i32
    %mul3A_183 = arith.constant 640 : i32
    %mul3A_184 = arith.muli %arg1, %mul3A_183 : i32
    "tpu.region"() ({
      %run_scoped3A = tpu.sem_alloc : memref<!tpu.dma_semaphore, #tpu.memory_space<semaphore_mem>>
      %dma_start3A_185 = arith.constant 0 : i32
      %dma_start3A_186 = tpu.memref_slice %arg6[%mul3A_184, %dma_start3A_185] : memref<10240x64xf32, #tpu.memory_space<hbm>> -> memref<640x64xf32, #tpu.memory_space<hbm>>
      %dma_start3A_187 = arith.constant 0 : i32
      %dma_start3A_188 = tpu.memref_slice %arg14[%mul3A_182, %dma_start3A_187] : memref<10240x64xf32, #tpu.memory_space<vmem_shared>> -> memref<640x64xf32, #tpu.memory_space<vmem_shared>>
      tpu.enqueue_dma source(%dma_start3A_188 : memref<640x64xf32, #tpu.memory_space<vmem_shared>>) target(%dma_start3A_186 : memref<640x64xf32, #tpu.memory_space<hbm>>) target_semaphore(%run_scoped3A : memref<!tpu.dma_semaphore, #tpu.memory_space<semaphore_mem>>)
      %dma_wait3A_189 = arith.constant 0 : i32
      %dma_wait3A_190 = tpu.memref_slice %arg6[%mul3A_184, %dma_wait3A_189] : memref<10240x64xf32, #tpu.memory_space<hbm>> -> memref<640x64xf32, #tpu.memory_space<hbm>>
      %dma_wait3A_191 = arith.constant 0 : i32
      %dma_wait3A_192 = tpu.memref_slice %arg14[%mul3A_182, %dma_wait3A_191] : memref<10240x64xf32, #tpu.memory_space<vmem_shared>> -> memref<640x64xf32, #tpu.memory_space<vmem_shared>>
      tpu.wait_dma2 semaphore(%run_scoped3A : memref<!tpu.dma_semaphore, #tpu.memory_space<semaphore_mem>>) src(%dma_wait3A_192 : memref<640x64xf32, #tpu.memory_space<vmem_shared>>) dst(%dma_wait3A_190 : memref<640x64xf32, #tpu.memory_space<hbm>>)
      tpu.yield
    }) : () -> ()
    return
  }
}

#map = affine_map<(d0, d1) -> (0, 0)>
#map1 = affine_map<(d0, d1) -> (0, 0, 0)>
module attributes {stable_mosaic.version = 14 : i64} {
  func.func @scat_kernel(%arg0: i32, %arg1: i32, %arg2: memref<10240x64xf32, #tpu.memory_space<hbm>>, %arg3: memref<16x160x128xi32, #tpu.memory_space<hbm>>, %arg4: memref<16x160x128xi32, #tpu.memory_space<hbm>>, %arg5: memref<640x64xf32, #tpu.memory_space<hbm>>, %arg6: memref<10240x64xf32, #tpu.memory_space<hbm>>, %arg7: memref<160x128xi32, #tpu.memory_space<vmem>>, %arg8: memref<160x128xi32, #tpu.memory_space<vmem>>, %arg9: memref<128x64xf32, #tpu.memory_space<vmem>>, %arg10: memref<128x64xf32, #tpu.memory_space<vmem>>, %arg11: memref<128x64xf32, #tpu.memory_space<vmem>>, %arg12: memref<128x64xf32, #tpu.memory_space<vmem>>, %arg13: memref<128x64xf32, #tpu.memory_space<vmem>>, %arg14: memref<10240x64xf32, #tpu.memory_space<vmem_shared>>, %arg15: memref<!tpu.dma_semaphore, #tpu.memory_space<semaphore_mem>>, %arg16: memref<!tpu.dma_semaphore, #tpu.memory_space<semaphore_mem>>, %arg17: memref<!tpu.dma_semaphore, #tpu.memory_space<semaphore_mem>>, %arg18: memref<!tpu.dma_semaphore, #tpu.memory_space<semaphore_mem>>, %arg19: memref<!tpu.dma_semaphore, #tpu.memory_space<semaphore_mem>>, %arg20: memref<!tpu.dma_semaphore, #tpu.memory_space<semaphore_mem>>, %arg21: memref<!tpu.dma_semaphore, #tpu.memory_space<semaphore_mem>>, %arg22: memref<!tpu.dma_semaphore, #tpu.memory_space<semaphore_mem>>, %arg23: memref<!tpu.dma_semaphore, #tpu.memory_space<semaphore_mem>>, %arg24: memref<!tpu.dma_semaphore, #tpu.memory_space<semaphore_mem>>) attributes {dimension_semantics = [#tpu.dimension_semantics<core_parallel>, #tpu.dimension_semantics<subcore_parallel>], iteration_bounds = array<i64: 1, 16>, scalar_prefetch = 0 : i64, scratch_operands = 18 : i64, tpu.core_type = #tpu.core_type<sc_vector_subcore>, window_params = [{transform_indices = #map}, {transform_indices = #map1}, {transform_indices = #map1}, {transform_indices = #map}, {transform_indices = #map}]} {
    %mul3A = arith.constant 640 : i32
    %mul3A_0 = arith.muli %arg1, %mul3A : i32
    %dma_start3A = arith.constant 0 : i32
    %dma_start3A_1 = tpu.memref_slice %arg14[%mul3A_0, %dma_start3A] : memref<10240x64xf32, #tpu.memory_space<vmem_shared>> -> memref<640x64xf32, #tpu.memory_space<vmem_shared>>
    tpu.enqueue_dma source(%arg5 : memref<640x64xf32, #tpu.memory_space<hbm>>) target(%dma_start3A_1 : memref<640x64xf32, #tpu.memory_space<vmem_shared>>) target_semaphore(%arg15 : memref<!tpu.dma_semaphore, #tpu.memory_space<semaphore_mem>>)
    %dma_start3A_2 = arith.constant 0 : i32
    %dma_start3A_3 = arith.constant 0 : i32
    %dma_start3A_4 = tpu.memref_slice %arg3[%arg1, %dma_start3A_2, %dma_start3A_3] : memref<16x160x128xi32, #tpu.memory_space<hbm>> -> memref<1x160x128xi32, #tpu.memory_space<hbm>>
    %dma_start3A_5 = tpu.memref_squeeze %dma_start3A_4 : memref<1x160x128xi32, #tpu.memory_space<hbm>> -> memref<160x128xi32, #tpu.memory_space<hbm>>
    %dma_start3A_6 = arith.constant 0 : i32
    %dma_start3A_7 = arith.constant 0 : i32
    %dma_start3A_8 = tpu.memref_slice %arg3[%arg1, %dma_start3A_6, %dma_start3A_7] : memref<16x160x128xi32, #tpu.memory_space<hbm>> -> memref<1x160x128xi32, #tpu.memory_space<hbm>>
    %dma_start3A_9 = tpu.memref_squeeze %dma_start3A_8 : memref<1x160x128xi32, #tpu.memory_space<hbm>> -> memref<160x128xi32, #tpu.memory_space<hbm>>
    tpu.enqueue_dma source(%dma_start3A_9 : memref<160x128xi32, #tpu.memory_space<hbm>>) target(%arg7 : memref<160x128xi32, #tpu.memory_space<vmem>>) target_semaphore(%arg16 : memref<!tpu.dma_semaphore, #tpu.memory_space<semaphore_mem>>)
    %dma_start3A_10 = arith.constant 0 : i32
    %dma_start3A_11 = arith.constant 0 : i32
    %dma_start3A_12 = tpu.memref_slice %arg4[%arg1, %dma_start3A_10, %dma_start3A_11] : memref<16x160x128xi32, #tpu.memory_space<hbm>> -> memref<1x160x128xi32, #tpu.memory_space<hbm>>
    %dma_start3A_13 = tpu.memref_squeeze %dma_start3A_12 : memref<1x160x128xi32, #tpu.memory_space<hbm>> -> memref<160x128xi32, #tpu.memory_space<hbm>>
    %dma_start3A_14 = arith.constant 0 : i32
    %dma_start3A_15 = arith.constant 0 : i32
    %dma_start3A_16 = tpu.memref_slice %arg4[%arg1, %dma_start3A_14, %dma_start3A_15] : memref<16x160x128xi32, #tpu.memory_space<hbm>> -> memref<1x160x128xi32, #tpu.memory_space<hbm>>
    %dma_start3A_17 = tpu.memref_squeeze %dma_start3A_16 : memref<1x160x128xi32, #tpu.memory_space<hbm>> -> memref<160x128xi32, #tpu.memory_space<hbm>>
    tpu.enqueue_dma source(%dma_start3A_17 : memref<160x128xi32, #tpu.memory_space<hbm>>) target(%arg8 : memref<160x128xi32, #tpu.memory_space<vmem>>) target_semaphore(%arg17 : memref<!tpu.dma_semaphore, #tpu.memory_space<semaphore_mem>>)
    %dma_wait3A = arith.constant 0 : i32
    %dma_wait3A_18 = tpu.memref_slice %arg14[%mul3A_0, %dma_wait3A] : memref<10240x64xf32, #tpu.memory_space<vmem_shared>> -> memref<640x64xf32, #tpu.memory_space<vmem_shared>>
    tpu.wait_dma2 semaphore(%arg15 : memref<!tpu.dma_semaphore, #tpu.memory_space<semaphore_mem>>) src(%arg5 : memref<640x64xf32, #tpu.memory_space<hbm>>) dst(%dma_wait3A_18 : memref<640x64xf32, #tpu.memory_space<vmem_shared>>)
    %dma_wait3A_19 = arith.constant 0 : i32
    %dma_wait3A_20 = arith.constant 0 : i32
    %dma_wait3A_21 = tpu.memref_slice %arg3[%arg1, %dma_wait3A_19, %dma_wait3A_20] : memref<16x160x128xi32, #tpu.memory_space<hbm>> -> memref<1x160x128xi32, #tpu.memory_space<hbm>>
    %dma_wait3A_22 = tpu.memref_squeeze %dma_wait3A_21 : memref<1x160x128xi32, #tpu.memory_space<hbm>> -> memref<160x128xi32, #tpu.memory_space<hbm>>
    %dma_wait3A_23 = arith.constant 0 : i32
    %dma_wait3A_24 = arith.constant 0 : i32
    %dma_wait3A_25 = tpu.memref_slice %arg3[%arg1, %dma_wait3A_23, %dma_wait3A_24] : memref<16x160x128xi32, #tpu.memory_space<hbm>> -> memref<1x160x128xi32, #tpu.memory_space<hbm>>
    %dma_wait3A_26 = tpu.memref_squeeze %dma_wait3A_25 : memref<1x160x128xi32, #tpu.memory_space<hbm>> -> memref<160x128xi32, #tpu.memory_space<hbm>>
    tpu.wait_dma2 semaphore(%arg16 : memref<!tpu.dma_semaphore, #tpu.memory_space<semaphore_mem>>) src(%dma_wait3A_26 : memref<160x128xi32, #tpu.memory_space<hbm>>) dst(%arg7 : memref<160x128xi32, #tpu.memory_space<vmem>>)
    %dma_wait3A_27 = arith.constant 0 : i32
    %dma_wait3A_28 = arith.constant 0 : i32
    %dma_wait3A_29 = tpu.memref_slice %arg4[%arg1, %dma_wait3A_27, %dma_wait3A_28] : memref<16x160x128xi32, #tpu.memory_space<hbm>> -> memref<1x160x128xi32, #tpu.memory_space<hbm>>
    %dma_wait3A_30 = tpu.memref_squeeze %dma_wait3A_29 : memref<1x160x128xi32, #tpu.memory_space<hbm>> -> memref<160x128xi32, #tpu.memory_space<hbm>>
    %dma_wait3A_31 = arith.constant 0 : i32
    %dma_wait3A_32 = arith.constant 0 : i32
    %dma_wait3A_33 = tpu.memref_slice %arg4[%arg1, %dma_wait3A_31, %dma_wait3A_32] : memref<16x160x128xi32, #tpu.memory_space<hbm>> -> memref<1x160x128xi32, #tpu.memory_space<hbm>>
    %dma_wait3A_34 = tpu.memref_squeeze %dma_wait3A_33 : memref<1x160x128xi32, #tpu.memory_space<hbm>> -> memref<160x128xi32, #tpu.memory_space<hbm>>
    tpu.wait_dma2 semaphore(%arg17 : memref<!tpu.dma_semaphore, #tpu.memory_space<semaphore_mem>>) src(%dma_wait3A_34 : memref<160x128xi32, #tpu.memory_space<hbm>>) dst(%arg8 : memref<160x128xi32, #tpu.memory_space<vmem>>)
    %barrier3A = arith.constant 0 : index
    tpu.barrier barrier_id(%barrier3A)
    %dma_start3A_35 = arith.constant 0 : i32
    %dma_start3A_36 = arith.constant 0 : i32
    %dma_start3A_37 = tpu.memref_slice %arg7[%dma_start3A_35, %dma_start3A_36] : memref<160x128xi32, #tpu.memory_space<vmem>> -> memref<1x128xi32, #tpu.memory_space<vmem>>
    %dma_start3A_38 = tpu.memref_squeeze %dma_start3A_37 : memref<1x128xi32, #tpu.memory_space<vmem>> -> memref<128xi32, #tpu.memory_space<vmem>>
    %dma_start3A_39 = arith.constant 0 : i32
    %dma_start3A_40 = arith.constant 0 : i32
    %dma_start3A_41 = tpu.memref_slice %arg2[%dma_start3A_39, %dma_start3A_40] : memref<10240x64xf32, #tpu.memory_space<hbm>> -> memref<10240x64xf32, #tpu.memory_space<hbm>>
    tpu.enqueue_indirect_dma source(%dma_start3A_41 : memref<10240x64xf32, #tpu.memory_space<hbm>>) target(%arg9 : memref<128x64xf32, #tpu.memory_space<vmem>>) offsets(%dma_start3A_38 : memref<128xi32, #tpu.memory_space<vmem>>) semaphore(%arg15 : memref<!tpu.dma_semaphore, #tpu.memory_space<semaphore_mem>>)
    %dma_start3A_42 = arith.constant 1 : i32
    %dma_start3A_43 = arith.constant 0 : i32
    %dma_start3A_44 = tpu.memref_slice %arg7[%dma_start3A_42, %dma_start3A_43] : memref<160x128xi32, #tpu.memory_space<vmem>> -> memref<1x128xi32, #tpu.memory_space<vmem>>
    %dma_start3A_45 = tpu.memref_squeeze %dma_start3A_44 : memref<1x128xi32, #tpu.memory_space<vmem>> -> memref<128xi32, #tpu.memory_space<vmem>>
    %dma_start3A_46 = arith.constant 0 : i32
    %dma_start3A_47 = arith.constant 0 : i32
    %dma_start3A_48 = tpu.memref_slice %arg2[%dma_start3A_46, %dma_start3A_47] : memref<10240x64xf32, #tpu.memory_space<hbm>> -> memref<10240x64xf32, #tpu.memory_space<hbm>>
    tpu.enqueue_indirect_dma source(%dma_start3A_48 : memref<10240x64xf32, #tpu.memory_space<hbm>>) target(%arg10 : memref<128x64xf32, #tpu.memory_space<vmem>>) offsets(%dma_start3A_45 : memref<128xi32, #tpu.memory_space<vmem>>) semaphore(%arg16 : memref<!tpu.dma_semaphore, #tpu.memory_space<semaphore_mem>>)
    %dma_start3A_49 = arith.constant 2 : i32
    %dma_start3A_50 = arith.constant 0 : i32
    %dma_start3A_51 = tpu.memref_slice %arg7[%dma_start3A_49, %dma_start3A_50] : memref<160x128xi32, #tpu.memory_space<vmem>> -> memref<1x128xi32, #tpu.memory_space<vmem>>
    %dma_start3A_52 = tpu.memref_squeeze %dma_start3A_51 : memref<1x128xi32, #tpu.memory_space<vmem>> -> memref<128xi32, #tpu.memory_space<vmem>>
    %dma_start3A_53 = arith.constant 0 : i32
    %dma_start3A_54 = arith.constant 0 : i32
    %dma_start3A_55 = tpu.memref_slice %arg2[%dma_start3A_53, %dma_start3A_54] : memref<10240x64xf32, #tpu.memory_space<hbm>> -> memref<10240x64xf32, #tpu.memory_space<hbm>>
    tpu.enqueue_indirect_dma source(%dma_start3A_55 : memref<10240x64xf32, #tpu.memory_space<hbm>>) target(%arg11 : memref<128x64xf32, #tpu.memory_space<vmem>>) offsets(%dma_start3A_52 : memref<128xi32, #tpu.memory_space<vmem>>) semaphore(%arg17 : memref<!tpu.dma_semaphore, #tpu.memory_space<semaphore_mem>>)
    %dma_start3A_56 = arith.constant 3 : i32
    %dma_start3A_57 = arith.constant 0 : i32
    %dma_start3A_58 = tpu.memref_slice %arg7[%dma_start3A_56, %dma_start3A_57] : memref<160x128xi32, #tpu.memory_space<vmem>> -> memref<1x128xi32, #tpu.memory_space<vmem>>
    %dma_start3A_59 = tpu.memref_squeeze %dma_start3A_58 : memref<1x128xi32, #tpu.memory_space<vmem>> -> memref<128xi32, #tpu.memory_space<vmem>>
    %dma_start3A_60 = arith.constant 0 : i32
    %dma_start3A_61 = arith.constant 0 : i32
    %dma_start3A_62 = tpu.memref_slice %arg2[%dma_start3A_60, %dma_start3A_61] : memref<10240x64xf32, #tpu.memory_space<hbm>> -> memref<10240x64xf32, #tpu.memory_space<hbm>>
    tpu.enqueue_indirect_dma source(%dma_start3A_62 : memref<10240x64xf32, #tpu.memory_space<hbm>>) target(%arg12 : memref<128x64xf32, #tpu.memory_space<vmem>>) offsets(%dma_start3A_59 : memref<128xi32, #tpu.memory_space<vmem>>) semaphore(%arg18 : memref<!tpu.dma_semaphore, #tpu.memory_space<semaphore_mem>>)
    %dma_start3A_63 = arith.constant 4 : i32
    %dma_start3A_64 = arith.constant 0 : i32
    %dma_start3A_65 = tpu.memref_slice %arg7[%dma_start3A_63, %dma_start3A_64] : memref<160x128xi32, #tpu.memory_space<vmem>> -> memref<1x128xi32, #tpu.memory_space<vmem>>
    %dma_start3A_66 = tpu.memref_squeeze %dma_start3A_65 : memref<1x128xi32, #tpu.memory_space<vmem>> -> memref<128xi32, #tpu.memory_space<vmem>>
    %dma_start3A_67 = arith.constant 0 : i32
    %dma_start3A_68 = arith.constant 0 : i32
    %dma_start3A_69 = tpu.memref_slice %arg2[%dma_start3A_67, %dma_start3A_68] : memref<10240x64xf32, #tpu.memory_space<hbm>> -> memref<10240x64xf32, #tpu.memory_space<hbm>>
    tpu.enqueue_indirect_dma source(%dma_start3A_69 : memref<10240x64xf32, #tpu.memory_space<hbm>>) target(%arg13 : memref<128x64xf32, #tpu.memory_space<vmem>>) offsets(%dma_start3A_66 : memref<128xi32, #tpu.memory_space<vmem>>) semaphore(%arg19 : memref<!tpu.dma_semaphore, #tpu.memory_space<semaphore_mem>>)
    %scan3A = arith.constant 0 : i32
    %scan3A_70 = arith.constant 0 : i32
    %scan3A_71 = arith.constant 31 : i32
    %scan3A_72 = arith.addi %scan3A_70, %scan3A_71 : i32
    %scan3A_73 = arith.constant 1 : i32
    scf.for %scan3A_185 = %scan3A_70 to %scan3A_72 step %scan3A_73  : i32 {
      %mul3A_186 = arith.constant 5 : i32
      %mul3A_187 = arith.muli %scan3A_185, %mul3A_186 : i32
      %add3A = arith.constant 0 : i32
      %add3A_188 = arith.addi %mul3A_187, %add3A : i32
      %dma_wait3A_189 = arith.constant 0 : i32
      %dma_wait3A_190 = tpu.memref_slice %arg7[%add3A_188, %dma_wait3A_189] : memref<160x128xi32, #tpu.memory_space<vmem>> -> memref<1x128xi32, #tpu.memory_space<vmem>>
      %dma_wait3A_191 = tpu.memref_squeeze %dma_wait3A_190 : memref<1x128xi32, #tpu.memory_space<vmem>> -> memref<128xi32, #tpu.memory_space<vmem>>
      %dma_wait3A_192 = arith.constant 0 : i32
      %dma_wait3A_193 = arith.constant 0 : i32
      %dma_wait3A_194 = tpu.memref_slice %arg2[%dma_wait3A_192, %dma_wait3A_193] : memref<10240x64xf32, #tpu.memory_space<hbm>> -> memref<10240x64xf32, #tpu.memory_space<hbm>>
      tpu.wait_indirect_dma semaphore(%arg15 : memref<!tpu.dma_semaphore, #tpu.memory_space<semaphore_mem>>) src(%dma_wait3A_194 : memref<10240x64xf32, #tpu.memory_space<hbm>>) dst(%arg9 : memref<128x64xf32, #tpu.memory_space<vmem>>)
      %add3A_195 = arith.constant 0 : i32
      %add3A_196 = arith.addi %mul3A_187, %add3A_195 : i32
      %dma_start3A_197 = arith.constant 0 : i32
      %dma_start3A_198 = tpu.memref_slice %arg8[%add3A_196, %dma_start3A_197] : memref<160x128xi32, #tpu.memory_space<vmem>> -> memref<1x128xi32, #tpu.memory_space<vmem>>
      %dma_start3A_199 = tpu.memref_squeeze %dma_start3A_198 : memref<1x128xi32, #tpu.memory_space<vmem>> -> memref<128xi32, #tpu.memory_space<vmem>>
      %dma_start3A_200 = arith.constant 0 : i32
      %dma_start3A_201 = arith.constant 0 : i32
      %dma_start3A_202 = tpu.memref_slice %arg14[%dma_start3A_200, %dma_start3A_201] : memref<10240x64xf32, #tpu.memory_space<vmem_shared>> -> memref<10240x64xf32, #tpu.memory_space<vmem_shared>>
      tpu.enqueue_indirect_dma source(%arg9 : memref<128x64xf32, #tpu.memory_space<vmem>>) target(%dma_start3A_202 : memref<10240x64xf32, #tpu.memory_space<vmem_shared>>) offsets(%dma_start3A_199 : memref<128xi32, #tpu.memory_space<vmem>>) semaphore(%arg20 : memref<!tpu.dma_semaphore, #tpu.memory_space<semaphore_mem>>) {add = true}
      %add3A_203 = arith.constant 1 : i32
      %add3A_204 = arith.addi %mul3A_187, %add3A_203 : i32
      %dma_wait3A_205 = arith.constant 0 : i32
      %dma_wait3A_206 = tpu.memref_slice %arg7[%add3A_204, %dma_wait3A_205] : memref<160x128xi32, #tpu.memory_space<vmem>> -> memref<1x128xi32, #tpu.memory_space<vmem>>
      %dma_wait3A_207 = tpu.memref_squeeze %dma_wait3A_206 : memref<1x128xi32, #tpu.memory_space<vmem>> -> memref<128xi32, #tpu.memory_space<vmem>>
      %dma_wait3A_208 = arith.constant 0 : i32
      %dma_wait3A_209 = arith.constant 0 : i32
      %dma_wait3A_210 = tpu.memref_slice %arg2[%dma_wait3A_208, %dma_wait3A_209] : memref<10240x64xf32, #tpu.memory_space<hbm>> -> memref<10240x64xf32, #tpu.memory_space<hbm>>
      tpu.wait_indirect_dma semaphore(%arg16 : memref<!tpu.dma_semaphore, #tpu.memory_space<semaphore_mem>>) src(%dma_wait3A_210 : memref<10240x64xf32, #tpu.memory_space<hbm>>) dst(%arg10 : memref<128x64xf32, #tpu.memory_space<vmem>>)
      %add3A_211 = arith.constant 1 : i32
      %add3A_212 = arith.addi %mul3A_187, %add3A_211 : i32
      %dma_start3A_213 = arith.constant 0 : i32
      %dma_start3A_214 = tpu.memref_slice %arg8[%add3A_212, %dma_start3A_213] : memref<160x128xi32, #tpu.memory_space<vmem>> -> memref<1x128xi32, #tpu.memory_space<vmem>>
      %dma_start3A_215 = tpu.memref_squeeze %dma_start3A_214 : memref<1x128xi32, #tpu.memory_space<vmem>> -> memref<128xi32, #tpu.memory_space<vmem>>
      %dma_start3A_216 = arith.constant 0 : i32
      %dma_start3A_217 = arith.constant 0 : i32
      %dma_start3A_218 = tpu.memref_slice %arg14[%dma_start3A_216, %dma_start3A_217] : memref<10240x64xf32, #tpu.memory_space<vmem_shared>> -> memref<10240x64xf32, #tpu.memory_space<vmem_shared>>
      tpu.enqueue_indirect_dma source(%arg10 : memref<128x64xf32, #tpu.memory_space<vmem>>) target(%dma_start3A_218 : memref<10240x64xf32, #tpu.memory_space<vmem_shared>>) offsets(%dma_start3A_215 : memref<128xi32, #tpu.memory_space<vmem>>) semaphore(%arg21 : memref<!tpu.dma_semaphore, #tpu.memory_space<semaphore_mem>>) {add = true}
      %add3A_219 = arith.constant 2 : i32
      %add3A_220 = arith.addi %mul3A_187, %add3A_219 : i32
      %dma_wait3A_221 = arith.constant 0 : i32
      %dma_wait3A_222 = tpu.memref_slice %arg7[%add3A_220, %dma_wait3A_221] : memref<160x128xi32, #tpu.memory_space<vmem>> -> memref<1x128xi32, #tpu.memory_space<vmem>>
      %dma_wait3A_223 = tpu.memref_squeeze %dma_wait3A_222 : memref<1x128xi32, #tpu.memory_space<vmem>> -> memref<128xi32, #tpu.memory_space<vmem>>
      %dma_wait3A_224 = arith.constant 0 : i32
      %dma_wait3A_225 = arith.constant 0 : i32
      %dma_wait3A_226 = tpu.memref_slice %arg2[%dma_wait3A_224, %dma_wait3A_225] : memref<10240x64xf32, #tpu.memory_space<hbm>> -> memref<10240x64xf32, #tpu.memory_space<hbm>>
      tpu.wait_indirect_dma semaphore(%arg17 : memref<!tpu.dma_semaphore, #tpu.memory_space<semaphore_mem>>) src(%dma_wait3A_226 : memref<10240x64xf32, #tpu.memory_space<hbm>>) dst(%arg11 : memref<128x64xf32, #tpu.memory_space<vmem>>)
      %add3A_227 = arith.constant 2 : i32
      %add3A_228 = arith.addi %mul3A_187, %add3A_227 : i32
      %dma_start3A_229 = arith.constant 0 : i32
      %dma_start3A_230 = tpu.memref_slice %arg8[%add3A_228, %dma_start3A_229] : memref<160x128xi32, #tpu.memory_space<vmem>> -> memref<1x128xi32, #tpu.memory_space<vmem>>
      %dma_start3A_231 = tpu.memref_squeeze %dma_start3A_230 : memref<1x128xi32, #tpu.memory_space<vmem>> -> memref<128xi32, #tpu.memory_space<vmem>>
      %dma_start3A_232 = arith.constant 0 : i32
      %dma_start3A_233 = arith.constant 0 : i32
      %dma_start3A_234 = tpu.memref_slice %arg14[%dma_start3A_232, %dma_start3A_233] : memref<10240x64xf32, #tpu.memory_space<vmem_shared>> -> memref<10240x64xf32, #tpu.memory_space<vmem_shared>>
      tpu.enqueue_indirect_dma source(%arg11 : memref<128x64xf32, #tpu.memory_space<vmem>>) target(%dma_start3A_234 : memref<10240x64xf32, #tpu.memory_space<vmem_shared>>) offsets(%dma_start3A_231 : memref<128xi32, #tpu.memory_space<vmem>>) semaphore(%arg22 : memref<!tpu.dma_semaphore, #tpu.memory_space<semaphore_mem>>) {add = true}
      %add3A_235 = arith.constant 3 : i32
      %add3A_236 = arith.addi %mul3A_187, %add3A_235 : i32
      %dma_wait3A_237 = arith.constant 0 : i32
      %dma_wait3A_238 = tpu.memref_slice %arg7[%add3A_236, %dma_wait3A_237] : memref<160x128xi32, #tpu.memory_space<vmem>> -> memref<1x128xi32, #tpu.memory_space<vmem>>
      %dma_wait3A_239 = tpu.memref_squeeze %dma_wait3A_238 : memref<1x128xi32, #tpu.memory_space<vmem>> -> memref<128xi32, #tpu.memory_space<vmem>>
      %dma_wait3A_240 = arith.constant 0 : i32
      %dma_wait3A_241 = arith.constant 0 : i32
      %dma_wait3A_242 = tpu.memref_slice %arg2[%dma_wait3A_240, %dma_wait3A_241] : memref<10240x64xf32, #tpu.memory_space<hbm>> -> memref<10240x64xf32, #tpu.memory_space<hbm>>
      tpu.wait_indirect_dma semaphore(%arg18 : memref<!tpu.dma_semaphore, #tpu.memory_space<semaphore_mem>>) src(%dma_wait3A_242 : memref<10240x64xf32, #tpu.memory_space<hbm>>) dst(%arg12 : memref<128x64xf32, #tpu.memory_space<vmem>>)
      %add3A_243 = arith.constant 3 : i32
      %add3A_244 = arith.addi %mul3A_187, %add3A_243 : i32
      %dma_start3A_245 = arith.constant 0 : i32
      %dma_start3A_246 = tpu.memref_slice %arg8[%add3A_244, %dma_start3A_245] : memref<160x128xi32, #tpu.memory_space<vmem>> -> memref<1x128xi32, #tpu.memory_space<vmem>>
      %dma_start3A_247 = tpu.memref_squeeze %dma_start3A_246 : memref<1x128xi32, #tpu.memory_space<vmem>> -> memref<128xi32, #tpu.memory_space<vmem>>
      %dma_start3A_248 = arith.constant 0 : i32
      %dma_start3A_249 = arith.constant 0 : i32
      %dma_start3A_250 = tpu.memref_slice %arg14[%dma_start3A_248, %dma_start3A_249] : memref<10240x64xf32, #tpu.memory_space<vmem_shared>> -> memref<10240x64xf32, #tpu.memory_space<vmem_shared>>
      tpu.enqueue_indirect_dma source(%arg12 : memref<128x64xf32, #tpu.memory_space<vmem>>) target(%dma_start3A_250 : memref<10240x64xf32, #tpu.memory_space<vmem_shared>>) offsets(%dma_start3A_247 : memref<128xi32, #tpu.memory_space<vmem>>) semaphore(%arg23 : memref<!tpu.dma_semaphore, #tpu.memory_space<semaphore_mem>>) {add = true}
      %add3A_251 = arith.constant 4 : i32
      %add3A_252 = arith.addi %mul3A_187, %add3A_251 : i32
      %dma_wait3A_253 = arith.constant 0 : i32
      %dma_wait3A_254 = tpu.memref_slice %arg7[%add3A_252, %dma_wait3A_253] : memref<160x128xi32, #tpu.memory_space<vmem>> -> memref<1x128xi32, #tpu.memory_space<vmem>>
      %dma_wait3A_255 = tpu.memref_squeeze %dma_wait3A_254 : memref<1x128xi32, #tpu.memory_space<vmem>> -> memref<128xi32, #tpu.memory_space<vmem>>
      %dma_wait3A_256 = arith.constant 0 : i32
      %dma_wait3A_257 = arith.constant 0 : i32
      %dma_wait3A_258 = tpu.memref_slice %arg2[%dma_wait3A_256, %dma_wait3A_257] : memref<10240x64xf32, #tpu.memory_space<hbm>> -> memref<10240x64xf32, #tpu.memory_space<hbm>>
      tpu.wait_indirect_dma semaphore(%arg19 : memref<!tpu.dma_semaphore, #tpu.memory_space<semaphore_mem>>) src(%dma_wait3A_258 : memref<10240x64xf32, #tpu.memory_space<hbm>>) dst(%arg13 : memref<128x64xf32, #tpu.memory_space<vmem>>)
      %add3A_259 = arith.constant 4 : i32
      %add3A_260 = arith.addi %mul3A_187, %add3A_259 : i32
      %dma_start3A_261 = arith.constant 0 : i32
      %dma_start3A_262 = tpu.memref_slice %arg8[%add3A_260, %dma_start3A_261] : memref<160x128xi32, #tpu.memory_space<vmem>> -> memref<1x128xi32, #tpu.memory_space<vmem>>
      %dma_start3A_263 = tpu.memref_squeeze %dma_start3A_262 : memref<1x128xi32, #tpu.memory_space<vmem>> -> memref<128xi32, #tpu.memory_space<vmem>>
      %dma_start3A_264 = arith.constant 0 : i32
      %dma_start3A_265 = arith.constant 0 : i32
      %dma_start3A_266 = tpu.memref_slice %arg14[%dma_start3A_264, %dma_start3A_265] : memref<10240x64xf32, #tpu.memory_space<vmem_shared>> -> memref<10240x64xf32, #tpu.memory_space<vmem_shared>>
      tpu.enqueue_indirect_dma source(%arg13 : memref<128x64xf32, #tpu.memory_space<vmem>>) target(%dma_start3A_266 : memref<10240x64xf32, #tpu.memory_space<vmem_shared>>) offsets(%dma_start3A_263 : memref<128xi32, #tpu.memory_space<vmem>>) semaphore(%arg24 : memref<!tpu.dma_semaphore, #tpu.memory_space<semaphore_mem>>) {add = true}
      %add3A_267 = arith.constant 0 : i32
      %add3A_268 = arith.addi %mul3A_187, %add3A_267 : i32
      %dma_wait3A_269 = arith.constant 0 : i32
      %dma_wait3A_270 = tpu.memref_slice %arg8[%add3A_268, %dma_wait3A_269] : memref<160x128xi32, #tpu.memory_space<vmem>> -> memref<1x128xi32, #tpu.memory_space<vmem>>
      %dma_wait3A_271 = tpu.memref_squeeze %dma_wait3A_270 : memref<1x128xi32, #tpu.memory_space<vmem>> -> memref<128xi32, #tpu.memory_space<vmem>>
      %dma_wait3A_272 = arith.constant 0 : i32
      %dma_wait3A_273 = arith.constant 0 : i32
      %dma_wait3A_274 = tpu.memref_slice %arg14[%dma_wait3A_272, %dma_wait3A_273] : memref<10240x64xf32, #tpu.memory_space<vmem_shared>> -> memref<10240x64xf32, #tpu.memory_space<vmem_shared>>
      tpu.wait_indirect_dma semaphore(%arg20 : memref<!tpu.dma_semaphore, #tpu.memory_space<semaphore_mem>>) src(%arg9 : memref<128x64xf32, #tpu.memory_space<vmem>>) dst(%dma_wait3A_274 : memref<10240x64xf32, #tpu.memory_space<vmem_shared>>)
      %add3A_275 = arith.constant 0 : i32
      %add3A_276 = arith.addi %mul3A_187, %add3A_275 : i32
      %add3A_277 = arith.constant 5 : i32
      %add3A_278 = arith.addi %add3A_276, %add3A_277 : i32
      %dma_start3A_279 = arith.constant 0 : i32
      %dma_start3A_280 = tpu.memref_slice %arg7[%add3A_278, %dma_start3A_279] : memref<160x128xi32, #tpu.memory_space<vmem>> -> memref<1x128xi32, #tpu.memory_space<vmem>>
      %dma_start3A_281 = tpu.memref_squeeze %dma_start3A_280 : memref<1x128xi32, #tpu.memory_space<vmem>> -> memref<128xi32, #tpu.memory_space<vmem>>
      %dma_start3A_282 = arith.constant 0 : i32
      %dma_start3A_283 = arith.constant 0 : i32
      %dma_start3A_284 = tpu.memref_slice %arg2[%dma_start3A_282, %dma_start3A_283] : memref<10240x64xf32, #tpu.memory_space<hbm>> -> memref<10240x64xf32, #tpu.memory_space<hbm>>
      tpu.enqueue_indirect_dma source(%dma_start3A_284 : memref<10240x64xf32, #tpu.memory_space<hbm>>) target(%arg9 : memref<128x64xf32, #tpu.memory_space<vmem>>) offsets(%dma_start3A_281 : memref<128xi32, #tpu.memory_space<vmem>>) semaphore(%arg15 : memref<!tpu.dma_semaphore, #tpu.memory_space<semaphore_mem>>)
      %add3A_285 = arith.constant 1 : i32
      %add3A_286 = arith.addi %mul3A_187, %add3A_285 : i32
      %dma_wait3A_287 = arith.constant 0 : i32
      %dma_wait3A_288 = tpu.memref_slice %arg8[%add3A_286, %dma_wait3A_287] : memref<160x128xi32, #tpu.memory_space<vmem>> -> memref<1x128xi32, #tpu.memory_space<vmem>>
      %dma_wait3A_289 = tpu.memref_squeeze %dma_wait3A_288 : memref<1x128xi32, #tpu.memory_space<vmem>> -> memref<128xi32, #tpu.memory_space<vmem>>
      %dma_wait3A_290 = arith.constant 0 : i32
      %dma_wait3A_291 = arith.constant 0 : i32
      %dma_wait3A_292 = tpu.memref_slice %arg14[%dma_wait3A_290, %dma_wait3A_291] : memref<10240x64xf32, #tpu.memory_space<vmem_shared>> -> memref<10240x64xf32, #tpu.memory_space<vmem_shared>>
      tpu.wait_indirect_dma semaphore(%arg21 : memref<!tpu.dma_semaphore, #tpu.memory_space<semaphore_mem>>) src(%arg10 : memref<128x64xf32, #tpu.memory_space<vmem>>) dst(%dma_wait3A_292 : memref<10240x64xf32, #tpu.memory_space<vmem_shared>>)
      %add3A_293 = arith.constant 1 : i32
      %add3A_294 = arith.addi %mul3A_187, %add3A_293 : i32
      %add3A_295 = arith.constant 5 : i32
      %add3A_296 = arith.addi %add3A_294, %add3A_295 : i32
      %dma_start3A_297 = arith.constant 0 : i32
      %dma_start3A_298 = tpu.memref_slice %arg7[%add3A_296, %dma_start3A_297] : memref<160x128xi32, #tpu.memory_space<vmem>> -> memref<1x128xi32, #tpu.memory_space<vmem>>
      %dma_start3A_299 = tpu.memref_squeeze %dma_start3A_298 : memref<1x128xi32, #tpu.memory_space<vmem>> -> memref<128xi32, #tpu.memory_space<vmem>>
      %dma_start3A_300 = arith.constant 0 : i32
      %dma_start3A_301 = arith.constant 0 : i32
      %dma_start3A_302 = tpu.memref_slice %arg2[%dma_start3A_300, %dma_start3A_301] : memref<10240x64xf32, #tpu.memory_space<hbm>> -> memref<10240x64xf32, #tpu.memory_space<hbm>>
      tpu.enqueue_indirect_dma source(%dma_start3A_302 : memref<10240x64xf32, #tpu.memory_space<hbm>>) target(%arg10 : memref<128x64xf32, #tpu.memory_space<vmem>>) offsets(%dma_start3A_299 : memref<128xi32, #tpu.memory_space<vmem>>) semaphore(%arg16 : memref<!tpu.dma_semaphore, #tpu.memory_space<semaphore_mem>>)
      %add3A_303 = arith.constant 2 : i32
      %add3A_304 = arith.addi %mul3A_187, %add3A_303 : i32
      %dma_wait3A_305 = arith.constant 0 : i32
      %dma_wait3A_306 = tpu.memref_slice %arg8[%add3A_304, %dma_wait3A_305] : memref<160x128xi32, #tpu.memory_space<vmem>> -> memref<1x128xi32, #tpu.memory_space<vmem>>
      %dma_wait3A_307 = tpu.memref_squeeze %dma_wait3A_306 : memref<1x128xi32, #tpu.memory_space<vmem>> -> memref<128xi32, #tpu.memory_space<vmem>>
      %dma_wait3A_308 = arith.constant 0 : i32
      %dma_wait3A_309 = arith.constant 0 : i32
      %dma_wait3A_310 = tpu.memref_slice %arg14[%dma_wait3A_308, %dma_wait3A_309] : memref<10240x64xf32, #tpu.memory_space<vmem_shared>> -> memref<10240x64xf32, #tpu.memory_space<vmem_shared>>
      tpu.wait_indirect_dma semaphore(%arg22 : memref<!tpu.dma_semaphore, #tpu.memory_space<semaphore_mem>>) src(%arg11 : memref<128x64xf32, #tpu.memory_space<vmem>>) dst(%dma_wait3A_310 : memref<10240x64xf32, #tpu.memory_space<vmem_shared>>)
      %add3A_311 = arith.constant 2 : i32
      %add3A_312 = arith.addi %mul3A_187, %add3A_311 : i32
      %add3A_313 = arith.constant 5 : i32
      %add3A_314 = arith.addi %add3A_312, %add3A_313 : i32
      %dma_start3A_315 = arith.constant 0 : i32
      %dma_start3A_316 = tpu.memref_slice %arg7[%add3A_314, %dma_start3A_315] : memref<160x128xi32, #tpu.memory_space<vmem>> -> memref<1x128xi32, #tpu.memory_space<vmem>>
      %dma_start3A_317 = tpu.memref_squeeze %dma_start3A_316 : memref<1x128xi32, #tpu.memory_space<vmem>> -> memref<128xi32, #tpu.memory_space<vmem>>
      %dma_start3A_318 = arith.constant 0 : i32
      %dma_start3A_319 = arith.constant 0 : i32
      %dma_start3A_320 = tpu.memref_slice %arg2[%dma_start3A_318, %dma_start3A_319] : memref<10240x64xf32, #tpu.memory_space<hbm>> -> memref<10240x64xf32, #tpu.memory_space<hbm>>
      tpu.enqueue_indirect_dma source(%dma_start3A_320 : memref<10240x64xf32, #tpu.memory_space<hbm>>) target(%arg11 : memref<128x64xf32, #tpu.memory_space<vmem>>) offsets(%dma_start3A_317 : memref<128xi32, #tpu.memory_space<vmem>>) semaphore(%arg17 : memref<!tpu.dma_semaphore, #tpu.memory_space<semaphore_mem>>)
      %add3A_321 = arith.constant 3 : i32
      %add3A_322 = arith.addi %mul3A_187, %add3A_321 : i32
      %dma_wait3A_323 = arith.constant 0 : i32
      %dma_wait3A_324 = tpu.memref_slice %arg8[%add3A_322, %dma_wait3A_323] : memref<160x128xi32, #tpu.memory_space<vmem>> -> memref<1x128xi32, #tpu.memory_space<vmem>>
      %dma_wait3A_325 = tpu.memref_squeeze %dma_wait3A_324 : memref<1x128xi32, #tpu.memory_space<vmem>> -> memref<128xi32, #tpu.memory_space<vmem>>
      %dma_wait3A_326 = arith.constant 0 : i32
      %dma_wait3A_327 = arith.constant 0 : i32
      %dma_wait3A_328 = tpu.memref_slice %arg14[%dma_wait3A_326, %dma_wait3A_327] : memref<10240x64xf32, #tpu.memory_space<vmem_shared>> -> memref<10240x64xf32, #tpu.memory_space<vmem_shared>>
      tpu.wait_indirect_dma semaphore(%arg23 : memref<!tpu.dma_semaphore, #tpu.memory_space<semaphore_mem>>) src(%arg12 : memref<128x64xf32, #tpu.memory_space<vmem>>) dst(%dma_wait3A_328 : memref<10240x64xf32, #tpu.memory_space<vmem_shared>>)
      %add3A_329 = arith.constant 3 : i32
      %add3A_330 = arith.addi %mul3A_187, %add3A_329 : i32
      %add3A_331 = arith.constant 5 : i32
      %add3A_332 = arith.addi %add3A_330, %add3A_331 : i32
      %dma_start3A_333 = arith.constant 0 : i32
      %dma_start3A_334 = tpu.memref_slice %arg7[%add3A_332, %dma_start3A_333] : memref<160x128xi32, #tpu.memory_space<vmem>> -> memref<1x128xi32, #tpu.memory_space<vmem>>
      %dma_start3A_335 = tpu.memref_squeeze %dma_start3A_334 : memref<1x128xi32, #tpu.memory_space<vmem>> -> memref<128xi32, #tpu.memory_space<vmem>>
      %dma_start3A_336 = arith.constant 0 : i32
      %dma_start3A_337 = arith.constant 0 : i32
      %dma_start3A_338 = tpu.memref_slice %arg2[%dma_start3A_336, %dma_start3A_337] : memref<10240x64xf32, #tpu.memory_space<hbm>> -> memref<10240x64xf32, #tpu.memory_space<hbm>>
      tpu.enqueue_indirect_dma source(%dma_start3A_338 : memref<10240x64xf32, #tpu.memory_space<hbm>>) target(%arg12 : memref<128x64xf32, #tpu.memory_space<vmem>>) offsets(%dma_start3A_335 : memref<128xi32, #tpu.memory_space<vmem>>) semaphore(%arg18 : memref<!tpu.dma_semaphore, #tpu.memory_space<semaphore_mem>>)
      %add3A_339 = arith.constant 4 : i32
      %add3A_340 = arith.addi %mul3A_187, %add3A_339 : i32
      %dma_wait3A_341 = arith.constant 0 : i32
      %dma_wait3A_342 = tpu.memref_slice %arg8[%add3A_340, %dma_wait3A_341] : memref<160x128xi32, #tpu.memory_space<vmem>> -> memref<1x128xi32, #tpu.memory_space<vmem>>
      %dma_wait3A_343 = tpu.memref_squeeze %dma_wait3A_342 : memref<1x128xi32, #tpu.memory_space<vmem>> -> memref<128xi32, #tpu.memory_space<vmem>>
      %dma_wait3A_344 = arith.constant 0 : i32
      %dma_wait3A_345 = arith.constant 0 : i32
      %dma_wait3A_346 = tpu.memref_slice %arg14[%dma_wait3A_344, %dma_wait3A_345] : memref<10240x64xf32, #tpu.memory_space<vmem_shared>> -> memref<10240x64xf32, #tpu.memory_space<vmem_shared>>
      tpu.wait_indirect_dma semaphore(%arg24 : memref<!tpu.dma_semaphore, #tpu.memory_space<semaphore_mem>>) src(%arg13 : memref<128x64xf32, #tpu.memory_space<vmem>>) dst(%dma_wait3A_346 : memref<10240x64xf32, #tpu.memory_space<vmem_shared>>)
      %add3A_347 = arith.constant 4 : i32
      %add3A_348 = arith.addi %mul3A_187, %add3A_347 : i32
      %add3A_349 = arith.constant 5 : i32
      %add3A_350 = arith.addi %add3A_348, %add3A_349 : i32
      %dma_start3A_351 = arith.constant 0 : i32
      %dma_start3A_352 = tpu.memref_slice %arg7[%add3A_350, %dma_start3A_351] : memref<160x128xi32, #tpu.memory_space<vmem>> -> memref<1x128xi32, #tpu.memory_space<vmem>>
      %dma_start3A_353 = tpu.memref_squeeze %dma_start3A_352 : memref<1x128xi32, #tpu.memory_space<vmem>> -> memref<128xi32, #tpu.memory_space<vmem>>
      %dma_start3A_354 = arith.constant 0 : i32
      %dma_start3A_355 = arith.constant 0 : i32
      %dma_start3A_356 = tpu.memref_slice %arg2[%dma_start3A_354, %dma_start3A_355] : memref<10240x64xf32, #tpu.memory_space<hbm>> -> memref<10240x64xf32, #tpu.memory_space<hbm>>
      tpu.enqueue_indirect_dma source(%dma_start3A_356 : memref<10240x64xf32, #tpu.memory_space<hbm>>) target(%arg13 : memref<128x64xf32, #tpu.memory_space<vmem>>) offsets(%dma_start3A_353 : memref<128xi32, #tpu.memory_space<vmem>>) semaphore(%arg19 : memref<!tpu.dma_semaphore, #tpu.memory_space<semaphore_mem>>)
    }
    %scan3A_74 = arith.constant 31 : i32
    %dma_wait3A_75 = arith.constant 155 : i32
    %dma_wait3A_76 = arith.constant 0 : i32
    %dma_wait3A_77 = tpu.memref_slice %arg7[%dma_wait3A_75, %dma_wait3A_76] : memref<160x128xi32, #tpu.memory_space<vmem>> -> memref<1x128xi32, #tpu.memory_space<vmem>>
    %dma_wait3A_78 = tpu.memref_squeeze %dma_wait3A_77 : memref<1x128xi32, #tpu.memory_space<vmem>> -> memref<128xi32, #tpu.memory_space<vmem>>
    %dma_wait3A_79 = arith.constant 0 : i32
    %dma_wait3A_80 = arith.constant 0 : i32
    %dma_wait3A_81 = tpu.memref_slice %arg2[%dma_wait3A_79, %dma_wait3A_80] : memref<10240x64xf32, #tpu.memory_space<hbm>> -> memref<10240x64xf32, #tpu.memory_space<hbm>>
    tpu.wait_indirect_dma semaphore(%arg15 : memref<!tpu.dma_semaphore, #tpu.memory_space<semaphore_mem>>) src(%dma_wait3A_81 : memref<10240x64xf32, #tpu.memory_space<hbm>>) dst(%arg9 : memref<128x64xf32, #tpu.memory_space<vmem>>)
    %dma_start3A_82 = arith.constant 155 : i32
    %dma_start3A_83 = arith.constant 0 : i32
    %dma_start3A_84 = tpu.memref_slice %arg8[%dma_start3A_82, %dma_start3A_83] : memref<160x128xi32, #tpu.memory_space<vmem>> -> memref<1x128xi32, #tpu.memory_space<vmem>>
    %dma_start3A_85 = tpu.memref_squeeze %dma_start3A_84 : memref<1x128xi32, #tpu.memory_space<vmem>> -> memref<128xi32, #tpu.memory_space<vmem>>
    %dma_start3A_86 = arith.constant 0 : i32
    %dma_start3A_87 = arith.constant 0 : i32
    %dma_start3A_88 = tpu.memref_slice %arg14[%dma_start3A_86, %dma_start3A_87] : memref<10240x64xf32, #tpu.memory_space<vmem_shared>> -> memref<10240x64xf32, #tpu.memory_space<vmem_shared>>
    tpu.enqueue_indirect_dma source(%arg9 : memref<128x64xf32, #tpu.memory_space<vmem>>) target(%dma_start3A_88 : memref<10240x64xf32, #tpu.memory_space<vmem_shared>>) offsets(%dma_start3A_85 : memref<128xi32, #tpu.memory_space<vmem>>) semaphore(%arg20 : memref<!tpu.dma_semaphore, #tpu.memory_space<semaphore_mem>>) {add = true}
    %dma_wait3A_89 = arith.constant 156 : i32
    %dma_wait3A_90 = arith.constant 0 : i32
    %dma_wait3A_91 = tpu.memref_slice %arg7[%dma_wait3A_89, %dma_wait3A_90] : memref<160x128xi32, #tpu.memory_space<vmem>> -> memref<1x128xi32, #tpu.memory_space<vmem>>
    %dma_wait3A_92 = tpu.memref_squeeze %dma_wait3A_91 : memref<1x128xi32, #tpu.memory_space<vmem>> -> memref<128xi32, #tpu.memory_space<vmem>>
    %dma_wait3A_93 = arith.constant 0 : i32
    %dma_wait3A_94 = arith.constant 0 : i32
    %dma_wait3A_95 = tpu.memref_slice %arg2[%dma_wait3A_93, %dma_wait3A_94] : memref<10240x64xf32, #tpu.memory_space<hbm>> -> memref<10240x64xf32, #tpu.memory_space<hbm>>
    tpu.wait_indirect_dma semaphore(%arg16 : memref<!tpu.dma_semaphore, #tpu.memory_space<semaphore_mem>>) src(%dma_wait3A_95 : memref<10240x64xf32, #tpu.memory_space<hbm>>) dst(%arg10 : memref<128x64xf32, #tpu.memory_space<vmem>>)
    %dma_start3A_96 = arith.constant 156 : i32
    %dma_start3A_97 = arith.constant 0 : i32
    %dma_start3A_98 = tpu.memref_slice %arg8[%dma_start3A_96, %dma_start3A_97] : memref<160x128xi32, #tpu.memory_space<vmem>> -> memref<1x128xi32, #tpu.memory_space<vmem>>
    %dma_start3A_99 = tpu.memref_squeeze %dma_start3A_98 : memref<1x128xi32, #tpu.memory_space<vmem>> -> memref<128xi32, #tpu.memory_space<vmem>>
    %dma_start3A_100 = arith.constant 0 : i32
    %dma_start3A_101 = arith.constant 0 : i32
    %dma_start3A_102 = tpu.memref_slice %arg14[%dma_start3A_100, %dma_start3A_101] : memref<10240x64xf32, #tpu.memory_space<vmem_shared>> -> memref<10240x64xf32, #tpu.memory_space<vmem_shared>>
    tpu.enqueue_indirect_dma source(%arg10 : memref<128x64xf32, #tpu.memory_space<vmem>>) target(%dma_start3A_102 : memref<10240x64xf32, #tpu.memory_space<vmem_shared>>) offsets(%dma_start3A_99 : memref<128xi32, #tpu.memory_space<vmem>>) semaphore(%arg21 : memref<!tpu.dma_semaphore, #tpu.memory_space<semaphore_mem>>) {add = true}
    %dma_wait3A_103 = arith.constant 157 : i32
    %dma_wait3A_104 = arith.constant 0 : i32
    %dma_wait3A_105 = tpu.memref_slice %arg7[%dma_wait3A_103, %dma_wait3A_104] : memref<160x128xi32, #tpu.memory_space<vmem>> -> memref<1x128xi32, #tpu.memory_space<vmem>>
    %dma_wait3A_106 = tpu.memref_squeeze %dma_wait3A_105 : memref<1x128xi32, #tpu.memory_space<vmem>> -> memref<128xi32, #tpu.memory_space<vmem>>
    %dma_wait3A_107 = arith.constant 0 : i32
    %dma_wait3A_108 = arith.constant 0 : i32
    %dma_wait3A_109 = tpu.memref_slice %arg2[%dma_wait3A_107, %dma_wait3A_108] : memref<10240x64xf32, #tpu.memory_space<hbm>> -> memref<10240x64xf32, #tpu.memory_space<hbm>>
    tpu.wait_indirect_dma semaphore(%arg17 : memref<!tpu.dma_semaphore, #tpu.memory_space<semaphore_mem>>) src(%dma_wait3A_109 : memref<10240x64xf32, #tpu.memory_space<hbm>>) dst(%arg11 : memref<128x64xf32, #tpu.memory_space<vmem>>)
    %dma_start3A_110 = arith.constant 157 : i32
    %dma_start3A_111 = arith.constant 0 : i32
    %dma_start3A_112 = tpu.memref_slice %arg8[%dma_start3A_110, %dma_start3A_111] : memref<160x128xi32, #tpu.memory_space<vmem>> -> memref<1x128xi32, #tpu.memory_space<vmem>>
    %dma_start3A_113 = tpu.memref_squeeze %dma_start3A_112 : memref<1x128xi32, #tpu.memory_space<vmem>> -> memref<128xi32, #tpu.memory_space<vmem>>
    %dma_start3A_114 = arith.constant 0 : i32
    %dma_start3A_115 = arith.constant 0 : i32
    %dma_start3A_116 = tpu.memref_slice %arg14[%dma_start3A_114, %dma_start3A_115] : memref<10240x64xf32, #tpu.memory_space<vmem_shared>> -> memref<10240x64xf32, #tpu.memory_space<vmem_shared>>
    tpu.enqueue_indirect_dma source(%arg11 : memref<128x64xf32, #tpu.memory_space<vmem>>) target(%dma_start3A_116 : memref<10240x64xf32, #tpu.memory_space<vmem_shared>>) offsets(%dma_start3A_113 : memref<128xi32, #tpu.memory_space<vmem>>) semaphore(%arg22 : memref<!tpu.dma_semaphore, #tpu.memory_space<semaphore_mem>>) {add = true}
    %dma_wait3A_117 = arith.constant 158 : i32
    %dma_wait3A_118 = arith.constant 0 : i32
    %dma_wait3A_119 = tpu.memref_slice %arg7[%dma_wait3A_117, %dma_wait3A_118] : memref<160x128xi32, #tpu.memory_space<vmem>> -> memref<1x128xi32, #tpu.memory_space<vmem>>
    %dma_wait3A_120 = tpu.memref_squeeze %dma_wait3A_119 : memref<1x128xi32, #tpu.memory_space<vmem>> -> memref<128xi32, #tpu.memory_space<vmem>>
    %dma_wait3A_121 = arith.constant 0 : i32
    %dma_wait3A_122 = arith.constant 0 : i32
    %dma_wait3A_123 = tpu.memref_slice %arg2[%dma_wait3A_121, %dma_wait3A_122] : memref<10240x64xf32, #tpu.memory_space<hbm>> -> memref<10240x64xf32, #tpu.memory_space<hbm>>
    tpu.wait_indirect_dma semaphore(%arg18 : memref<!tpu.dma_semaphore, #tpu.memory_space<semaphore_mem>>) src(%dma_wait3A_123 : memref<10240x64xf32, #tpu.memory_space<hbm>>) dst(%arg12 : memref<128x64xf32, #tpu.memory_space<vmem>>)
    %dma_start3A_124 = arith.constant 158 : i32
    %dma_start3A_125 = arith.constant 0 : i32
    %dma_start3A_126 = tpu.memref_slice %arg8[%dma_start3A_124, %dma_start3A_125] : memref<160x128xi32, #tpu.memory_space<vmem>> -> memref<1x128xi32, #tpu.memory_space<vmem>>
    %dma_start3A_127 = tpu.memref_squeeze %dma_start3A_126 : memref<1x128xi32, #tpu.memory_space<vmem>> -> memref<128xi32, #tpu.memory_space<vmem>>
    %dma_start3A_128 = arith.constant 0 : i32
    %dma_start3A_129 = arith.constant 0 : i32
    %dma_start3A_130 = tpu.memref_slice %arg14[%dma_start3A_128, %dma_start3A_129] : memref<10240x64xf32, #tpu.memory_space<vmem_shared>> -> memref<10240x64xf32, #tpu.memory_space<vmem_shared>>
    tpu.enqueue_indirect_dma source(%arg12 : memref<128x64xf32, #tpu.memory_space<vmem>>) target(%dma_start3A_130 : memref<10240x64xf32, #tpu.memory_space<vmem_shared>>) offsets(%dma_start3A_127 : memref<128xi32, #tpu.memory_space<vmem>>) semaphore(%arg23 : memref<!tpu.dma_semaphore, #tpu.memory_space<semaphore_mem>>) {add = true}
    %dma_wait3A_131 = arith.constant 159 : i32
    %dma_wait3A_132 = arith.constant 0 : i32
    %dma_wait3A_133 = tpu.memref_slice %arg7[%dma_wait3A_131, %dma_wait3A_132] : memref<160x128xi32, #tpu.memory_space<vmem>> -> memref<1x128xi32, #tpu.memory_space<vmem>>
    %dma_wait3A_134 = tpu.memref_squeeze %dma_wait3A_133 : memref<1x128xi32, #tpu.memory_space<vmem>> -> memref<128xi32, #tpu.memory_space<vmem>>
    %dma_wait3A_135 = arith.constant 0 : i32
    %dma_wait3A_136 = arith.constant 0 : i32
    %dma_wait3A_137 = tpu.memref_slice %arg2[%dma_wait3A_135, %dma_wait3A_136] : memref<10240x64xf32, #tpu.memory_space<hbm>> -> memref<10240x64xf32, #tpu.memory_space<hbm>>
    tpu.wait_indirect_dma semaphore(%arg19 : memref<!tpu.dma_semaphore, #tpu.memory_space<semaphore_mem>>) src(%dma_wait3A_137 : memref<10240x64xf32, #tpu.memory_space<hbm>>) dst(%arg13 : memref<128x64xf32, #tpu.memory_space<vmem>>)
    %dma_start3A_138 = arith.constant 159 : i32
    %dma_start3A_139 = arith.constant 0 : i32
    %dma_start3A_140 = tpu.memref_slice %arg8[%dma_start3A_138, %dma_start3A_139] : memref<160x128xi32, #tpu.memory_space<vmem>> -> memref<1x128xi32, #tpu.memory_space<vmem>>
    %dma_start3A_141 = tpu.memref_squeeze %dma_start3A_140 : memref<1x128xi32, #tpu.memory_space<vmem>> -> memref<128xi32, #tpu.memory_space<vmem>>
    %dma_start3A_142 = arith.constant 0 : i32
    %dma_start3A_143 = arith.constant 0 : i32
    %dma_start3A_144 = tpu.memref_slice %arg14[%dma_start3A_142, %dma_start3A_143] : memref<10240x64xf32, #tpu.memory_space<vmem_shared>> -> memref<10240x64xf32, #tpu.memory_space<vmem_shared>>
    tpu.enqueue_indirect_dma source(%arg13 : memref<128x64xf32, #tpu.memory_space<vmem>>) target(%dma_start3A_144 : memref<10240x64xf32, #tpu.memory_space<vmem_shared>>) offsets(%dma_start3A_141 : memref<128xi32, #tpu.memory_space<vmem>>) semaphore(%arg24 : memref<!tpu.dma_semaphore, #tpu.memory_space<semaphore_mem>>) {add = true}
    %dma_wait3A_145 = arith.constant 155 : i32
    %dma_wait3A_146 = arith.constant 0 : i32
    %dma_wait3A_147 = tpu.memref_slice %arg8[%dma_wait3A_145, %dma_wait3A_146] : memref<160x128xi32, #tpu.memory_space<vmem>> -> memref<1x128xi32, #tpu.memory_space<vmem>>
    %dma_wait3A_148 = tpu.memref_squeeze %dma_wait3A_147 : memref<1x128xi32, #tpu.memory_space<vmem>> -> memref<128xi32, #tpu.memory_space<vmem>>
    %dma_wait3A_149 = arith.constant 0 : i32
    %dma_wait3A_150 = arith.constant 0 : i32
    %dma_wait3A_151 = tpu.memref_slice %arg14[%dma_wait3A_149, %dma_wait3A_150] : memref<10240x64xf32, #tpu.memory_space<vmem_shared>> -> memref<10240x64xf32, #tpu.memory_space<vmem_shared>>
    tpu.wait_indirect_dma semaphore(%arg20 : memref<!tpu.dma_semaphore, #tpu.memory_space<semaphore_mem>>) src(%arg9 : memref<128x64xf32, #tpu.memory_space<vmem>>) dst(%dma_wait3A_151 : memref<10240x64xf32, #tpu.memory_space<vmem_shared>>)
    %dma_wait3A_152 = arith.constant 156 : i32
    %dma_wait3A_153 = arith.constant 0 : i32
    %dma_wait3A_154 = tpu.memref_slice %arg8[%dma_wait3A_152, %dma_wait3A_153] : memref<160x128xi32, #tpu.memory_space<vmem>> -> memref<1x128xi32, #tpu.memory_space<vmem>>
    %dma_wait3A_155 = tpu.memref_squeeze %dma_wait3A_154 : memref<1x128xi32, #tpu.memory_space<vmem>> -> memref<128xi32, #tpu.memory_space<vmem>>
    %dma_wait3A_156 = arith.constant 0 : i32
    %dma_wait3A_157 = arith.constant 0 : i32
    %dma_wait3A_158 = tpu.memref_slice %arg14[%dma_wait3A_156, %dma_wait3A_157] : memref<10240x64xf32, #tpu.memory_space<vmem_shared>> -> memref<10240x64xf32, #tpu.memory_space<vmem_shared>>
    tpu.wait_indirect_dma semaphore(%arg21 : memref<!tpu.dma_semaphore, #tpu.memory_space<semaphore_mem>>) src(%arg10 : memref<128x64xf32, #tpu.memory_space<vmem>>) dst(%dma_wait3A_158 : memref<10240x64xf32, #tpu.memory_space<vmem_shared>>)
    %dma_wait3A_159 = arith.constant 157 : i32
    %dma_wait3A_160 = arith.constant 0 : i32
    %dma_wait3A_161 = tpu.memref_slice %arg8[%dma_wait3A_159, %dma_wait3A_160] : memref<160x128xi32, #tpu.memory_space<vmem>> -> memref<1x128xi32, #tpu.memory_space<vmem>>
    %dma_wait3A_162 = tpu.memref_squeeze %dma_wait3A_161 : memref<1x128xi32, #tpu.memory_space<vmem>> -> memref<128xi32, #tpu.memory_space<vmem>>
    %dma_wait3A_163 = arith.constant 0 : i32
    %dma_wait3A_164 = arith.constant 0 : i32
    %dma_wait3A_165 = tpu.memref_slice %arg14[%dma_wait3A_163, %dma_wait3A_164] : memref<10240x64xf32, #tpu.memory_space<vmem_shared>> -> memref<10240x64xf32, #tpu.memory_space<vmem_shared>>
    tpu.wait_indirect_dma semaphore(%arg22 : memref<!tpu.dma_semaphore, #tpu.memory_space<semaphore_mem>>) src(%arg11 : memref<128x64xf32, #tpu.memory_space<vmem>>) dst(%dma_wait3A_165 : memref<10240x64xf32, #tpu.memory_space<vmem_shared>>)
    %dma_wait3A_166 = arith.constant 158 : i32
    %dma_wait3A_167 = arith.constant 0 : i32
    %dma_wait3A_168 = tpu.memref_slice %arg8[%dma_wait3A_166, %dma_wait3A_167] : memref<160x128xi32, #tpu.memory_space<vmem>> -> memref<1x128xi32, #tpu.memory_space<vmem>>
    %dma_wait3A_169 = tpu.memref_squeeze %dma_wait3A_168 : memref<1x128xi32, #tpu.memory_space<vmem>> -> memref<128xi32, #tpu.memory_space<vmem>>
    %dma_wait3A_170 = arith.constant 0 : i32
    %dma_wait3A_171 = arith.constant 0 : i32
    %dma_wait3A_172 = tpu.memref_slice %arg14[%dma_wait3A_170, %dma_wait3A_171] : memref<10240x64xf32, #tpu.memory_space<vmem_shared>> -> memref<10240x64xf32, #tpu.memory_space<vmem_shared>>
    tpu.wait_indirect_dma semaphore(%arg23 : memref<!tpu.dma_semaphore, #tpu.memory_space<semaphore_mem>>) src(%arg12 : memref<128x64xf32, #tpu.memory_space<vmem>>) dst(%dma_wait3A_172 : memref<10240x64xf32, #tpu.memory_space<vmem_shared>>)
    %dma_wait3A_173 = arith.constant 159 : i32
    %dma_wait3A_174 = arith.constant 0 : i32
    %dma_wait3A_175 = tpu.memref_slice %arg8[%dma_wait3A_173, %dma_wait3A_174] : memref<160x128xi32, #tpu.memory_space<vmem>> -> memref<1x128xi32, #tpu.memory_space<vmem>>
    %dma_wait3A_176 = tpu.memref_squeeze %dma_wait3A_175 : memref<1x128xi32, #tpu.memory_space<vmem>> -> memref<128xi32, #tpu.memory_space<vmem>>
    %dma_wait3A_177 = arith.constant 0 : i32
    %dma_wait3A_178 = arith.constant 0 : i32
    %dma_wait3A_179 = tpu.memref_slice %arg14[%dma_wait3A_177, %dma_wait3A_178] : memref<10240x64xf32, #tpu.memory_space<vmem_shared>> -> memref<10240x64xf32, #tpu.memory_space<vmem_shared>>
    tpu.wait_indirect_dma semaphore(%arg24 : memref<!tpu.dma_semaphore, #tpu.memory_space<semaphore_mem>>) src(%arg13 : memref<128x64xf32, #tpu.memory_space<vmem>>) dst(%dma_wait3A_179 : memref<10240x64xf32, #tpu.memory_space<vmem_shared>>)
    %barrier3A_180 = arith.constant 0 : index
    tpu.barrier barrier_id(%barrier3A_180)
    %mul3A_181 = arith.constant 640 : i32
    %mul3A_182 = arith.muli %arg1, %mul3A_181 : i32
    %mul3A_183 = arith.constant 640 : i32
    %mul3A_184 = arith.muli %arg1, %mul3A_183 : i32
    "tpu.region"() ({
      %run_scoped3A = tpu.sem_alloc : memref<!tpu.dma_semaphore, #tpu.memory_space<semaphore_mem>>
      %dma_start3A_185 = arith.constant 0 : i32
      %dma_start3A_186 = tpu.memref_slice %arg6[%mul3A_184, %dma_start3A_185] : memref<10240x64xf32, #tpu.memory_space<hbm>> -> memref<640x64xf32, #tpu.memory_space<hbm>>
      %dma_start3A_187 = arith.constant 0 : i32
      %dma_start3A_188 = tpu.memref_slice %arg14[%mul3A_182, %dma_start3A_187] : memref<10240x64xf32, #tpu.memory_space<vmem_shared>> -> memref<640x64xf32, #tpu.memory_space<vmem_shared>>
      tpu.enqueue_dma source(%dma_start3A_188 : memref<640x64xf32, #tpu.memory_space<vmem_shared>>) target(%dma_start3A_186 : memref<640x64xf32, #tpu.memory_space<hbm>>) target_semaphore(%run_scoped3A : memref<!tpu.dma_semaphore, #tpu.memory_space<semaphore_mem>>)
      %dma_wait3A_189 = arith.constant 0 : i32
      %dma_wait3A_190 = tpu.memref_slice %arg6[%mul3A_184, %dma_wait3A_189] : memref<10240x64xf32, #tpu.memory_space<hbm>> -> memref<640x64xf32, #tpu.memory_space<hbm>>
      %dma_wait3A_191 = arith.constant 0 : i32
      %dma_wait3A_192 = tpu.memref_slice %arg14[%mul3A_182, %dma_wait3A_191] : memref<10240x64xf32, #tpu.memory_space<vmem_shared>> -> memref<640x64xf32, #tpu.memory_space<vmem_shared>>
      tpu.wait_dma2 semaphore(%run_scoped3A : memref<!tpu.dma_semaphore, #tpu.memory_space<semaphore_mem>>) src(%dma_wait3A_192 : memref<640x64xf32, #tpu.memory_space<vmem_shared>>) dst(%dma_wait3A_190 : memref<640x64xf32, #tpu.memory_space<hbm>>)
      tpu.yield
    }) : () -> ()
    return
  }
}

#map = affine_map<(d0, d1) -> (0, 0)>
#map1 = affine_map<(d0, d1) -> (0, 0, 0)>
module attributes {stable_mosaic.version = 14 : i64} {
  func.func @scat_kernel(%arg0: i32, %arg1: i32, %arg2: memref<10240x64xf32, #tpu.memory_space<hbm>>, %arg3: memref<16x160x128xi32, #tpu.memory_space<hbm>>, %arg4: memref<16x160x128xi32, #tpu.memory_space<hbm>>, %arg5: memref<640x64xf32, #tpu.memory_space<hbm>>, %arg6: memref<10240x64xf32, #tpu.memory_space<hbm>>, %arg7: memref<160x128xi32, #tpu.memory_space<vmem>>, %arg8: memref<160x128xi32, #tpu.memory_space<vmem>>, %arg9: memref<128x64xf32, #tpu.memory_space<vmem>>, %arg10: memref<128x64xf32, #tpu.memory_space<vmem>>, %arg11: memref<128x64xf32, #tpu.memory_space<vmem>>, %arg12: memref<128x64xf32, #tpu.memory_space<vmem>>, %arg13: memref<128x64xf32, #tpu.memory_space<vmem>>, %arg14: memref<10240x64xf32, #tpu.memory_space<vmem_shared>>, %arg15: memref<!tpu.dma_semaphore, #tpu.memory_space<semaphore_mem>>, %arg16: memref<!tpu.dma_semaphore, #tpu.memory_space<semaphore_mem>>, %arg17: memref<!tpu.dma_semaphore, #tpu.memory_space<semaphore_mem>>, %arg18: memref<!tpu.dma_semaphore, #tpu.memory_space<semaphore_mem>>, %arg19: memref<!tpu.dma_semaphore, #tpu.memory_space<semaphore_mem>>, %arg20: memref<!tpu.dma_semaphore, #tpu.memory_space<semaphore_mem>>, %arg21: memref<!tpu.dma_semaphore, #tpu.memory_space<semaphore_mem>>, %arg22: memref<!tpu.dma_semaphore, #tpu.memory_space<semaphore_mem>>, %arg23: memref<!tpu.dma_semaphore, #tpu.memory_space<semaphore_mem>>, %arg24: memref<!tpu.dma_semaphore, #tpu.memory_space<semaphore_mem>>) attributes {dimension_semantics = [#tpu.dimension_semantics<core_parallel>, #tpu.dimension_semantics<subcore_parallel>], iteration_bounds = array<i64: 1, 16>, scalar_prefetch = 0 : i64, scratch_operands = 18 : i64, tpu.core_type = #tpu.core_type<sc_vector_subcore>, window_params = [{transform_indices = #map}, {transform_indices = #map1}, {transform_indices = #map1}, {transform_indices = #map}, {transform_indices = #map}]} {
    %mul3A = arith.constant 640 : i32
    %mul3A_0 = arith.muli %arg1, %mul3A : i32
    %dma_start3A = arith.constant 0 : i32
    %dma_start3A_1 = tpu.memref_slice %arg14[%mul3A_0, %dma_start3A] : memref<10240x64xf32, #tpu.memory_space<vmem_shared>> -> memref<640x64xf32, #tpu.memory_space<vmem_shared>>
    tpu.enqueue_dma source(%arg5 : memref<640x64xf32, #tpu.memory_space<hbm>>) target(%dma_start3A_1 : memref<640x64xf32, #tpu.memory_space<vmem_shared>>) target_semaphore(%arg15 : memref<!tpu.dma_semaphore, #tpu.memory_space<semaphore_mem>>)
    %dma_start3A_2 = arith.constant 0 : i32
    %dma_start3A_3 = arith.constant 0 : i32
    %dma_start3A_4 = tpu.memref_slice %arg3[%arg1, %dma_start3A_2, %dma_start3A_3] : memref<16x160x128xi32, #tpu.memory_space<hbm>> -> memref<1x160x128xi32, #tpu.memory_space<hbm>>
    %dma_start3A_5 = tpu.memref_squeeze %dma_start3A_4 : memref<1x160x128xi32, #tpu.memory_space<hbm>> -> memref<160x128xi32, #tpu.memory_space<hbm>>
    %dma_start3A_6 = arith.constant 0 : i32
    %dma_start3A_7 = arith.constant 0 : i32
    %dma_start3A_8 = tpu.memref_slice %arg3[%arg1, %dma_start3A_6, %dma_start3A_7] : memref<16x160x128xi32, #tpu.memory_space<hbm>> -> memref<1x160x128xi32, #tpu.memory_space<hbm>>
    %dma_start3A_9 = tpu.memref_squeeze %dma_start3A_8 : memref<1x160x128xi32, #tpu.memory_space<hbm>> -> memref<160x128xi32, #tpu.memory_space<hbm>>
    tpu.enqueue_dma source(%dma_start3A_9 : memref<160x128xi32, #tpu.memory_space<hbm>>) target(%arg7 : memref<160x128xi32, #tpu.memory_space<vmem>>) target_semaphore(%arg16 : memref<!tpu.dma_semaphore, #tpu.memory_space<semaphore_mem>>)
    %dma_start3A_10 = arith.constant 0 : i32
    %dma_start3A_11 = arith.constant 0 : i32
    %dma_start3A_12 = tpu.memref_slice %arg4[%arg1, %dma_start3A_10, %dma_start3A_11] : memref<16x160x128xi32, #tpu.memory_space<hbm>> -> memref<1x160x128xi32, #tpu.memory_space<hbm>>
    %dma_start3A_13 = tpu.memref_squeeze %dma_start3A_12 : memref<1x160x128xi32, #tpu.memory_space<hbm>> -> memref<160x128xi32, #tpu.memory_space<hbm>>
    %dma_start3A_14 = arith.constant 0 : i32
    %dma_start3A_15 = arith.constant 0 : i32
    %dma_start3A_16 = tpu.memref_slice %arg4[%arg1, %dma_start3A_14, %dma_start3A_15] : memref<16x160x128xi32, #tpu.memory_space<hbm>> -> memref<1x160x128xi32, #tpu.memory_space<hbm>>
    %dma_start3A_17 = tpu.memref_squeeze %dma_start3A_16 : memref<1x160x128xi32, #tpu.memory_space<hbm>> -> memref<160x128xi32, #tpu.memory_space<hbm>>
    tpu.enqueue_dma source(%dma_start3A_17 : memref<160x128xi32, #tpu.memory_space<hbm>>) target(%arg8 : memref<160x128xi32, #tpu.memory_space<vmem>>) target_semaphore(%arg17 : memref<!tpu.dma_semaphore, #tpu.memory_space<semaphore_mem>>)
    %dma_wait3A = arith.constant 0 : i32
    %dma_wait3A_18 = tpu.memref_slice %arg14[%mul3A_0, %dma_wait3A] : memref<10240x64xf32, #tpu.memory_space<vmem_shared>> -> memref<640x64xf32, #tpu.memory_space<vmem_shared>>
    tpu.wait_dma2 semaphore(%arg15 : memref<!tpu.dma_semaphore, #tpu.memory_space<semaphore_mem>>) src(%arg5 : memref<640x64xf32, #tpu.memory_space<hbm>>) dst(%dma_wait3A_18 : memref<640x64xf32, #tpu.memory_space<vmem_shared>>)
    %dma_wait3A_19 = arith.constant 0 : i32
    %dma_wait3A_20 = arith.constant 0 : i32
    %dma_wait3A_21 = tpu.memref_slice %arg3[%arg1, %dma_wait3A_19, %dma_wait3A_20] : memref<16x160x128xi32, #tpu.memory_space<hbm>> -> memref<1x160x128xi32, #tpu.memory_space<hbm>>
    %dma_wait3A_22 = tpu.memref_squeeze %dma_wait3A_21 : memref<1x160x128xi32, #tpu.memory_space<hbm>> -> memref<160x128xi32, #tpu.memory_space<hbm>>
    %dma_wait3A_23 = arith.constant 0 : i32
    %dma_wait3A_24 = arith.constant 0 : i32
    %dma_wait3A_25 = tpu.memref_slice %arg3[%arg1, %dma_wait3A_23, %dma_wait3A_24] : memref<16x160x128xi32, #tpu.memory_space<hbm>> -> memref<1x160x128xi32, #tpu.memory_space<hbm>>
    %dma_wait3A_26 = tpu.memref_squeeze %dma_wait3A_25 : memref<1x160x128xi32, #tpu.memory_space<hbm>> -> memref<160x128xi32, #tpu.memory_space<hbm>>
    tpu.wait_dma2 semaphore(%arg16 : memref<!tpu.dma_semaphore, #tpu.memory_space<semaphore_mem>>) src(%dma_wait3A_26 : memref<160x128xi32, #tpu.memory_space<hbm>>) dst(%arg7 : memref<160x128xi32, #tpu.memory_space<vmem>>)
    %dma_wait3A_27 = arith.constant 0 : i32
    %dma_wait3A_28 = arith.constant 0 : i32
    %dma_wait3A_29 = tpu.memref_slice %arg4[%arg1, %dma_wait3A_27, %dma_wait3A_28] : memref<16x160x128xi32, #tpu.memory_space<hbm>> -> memref<1x160x128xi32, #tpu.memory_space<hbm>>
    %dma_wait3A_30 = tpu.memref_squeeze %dma_wait3A_29 : memref<1x160x128xi32, #tpu.memory_space<hbm>> -> memref<160x128xi32, #tpu.memory_space<hbm>>
    %dma_wait3A_31 = arith.constant 0 : i32
    %dma_wait3A_32 = arith.constant 0 : i32
    %dma_wait3A_33 = tpu.memref_slice %arg4[%arg1, %dma_wait3A_31, %dma_wait3A_32] : memref<16x160x128xi32, #tpu.memory_space<hbm>> -> memref<1x160x128xi32, #tpu.memory_space<hbm>>
    %dma_wait3A_34 = tpu.memref_squeeze %dma_wait3A_33 : memref<1x160x128xi32, #tpu.memory_space<hbm>> -> memref<160x128xi32, #tpu.memory_space<hbm>>
    tpu.wait_dma2 semaphore(%arg17 : memref<!tpu.dma_semaphore, #tpu.memory_space<semaphore_mem>>) src(%dma_wait3A_34 : memref<160x128xi32, #tpu.memory_space<hbm>>) dst(%arg8 : memref<160x128xi32, #tpu.memory_space<vmem>>)
    %barrier3A = arith.constant 0 : index
    tpu.barrier barrier_id(%barrier3A)
    %dma_start3A_35 = arith.constant 0 : i32
    %dma_start3A_36 = arith.constant 0 : i32
    %dma_start3A_37 = tpu.memref_slice %arg7[%dma_start3A_35, %dma_start3A_36] : memref<160x128xi32, #tpu.memory_space<vmem>> -> memref<1x128xi32, #tpu.memory_space<vmem>>
    %dma_start3A_38 = tpu.memref_squeeze %dma_start3A_37 : memref<1x128xi32, #tpu.memory_space<vmem>> -> memref<128xi32, #tpu.memory_space<vmem>>
    %dma_start3A_39 = arith.constant 0 : i32
    %dma_start3A_40 = arith.constant 0 : i32
    %dma_start3A_41 = tpu.memref_slice %arg2[%dma_start3A_39, %dma_start3A_40] : memref<10240x64xf32, #tpu.memory_space<hbm>> -> memref<10240x64xf32, #tpu.memory_space<hbm>>
    tpu.enqueue_indirect_dma source(%dma_start3A_41 : memref<10240x64xf32, #tpu.memory_space<hbm>>) target(%arg9 : memref<128x64xf32, #tpu.memory_space<vmem>>) offsets(%dma_start3A_38 : memref<128xi32, #tpu.memory_space<vmem>>) semaphore(%arg15 : memref<!tpu.dma_semaphore, #tpu.memory_space<semaphore_mem>>)
    %dma_start3A_42 = arith.constant 1 : i32
    %dma_start3A_43 = arith.constant 0 : i32
    %dma_start3A_44 = tpu.memref_slice %arg7[%dma_start3A_42, %dma_start3A_43] : memref<160x128xi32, #tpu.memory_space<vmem>> -> memref<1x128xi32, #tpu.memory_space<vmem>>
    %dma_start3A_45 = tpu.memref_squeeze %dma_start3A_44 : memref<1x128xi32, #tpu.memory_space<vmem>> -> memref<128xi32, #tpu.memory_space<vmem>>
    %dma_start3A_46 = arith.constant 0 : i32
    %dma_start3A_47 = arith.constant 0 : i32
    %dma_start3A_48 = tpu.memref_slice %arg2[%dma_start3A_46, %dma_start3A_47] : memref<10240x64xf32, #tpu.memory_space<hbm>> -> memref<10240x64xf32, #tpu.memory_space<hbm>>
    tpu.enqueue_indirect_dma source(%dma_start3A_48 : memref<10240x64xf32, #tpu.memory_space<hbm>>) target(%arg10 : memref<128x64xf32, #tpu.memory_space<vmem>>) offsets(%dma_start3A_45 : memref<128xi32, #tpu.memory_space<vmem>>) semaphore(%arg16 : memref<!tpu.dma_semaphore, #tpu.memory_space<semaphore_mem>>)
    %dma_start3A_49 = arith.constant 2 : i32
    %dma_start3A_50 = arith.constant 0 : i32
    %dma_start3A_51 = tpu.memref_slice %arg7[%dma_start3A_49, %dma_start3A_50] : memref<160x128xi32, #tpu.memory_space<vmem>> -> memref<1x128xi32, #tpu.memory_space<vmem>>
    %dma_start3A_52 = tpu.memref_squeeze %dma_start3A_51 : memref<1x128xi32, #tpu.memory_space<vmem>> -> memref<128xi32, #tpu.memory_space<vmem>>
    %dma_start3A_53 = arith.constant 0 : i32
    %dma_start3A_54 = arith.constant 0 : i32
    %dma_start3A_55 = tpu.memref_slice %arg2[%dma_start3A_53, %dma_start3A_54] : memref<10240x64xf32, #tpu.memory_space<hbm>> -> memref<10240x64xf32, #tpu.memory_space<hbm>>
    tpu.enqueue_indirect_dma source(%dma_start3A_55 : memref<10240x64xf32, #tpu.memory_space<hbm>>) target(%arg11 : memref<128x64xf32, #tpu.memory_space<vmem>>) offsets(%dma_start3A_52 : memref<128xi32, #tpu.memory_space<vmem>>) semaphore(%arg17 : memref<!tpu.dma_semaphore, #tpu.memory_space<semaphore_mem>>)
    %dma_start3A_56 = arith.constant 3 : i32
    %dma_start3A_57 = arith.constant 0 : i32
    %dma_start3A_58 = tpu.memref_slice %arg7[%dma_start3A_56, %dma_start3A_57] : memref<160x128xi32, #tpu.memory_space<vmem>> -> memref<1x128xi32, #tpu.memory_space<vmem>>
    %dma_start3A_59 = tpu.memref_squeeze %dma_start3A_58 : memref<1x128xi32, #tpu.memory_space<vmem>> -> memref<128xi32, #tpu.memory_space<vmem>>
    %dma_start3A_60 = arith.constant 0 : i32
    %dma_start3A_61 = arith.constant 0 : i32
    %dma_start3A_62 = tpu.memref_slice %arg2[%dma_start3A_60, %dma_start3A_61] : memref<10240x64xf32, #tpu.memory_space<hbm>> -> memref<10240x64xf32, #tpu.memory_space<hbm>>
    tpu.enqueue_indirect_dma source(%dma_start3A_62 : memref<10240x64xf32, #tpu.memory_space<hbm>>) target(%arg12 : memref<128x64xf32, #tpu.memory_space<vmem>>) offsets(%dma_start3A_59 : memref<128xi32, #tpu.memory_space<vmem>>) semaphore(%arg18 : memref<!tpu.dma_semaphore, #tpu.memory_space<semaphore_mem>>)
    %dma_start3A_63 = arith.constant 4 : i32
    %dma_start3A_64 = arith.constant 0 : i32
    %dma_start3A_65 = tpu.memref_slice %arg7[%dma_start3A_63, %dma_start3A_64] : memref<160x128xi32, #tpu.memory_space<vmem>> -> memref<1x128xi32, #tpu.memory_space<vmem>>
    %dma_start3A_66 = tpu.memref_squeeze %dma_start3A_65 : memref<1x128xi32, #tpu.memory_space<vmem>> -> memref<128xi32, #tpu.memory_space<vmem>>
    %dma_start3A_67 = arith.constant 0 : i32
    %dma_start3A_68 = arith.constant 0 : i32
    %dma_start3A_69 = tpu.memref_slice %arg2[%dma_start3A_67, %dma_start3A_68] : memref<10240x64xf32, #tpu.memory_space<hbm>> -> memref<10240x64xf32, #tpu.memory_space<hbm>>
    tpu.enqueue_indirect_dma source(%dma_start3A_69 : memref<10240x64xf32, #tpu.memory_space<hbm>>) target(%arg13 : memref<128x64xf32, #tpu.memory_space<vmem>>) offsets(%dma_start3A_66 : memref<128xi32, #tpu.memory_space<vmem>>) semaphore(%arg19 : memref<!tpu.dma_semaphore, #tpu.memory_space<semaphore_mem>>)
    %scan3A = arith.constant 0 : i32
    %scan3A_70 = arith.constant 0 : i32
    %scan3A_71 = arith.constant 31 : i32
    %scan3A_72 = arith.addi %scan3A_70, %scan3A_71 : i32
    %scan3A_73 = arith.constant 1 : i32
    scf.for %scan3A_185 = %scan3A_70 to %scan3A_72 step %scan3A_73  : i32 {
      %mul3A_186 = arith.constant 5 : i32
      %mul3A_187 = arith.muli %scan3A_185, %mul3A_186 : i32
      %add3A = arith.constant 0 : i32
      %add3A_188 = arith.addi %mul3A_187, %add3A : i32
      %dma_wait3A_189 = arith.constant 0 : i32
      %dma_wait3A_190 = tpu.memref_slice %arg7[%add3A_188, %dma_wait3A_189] : memref<160x128xi32, #tpu.memory_space<vmem>> -> memref<1x128xi32, #tpu.memory_space<vmem>>
      %dma_wait3A_191 = tpu.memref_squeeze %dma_wait3A_190 : memref<1x128xi32, #tpu.memory_space<vmem>> -> memref<128xi32, #tpu.memory_space<vmem>>
      %dma_wait3A_192 = arith.constant 0 : i32
      %dma_wait3A_193 = arith.constant 0 : i32
      %dma_wait3A_194 = tpu.memref_slice %arg2[%dma_wait3A_192, %dma_wait3A_193] : memref<10240x64xf32, #tpu.memory_space<hbm>> -> memref<10240x64xf32, #tpu.memory_space<hbm>>
      tpu.wait_indirect_dma semaphore(%arg15 : memref<!tpu.dma_semaphore, #tpu.memory_space<semaphore_mem>>) src(%dma_wait3A_194 : memref<10240x64xf32, #tpu.memory_space<hbm>>) dst(%arg9 : memref<128x64xf32, #tpu.memory_space<vmem>>)
      %add3A_195 = arith.constant 0 : i32
      %add3A_196 = arith.addi %mul3A_187, %add3A_195 : i32
      %dma_start3A_197 = arith.constant 0 : i32
      %dma_start3A_198 = tpu.memref_slice %arg8[%add3A_196, %dma_start3A_197] : memref<160x128xi32, #tpu.memory_space<vmem>> -> memref<1x128xi32, #tpu.memory_space<vmem>>
      %dma_start3A_199 = tpu.memref_squeeze %dma_start3A_198 : memref<1x128xi32, #tpu.memory_space<vmem>> -> memref<128xi32, #tpu.memory_space<vmem>>
      %dma_start3A_200 = arith.constant 0 : i32
      %dma_start3A_201 = arith.constant 0 : i32
      %dma_start3A_202 = tpu.memref_slice %arg14[%dma_start3A_200, %dma_start3A_201] : memref<10240x64xf32, #tpu.memory_space<vmem_shared>> -> memref<10240x64xf32, #tpu.memory_space<vmem_shared>>
      tpu.enqueue_indirect_dma source(%arg9 : memref<128x64xf32, #tpu.memory_space<vmem>>) target(%dma_start3A_202 : memref<10240x64xf32, #tpu.memory_space<vmem_shared>>) offsets(%dma_start3A_199 : memref<128xi32, #tpu.memory_space<vmem>>) semaphore(%arg20 : memref<!tpu.dma_semaphore, #tpu.memory_space<semaphore_mem>>) {add = true}
      %add3A_203 = arith.constant 1 : i32
      %add3A_204 = arith.addi %mul3A_187, %add3A_203 : i32
      %dma_wait3A_205 = arith.constant 0 : i32
      %dma_wait3A_206 = tpu.memref_slice %arg7[%add3A_204, %dma_wait3A_205] : memref<160x128xi32, #tpu.memory_space<vmem>> -> memref<1x128xi32, #tpu.memory_space<vmem>>
      %dma_wait3A_207 = tpu.memref_squeeze %dma_wait3A_206 : memref<1x128xi32, #tpu.memory_space<vmem>> -> memref<128xi32, #tpu.memory_space<vmem>>
      %dma_wait3A_208 = arith.constant 0 : i32
      %dma_wait3A_209 = arith.constant 0 : i32
      %dma_wait3A_210 = tpu.memref_slice %arg2[%dma_wait3A_208, %dma_wait3A_209] : memref<10240x64xf32, #tpu.memory_space<hbm>> -> memref<10240x64xf32, #tpu.memory_space<hbm>>
      tpu.wait_indirect_dma semaphore(%arg16 : memref<!tpu.dma_semaphore, #tpu.memory_space<semaphore_mem>>) src(%dma_wait3A_210 : memref<10240x64xf32, #tpu.memory_space<hbm>>) dst(%arg10 : memref<128x64xf32, #tpu.memory_space<vmem>>)
      %add3A_211 = arith.constant 1 : i32
      %add3A_212 = arith.addi %mul3A_187, %add3A_211 : i32
      %dma_start3A_213 = arith.constant 0 : i32
      %dma_start3A_214 = tpu.memref_slice %arg8[%add3A_212, %dma_start3A_213] : memref<160x128xi32, #tpu.memory_space<vmem>> -> memref<1x128xi32, #tpu.memory_space<vmem>>
      %dma_start3A_215 = tpu.memref_squeeze %dma_start3A_214 : memref<1x128xi32, #tpu.memory_space<vmem>> -> memref<128xi32, #tpu.memory_space<vmem>>
      %dma_start3A_216 = arith.constant 0 : i32
      %dma_start3A_217 = arith.constant 0 : i32
      %dma_start3A_218 = tpu.memref_slice %arg14[%dma_start3A_216, %dma_start3A_217] : memref<10240x64xf32, #tpu.memory_space<vmem_shared>> -> memref<10240x64xf32, #tpu.memory_space<vmem_shared>>
      tpu.enqueue_indirect_dma source(%arg10 : memref<128x64xf32, #tpu.memory_space<vmem>>) target(%dma_start3A_218 : memref<10240x64xf32, #tpu.memory_space<vmem_shared>>) offsets(%dma_start3A_215 : memref<128xi32, #tpu.memory_space<vmem>>) semaphore(%arg21 : memref<!tpu.dma_semaphore, #tpu.memory_space<semaphore_mem>>) {add = true}
      %add3A_219 = arith.constant 2 : i32
      %add3A_220 = arith.addi %mul3A_187, %add3A_219 : i32
      %dma_wait3A_221 = arith.constant 0 : i32
      %dma_wait3A_222 = tpu.memref_slice %arg7[%add3A_220, %dma_wait3A_221] : memref<160x128xi32, #tpu.memory_space<vmem>> -> memref<1x128xi32, #tpu.memory_space<vmem>>
      %dma_wait3A_223 = tpu.memref_squeeze %dma_wait3A_222 : memref<1x128xi32, #tpu.memory_space<vmem>> -> memref<128xi32, #tpu.memory_space<vmem>>
      %dma_wait3A_224 = arith.constant 0 : i32
      %dma_wait3A_225 = arith.constant 0 : i32
      %dma_wait3A_226 = tpu.memref_slice %arg2[%dma_wait3A_224, %dma_wait3A_225] : memref<10240x64xf32, #tpu.memory_space<hbm>> -> memref<10240x64xf32, #tpu.memory_space<hbm>>
      tpu.wait_indirect_dma semaphore(%arg17 : memref<!tpu.dma_semaphore, #tpu.memory_space<semaphore_mem>>) src(%dma_wait3A_226 : memref<10240x64xf32, #tpu.memory_space<hbm>>) dst(%arg11 : memref<128x64xf32, #tpu.memory_space<vmem>>)
      %add3A_227 = arith.constant 2 : i32
      %add3A_228 = arith.addi %mul3A_187, %add3A_227 : i32
      %dma_start3A_229 = arith.constant 0 : i32
      %dma_start3A_230 = tpu.memref_slice %arg8[%add3A_228, %dma_start3A_229] : memref<160x128xi32, #tpu.memory_space<vmem>> -> memref<1x128xi32, #tpu.memory_space<vmem>>
      %dma_start3A_231 = tpu.memref_squeeze %dma_start3A_230 : memref<1x128xi32, #tpu.memory_space<vmem>> -> memref<128xi32, #tpu.memory_space<vmem>>
      %dma_start3A_232 = arith.constant 0 : i32
      %dma_start3A_233 = arith.constant 0 : i32
      %dma_start3A_234 = tpu.memref_slice %arg14[%dma_start3A_232, %dma_start3A_233] : memref<10240x64xf32, #tpu.memory_space<vmem_shared>> -> memref<10240x64xf32, #tpu.memory_space<vmem_shared>>
      tpu.enqueue_indirect_dma source(%arg11 : memref<128x64xf32, #tpu.memory_space<vmem>>) target(%dma_start3A_234 : memref<10240x64xf32, #tpu.memory_space<vmem_shared>>) offsets(%dma_start3A_231 : memref<128xi32, #tpu.memory_space<vmem>>) semaphore(%arg22 : memref<!tpu.dma_semaphore, #tpu.memory_space<semaphore_mem>>) {add = true}
      %add3A_235 = arith.constant 3 : i32
      %add3A_236 = arith.addi %mul3A_187, %add3A_235 : i32
      %dma_wait3A_237 = arith.constant 0 : i32
      %dma_wait3A_238 = tpu.memref_slice %arg7[%add3A_236, %dma_wait3A_237] : memref<160x128xi32, #tpu.memory_space<vmem>> -> memref<1x128xi32, #tpu.memory_space<vmem>>
      %dma_wait3A_239 = tpu.memref_squeeze %dma_wait3A_238 : memref<1x128xi32, #tpu.memory_space<vmem>> -> memref<128xi32, #tpu.memory_space<vmem>>
      %dma_wait3A_240 = arith.constant 0 : i32
      %dma_wait3A_241 = arith.constant 0 : i32
      %dma_wait3A_242 = tpu.memref_slice %arg2[%dma_wait3A_240, %dma_wait3A_241] : memref<10240x64xf32, #tpu.memory_space<hbm>> -> memref<10240x64xf32, #tpu.memory_space<hbm>>
      tpu.wait_indirect_dma semaphore(%arg18 : memref<!tpu.dma_semaphore, #tpu.memory_space<semaphore_mem>>) src(%dma_wait3A_242 : memref<10240x64xf32, #tpu.memory_space<hbm>>) dst(%arg12 : memref<128x64xf32, #tpu.memory_space<vmem>>)
      %add3A_243 = arith.constant 3 : i32
      %add3A_244 = arith.addi %mul3A_187, %add3A_243 : i32
      %dma_start3A_245 = arith.constant 0 : i32
      %dma_start3A_246 = tpu.memref_slice %arg8[%add3A_244, %dma_start3A_245] : memref<160x128xi32, #tpu.memory_space<vmem>> -> memref<1x128xi32, #tpu.memory_space<vmem>>
      %dma_start3A_247 = tpu.memref_squeeze %dma_start3A_246 : memref<1x128xi32, #tpu.memory_space<vmem>> -> memref<128xi32, #tpu.memory_space<vmem>>
      %dma_start3A_248 = arith.constant 0 : i32
      %dma_start3A_249 = arith.constant 0 : i32
      %dma_start3A_250 = tpu.memref_slice %arg14[%dma_start3A_248, %dma_start3A_249] : memref<10240x64xf32, #tpu.memory_space<vmem_shared>> -> memref<10240x64xf32, #tpu.memory_space<vmem_shared>>
      tpu.enqueue_indirect_dma source(%arg12 : memref<128x64xf32, #tpu.memory_space<vmem>>) target(%dma_start3A_250 : memref<10240x64xf32, #tpu.memory_space<vmem_shared>>) offsets(%dma_start3A_247 : memref<128xi32, #tpu.memory_space<vmem>>) semaphore(%arg23 : memref<!tpu.dma_semaphore, #tpu.memory_space<semaphore_mem>>) {add = true}
      %add3A_251 = arith.constant 4 : i32
      %add3A_252 = arith.addi %mul3A_187, %add3A_251 : i32
      %dma_wait3A_253 = arith.constant 0 : i32
      %dma_wait3A_254 = tpu.memref_slice %arg7[%add3A_252, %dma_wait3A_253] : memref<160x128xi32, #tpu.memory_space<vmem>> -> memref<1x128xi32, #tpu.memory_space<vmem>>
      %dma_wait3A_255 = tpu.memref_squeeze %dma_wait3A_254 : memref<1x128xi32, #tpu.memory_space<vmem>> -> memref<128xi32, #tpu.memory_space<vmem>>
      %dma_wait3A_256 = arith.constant 0 : i32
      %dma_wait3A_257 = arith.constant 0 : i32
      %dma_wait3A_258 = tpu.memref_slice %arg2[%dma_wait3A_256, %dma_wait3A_257] : memref<10240x64xf32, #tpu.memory_space<hbm>> -> memref<10240x64xf32, #tpu.memory_space<hbm>>
      tpu.wait_indirect_dma semaphore(%arg19 : memref<!tpu.dma_semaphore, #tpu.memory_space<semaphore_mem>>) src(%dma_wait3A_258 : memref<10240x64xf32, #tpu.memory_space<hbm>>) dst(%arg13 : memref<128x64xf32, #tpu.memory_space<vmem>>)
      %add3A_259 = arith.constant 4 : i32
      %add3A_260 = arith.addi %mul3A_187, %add3A_259 : i32
      %dma_start3A_261 = arith.constant 0 : i32
      %dma_start3A_262 = tpu.memref_slice %arg8[%add3A_260, %dma_start3A_261] : memref<160x128xi32, #tpu.memory_space<vmem>> -> memref<1x128xi32, #tpu.memory_space<vmem>>
      %dma_start3A_263 = tpu.memref_squeeze %dma_start3A_262 : memref<1x128xi32, #tpu.memory_space<vmem>> -> memref<128xi32, #tpu.memory_space<vmem>>
      %dma_start3A_264 = arith.constant 0 : i32
      %dma_start3A_265 = arith.constant 0 : i32
      %dma_start3A_266 = tpu.memref_slice %arg14[%dma_start3A_264, %dma_start3A_265] : memref<10240x64xf32, #tpu.memory_space<vmem_shared>> -> memref<10240x64xf32, #tpu.memory_space<vmem_shared>>
      tpu.enqueue_indirect_dma source(%arg13 : memref<128x64xf32, #tpu.memory_space<vmem>>) target(%dma_start3A_266 : memref<10240x64xf32, #tpu.memory_space<vmem_shared>>) offsets(%dma_start3A_263 : memref<128xi32, #tpu.memory_space<vmem>>) semaphore(%arg24 : memref<!tpu.dma_semaphore, #tpu.memory_space<semaphore_mem>>) {add = true}
      %add3A_267 = arith.constant 0 : i32
      %add3A_268 = arith.addi %mul3A_187, %add3A_267 : i32
      %dma_wait3A_269 = arith.constant 0 : i32
      %dma_wait3A_270 = tpu.memref_slice %arg8[%add3A_268, %dma_wait3A_269] : memref<160x128xi32, #tpu.memory_space<vmem>> -> memref<1x128xi32, #tpu.memory_space<vmem>>
      %dma_wait3A_271 = tpu.memref_squeeze %dma_wait3A_270 : memref<1x128xi32, #tpu.memory_space<vmem>> -> memref<128xi32, #tpu.memory_space<vmem>>
      %dma_wait3A_272 = arith.constant 0 : i32
      %dma_wait3A_273 = arith.constant 0 : i32
      %dma_wait3A_274 = tpu.memref_slice %arg14[%dma_wait3A_272, %dma_wait3A_273] : memref<10240x64xf32, #tpu.memory_space<vmem_shared>> -> memref<10240x64xf32, #tpu.memory_space<vmem_shared>>
      tpu.wait_indirect_dma semaphore(%arg20 : memref<!tpu.dma_semaphore, #tpu.memory_space<semaphore_mem>>) src(%arg9 : memref<128x64xf32, #tpu.memory_space<vmem>>) dst(%dma_wait3A_274 : memref<10240x64xf32, #tpu.memory_space<vmem_shared>>)
      %add3A_275 = arith.constant 0 : i32
      %add3A_276 = arith.addi %mul3A_187, %add3A_275 : i32
      %add3A_277 = arith.constant 5 : i32
      %add3A_278 = arith.addi %add3A_276, %add3A_277 : i32
      %dma_start3A_279 = arith.constant 0 : i32
      %dma_start3A_280 = tpu.memref_slice %arg7[%add3A_278, %dma_start3A_279] : memref<160x128xi32, #tpu.memory_space<vmem>> -> memref<1x128xi32, #tpu.memory_space<vmem>>
      %dma_start3A_281 = tpu.memref_squeeze %dma_start3A_280 : memref<1x128xi32, #tpu.memory_space<vmem>> -> memref<128xi32, #tpu.memory_space<vmem>>
      %dma_start3A_282 = arith.constant 0 : i32
      %dma_start3A_283 = arith.constant 0 : i32
      %dma_start3A_284 = tpu.memref_slice %arg2[%dma_start3A_282, %dma_start3A_283] : memref<10240x64xf32, #tpu.memory_space<hbm>> -> memref<10240x64xf32, #tpu.memory_space<hbm>>
      tpu.enqueue_indirect_dma source(%dma_start3A_284 : memref<10240x64xf32, #tpu.memory_space<hbm>>) target(%arg9 : memref<128x64xf32, #tpu.memory_space<vmem>>) offsets(%dma_start3A_281 : memref<128xi32, #tpu.memory_space<vmem>>) semaphore(%arg15 : memref<!tpu.dma_semaphore, #tpu.memory_space<semaphore_mem>>)
      %add3A_285 = arith.constant 1 : i32
      %add3A_286 = arith.addi %mul3A_187, %add3A_285 : i32
      %dma_wait3A_287 = arith.constant 0 : i32
      %dma_wait3A_288 = tpu.memref_slice %arg8[%add3A_286, %dma_wait3A_287] : memref<160x128xi32, #tpu.memory_space<vmem>> -> memref<1x128xi32, #tpu.memory_space<vmem>>
      %dma_wait3A_289 = tpu.memref_squeeze %dma_wait3A_288 : memref<1x128xi32, #tpu.memory_space<vmem>> -> memref<128xi32, #tpu.memory_space<vmem>>
      %dma_wait3A_290 = arith.constant 0 : i32
      %dma_wait3A_291 = arith.constant 0 : i32
      %dma_wait3A_292 = tpu.memref_slice %arg14[%dma_wait3A_290, %dma_wait3A_291] : memref<10240x64xf32, #tpu.memory_space<vmem_shared>> -> memref<10240x64xf32, #tpu.memory_space<vmem_shared>>
      tpu.wait_indirect_dma semaphore(%arg21 : memref<!tpu.dma_semaphore, #tpu.memory_space<semaphore_mem>>) src(%arg10 : memref<128x64xf32, #tpu.memory_space<vmem>>) dst(%dma_wait3A_292 : memref<10240x64xf32, #tpu.memory_space<vmem_shared>>)
      %add3A_293 = arith.constant 1 : i32
      %add3A_294 = arith.addi %mul3A_187, %add3A_293 : i32
      %add3A_295 = arith.constant 5 : i32
      %add3A_296 = arith.addi %add3A_294, %add3A_295 : i32
      %dma_start3A_297 = arith.constant 0 : i32
      %dma_start3A_298 = tpu.memref_slice %arg7[%add3A_296, %dma_start3A_297] : memref<160x128xi32, #tpu.memory_space<vmem>> -> memref<1x128xi32, #tpu.memory_space<vmem>>
      %dma_start3A_299 = tpu.memref_squeeze %dma_start3A_298 : memref<1x128xi32, #tpu.memory_space<vmem>> -> memref<128xi32, #tpu.memory_space<vmem>>
      %dma_start3A_300 = arith.constant 0 : i32
      %dma_start3A_301 = arith.constant 0 : i32
      %dma_start3A_302 = tpu.memref_slice %arg2[%dma_start3A_300, %dma_start3A_301] : memref<10240x64xf32, #tpu.memory_space<hbm>> -> memref<10240x64xf32, #tpu.memory_space<hbm>>
      tpu.enqueue_indirect_dma source(%dma_start3A_302 : memref<10240x64xf32, #tpu.memory_space<hbm>>) target(%arg10 : memref<128x64xf32, #tpu.memory_space<vmem>>) offsets(%dma_start3A_299 : memref<128xi32, #tpu.memory_space<vmem>>) semaphore(%arg16 : memref<!tpu.dma_semaphore, #tpu.memory_space<semaphore_mem>>)
      %add3A_303 = arith.constant 2 : i32
      %add3A_304 = arith.addi %mul3A_187, %add3A_303 : i32
      %dma_wait3A_305 = arith.constant 0 : i32
      %dma_wait3A_306 = tpu.memref_slice %arg8[%add3A_304, %dma_wait3A_305] : memref<160x128xi32, #tpu.memory_space<vmem>> -> memref<1x128xi32, #tpu.memory_space<vmem>>
      %dma_wait3A_307 = tpu.memref_squeeze %dma_wait3A_306 : memref<1x128xi32, #tpu.memory_space<vmem>> -> memref<128xi32, #tpu.memory_space<vmem>>
      %dma_wait3A_308 = arith.constant 0 : i32
      %dma_wait3A_309 = arith.constant 0 : i32
      %dma_wait3A_310 = tpu.memref_slice %arg14[%dma_wait3A_308, %dma_wait3A_309] : memref<10240x64xf32, #tpu.memory_space<vmem_shared>> -> memref<10240x64xf32, #tpu.memory_space<vmem_shared>>
      tpu.wait_indirect_dma semaphore(%arg22 : memref<!tpu.dma_semaphore, #tpu.memory_space<semaphore_mem>>) src(%arg11 : memref<128x64xf32, #tpu.memory_space<vmem>>) dst(%dma_wait3A_310 : memref<10240x64xf32, #tpu.memory_space<vmem_shared>>)
      %add3A_311 = arith.constant 2 : i32
      %add3A_312 = arith.addi %mul3A_187, %add3A_311 : i32
      %add3A_313 = arith.constant 5 : i32
      %add3A_314 = arith.addi %add3A_312, %add3A_313 : i32
      %dma_start3A_315 = arith.constant 0 : i32
      %dma_start3A_316 = tpu.memref_slice %arg7[%add3A_314, %dma_start3A_315] : memref<160x128xi32, #tpu.memory_space<vmem>> -> memref<1x128xi32, #tpu.memory_space<vmem>>
      %dma_start3A_317 = tpu.memref_squeeze %dma_start3A_316 : memref<1x128xi32, #tpu.memory_space<vmem>> -> memref<128xi32, #tpu.memory_space<vmem>>
      %dma_start3A_318 = arith.constant 0 : i32
      %dma_start3A_319 = arith.constant 0 : i32
      %dma_start3A_320 = tpu.memref_slice %arg2[%dma_start3A_318, %dma_start3A_319] : memref<10240x64xf32, #tpu.memory_space<hbm>> -> memref<10240x64xf32, #tpu.memory_space<hbm>>
      tpu.enqueue_indirect_dma source(%dma_start3A_320 : memref<10240x64xf32, #tpu.memory_space<hbm>>) target(%arg11 : memref<128x64xf32, #tpu.memory_space<vmem>>) offsets(%dma_start3A_317 : memref<128xi32, #tpu.memory_space<vmem>>) semaphore(%arg17 : memref<!tpu.dma_semaphore, #tpu.memory_space<semaphore_mem>>)
      %add3A_321 = arith.constant 3 : i32
      %add3A_322 = arith.addi %mul3A_187, %add3A_321 : i32
      %dma_wait3A_323 = arith.constant 0 : i32
      %dma_wait3A_324 = tpu.memref_slice %arg8[%add3A_322, %dma_wait3A_323] : memref<160x128xi32, #tpu.memory_space<vmem>> -> memref<1x128xi32, #tpu.memory_space<vmem>>
      %dma_wait3A_325 = tpu.memref_squeeze %dma_wait3A_324 : memref<1x128xi32, #tpu.memory_space<vmem>> -> memref<128xi32, #tpu.memory_space<vmem>>
      %dma_wait3A_326 = arith.constant 0 : i32
      %dma_wait3A_327 = arith.constant 0 : i32
      %dma_wait3A_328 = tpu.memref_slice %arg14[%dma_wait3A_326, %dma_wait3A_327] : memref<10240x64xf32, #tpu.memory_space<vmem_shared>> -> memref<10240x64xf32, #tpu.memory_space<vmem_shared>>
      tpu.wait_indirect_dma semaphore(%arg23 : memref<!tpu.dma_semaphore, #tpu.memory_space<semaphore_mem>>) src(%arg12 : memref<128x64xf32, #tpu.memory_space<vmem>>) dst(%dma_wait3A_328 : memref<10240x64xf32, #tpu.memory_space<vmem_shared>>)
      %add3A_329 = arith.constant 3 : i32
      %add3A_330 = arith.addi %mul3A_187, %add3A_329 : i32
      %add3A_331 = arith.constant 5 : i32
      %add3A_332 = arith.addi %add3A_330, %add3A_331 : i32
      %dma_start3A_333 = arith.constant 0 : i32
      %dma_start3A_334 = tpu.memref_slice %arg7[%add3A_332, %dma_start3A_333] : memref<160x128xi32, #tpu.memory_space<vmem>> -> memref<1x128xi32, #tpu.memory_space<vmem>>
      %dma_start3A_335 = tpu.memref_squeeze %dma_start3A_334 : memref<1x128xi32, #tpu.memory_space<vmem>> -> memref<128xi32, #tpu.memory_space<vmem>>
      %dma_start3A_336 = arith.constant 0 : i32
      %dma_start3A_337 = arith.constant 0 : i32
      %dma_start3A_338 = tpu.memref_slice %arg2[%dma_start3A_336, %dma_start3A_337] : memref<10240x64xf32, #tpu.memory_space<hbm>> -> memref<10240x64xf32, #tpu.memory_space<hbm>>
      tpu.enqueue_indirect_dma source(%dma_start3A_338 : memref<10240x64xf32, #tpu.memory_space<hbm>>) target(%arg12 : memref<128x64xf32, #tpu.memory_space<vmem>>) offsets(%dma_start3A_335 : memref<128xi32, #tpu.memory_space<vmem>>) semaphore(%arg18 : memref<!tpu.dma_semaphore, #tpu.memory_space<semaphore_mem>>)
      %add3A_339 = arith.constant 4 : i32
      %add3A_340 = arith.addi %mul3A_187, %add3A_339 : i32
      %dma_wait3A_341 = arith.constant 0 : i32
      %dma_wait3A_342 = tpu.memref_slice %arg8[%add3A_340, %dma_wait3A_341] : memref<160x128xi32, #tpu.memory_space<vmem>> -> memref<1x128xi32, #tpu.memory_space<vmem>>
      %dma_wait3A_343 = tpu.memref_squeeze %dma_wait3A_342 : memref<1x128xi32, #tpu.memory_space<vmem>> -> memref<128xi32, #tpu.memory_space<vmem>>
      %dma_wait3A_344 = arith.constant 0 : i32
      %dma_wait3A_345 = arith.constant 0 : i32
      %dma_wait3A_346 = tpu.memref_slice %arg14[%dma_wait3A_344, %dma_wait3A_345] : memref<10240x64xf32, #tpu.memory_space<vmem_shared>> -> memref<10240x64xf32, #tpu.memory_space<vmem_shared>>
      tpu.wait_indirect_dma semaphore(%arg24 : memref<!tpu.dma_semaphore, #tpu.memory_space<semaphore_mem>>) src(%arg13 : memref<128x64xf32, #tpu.memory_space<vmem>>) dst(%dma_wait3A_346 : memref<10240x64xf32, #tpu.memory_space<vmem_shared>>)
      %add3A_347 = arith.constant 4 : i32
      %add3A_348 = arith.addi %mul3A_187, %add3A_347 : i32
      %add3A_349 = arith.constant 5 : i32
      %add3A_350 = arith.addi %add3A_348, %add3A_349 : i32
      %dma_start3A_351 = arith.constant 0 : i32
      %dma_start3A_352 = tpu.memref_slice %arg7[%add3A_350, %dma_start3A_351] : memref<160x128xi32, #tpu.memory_space<vmem>> -> memref<1x128xi32, #tpu.memory_space<vmem>>
      %dma_start3A_353 = tpu.memref_squeeze %dma_start3A_352 : memref<1x128xi32, #tpu.memory_space<vmem>> -> memref<128xi32, #tpu.memory_space<vmem>>
      %dma_start3A_354 = arith.constant 0 : i32
      %dma_start3A_355 = arith.constant 0 : i32
      %dma_start3A_356 = tpu.memref_slice %arg2[%dma_start3A_354, %dma_start3A_355] : memref<10240x64xf32, #tpu.memory_space<hbm>> -> memref<10240x64xf32, #tpu.memory_space<hbm>>
      tpu.enqueue_indirect_dma source(%dma_start3A_356 : memref<10240x64xf32, #tpu.memory_space<hbm>>) target(%arg13 : memref<128x64xf32, #tpu.memory_space<vmem>>) offsets(%dma_start3A_353 : memref<128xi32, #tpu.memory_space<vmem>>) semaphore(%arg19 : memref<!tpu.dma_semaphore, #tpu.memory_space<semaphore_mem>>)
    }
    %scan3A_74 = arith.constant 31 : i32
    %dma_wait3A_75 = arith.constant 155 : i32
    %dma_wait3A_76 = arith.constant 0 : i32
    %dma_wait3A_77 = tpu.memref_slice %arg7[%dma_wait3A_75, %dma_wait3A_76] : memref<160x128xi32, #tpu.memory_space<vmem>> -> memref<1x128xi32, #tpu.memory_space<vmem>>
    %dma_wait3A_78 = tpu.memref_squeeze %dma_wait3A_77 : memref<1x128xi32, #tpu.memory_space<vmem>> -> memref<128xi32, #tpu.memory_space<vmem>>
    %dma_wait3A_79 = arith.constant 0 : i32
    %dma_wait3A_80 = arith.constant 0 : i32
    %dma_wait3A_81 = tpu.memref_slice %arg2[%dma_wait3A_79, %dma_wait3A_80] : memref<10240x64xf32, #tpu.memory_space<hbm>> -> memref<10240x64xf32, #tpu.memory_space<hbm>>
    tpu.wait_indirect_dma semaphore(%arg15 : memref<!tpu.dma_semaphore, #tpu.memory_space<semaphore_mem>>) src(%dma_wait3A_81 : memref<10240x64xf32, #tpu.memory_space<hbm>>) dst(%arg9 : memref<128x64xf32, #tpu.memory_space<vmem>>)
    %dma_start3A_82 = arith.constant 155 : i32
    %dma_start3A_83 = arith.constant 0 : i32
    %dma_start3A_84 = tpu.memref_slice %arg8[%dma_start3A_82, %dma_start3A_83] : memref<160x128xi32, #tpu.memory_space<vmem>> -> memref<1x128xi32, #tpu.memory_space<vmem>>
    %dma_start3A_85 = tpu.memref_squeeze %dma_start3A_84 : memref<1x128xi32, #tpu.memory_space<vmem>> -> memref<128xi32, #tpu.memory_space<vmem>>
    %dma_start3A_86 = arith.constant 0 : i32
    %dma_start3A_87 = arith.constant 0 : i32
    %dma_start3A_88 = tpu.memref_slice %arg14[%dma_start3A_86, %dma_start3A_87] : memref<10240x64xf32, #tpu.memory_space<vmem_shared>> -> memref<10240x64xf32, #tpu.memory_space<vmem_shared>>
    tpu.enqueue_indirect_dma source(%arg9 : memref<128x64xf32, #tpu.memory_space<vmem>>) target(%dma_start3A_88 : memref<10240x64xf32, #tpu.memory_space<vmem_shared>>) offsets(%dma_start3A_85 : memref<128xi32, #tpu.memory_space<vmem>>) semaphore(%arg20 : memref<!tpu.dma_semaphore, #tpu.memory_space<semaphore_mem>>) {add = true}
    %dma_wait3A_89 = arith.constant 156 : i32
    %dma_wait3A_90 = arith.constant 0 : i32
    %dma_wait3A_91 = tpu.memref_slice %arg7[%dma_wait3A_89, %dma_wait3A_90] : memref<160x128xi32, #tpu.memory_space<vmem>> -> memref<1x128xi32, #tpu.memory_space<vmem>>
    %dma_wait3A_92 = tpu.memref_squeeze %dma_wait3A_91 : memref<1x128xi32, #tpu.memory_space<vmem>> -> memref<128xi32, #tpu.memory_space<vmem>>
    %dma_wait3A_93 = arith.constant 0 : i32
    %dma_wait3A_94 = arith.constant 0 : i32
    %dma_wait3A_95 = tpu.memref_slice %arg2[%dma_wait3A_93, %dma_wait3A_94] : memref<10240x64xf32, #tpu.memory_space<hbm>> -> memref<10240x64xf32, #tpu.memory_space<hbm>>
    tpu.wait_indirect_dma semaphore(%arg16 : memref<!tpu.dma_semaphore, #tpu.memory_space<semaphore_mem>>) src(%dma_wait3A_95 : memref<10240x64xf32, #tpu.memory_space<hbm>>) dst(%arg10 : memref<128x64xf32, #tpu.memory_space<vmem>>)
    %dma_start3A_96 = arith.constant 156 : i32
    %dma_start3A_97 = arith.constant 0 : i32
    %dma_start3A_98 = tpu.memref_slice %arg8[%dma_start3A_96, %dma_start3A_97] : memref<160x128xi32, #tpu.memory_space<vmem>> -> memref<1x128xi32, #tpu.memory_space<vmem>>
    %dma_start3A_99 = tpu.memref_squeeze %dma_start3A_98 : memref<1x128xi32, #tpu.memory_space<vmem>> -> memref<128xi32, #tpu.memory_space<vmem>>
    %dma_start3A_100 = arith.constant 0 : i32
    %dma_start3A_101 = arith.constant 0 : i32
    %dma_start3A_102 = tpu.memref_slice %arg14[%dma_start3A_100, %dma_start3A_101] : memref<10240x64xf32, #tpu.memory_space<vmem_shared>> -> memref<10240x64xf32, #tpu.memory_space<vmem_shared>>
    tpu.enqueue_indirect_dma source(%arg10 : memref<128x64xf32, #tpu.memory_space<vmem>>) target(%dma_start3A_102 : memref<10240x64xf32, #tpu.memory_space<vmem_shared>>) offsets(%dma_start3A_99 : memref<128xi32, #tpu.memory_space<vmem>>) semaphore(%arg21 : memref<!tpu.dma_semaphore, #tpu.memory_space<semaphore_mem>>) {add = true}
    %dma_wait3A_103 = arith.constant 157 : i32
    %dma_wait3A_104 = arith.constant 0 : i32
    %dma_wait3A_105 = tpu.memref_slice %arg7[%dma_wait3A_103, %dma_wait3A_104] : memref<160x128xi32, #tpu.memory_space<vmem>> -> memref<1x128xi32, #tpu.memory_space<vmem>>
    %dma_wait3A_106 = tpu.memref_squeeze %dma_wait3A_105 : memref<1x128xi32, #tpu.memory_space<vmem>> -> memref<128xi32, #tpu.memory_space<vmem>>
    %dma_wait3A_107 = arith.constant 0 : i32
    %dma_wait3A_108 = arith.constant 0 : i32
    %dma_wait3A_109 = tpu.memref_slice %arg2[%dma_wait3A_107, %dma_wait3A_108] : memref<10240x64xf32, #tpu.memory_space<hbm>> -> memref<10240x64xf32, #tpu.memory_space<hbm>>
    tpu.wait_indirect_dma semaphore(%arg17 : memref<!tpu.dma_semaphore, #tpu.memory_space<semaphore_mem>>) src(%dma_wait3A_109 : memref<10240x64xf32, #tpu.memory_space<hbm>>) dst(%arg11 : memref<128x64xf32, #tpu.memory_space<vmem>>)
    %dma_start3A_110 = arith.constant 157 : i32
    %dma_start3A_111 = arith.constant 0 : i32
    %dma_start3A_112 = tpu.memref_slice %arg8[%dma_start3A_110, %dma_start3A_111] : memref<160x128xi32, #tpu.memory_space<vmem>> -> memref<1x128xi32, #tpu.memory_space<vmem>>
    %dma_start3A_113 = tpu.memref_squeeze %dma_start3A_112 : memref<1x128xi32, #tpu.memory_space<vmem>> -> memref<128xi32, #tpu.memory_space<vmem>>
    %dma_start3A_114 = arith.constant 0 : i32
    %dma_start3A_115 = arith.constant 0 : i32
    %dma_start3A_116 = tpu.memref_slice %arg14[%dma_start3A_114, %dma_start3A_115] : memref<10240x64xf32, #tpu.memory_space<vmem_shared>> -> memref<10240x64xf32, #tpu.memory_space<vmem_shared>>
    tpu.enqueue_indirect_dma source(%arg11 : memref<128x64xf32, #tpu.memory_space<vmem>>) target(%dma_start3A_116 : memref<10240x64xf32, #tpu.memory_space<vmem_shared>>) offsets(%dma_start3A_113 : memref<128xi32, #tpu.memory_space<vmem>>) semaphore(%arg22 : memref<!tpu.dma_semaphore, #tpu.memory_space<semaphore_mem>>) {add = true}
    %dma_wait3A_117 = arith.constant 158 : i32
    %dma_wait3A_118 = arith.constant 0 : i32
    %dma_wait3A_119 = tpu.memref_slice %arg7[%dma_wait3A_117, %dma_wait3A_118] : memref<160x128xi32, #tpu.memory_space<vmem>> -> memref<1x128xi32, #tpu.memory_space<vmem>>
    %dma_wait3A_120 = tpu.memref_squeeze %dma_wait3A_119 : memref<1x128xi32, #tpu.memory_space<vmem>> -> memref<128xi32, #tpu.memory_space<vmem>>
    %dma_wait3A_121 = arith.constant 0 : i32
    %dma_wait3A_122 = arith.constant 0 : i32
    %dma_wait3A_123 = tpu.memref_slice %arg2[%dma_wait3A_121, %dma_wait3A_122] : memref<10240x64xf32, #tpu.memory_space<hbm>> -> memref<10240x64xf32, #tpu.memory_space<hbm>>
    tpu.wait_indirect_dma semaphore(%arg18 : memref<!tpu.dma_semaphore, #tpu.memory_space<semaphore_mem>>) src(%dma_wait3A_123 : memref<10240x64xf32, #tpu.memory_space<hbm>>) dst(%arg12 : memref<128x64xf32, #tpu.memory_space<vmem>>)
    %dma_start3A_124 = arith.constant 158 : i32
    %dma_start3A_125 = arith.constant 0 : i32
    %dma_start3A_126 = tpu.memref_slice %arg8[%dma_start3A_124, %dma_start3A_125] : memref<160x128xi32, #tpu.memory_space<vmem>> -> memref<1x128xi32, #tpu.memory_space<vmem>>
    %dma_start3A_127 = tpu.memref_squeeze %dma_start3A_126 : memref<1x128xi32, #tpu.memory_space<vmem>> -> memref<128xi32, #tpu.memory_space<vmem>>
    %dma_start3A_128 = arith.constant 0 : i32
    %dma_start3A_129 = arith.constant 0 : i32
    %dma_start3A_130 = tpu.memref_slice %arg14[%dma_start3A_128, %dma_start3A_129] : memref<10240x64xf32, #tpu.memory_space<vmem_shared>> -> memref<10240x64xf32, #tpu.memory_space<vmem_shared>>
    tpu.enqueue_indirect_dma source(%arg12 : memref<128x64xf32, #tpu.memory_space<vmem>>) target(%dma_start3A_130 : memref<10240x64xf32, #tpu.memory_space<vmem_shared>>) offsets(%dma_start3A_127 : memref<128xi32, #tpu.memory_space<vmem>>) semaphore(%arg23 : memref<!tpu.dma_semaphore, #tpu.memory_space<semaphore_mem>>) {add = true}
    %dma_wait3A_131 = arith.constant 159 : i32
    %dma_wait3A_132 = arith.constant 0 : i32
    %dma_wait3A_133 = tpu.memref_slice %arg7[%dma_wait3A_131, %dma_wait3A_132] : memref<160x128xi32, #tpu.memory_space<vmem>> -> memref<1x128xi32, #tpu.memory_space<vmem>>
    %dma_wait3A_134 = tpu.memref_squeeze %dma_wait3A_133 : memref<1x128xi32, #tpu.memory_space<vmem>> -> memref<128xi32, #tpu.memory_space<vmem>>
    %dma_wait3A_135 = arith.constant 0 : i32
    %dma_wait3A_136 = arith.constant 0 : i32
    %dma_wait3A_137 = tpu.memref_slice %arg2[%dma_wait3A_135, %dma_wait3A_136] : memref<10240x64xf32, #tpu.memory_space<hbm>> -> memref<10240x64xf32, #tpu.memory_space<hbm>>
    tpu.wait_indirect_dma semaphore(%arg19 : memref<!tpu.dma_semaphore, #tpu.memory_space<semaphore_mem>>) src(%dma_wait3A_137 : memref<10240x64xf32, #tpu.memory_space<hbm>>) dst(%arg13 : memref<128x64xf32, #tpu.memory_space<vmem>>)
    %dma_start3A_138 = arith.constant 159 : i32
    %dma_start3A_139 = arith.constant 0 : i32
    %dma_start3A_140 = tpu.memref_slice %arg8[%dma_start3A_138, %dma_start3A_139] : memref<160x128xi32, #tpu.memory_space<vmem>> -> memref<1x128xi32, #tpu.memory_space<vmem>>
    %dma_start3A_141 = tpu.memref_squeeze %dma_start3A_140 : memref<1x128xi32, #tpu.memory_space<vmem>> -> memref<128xi32, #tpu.memory_space<vmem>>
    %dma_start3A_142 = arith.constant 0 : i32
    %dma_start3A_143 = arith.constant 0 : i32
    %dma_start3A_144 = tpu.memref_slice %arg14[%dma_start3A_142, %dma_start3A_143] : memref<10240x64xf32, #tpu.memory_space<vmem_shared>> -> memref<10240x64xf32, #tpu.memory_space<vmem_shared>>
    tpu.enqueue_indirect_dma source(%arg13 : memref<128x64xf32, #tpu.memory_space<vmem>>) target(%dma_start3A_144 : memref<10240x64xf32, #tpu.memory_space<vmem_shared>>) offsets(%dma_start3A_141 : memref<128xi32, #tpu.memory_space<vmem>>) semaphore(%arg24 : memref<!tpu.dma_semaphore, #tpu.memory_space<semaphore_mem>>) {add = true}
    %dma_wait3A_145 = arith.constant 155 : i32
    %dma_wait3A_146 = arith.constant 0 : i32
    %dma_wait3A_147 = tpu.memref_slice %arg8[%dma_wait3A_145, %dma_wait3A_146] : memref<160x128xi32, #tpu.memory_space<vmem>> -> memref<1x128xi32, #tpu.memory_space<vmem>>
    %dma_wait3A_148 = tpu.memref_squeeze %dma_wait3A_147 : memref<1x128xi32, #tpu.memory_space<vmem>> -> memref<128xi32, #tpu.memory_space<vmem>>
    %dma_wait3A_149 = arith.constant 0 : i32
    %dma_wait3A_150 = arith.constant 0 : i32
    %dma_wait3A_151 = tpu.memref_slice %arg14[%dma_wait3A_149, %dma_wait3A_150] : memref<10240x64xf32, #tpu.memory_space<vmem_shared>> -> memref<10240x64xf32, #tpu.memory_space<vmem_shared>>
    tpu.wait_indirect_dma semaphore(%arg20 : memref<!tpu.dma_semaphore, #tpu.memory_space<semaphore_mem>>) src(%arg9 : memref<128x64xf32, #tpu.memory_space<vmem>>) dst(%dma_wait3A_151 : memref<10240x64xf32, #tpu.memory_space<vmem_shared>>)
    %dma_wait3A_152 = arith.constant 156 : i32
    %dma_wait3A_153 = arith.constant 0 : i32
    %dma_wait3A_154 = tpu.memref_slice %arg8[%dma_wait3A_152, %dma_wait3A_153] : memref<160x128xi32, #tpu.memory_space<vmem>> -> memref<1x128xi32, #tpu.memory_space<vmem>>
    %dma_wait3A_155 = tpu.memref_squeeze %dma_wait3A_154 : memref<1x128xi32, #tpu.memory_space<vmem>> -> memref<128xi32, #tpu.memory_space<vmem>>
    %dma_wait3A_156 = arith.constant 0 : i32
    %dma_wait3A_157 = arith.constant 0 : i32
    %dma_wait3A_158 = tpu.memref_slice %arg14[%dma_wait3A_156, %dma_wait3A_157] : memref<10240x64xf32, #tpu.memory_space<vmem_shared>> -> memref<10240x64xf32, #tpu.memory_space<vmem_shared>>
    tpu.wait_indirect_dma semaphore(%arg21 : memref<!tpu.dma_semaphore, #tpu.memory_space<semaphore_mem>>) src(%arg10 : memref<128x64xf32, #tpu.memory_space<vmem>>) dst(%dma_wait3A_158 : memref<10240x64xf32, #tpu.memory_space<vmem_shared>>)
    %dma_wait3A_159 = arith.constant 157 : i32
    %dma_wait3A_160 = arith.constant 0 : i32
    %dma_wait3A_161 = tpu.memref_slice %arg8[%dma_wait3A_159, %dma_wait3A_160] : memref<160x128xi32, #tpu.memory_space<vmem>> -> memref<1x128xi32, #tpu.memory_space<vmem>>
    %dma_wait3A_162 = tpu.memref_squeeze %dma_wait3A_161 : memref<1x128xi32, #tpu.memory_space<vmem>> -> memref<128xi32, #tpu.memory_space<vmem>>
    %dma_wait3A_163 = arith.constant 0 : i32
    %dma_wait3A_164 = arith.constant 0 : i32
    %dma_wait3A_165 = tpu.memref_slice %arg14[%dma_wait3A_163, %dma_wait3A_164] : memref<10240x64xf32, #tpu.memory_space<vmem_shared>> -> memref<10240x64xf32, #tpu.memory_space<vmem_shared>>
    tpu.wait_indirect_dma semaphore(%arg22 : memref<!tpu.dma_semaphore, #tpu.memory_space<semaphore_mem>>) src(%arg11 : memref<128x64xf32, #tpu.memory_space<vmem>>) dst(%dma_wait3A_165 : memref<10240x64xf32, #tpu.memory_space<vmem_shared>>)
    %dma_wait3A_166 = arith.constant 158 : i32
    %dma_wait3A_167 = arith.constant 0 : i32
    %dma_wait3A_168 = tpu.memref_slice %arg8[%dma_wait3A_166, %dma_wait3A_167] : memref<160x128xi32, #tpu.memory_space<vmem>> -> memref<1x128xi32, #tpu.memory_space<vmem>>
    %dma_wait3A_169 = tpu.memref_squeeze %dma_wait3A_168 : memref<1x128xi32, #tpu.memory_space<vmem>> -> memref<128xi32, #tpu.memory_space<vmem>>
    %dma_wait3A_170 = arith.constant 0 : i32
    %dma_wait3A_171 = arith.constant 0 : i32
    %dma_wait3A_172 = tpu.memref_slice %arg14[%dma_wait3A_170, %dma_wait3A_171] : memref<10240x64xf32, #tpu.memory_space<vmem_shared>> -> memref<10240x64xf32, #tpu.memory_space<vmem_shared>>
    tpu.wait_indirect_dma semaphore(%arg23 : memref<!tpu.dma_semaphore, #tpu.memory_space<semaphore_mem>>) src(%arg12 : memref<128x64xf32, #tpu.memory_space<vmem>>) dst(%dma_wait3A_172 : memref<10240x64xf32, #tpu.memory_space<vmem_shared>>)
    %dma_wait3A_173 = arith.constant 159 : i32
    %dma_wait3A_174 = arith.constant 0 : i32
    %dma_wait3A_175 = tpu.memref_slice %arg8[%dma_wait3A_173, %dma_wait3A_174] : memref<160x128xi32, #tpu.memory_space<vmem>> -> memref<1x128xi32, #tpu.memory_space<vmem>>
    %dma_wait3A_176 = tpu.memref_squeeze %dma_wait3A_175 : memref<1x128xi32, #tpu.memory_space<vmem>> -> memref<128xi32, #tpu.memory_space<vmem>>
    %dma_wait3A_177 = arith.constant 0 : i32
    %dma_wait3A_178 = arith.constant 0 : i32
    %dma_wait3A_179 = tpu.memref_slice %arg14[%dma_wait3A_177, %dma_wait3A_178] : memref<10240x64xf32, #tpu.memory_space<vmem_shared>> -> memref<10240x64xf32, #tpu.memory_space<vmem_shared>>
    tpu.wait_indirect_dma semaphore(%arg24 : memref<!tpu.dma_semaphore, #tpu.memory_space<semaphore_mem>>) src(%arg13 : memref<128x64xf32, #tpu.memory_space<vmem>>) dst(%dma_wait3A_179 : memref<10240x64xf32, #tpu.memory_space<vmem_shared>>)
    %barrier3A_180 = arith.constant 0 : index
    tpu.barrier barrier_id(%barrier3A_180)
    %mul3A_181 = arith.constant 640 : i32
    %mul3A_182 = arith.muli %arg1, %mul3A_181 : i32
    %mul3A_183 = arith.constant 640 : i32
    %mul3A_184 = arith.muli %arg1, %mul3A_183 : i32
    "tpu.region"() ({
      %run_scoped3A = tpu.sem_alloc : memref<!tpu.dma_semaphore, #tpu.memory_space<semaphore_mem>>
      %dma_start3A_185 = arith.constant 0 : i32
      %dma_start3A_186 = tpu.memref_slice %arg6[%mul3A_184, %dma_start3A_185] : memref<10240x64xf32, #tpu.memory_space<hbm>> -> memref<640x64xf32, #tpu.memory_space<hbm>>
      %dma_start3A_187 = arith.constant 0 : i32
      %dma_start3A_188 = tpu.memref_slice %arg14[%mul3A_182, %dma_start3A_187] : memref<10240x64xf32, #tpu.memory_space<vmem_shared>> -> memref<640x64xf32, #tpu.memory_space<vmem_shared>>
      tpu.enqueue_dma source(%dma_start3A_188 : memref<640x64xf32, #tpu.memory_space<vmem_shared>>) target(%dma_start3A_186 : memref<640x64xf32, #tpu.memory_space<hbm>>) target_semaphore(%run_scoped3A : memref<!tpu.dma_semaphore, #tpu.memory_space<semaphore_mem>>)
      %dma_wait3A_189 = arith.constant 0 : i32
      %dma_wait3A_190 = tpu.memref_slice %arg6[%mul3A_184, %dma_wait3A_189] : memref<10240x64xf32, #tpu.memory_space<hbm>> -> memref<640x64xf32, #tpu.memory_space<hbm>>
      %dma_wait3A_191 = arith.constant 0 : i32
      %dma_wait3A_192 = tpu.memref_slice %arg14[%mul3A_182, %dma_wait3A_191] : memref<10240x64xf32, #tpu.memory_space<vmem_shared>> -> memref<640x64xf32, #tpu.memory_space<vmem_shared>>
      tpu.wait_dma2 semaphore(%run_scoped3A : memref<!tpu.dma_semaphore, #tpu.memory_space<semaphore_mem>>) src(%dma_wait3A_192 : memref<640x64xf32, #tpu.memory_space<vmem_shared>>) dst(%dma_wait3A_190 : memref<640x64xf32, #tpu.memory_space<hbm>>)
      tpu.yield
    }) : () -> ()
    return
  }
}

#map = affine_map<(d0, d1) -> (0, 0)>
#map1 = affine_map<(d0, d1) -> (0, 0, 0)>
module attributes {stable_mosaic.version = 14 : i64} {
  func.func @scat_kernel(%arg0: i32, %arg1: i32, %arg2: memref<10240x64xf32, #tpu.memory_space<hbm>>, %arg3: memref<16x160x128xi32, #tpu.memory_space<hbm>>, %arg4: memref<16x160x128xi32, #tpu.memory_space<hbm>>, %arg5: memref<640x64xf32, #tpu.memory_space<hbm>>, %arg6: memref<10240x64xf32, #tpu.memory_space<hbm>>, %arg7: memref<160x128xi32, #tpu.memory_space<vmem>>, %arg8: memref<160x128xi32, #tpu.memory_space<vmem>>, %arg9: memref<128x64xf32, #tpu.memory_space<vmem>>, %arg10: memref<128x64xf32, #tpu.memory_space<vmem>>, %arg11: memref<128x64xf32, #tpu.memory_space<vmem>>, %arg12: memref<128x64xf32, #tpu.memory_space<vmem>>, %arg13: memref<128x64xf32, #tpu.memory_space<vmem>>, %arg14: memref<10240x64xf32, #tpu.memory_space<vmem_shared>>, %arg15: memref<!tpu.dma_semaphore, #tpu.memory_space<semaphore_mem>>, %arg16: memref<!tpu.dma_semaphore, #tpu.memory_space<semaphore_mem>>, %arg17: memref<!tpu.dma_semaphore, #tpu.memory_space<semaphore_mem>>, %arg18: memref<!tpu.dma_semaphore, #tpu.memory_space<semaphore_mem>>, %arg19: memref<!tpu.dma_semaphore, #tpu.memory_space<semaphore_mem>>, %arg20: memref<!tpu.dma_semaphore, #tpu.memory_space<semaphore_mem>>, %arg21: memref<!tpu.dma_semaphore, #tpu.memory_space<semaphore_mem>>, %arg22: memref<!tpu.dma_semaphore, #tpu.memory_space<semaphore_mem>>, %arg23: memref<!tpu.dma_semaphore, #tpu.memory_space<semaphore_mem>>, %arg24: memref<!tpu.dma_semaphore, #tpu.memory_space<semaphore_mem>>) attributes {dimension_semantics = [#tpu.dimension_semantics<core_parallel>, #tpu.dimension_semantics<subcore_parallel>], iteration_bounds = array<i64: 1, 16>, scalar_prefetch = 0 : i64, scratch_operands = 18 : i64, tpu.core_type = #tpu.core_type<sc_vector_subcore>, window_params = [{transform_indices = #map}, {transform_indices = #map1}, {transform_indices = #map1}, {transform_indices = #map}, {transform_indices = #map}]} {
    %mul3A = arith.constant 640 : i32
    %mul3A_0 = arith.muli %arg1, %mul3A : i32
    %dma_start3A = arith.constant 0 : i32
    %dma_start3A_1 = tpu.memref_slice %arg14[%mul3A_0, %dma_start3A] : memref<10240x64xf32, #tpu.memory_space<vmem_shared>> -> memref<640x64xf32, #tpu.memory_space<vmem_shared>>
    tpu.enqueue_dma source(%arg5 : memref<640x64xf32, #tpu.memory_space<hbm>>) target(%dma_start3A_1 : memref<640x64xf32, #tpu.memory_space<vmem_shared>>) target_semaphore(%arg15 : memref<!tpu.dma_semaphore, #tpu.memory_space<semaphore_mem>>)
    %dma_start3A_2 = arith.constant 0 : i32
    %dma_start3A_3 = arith.constant 0 : i32
    %dma_start3A_4 = tpu.memref_slice %arg3[%arg1, %dma_start3A_2, %dma_start3A_3] : memref<16x160x128xi32, #tpu.memory_space<hbm>> -> memref<1x160x128xi32, #tpu.memory_space<hbm>>
    %dma_start3A_5 = tpu.memref_squeeze %dma_start3A_4 : memref<1x160x128xi32, #tpu.memory_space<hbm>> -> memref<160x128xi32, #tpu.memory_space<hbm>>
    %dma_start3A_6 = arith.constant 0 : i32
    %dma_start3A_7 = arith.constant 0 : i32
    %dma_start3A_8 = tpu.memref_slice %arg3[%arg1, %dma_start3A_6, %dma_start3A_7] : memref<16x160x128xi32, #tpu.memory_space<hbm>> -> memref<1x160x128xi32, #tpu.memory_space<hbm>>
    %dma_start3A_9 = tpu.memref_squeeze %dma_start3A_8 : memref<1x160x128xi32, #tpu.memory_space<hbm>> -> memref<160x128xi32, #tpu.memory_space<hbm>>
    tpu.enqueue_dma source(%dma_start3A_9 : memref<160x128xi32, #tpu.memory_space<hbm>>) target(%arg7 : memref<160x128xi32, #tpu.memory_space<vmem>>) target_semaphore(%arg16 : memref<!tpu.dma_semaphore, #tpu.memory_space<semaphore_mem>>)
    %dma_start3A_10 = arith.constant 0 : i32
    %dma_start3A_11 = arith.constant 0 : i32
    %dma_start3A_12 = tpu.memref_slice %arg4[%arg1, %dma_start3A_10, %dma_start3A_11] : memref<16x160x128xi32, #tpu.memory_space<hbm>> -> memref<1x160x128xi32, #tpu.memory_space<hbm>>
    %dma_start3A_13 = tpu.memref_squeeze %dma_start3A_12 : memref<1x160x128xi32, #tpu.memory_space<hbm>> -> memref<160x128xi32, #tpu.memory_space<hbm>>
    %dma_start3A_14 = arith.constant 0 : i32
    %dma_start3A_15 = arith.constant 0 : i32
    %dma_start3A_16 = tpu.memref_slice %arg4[%arg1, %dma_start3A_14, %dma_start3A_15] : memref<16x160x128xi32, #tpu.memory_space<hbm>> -> memref<1x160x128xi32, #tpu.memory_space<hbm>>
    %dma_start3A_17 = tpu.memref_squeeze %dma_start3A_16 : memref<1x160x128xi32, #tpu.memory_space<hbm>> -> memref<160x128xi32, #tpu.memory_space<hbm>>
    tpu.enqueue_dma source(%dma_start3A_17 : memref<160x128xi32, #tpu.memory_space<hbm>>) target(%arg8 : memref<160x128xi32, #tpu.memory_space<vmem>>) target_semaphore(%arg17 : memref<!tpu.dma_semaphore, #tpu.memory_space<semaphore_mem>>)
    %dma_wait3A = arith.constant 0 : i32
    %dma_wait3A_18 = tpu.memref_slice %arg14[%mul3A_0, %dma_wait3A] : memref<10240x64xf32, #tpu.memory_space<vmem_shared>> -> memref<640x64xf32, #tpu.memory_space<vmem_shared>>
    tpu.wait_dma2 semaphore(%arg15 : memref<!tpu.dma_semaphore, #tpu.memory_space<semaphore_mem>>) src(%arg5 : memref<640x64xf32, #tpu.memory_space<hbm>>) dst(%dma_wait3A_18 : memref<640x64xf32, #tpu.memory_space<vmem_shared>>)
    %dma_wait3A_19 = arith.constant 0 : i32
    %dma_wait3A_20 = arith.constant 0 : i32
    %dma_wait3A_21 = tpu.memref_slice %arg3[%arg1, %dma_wait3A_19, %dma_wait3A_20] : memref<16x160x128xi32, #tpu.memory_space<hbm>> -> memref<1x160x128xi32, #tpu.memory_space<hbm>>
    %dma_wait3A_22 = tpu.memref_squeeze %dma_wait3A_21 : memref<1x160x128xi32, #tpu.memory_space<hbm>> -> memref<160x128xi32, #tpu.memory_space<hbm>>
    %dma_wait3A_23 = arith.constant 0 : i32
    %dma_wait3A_24 = arith.constant 0 : i32
    %dma_wait3A_25 = tpu.memref_slice %arg3[%arg1, %dma_wait3A_23, %dma_wait3A_24] : memref<16x160x128xi32, #tpu.memory_space<hbm>> -> memref<1x160x128xi32, #tpu.memory_space<hbm>>
    %dma_wait3A_26 = tpu.memref_squeeze %dma_wait3A_25 : memref<1x160x128xi32, #tpu.memory_space<hbm>> -> memref<160x128xi32, #tpu.memory_space<hbm>>
    tpu.wait_dma2 semaphore(%arg16 : memref<!tpu.dma_semaphore, #tpu.memory_space<semaphore_mem>>) src(%dma_wait3A_26 : memref<160x128xi32, #tpu.memory_space<hbm>>) dst(%arg7 : memref<160x128xi32, #tpu.memory_space<vmem>>)
    %dma_wait3A_27 = arith.constant 0 : i32
    %dma_wait3A_28 = arith.constant 0 : i32
    %dma_wait3A_29 = tpu.memref_slice %arg4[%arg1, %dma_wait3A_27, %dma_wait3A_28] : memref<16x160x128xi32, #tpu.memory_space<hbm>> -> memref<1x160x128xi32, #tpu.memory_space<hbm>>
    %dma_wait3A_30 = tpu.memref_squeeze %dma_wait3A_29 : memref<1x160x128xi32, #tpu.memory_space<hbm>> -> memref<160x128xi32, #tpu.memory_space<hbm>>
    %dma_wait3A_31 = arith.constant 0 : i32
    %dma_wait3A_32 = arith.constant 0 : i32
    %dma_wait3A_33 = tpu.memref_slice %arg4[%arg1, %dma_wait3A_31, %dma_wait3A_32] : memref<16x160x128xi32, #tpu.memory_space<hbm>> -> memref<1x160x128xi32, #tpu.memory_space<hbm>>
    %dma_wait3A_34 = tpu.memref_squeeze %dma_wait3A_33 : memref<1x160x128xi32, #tpu.memory_space<hbm>> -> memref<160x128xi32, #tpu.memory_space<hbm>>
    tpu.wait_dma2 semaphore(%arg17 : memref<!tpu.dma_semaphore, #tpu.memory_space<semaphore_mem>>) src(%dma_wait3A_34 : memref<160x128xi32, #tpu.memory_space<hbm>>) dst(%arg8 : memref<160x128xi32, #tpu.memory_space<vmem>>)
    %barrier3A = arith.constant 0 : index
    tpu.barrier barrier_id(%barrier3A)
    %dma_start3A_35 = arith.constant 0 : i32
    %dma_start3A_36 = arith.constant 0 : i32
    %dma_start3A_37 = tpu.memref_slice %arg7[%dma_start3A_35, %dma_start3A_36] : memref<160x128xi32, #tpu.memory_space<vmem>> -> memref<1x128xi32, #tpu.memory_space<vmem>>
    %dma_start3A_38 = tpu.memref_squeeze %dma_start3A_37 : memref<1x128xi32, #tpu.memory_space<vmem>> -> memref<128xi32, #tpu.memory_space<vmem>>
    %dma_start3A_39 = arith.constant 0 : i32
    %dma_start3A_40 = arith.constant 0 : i32
    %dma_start3A_41 = tpu.memref_slice %arg2[%dma_start3A_39, %dma_start3A_40] : memref<10240x64xf32, #tpu.memory_space<hbm>> -> memref<10240x64xf32, #tpu.memory_space<hbm>>
    tpu.enqueue_indirect_dma source(%dma_start3A_41 : memref<10240x64xf32, #tpu.memory_space<hbm>>) target(%arg9 : memref<128x64xf32, #tpu.memory_space<vmem>>) offsets(%dma_start3A_38 : memref<128xi32, #tpu.memory_space<vmem>>) semaphore(%arg15 : memref<!tpu.dma_semaphore, #tpu.memory_space<semaphore_mem>>)
    %dma_start3A_42 = arith.constant 1 : i32
    %dma_start3A_43 = arith.constant 0 : i32
    %dma_start3A_44 = tpu.memref_slice %arg7[%dma_start3A_42, %dma_start3A_43] : memref<160x128xi32, #tpu.memory_space<vmem>> -> memref<1x128xi32, #tpu.memory_space<vmem>>
    %dma_start3A_45 = tpu.memref_squeeze %dma_start3A_44 : memref<1x128xi32, #tpu.memory_space<vmem>> -> memref<128xi32, #tpu.memory_space<vmem>>
    %dma_start3A_46 = arith.constant 0 : i32
    %dma_start3A_47 = arith.constant 0 : i32
    %dma_start3A_48 = tpu.memref_slice %arg2[%dma_start3A_46, %dma_start3A_47] : memref<10240x64xf32, #tpu.memory_space<hbm>> -> memref<10240x64xf32, #tpu.memory_space<hbm>>
    tpu.enqueue_indirect_dma source(%dma_start3A_48 : memref<10240x64xf32, #tpu.memory_space<hbm>>) target(%arg10 : memref<128x64xf32, #tpu.memory_space<vmem>>) offsets(%dma_start3A_45 : memref<128xi32, #tpu.memory_space<vmem>>) semaphore(%arg16 : memref<!tpu.dma_semaphore, #tpu.memory_space<semaphore_mem>>)
    %dma_start3A_49 = arith.constant 2 : i32
    %dma_start3A_50 = arith.constant 0 : i32
    %dma_start3A_51 = tpu.memref_slice %arg7[%dma_start3A_49, %dma_start3A_50] : memref<160x128xi32, #tpu.memory_space<vmem>> -> memref<1x128xi32, #tpu.memory_space<vmem>>
    %dma_start3A_52 = tpu.memref_squeeze %dma_start3A_51 : memref<1x128xi32, #tpu.memory_space<vmem>> -> memref<128xi32, #tpu.memory_space<vmem>>
    %dma_start3A_53 = arith.constant 0 : i32
    %dma_start3A_54 = arith.constant 0 : i32
    %dma_start3A_55 = tpu.memref_slice %arg2[%dma_start3A_53, %dma_start3A_54] : memref<10240x64xf32, #tpu.memory_space<hbm>> -> memref<10240x64xf32, #tpu.memory_space<hbm>>
    tpu.enqueue_indirect_dma source(%dma_start3A_55 : memref<10240x64xf32, #tpu.memory_space<hbm>>) target(%arg11 : memref<128x64xf32, #tpu.memory_space<vmem>>) offsets(%dma_start3A_52 : memref<128xi32, #tpu.memory_space<vmem>>) semaphore(%arg17 : memref<!tpu.dma_semaphore, #tpu.memory_space<semaphore_mem>>)
    %dma_start3A_56 = arith.constant 3 : i32
    %dma_start3A_57 = arith.constant 0 : i32
    %dma_start3A_58 = tpu.memref_slice %arg7[%dma_start3A_56, %dma_start3A_57] : memref<160x128xi32, #tpu.memory_space<vmem>> -> memref<1x128xi32, #tpu.memory_space<vmem>>
    %dma_start3A_59 = tpu.memref_squeeze %dma_start3A_58 : memref<1x128xi32, #tpu.memory_space<vmem>> -> memref<128xi32, #tpu.memory_space<vmem>>
    %dma_start3A_60 = arith.constant 0 : i32
    %dma_start3A_61 = arith.constant 0 : i32
    %dma_start3A_62 = tpu.memref_slice %arg2[%dma_start3A_60, %dma_start3A_61] : memref<10240x64xf32, #tpu.memory_space<hbm>> -> memref<10240x64xf32, #tpu.memory_space<hbm>>
    tpu.enqueue_indirect_dma source(%dma_start3A_62 : memref<10240x64xf32, #tpu.memory_space<hbm>>) target(%arg12 : memref<128x64xf32, #tpu.memory_space<vmem>>) offsets(%dma_start3A_59 : memref<128xi32, #tpu.memory_space<vmem>>) semaphore(%arg18 : memref<!tpu.dma_semaphore, #tpu.memory_space<semaphore_mem>>)
    %dma_start3A_63 = arith.constant 4 : i32
    %dma_start3A_64 = arith.constant 0 : i32
    %dma_start3A_65 = tpu.memref_slice %arg7[%dma_start3A_63, %dma_start3A_64] : memref<160x128xi32, #tpu.memory_space<vmem>> -> memref<1x128xi32, #tpu.memory_space<vmem>>
    %dma_start3A_66 = tpu.memref_squeeze %dma_start3A_65 : memref<1x128xi32, #tpu.memory_space<vmem>> -> memref<128xi32, #tpu.memory_space<vmem>>
    %dma_start3A_67 = arith.constant 0 : i32
    %dma_start3A_68 = arith.constant 0 : i32
    %dma_start3A_69 = tpu.memref_slice %arg2[%dma_start3A_67, %dma_start3A_68] : memref<10240x64xf32, #tpu.memory_space<hbm>> -> memref<10240x64xf32, #tpu.memory_space<hbm>>
    tpu.enqueue_indirect_dma source(%dma_start3A_69 : memref<10240x64xf32, #tpu.memory_space<hbm>>) target(%arg13 : memref<128x64xf32, #tpu.memory_space<vmem>>) offsets(%dma_start3A_66 : memref<128xi32, #tpu.memory_space<vmem>>) semaphore(%arg19 : memref<!tpu.dma_semaphore, #tpu.memory_space<semaphore_mem>>)
    %scan3A = arith.constant 0 : i32
    %scan3A_70 = arith.constant 0 : i32
    %scan3A_71 = arith.constant 31 : i32
    %scan3A_72 = arith.addi %scan3A_70, %scan3A_71 : i32
    %scan3A_73 = arith.constant 1 : i32
    scf.for %scan3A_185 = %scan3A_70 to %scan3A_72 step %scan3A_73  : i32 {
      %mul3A_186 = arith.constant 5 : i32
      %mul3A_187 = arith.muli %scan3A_185, %mul3A_186 : i32
      %add3A = arith.constant 0 : i32
      %add3A_188 = arith.addi %mul3A_187, %add3A : i32
      %dma_wait3A_189 = arith.constant 0 : i32
      %dma_wait3A_190 = tpu.memref_slice %arg7[%add3A_188, %dma_wait3A_189] : memref<160x128xi32, #tpu.memory_space<vmem>> -> memref<1x128xi32, #tpu.memory_space<vmem>>
      %dma_wait3A_191 = tpu.memref_squeeze %dma_wait3A_190 : memref<1x128xi32, #tpu.memory_space<vmem>> -> memref<128xi32, #tpu.memory_space<vmem>>
      %dma_wait3A_192 = arith.constant 0 : i32
      %dma_wait3A_193 = arith.constant 0 : i32
      %dma_wait3A_194 = tpu.memref_slice %arg2[%dma_wait3A_192, %dma_wait3A_193] : memref<10240x64xf32, #tpu.memory_space<hbm>> -> memref<10240x64xf32, #tpu.memory_space<hbm>>
      tpu.wait_indirect_dma semaphore(%arg15 : memref<!tpu.dma_semaphore, #tpu.memory_space<semaphore_mem>>) src(%dma_wait3A_194 : memref<10240x64xf32, #tpu.memory_space<hbm>>) dst(%arg9 : memref<128x64xf32, #tpu.memory_space<vmem>>)
      %add3A_195 = arith.constant 0 : i32
      %add3A_196 = arith.addi %mul3A_187, %add3A_195 : i32
      %dma_start3A_197 = arith.constant 0 : i32
      %dma_start3A_198 = tpu.memref_slice %arg8[%add3A_196, %dma_start3A_197] : memref<160x128xi32, #tpu.memory_space<vmem>> -> memref<1x128xi32, #tpu.memory_space<vmem>>
      %dma_start3A_199 = tpu.memref_squeeze %dma_start3A_198 : memref<1x128xi32, #tpu.memory_space<vmem>> -> memref<128xi32, #tpu.memory_space<vmem>>
      %dma_start3A_200 = arith.constant 0 : i32
      %dma_start3A_201 = arith.constant 0 : i32
      %dma_start3A_202 = tpu.memref_slice %arg14[%dma_start3A_200, %dma_start3A_201] : memref<10240x64xf32, #tpu.memory_space<vmem_shared>> -> memref<10240x64xf32, #tpu.memory_space<vmem_shared>>
      tpu.enqueue_indirect_dma source(%arg9 : memref<128x64xf32, #tpu.memory_space<vmem>>) target(%dma_start3A_202 : memref<10240x64xf32, #tpu.memory_space<vmem_shared>>) offsets(%dma_start3A_199 : memref<128xi32, #tpu.memory_space<vmem>>) semaphore(%arg20 : memref<!tpu.dma_semaphore, #tpu.memory_space<semaphore_mem>>) {add = true}
      %add3A_203 = arith.constant 1 : i32
      %add3A_204 = arith.addi %mul3A_187, %add3A_203 : i32
      %dma_wait3A_205 = arith.constant 0 : i32
      %dma_wait3A_206 = tpu.memref_slice %arg7[%add3A_204, %dma_wait3A_205] : memref<160x128xi32, #tpu.memory_space<vmem>> -> memref<1x128xi32, #tpu.memory_space<vmem>>
      %dma_wait3A_207 = tpu.memref_squeeze %dma_wait3A_206 : memref<1x128xi32, #tpu.memory_space<vmem>> -> memref<128xi32, #tpu.memory_space<vmem>>
      %dma_wait3A_208 = arith.constant 0 : i32
      %dma_wait3A_209 = arith.constant 0 : i32
      %dma_wait3A_210 = tpu.memref_slice %arg2[%dma_wait3A_208, %dma_wait3A_209] : memref<10240x64xf32, #tpu.memory_space<hbm>> -> memref<10240x64xf32, #tpu.memory_space<hbm>>
      tpu.wait_indirect_dma semaphore(%arg16 : memref<!tpu.dma_semaphore, #tpu.memory_space<semaphore_mem>>) src(%dma_wait3A_210 : memref<10240x64xf32, #tpu.memory_space<hbm>>) dst(%arg10 : memref<128x64xf32, #tpu.memory_space<vmem>>)
      %add3A_211 = arith.constant 1 : i32
      %add3A_212 = arith.addi %mul3A_187, %add3A_211 : i32
      %dma_start3A_213 = arith.constant 0 : i32
      %dma_start3A_214 = tpu.memref_slice %arg8[%add3A_212, %dma_start3A_213] : memref<160x128xi32, #tpu.memory_space<vmem>> -> memref<1x128xi32, #tpu.memory_space<vmem>>
      %dma_start3A_215 = tpu.memref_squeeze %dma_start3A_214 : memref<1x128xi32, #tpu.memory_space<vmem>> -> memref<128xi32, #tpu.memory_space<vmem>>
      %dma_start3A_216 = arith.constant 0 : i32
      %dma_start3A_217 = arith.constant 0 : i32
      %dma_start3A_218 = tpu.memref_slice %arg14[%dma_start3A_216, %dma_start3A_217] : memref<10240x64xf32, #tpu.memory_space<vmem_shared>> -> memref<10240x64xf32, #tpu.memory_space<vmem_shared>>
      tpu.enqueue_indirect_dma source(%arg10 : memref<128x64xf32, #tpu.memory_space<vmem>>) target(%dma_start3A_218 : memref<10240x64xf32, #tpu.memory_space<vmem_shared>>) offsets(%dma_start3A_215 : memref<128xi32, #tpu.memory_space<vmem>>) semaphore(%arg21 : memref<!tpu.dma_semaphore, #tpu.memory_space<semaphore_mem>>) {add = true}
      %add3A_219 = arith.constant 2 : i32
      %add3A_220 = arith.addi %mul3A_187, %add3A_219 : i32
      %dma_wait3A_221 = arith.constant 0 : i32
      %dma_wait3A_222 = tpu.memref_slice %arg7[%add3A_220, %dma_wait3A_221] : memref<160x128xi32, #tpu.memory_space<vmem>> -> memref<1x128xi32, #tpu.memory_space<vmem>>
      %dma_wait3A_223 = tpu.memref_squeeze %dma_wait3A_222 : memref<1x128xi32, #tpu.memory_space<vmem>> -> memref<128xi32, #tpu.memory_space<vmem>>
      %dma_wait3A_224 = arith.constant 0 : i32
      %dma_wait3A_225 = arith.constant 0 : i32
      %dma_wait3A_226 = tpu.memref_slice %arg2[%dma_wait3A_224, %dma_wait3A_225] : memref<10240x64xf32, #tpu.memory_space<hbm>> -> memref<10240x64xf32, #tpu.memory_space<hbm>>
      tpu.wait_indirect_dma semaphore(%arg17 : memref<!tpu.dma_semaphore, #tpu.memory_space<semaphore_mem>>) src(%dma_wait3A_226 : memref<10240x64xf32, #tpu.memory_space<hbm>>) dst(%arg11 : memref<128x64xf32, #tpu.memory_space<vmem>>)
      %add3A_227 = arith.constant 2 : i32
      %add3A_228 = arith.addi %mul3A_187, %add3A_227 : i32
      %dma_start3A_229 = arith.constant 0 : i32
      %dma_start3A_230 = tpu.memref_slice %arg8[%add3A_228, %dma_start3A_229] : memref<160x128xi32, #tpu.memory_space<vmem>> -> memref<1x128xi32, #tpu.memory_space<vmem>>
      %dma_start3A_231 = tpu.memref_squeeze %dma_start3A_230 : memref<1x128xi32, #tpu.memory_space<vmem>> -> memref<128xi32, #tpu.memory_space<vmem>>
      %dma_start3A_232 = arith.constant 0 : i32
      %dma_start3A_233 = arith.constant 0 : i32
      %dma_start3A_234 = tpu.memref_slice %arg14[%dma_start3A_232, %dma_start3A_233] : memref<10240x64xf32, #tpu.memory_space<vmem_shared>> -> memref<10240x64xf32, #tpu.memory_space<vmem_shared>>
      tpu.enqueue_indirect_dma source(%arg11 : memref<128x64xf32, #tpu.memory_space<vmem>>) target(%dma_start3A_234 : memref<10240x64xf32, #tpu.memory_space<vmem_shared>>) offsets(%dma_start3A_231 : memref<128xi32, #tpu.memory_space<vmem>>) semaphore(%arg22 : memref<!tpu.dma_semaphore, #tpu.memory_space<semaphore_mem>>) {add = true}
      %add3A_235 = arith.constant 3 : i32
      %add3A_236 = arith.addi %mul3A_187, %add3A_235 : i32
      %dma_wait3A_237 = arith.constant 0 : i32
      %dma_wait3A_238 = tpu.memref_slice %arg7[%add3A_236, %dma_wait3A_237] : memref<160x128xi32, #tpu.memory_space<vmem>> -> memref<1x128xi32, #tpu.memory_space<vmem>>
      %dma_wait3A_239 = tpu.memref_squeeze %dma_wait3A_238 : memref<1x128xi32, #tpu.memory_space<vmem>> -> memref<128xi32, #tpu.memory_space<vmem>>
      %dma_wait3A_240 = arith.constant 0 : i32
      %dma_wait3A_241 = arith.constant 0 : i32
      %dma_wait3A_242 = tpu.memref_slice %arg2[%dma_wait3A_240, %dma_wait3A_241] : memref<10240x64xf32, #tpu.memory_space<hbm>> -> memref<10240x64xf32, #tpu.memory_space<hbm>>
      tpu.wait_indirect_dma semaphore(%arg18 : memref<!tpu.dma_semaphore, #tpu.memory_space<semaphore_mem>>) src(%dma_wait3A_242 : memref<10240x64xf32, #tpu.memory_space<hbm>>) dst(%arg12 : memref<128x64xf32, #tpu.memory_space<vmem>>)
      %add3A_243 = arith.constant 3 : i32
      %add3A_244 = arith.addi %mul3A_187, %add3A_243 : i32
      %dma_start3A_245 = arith.constant 0 : i32
      %dma_start3A_246 = tpu.memref_slice %arg8[%add3A_244, %dma_start3A_245] : memref<160x128xi32, #tpu.memory_space<vmem>> -> memref<1x128xi32, #tpu.memory_space<vmem>>
      %dma_start3A_247 = tpu.memref_squeeze %dma_start3A_246 : memref<1x128xi32, #tpu.memory_space<vmem>> -> memref<128xi32, #tpu.memory_space<vmem>>
      %dma_start3A_248 = arith.constant 0 : i32
      %dma_start3A_249 = arith.constant 0 : i32
      %dma_start3A_250 = tpu.memref_slice %arg14[%dma_start3A_248, %dma_start3A_249] : memref<10240x64xf32, #tpu.memory_space<vmem_shared>> -> memref<10240x64xf32, #tpu.memory_space<vmem_shared>>
      tpu.enqueue_indirect_dma source(%arg12 : memref<128x64xf32, #tpu.memory_space<vmem>>) target(%dma_start3A_250 : memref<10240x64xf32, #tpu.memory_space<vmem_shared>>) offsets(%dma_start3A_247 : memref<128xi32, #tpu.memory_space<vmem>>) semaphore(%arg23 : memref<!tpu.dma_semaphore, #tpu.memory_space<semaphore_mem>>) {add = true}
      %add3A_251 = arith.constant 4 : i32
      %add3A_252 = arith.addi %mul3A_187, %add3A_251 : i32
      %dma_wait3A_253 = arith.constant 0 : i32
      %dma_wait3A_254 = tpu.memref_slice %arg7[%add3A_252, %dma_wait3A_253] : memref<160x128xi32, #tpu.memory_space<vmem>> -> memref<1x128xi32, #tpu.memory_space<vmem>>
      %dma_wait3A_255 = tpu.memref_squeeze %dma_wait3A_254 : memref<1x128xi32, #tpu.memory_space<vmem>> -> memref<128xi32, #tpu.memory_space<vmem>>
      %dma_wait3A_256 = arith.constant 0 : i32
      %dma_wait3A_257 = arith.constant 0 : i32
      %dma_wait3A_258 = tpu.memref_slice %arg2[%dma_wait3A_256, %dma_wait3A_257] : memref<10240x64xf32, #tpu.memory_space<hbm>> -> memref<10240x64xf32, #tpu.memory_space<hbm>>
      tpu.wait_indirect_dma semaphore(%arg19 : memref<!tpu.dma_semaphore, #tpu.memory_space<semaphore_mem>>) src(%dma_wait3A_258 : memref<10240x64xf32, #tpu.memory_space<hbm>>) dst(%arg13 : memref<128x64xf32, #tpu.memory_space<vmem>>)
      %add3A_259 = arith.constant 4 : i32
      %add3A_260 = arith.addi %mul3A_187, %add3A_259 : i32
      %dma_start3A_261 = arith.constant 0 : i32
      %dma_start3A_262 = tpu.memref_slice %arg8[%add3A_260, %dma_start3A_261] : memref<160x128xi32, #tpu.memory_space<vmem>> -> memref<1x128xi32, #tpu.memory_space<vmem>>
      %dma_start3A_263 = tpu.memref_squeeze %dma_start3A_262 : memref<1x128xi32, #tpu.memory_space<vmem>> -> memref<128xi32, #tpu.memory_space<vmem>>
      %dma_start3A_264 = arith.constant 0 : i32
      %dma_start3A_265 = arith.constant 0 : i32
      %dma_start3A_266 = tpu.memref_slice %arg14[%dma_start3A_264, %dma_start3A_265] : memref<10240x64xf32, #tpu.memory_space<vmem_shared>> -> memref<10240x64xf32, #tpu.memory_space<vmem_shared>>
      tpu.enqueue_indirect_dma source(%arg13 : memref<128x64xf32, #tpu.memory_space<vmem>>) target(%dma_start3A_266 : memref<10240x64xf32, #tpu.memory_space<vmem_shared>>) offsets(%dma_start3A_263 : memref<128xi32, #tpu.memory_space<vmem>>) semaphore(%arg24 : memref<!tpu.dma_semaphore, #tpu.memory_space<semaphore_mem>>) {add = true}
      %add3A_267 = arith.constant 0 : i32
      %add3A_268 = arith.addi %mul3A_187, %add3A_267 : i32
      %dma_wait3A_269 = arith.constant 0 : i32
      %dma_wait3A_270 = tpu.memref_slice %arg8[%add3A_268, %dma_wait3A_269] : memref<160x128xi32, #tpu.memory_space<vmem>> -> memref<1x128xi32, #tpu.memory_space<vmem>>
      %dma_wait3A_271 = tpu.memref_squeeze %dma_wait3A_270 : memref<1x128xi32, #tpu.memory_space<vmem>> -> memref<128xi32, #tpu.memory_space<vmem>>
      %dma_wait3A_272 = arith.constant 0 : i32
      %dma_wait3A_273 = arith.constant 0 : i32
      %dma_wait3A_274 = tpu.memref_slice %arg14[%dma_wait3A_272, %dma_wait3A_273] : memref<10240x64xf32, #tpu.memory_space<vmem_shared>> -> memref<10240x64xf32, #tpu.memory_space<vmem_shared>>
      tpu.wait_indirect_dma semaphore(%arg20 : memref<!tpu.dma_semaphore, #tpu.memory_space<semaphore_mem>>) src(%arg9 : memref<128x64xf32, #tpu.memory_space<vmem>>) dst(%dma_wait3A_274 : memref<10240x64xf32, #tpu.memory_space<vmem_shared>>)
      %add3A_275 = arith.constant 0 : i32
      %add3A_276 = arith.addi %mul3A_187, %add3A_275 : i32
      %add3A_277 = arith.constant 5 : i32
      %add3A_278 = arith.addi %add3A_276, %add3A_277 : i32
      %dma_start3A_279 = arith.constant 0 : i32
      %dma_start3A_280 = tpu.memref_slice %arg7[%add3A_278, %dma_start3A_279] : memref<160x128xi32, #tpu.memory_space<vmem>> -> memref<1x128xi32, #tpu.memory_space<vmem>>
      %dma_start3A_281 = tpu.memref_squeeze %dma_start3A_280 : memref<1x128xi32, #tpu.memory_space<vmem>> -> memref<128xi32, #tpu.memory_space<vmem>>
      %dma_start3A_282 = arith.constant 0 : i32
      %dma_start3A_283 = arith.constant 0 : i32
      %dma_start3A_284 = tpu.memref_slice %arg2[%dma_start3A_282, %dma_start3A_283] : memref<10240x64xf32, #tpu.memory_space<hbm>> -> memref<10240x64xf32, #tpu.memory_space<hbm>>
      tpu.enqueue_indirect_dma source(%dma_start3A_284 : memref<10240x64xf32, #tpu.memory_space<hbm>>) target(%arg9 : memref<128x64xf32, #tpu.memory_space<vmem>>) offsets(%dma_start3A_281 : memref<128xi32, #tpu.memory_space<vmem>>) semaphore(%arg15 : memref<!tpu.dma_semaphore, #tpu.memory_space<semaphore_mem>>)
      %add3A_285 = arith.constant 1 : i32
      %add3A_286 = arith.addi %mul3A_187, %add3A_285 : i32
      %dma_wait3A_287 = arith.constant 0 : i32
      %dma_wait3A_288 = tpu.memref_slice %arg8[%add3A_286, %dma_wait3A_287] : memref<160x128xi32, #tpu.memory_space<vmem>> -> memref<1x128xi32, #tpu.memory_space<vmem>>
      %dma_wait3A_289 = tpu.memref_squeeze %dma_wait3A_288 : memref<1x128xi32, #tpu.memory_space<vmem>> -> memref<128xi32, #tpu.memory_space<vmem>>
      %dma_wait3A_290 = arith.constant 0 : i32
      %dma_wait3A_291 = arith.constant 0 : i32
      %dma_wait3A_292 = tpu.memref_slice %arg14[%dma_wait3A_290, %dma_wait3A_291] : memref<10240x64xf32, #tpu.memory_space<vmem_shared>> -> memref<10240x64xf32, #tpu.memory_space<vmem_shared>>
      tpu.wait_indirect_dma semaphore(%arg21 : memref<!tpu.dma_semaphore, #tpu.memory_space<semaphore_mem>>) src(%arg10 : memref<128x64xf32, #tpu.memory_space<vmem>>) dst(%dma_wait3A_292 : memref<10240x64xf32, #tpu.memory_space<vmem_shared>>)
      %add3A_293 = arith.constant 1 : i32
      %add3A_294 = arith.addi %mul3A_187, %add3A_293 : i32
      %add3A_295 = arith.constant 5 : i32
      %add3A_296 = arith.addi %add3A_294, %add3A_295 : i32
      %dma_start3A_297 = arith.constant 0 : i32
      %dma_start3A_298 = tpu.memref_slice %arg7[%add3A_296, %dma_start3A_297] : memref<160x128xi32, #tpu.memory_space<vmem>> -> memref<1x128xi32, #tpu.memory_space<vmem>>
      %dma_start3A_299 = tpu.memref_squeeze %dma_start3A_298 : memref<1x128xi32, #tpu.memory_space<vmem>> -> memref<128xi32, #tpu.memory_space<vmem>>
      %dma_start3A_300 = arith.constant 0 : i32
      %dma_start3A_301 = arith.constant 0 : i32
      %dma_start3A_302 = tpu.memref_slice %arg2[%dma_start3A_300, %dma_start3A_301] : memref<10240x64xf32, #tpu.memory_space<hbm>> -> memref<10240x64xf32, #tpu.memory_space<hbm>>
      tpu.enqueue_indirect_dma source(%dma_start3A_302 : memref<10240x64xf32, #tpu.memory_space<hbm>>) target(%arg10 : memref<128x64xf32, #tpu.memory_space<vmem>>) offsets(%dma_start3A_299 : memref<128xi32, #tpu.memory_space<vmem>>) semaphore(%arg16 : memref<!tpu.dma_semaphore, #tpu.memory_space<semaphore_mem>>)
      %add3A_303 = arith.constant 2 : i32
      %add3A_304 = arith.addi %mul3A_187, %add3A_303 : i32
      %dma_wait3A_305 = arith.constant 0 : i32
      %dma_wait3A_306 = tpu.memref_slice %arg8[%add3A_304, %dma_wait3A_305] : memref<160x128xi32, #tpu.memory_space<vmem>> -> memref<1x128xi32, #tpu.memory_space<vmem>>
      %dma_wait3A_307 = tpu.memref_squeeze %dma_wait3A_306 : memref<1x128xi32, #tpu.memory_space<vmem>> -> memref<128xi32, #tpu.memory_space<vmem>>
      %dma_wait3A_308 = arith.constant 0 : i32
      %dma_wait3A_309 = arith.constant 0 : i32
      %dma_wait3A_310 = tpu.memref_slice %arg14[%dma_wait3A_308, %dma_wait3A_309] : memref<10240x64xf32, #tpu.memory_space<vmem_shared>> -> memref<10240x64xf32, #tpu.memory_space<vmem_shared>>
      tpu.wait_indirect_dma semaphore(%arg22 : memref<!tpu.dma_semaphore, #tpu.memory_space<semaphore_mem>>) src(%arg11 : memref<128x64xf32, #tpu.memory_space<vmem>>) dst(%dma_wait3A_310 : memref<10240x64xf32, #tpu.memory_space<vmem_shared>>)
      %add3A_311 = arith.constant 2 : i32
      %add3A_312 = arith.addi %mul3A_187, %add3A_311 : i32
      %add3A_313 = arith.constant 5 : i32
      %add3A_314 = arith.addi %add3A_312, %add3A_313 : i32
      %dma_start3A_315 = arith.constant 0 : i32
      %dma_start3A_316 = tpu.memref_slice %arg7[%add3A_314, %dma_start3A_315] : memref<160x128xi32, #tpu.memory_space<vmem>> -> memref<1x128xi32, #tpu.memory_space<vmem>>
      %dma_start3A_317 = tpu.memref_squeeze %dma_start3A_316 : memref<1x128xi32, #tpu.memory_space<vmem>> -> memref<128xi32, #tpu.memory_space<vmem>>
      %dma_start3A_318 = arith.constant 0 : i32
      %dma_start3A_319 = arith.constant 0 : i32
      %dma_start3A_320 = tpu.memref_slice %arg2[%dma_start3A_318, %dma_start3A_319] : memref<10240x64xf32, #tpu.memory_space<hbm>> -> memref<10240x64xf32, #tpu.memory_space<hbm>>
      tpu.enqueue_indirect_dma source(%dma_start3A_320 : memref<10240x64xf32, #tpu.memory_space<hbm>>) target(%arg11 : memref<128x64xf32, #tpu.memory_space<vmem>>) offsets(%dma_start3A_317 : memref<128xi32, #tpu.memory_space<vmem>>) semaphore(%arg17 : memref<!tpu.dma_semaphore, #tpu.memory_space<semaphore_mem>>)
      %add3A_321 = arith.constant 3 : i32
      %add3A_322 = arith.addi %mul3A_187, %add3A_321 : i32
      %dma_wait3A_323 = arith.constant 0 : i32
      %dma_wait3A_324 = tpu.memref_slice %arg8[%add3A_322, %dma_wait3A_323] : memref<160x128xi32, #tpu.memory_space<vmem>> -> memref<1x128xi32, #tpu.memory_space<vmem>>
      %dma_wait3A_325 = tpu.memref_squeeze %dma_wait3A_324 : memref<1x128xi32, #tpu.memory_space<vmem>> -> memref<128xi32, #tpu.memory_space<vmem>>
      %dma_wait3A_326 = arith.constant 0 : i32
      %dma_wait3A_327 = arith.constant 0 : i32
      %dma_wait3A_328 = tpu.memref_slice %arg14[%dma_wait3A_326, %dma_wait3A_327] : memref<10240x64xf32, #tpu.memory_space<vmem_shared>> -> memref<10240x64xf32, #tpu.memory_space<vmem_shared>>
      tpu.wait_indirect_dma semaphore(%arg23 : memref<!tpu.dma_semaphore, #tpu.memory_space<semaphore_mem>>) src(%arg12 : memref<128x64xf32, #tpu.memory_space<vmem>>) dst(%dma_wait3A_328 : memref<10240x64xf32, #tpu.memory_space<vmem_shared>>)
      %add3A_329 = arith.constant 3 : i32
      %add3A_330 = arith.addi %mul3A_187, %add3A_329 : i32
      %add3A_331 = arith.constant 5 : i32
      %add3A_332 = arith.addi %add3A_330, %add3A_331 : i32
      %dma_start3A_333 = arith.constant 0 : i32
      %dma_start3A_334 = tpu.memref_slice %arg7[%add3A_332, %dma_start3A_333] : memref<160x128xi32, #tpu.memory_space<vmem>> -> memref<1x128xi32, #tpu.memory_space<vmem>>
      %dma_start3A_335 = tpu.memref_squeeze %dma_start3A_334 : memref<1x128xi32, #tpu.memory_space<vmem>> -> memref<128xi32, #tpu.memory_space<vmem>>
      %dma_start3A_336 = arith.constant 0 : i32
      %dma_start3A_337 = arith.constant 0 : i32
      %dma_start3A_338 = tpu.memref_slice %arg2[%dma_start3A_336, %dma_start3A_337] : memref<10240x64xf32, #tpu.memory_space<hbm>> -> memref<10240x64xf32, #tpu.memory_space<hbm>>
      tpu.enqueue_indirect_dma source(%dma_start3A_338 : memref<10240x64xf32, #tpu.memory_space<hbm>>) target(%arg12 : memref<128x64xf32, #tpu.memory_space<vmem>>) offsets(%dma_start3A_335 : memref<128xi32, #tpu.memory_space<vmem>>) semaphore(%arg18 : memref<!tpu.dma_semaphore, #tpu.memory_space<semaphore_mem>>)
      %add3A_339 = arith.constant 4 : i32
      %add3A_340 = arith.addi %mul3A_187, %add3A_339 : i32
      %dma_wait3A_341 = arith.constant 0 : i32
      %dma_wait3A_342 = tpu.memref_slice %arg8[%add3A_340, %dma_wait3A_341] : memref<160x128xi32, #tpu.memory_space<vmem>> -> memref<1x128xi32, #tpu.memory_space<vmem>>
      %dma_wait3A_343 = tpu.memref_squeeze %dma_wait3A_342 : memref<1x128xi32, #tpu.memory_space<vmem>> -> memref<128xi32, #tpu.memory_space<vmem>>
      %dma_wait3A_344 = arith.constant 0 : i32
      %dma_wait3A_345 = arith.constant 0 : i32
      %dma_wait3A_346 = tpu.memref_slice %arg14[%dma_wait3A_344, %dma_wait3A_345] : memref<10240x64xf32, #tpu.memory_space<vmem_shared>> -> memref<10240x64xf32, #tpu.memory_space<vmem_shared>>
      tpu.wait_indirect_dma semaphore(%arg24 : memref<!tpu.dma_semaphore, #tpu.memory_space<semaphore_mem>>) src(%arg13 : memref<128x64xf32, #tpu.memory_space<vmem>>) dst(%dma_wait3A_346 : memref<10240x64xf32, #tpu.memory_space<vmem_shared>>)
      %add3A_347 = arith.constant 4 : i32
      %add3A_348 = arith.addi %mul3A_187, %add3A_347 : i32
      %add3A_349 = arith.constant 5 : i32
      %add3A_350 = arith.addi %add3A_348, %add3A_349 : i32
      %dma_start3A_351 = arith.constant 0 : i32
      %dma_start3A_352 = tpu.memref_slice %arg7[%add3A_350, %dma_start3A_351] : memref<160x128xi32, #tpu.memory_space<vmem>> -> memref<1x128xi32, #tpu.memory_space<vmem>>
      %dma_start3A_353 = tpu.memref_squeeze %dma_start3A_352 : memref<1x128xi32, #tpu.memory_space<vmem>> -> memref<128xi32, #tpu.memory_space<vmem>>
      %dma_start3A_354 = arith.constant 0 : i32
      %dma_start3A_355 = arith.constant 0 : i32
      %dma_start3A_356 = tpu.memref_slice %arg2[%dma_start3A_354, %dma_start3A_355] : memref<10240x64xf32, #tpu.memory_space<hbm>> -> memref<10240x64xf32, #tpu.memory_space<hbm>>
      tpu.enqueue_indirect_dma source(%dma_start3A_356 : memref<10240x64xf32, #tpu.memory_space<hbm>>) target(%arg13 : memref<128x64xf32, #tpu.memory_space<vmem>>) offsets(%dma_start3A_353 : memref<128xi32, #tpu.memory_space<vmem>>) semaphore(%arg19 : memref<!tpu.dma_semaphore, #tpu.memory_space<semaphore_mem>>)
    }
    %scan3A_74 = arith.constant 31 : i32
    %dma_wait3A_75 = arith.constant 155 : i32
    %dma_wait3A_76 = arith.constant 0 : i32
    %dma_wait3A_77 = tpu.memref_slice %arg7[%dma_wait3A_75, %dma_wait3A_76] : memref<160x128xi32, #tpu.memory_space<vmem>> -> memref<1x128xi32, #tpu.memory_space<vmem>>
    %dma_wait3A_78 = tpu.memref_squeeze %dma_wait3A_77 : memref<1x128xi32, #tpu.memory_space<vmem>> -> memref<128xi32, #tpu.memory_space<vmem>>
    %dma_wait3A_79 = arith.constant 0 : i32
    %dma_wait3A_80 = arith.constant 0 : i32
    %dma_wait3A_81 = tpu.memref_slice %arg2[%dma_wait3A_79, %dma_wait3A_80] : memref<10240x64xf32, #tpu.memory_space<hbm>> -> memref<10240x64xf32, #tpu.memory_space<hbm>>
    tpu.wait_indirect_dma semaphore(%arg15 : memref<!tpu.dma_semaphore, #tpu.memory_space<semaphore_mem>>) src(%dma_wait3A_81 : memref<10240x64xf32, #tpu.memory_space<hbm>>) dst(%arg9 : memref<128x64xf32, #tpu.memory_space<vmem>>)
    %dma_start3A_82 = arith.constant 155 : i32
    %dma_start3A_83 = arith.constant 0 : i32
    %dma_start3A_84 = tpu.memref_slice %arg8[%dma_start3A_82, %dma_start3A_83] : memref<160x128xi32, #tpu.memory_space<vmem>> -> memref<1x128xi32, #tpu.memory_space<vmem>>
    %dma_start3A_85 = tpu.memref_squeeze %dma_start3A_84 : memref<1x128xi32, #tpu.memory_space<vmem>> -> memref<128xi32, #tpu.memory_space<vmem>>
    %dma_start3A_86 = arith.constant 0 : i32
    %dma_start3A_87 = arith.constant 0 : i32
    %dma_start3A_88 = tpu.memref_slice %arg14[%dma_start3A_86, %dma_start3A_87] : memref<10240x64xf32, #tpu.memory_space<vmem_shared>> -> memref<10240x64xf32, #tpu.memory_space<vmem_shared>>
    tpu.enqueue_indirect_dma source(%arg9 : memref<128x64xf32, #tpu.memory_space<vmem>>) target(%dma_start3A_88 : memref<10240x64xf32, #tpu.memory_space<vmem_shared>>) offsets(%dma_start3A_85 : memref<128xi32, #tpu.memory_space<vmem>>) semaphore(%arg20 : memref<!tpu.dma_semaphore, #tpu.memory_space<semaphore_mem>>) {add = true}
    %dma_wait3A_89 = arith.constant 156 : i32
    %dma_wait3A_90 = arith.constant 0 : i32
    %dma_wait3A_91 = tpu.memref_slice %arg7[%dma_wait3A_89, %dma_wait3A_90] : memref<160x128xi32, #tpu.memory_space<vmem>> -> memref<1x128xi32, #tpu.memory_space<vmem>>
    %dma_wait3A_92 = tpu.memref_squeeze %dma_wait3A_91 : memref<1x128xi32, #tpu.memory_space<vmem>> -> memref<128xi32, #tpu.memory_space<vmem>>
    %dma_wait3A_93 = arith.constant 0 : i32
    %dma_wait3A_94 = arith.constant 0 : i32
    %dma_wait3A_95 = tpu.memref_slice %arg2[%dma_wait3A_93, %dma_wait3A_94] : memref<10240x64xf32, #tpu.memory_space<hbm>> -> memref<10240x64xf32, #tpu.memory_space<hbm>>
    tpu.wait_indirect_dma semaphore(%arg16 : memref<!tpu.dma_semaphore, #tpu.memory_space<semaphore_mem>>) src(%dma_wait3A_95 : memref<10240x64xf32, #tpu.memory_space<hbm>>) dst(%arg10 : memref<128x64xf32, #tpu.memory_space<vmem>>)
    %dma_start3A_96 = arith.constant 156 : i32
    %dma_start3A_97 = arith.constant 0 : i32
    %dma_start3A_98 = tpu.memref_slice %arg8[%dma_start3A_96, %dma_start3A_97] : memref<160x128xi32, #tpu.memory_space<vmem>> -> memref<1x128xi32, #tpu.memory_space<vmem>>
    %dma_start3A_99 = tpu.memref_squeeze %dma_start3A_98 : memref<1x128xi32, #tpu.memory_space<vmem>> -> memref<128xi32, #tpu.memory_space<vmem>>
    %dma_start3A_100 = arith.constant 0 : i32
    %dma_start3A_101 = arith.constant 0 : i32
    %dma_start3A_102 = tpu.memref_slice %arg14[%dma_start3A_100, %dma_start3A_101] : memref<10240x64xf32, #tpu.memory_space<vmem_shared>> -> memref<10240x64xf32, #tpu.memory_space<vmem_shared>>
    tpu.enqueue_indirect_dma source(%arg10 : memref<128x64xf32, #tpu.memory_space<vmem>>) target(%dma_start3A_102 : memref<10240x64xf32, #tpu.memory_space<vmem_shared>>) offsets(%dma_start3A_99 : memref<128xi32, #tpu.memory_space<vmem>>) semaphore(%arg21 : memref<!tpu.dma_semaphore, #tpu.memory_space<semaphore_mem>>) {add = true}
    %dma_wait3A_103 = arith.constant 157 : i32
    %dma_wait3A_104 = arith.constant 0 : i32
    %dma_wait3A_105 = tpu.memref_slice %arg7[%dma_wait3A_103, %dma_wait3A_104] : memref<160x128xi32, #tpu.memory_space<vmem>> -> memref<1x128xi32, #tpu.memory_space<vmem>>
    %dma_wait3A_106 = tpu.memref_squeeze %dma_wait3A_105 : memref<1x128xi32, #tpu.memory_space<vmem>> -> memref<128xi32, #tpu.memory_space<vmem>>
    %dma_wait3A_107 = arith.constant 0 : i32
    %dma_wait3A_108 = arith.constant 0 : i32
    %dma_wait3A_109 = tpu.memref_slice %arg2[%dma_wait3A_107, %dma_wait3A_108] : memref<10240x64xf32, #tpu.memory_space<hbm>> -> memref<10240x64xf32, #tpu.memory_space<hbm>>
    tpu.wait_indirect_dma semaphore(%arg17 : memref<!tpu.dma_semaphore, #tpu.memory_space<semaphore_mem>>) src(%dma_wait3A_109 : memref<10240x64xf32, #tpu.memory_space<hbm>>) dst(%arg11 : memref<128x64xf32, #tpu.memory_space<vmem>>)
    %dma_start3A_110 = arith.constant 157 : i32
    %dma_start3A_111 = arith.constant 0 : i32
    %dma_start3A_112 = tpu.memref_slice %arg8[%dma_start3A_110, %dma_start3A_111] : memref<160x128xi32, #tpu.memory_space<vmem>> -> memref<1x128xi32, #tpu.memory_space<vmem>>
    %dma_start3A_113 = tpu.memref_squeeze %dma_start3A_112 : memref<1x128xi32, #tpu.memory_space<vmem>> -> memref<128xi32, #tpu.memory_space<vmem>>
    %dma_start3A_114 = arith.constant 0 : i32
    %dma_start3A_115 = arith.constant 0 : i32
    %dma_start3A_116 = tpu.memref_slice %arg14[%dma_start3A_114, %dma_start3A_115] : memref<10240x64xf32, #tpu.memory_space<vmem_shared>> -> memref<10240x64xf32, #tpu.memory_space<vmem_shared>>
    tpu.enqueue_indirect_dma source(%arg11 : memref<128x64xf32, #tpu.memory_space<vmem>>) target(%dma_start3A_116 : memref<10240x64xf32, #tpu.memory_space<vmem_shared>>) offsets(%dma_start3A_113 : memref<128xi32, #tpu.memory_space<vmem>>) semaphore(%arg22 : memref<!tpu.dma_semaphore, #tpu.memory_space<semaphore_mem>>) {add = true}
    %dma_wait3A_117 = arith.constant 158 : i32
    %dma_wait3A_118 = arith.constant 0 : i32
    %dma_wait3A_119 = tpu.memref_slice %arg7[%dma_wait3A_117, %dma_wait3A_118] : memref<160x128xi32, #tpu.memory_space<vmem>> -> memref<1x128xi32, #tpu.memory_space<vmem>>
    %dma_wait3A_120 = tpu.memref_squeeze %dma_wait3A_119 : memref<1x128xi32, #tpu.memory_space<vmem>> -> memref<128xi32, #tpu.memory_space<vmem>>
    %dma_wait3A_121 = arith.constant 0 : i32
    %dma_wait3A_122 = arith.constant 0 : i32
    %dma_wait3A_123 = tpu.memref_slice %arg2[%dma_wait3A_121, %dma_wait3A_122] : memref<10240x64xf32, #tpu.memory_space<hbm>> -> memref<10240x64xf32, #tpu.memory_space<hbm>>
    tpu.wait_indirect_dma semaphore(%arg18 : memref<!tpu.dma_semaphore, #tpu.memory_space<semaphore_mem>>) src(%dma_wait3A_123 : memref<10240x64xf32, #tpu.memory_space<hbm>>) dst(%arg12 : memref<128x64xf32, #tpu.memory_space<vmem>>)
    %dma_start3A_124 = arith.constant 158 : i32
    %dma_start3A_125 = arith.constant 0 : i32
    %dma_start3A_126 = tpu.memref_slice %arg8[%dma_start3A_124, %dma_start3A_125] : memref<160x128xi32, #tpu.memory_space<vmem>> -> memref<1x128xi32, #tpu.memory_space<vmem>>
    %dma_start3A_127 = tpu.memref_squeeze %dma_start3A_126 : memref<1x128xi32, #tpu.memory_space<vmem>> -> memref<128xi32, #tpu.memory_space<vmem>>
    %dma_start3A_128 = arith.constant 0 : i32
    %dma_start3A_129 = arith.constant 0 : i32
    %dma_start3A_130 = tpu.memref_slice %arg14[%dma_start3A_128, %dma_start3A_129] : memref<10240x64xf32, #tpu.memory_space<vmem_shared>> -> memref<10240x64xf32, #tpu.memory_space<vmem_shared>>
    tpu.enqueue_indirect_dma source(%arg12 : memref<128x64xf32, #tpu.memory_space<vmem>>) target(%dma_start3A_130 : memref<10240x64xf32, #tpu.memory_space<vmem_shared>>) offsets(%dma_start3A_127 : memref<128xi32, #tpu.memory_space<vmem>>) semaphore(%arg23 : memref<!tpu.dma_semaphore, #tpu.memory_space<semaphore_mem>>) {add = true}
    %dma_wait3A_131 = arith.constant 159 : i32
    %dma_wait3A_132 = arith.constant 0 : i32
    %dma_wait3A_133 = tpu.memref_slice %arg7[%dma_wait3A_131, %dma_wait3A_132] : memref<160x128xi32, #tpu.memory_space<vmem>> -> memref<1x128xi32, #tpu.memory_space<vmem>>
    %dma_wait3A_134 = tpu.memref_squeeze %dma_wait3A_133 : memref<1x128xi32, #tpu.memory_space<vmem>> -> memref<128xi32, #tpu.memory_space<vmem>>
    %dma_wait3A_135 = arith.constant 0 : i32
    %dma_wait3A_136 = arith.constant 0 : i32
    %dma_wait3A_137 = tpu.memref_slice %arg2[%dma_wait3A_135, %dma_wait3A_136] : memref<10240x64xf32, #tpu.memory_space<hbm>> -> memref<10240x64xf32, #tpu.memory_space<hbm>>
    tpu.wait_indirect_dma semaphore(%arg19 : memref<!tpu.dma_semaphore, #tpu.memory_space<semaphore_mem>>) src(%dma_wait3A_137 : memref<10240x64xf32, #tpu.memory_space<hbm>>) dst(%arg13 : memref<128x64xf32, #tpu.memory_space<vmem>>)
    %dma_start3A_138 = arith.constant 159 : i32
    %dma_start3A_139 = arith.constant 0 : i32
    %dma_start3A_140 = tpu.memref_slice %arg8[%dma_start3A_138, %dma_start3A_139] : memref<160x128xi32, #tpu.memory_space<vmem>> -> memref<1x128xi32, #tpu.memory_space<vmem>>
    %dma_start3A_141 = tpu.memref_squeeze %dma_start3A_140 : memref<1x128xi32, #tpu.memory_space<vmem>> -> memref<128xi32, #tpu.memory_space<vmem>>
    %dma_start3A_142 = arith.constant 0 : i32
    %dma_start3A_143 = arith.constant 0 : i32
    %dma_start3A_144 = tpu.memref_slice %arg14[%dma_start3A_142, %dma_start3A_143] : memref<10240x64xf32, #tpu.memory_space<vmem_shared>> -> memref<10240x64xf32, #tpu.memory_space<vmem_shared>>
    tpu.enqueue_indirect_dma source(%arg13 : memref<128x64xf32, #tpu.memory_space<vmem>>) target(%dma_start3A_144 : memref<10240x64xf32, #tpu.memory_space<vmem_shared>>) offsets(%dma_start3A_141 : memref<128xi32, #tpu.memory_space<vmem>>) semaphore(%arg24 : memref<!tpu.dma_semaphore, #tpu.memory_space<semaphore_mem>>) {add = true}
    %dma_wait3A_145 = arith.constant 155 : i32
    %dma_wait3A_146 = arith.constant 0 : i32
    %dma_wait3A_147 = tpu.memref_slice %arg8[%dma_wait3A_145, %dma_wait3A_146] : memref<160x128xi32, #tpu.memory_space<vmem>> -> memref<1x128xi32, #tpu.memory_space<vmem>>
    %dma_wait3A_148 = tpu.memref_squeeze %dma_wait3A_147 : memref<1x128xi32, #tpu.memory_space<vmem>> -> memref<128xi32, #tpu.memory_space<vmem>>
    %dma_wait3A_149 = arith.constant 0 : i32
    %dma_wait3A_150 = arith.constant 0 : i32
    %dma_wait3A_151 = tpu.memref_slice %arg14[%dma_wait3A_149, %dma_wait3A_150] : memref<10240x64xf32, #tpu.memory_space<vmem_shared>> -> memref<10240x64xf32, #tpu.memory_space<vmem_shared>>
    tpu.wait_indirect_dma semaphore(%arg20 : memref<!tpu.dma_semaphore, #tpu.memory_space<semaphore_mem>>) src(%arg9 : memref<128x64xf32, #tpu.memory_space<vmem>>) dst(%dma_wait3A_151 : memref<10240x64xf32, #tpu.memory_space<vmem_shared>>)
    %dma_wait3A_152 = arith.constant 156 : i32
    %dma_wait3A_153 = arith.constant 0 : i32
    %dma_wait3A_154 = tpu.memref_slice %arg8[%dma_wait3A_152, %dma_wait3A_153] : memref<160x128xi32, #tpu.memory_space<vmem>> -> memref<1x128xi32, #tpu.memory_space<vmem>>
    %dma_wait3A_155 = tpu.memref_squeeze %dma_wait3A_154 : memref<1x128xi32, #tpu.memory_space<vmem>> -> memref<128xi32, #tpu.memory_space<vmem>>
    %dma_wait3A_156 = arith.constant 0 : i32
    %dma_wait3A_157 = arith.constant 0 : i32
    %dma_wait3A_158 = tpu.memref_slice %arg14[%dma_wait3A_156, %dma_wait3A_157] : memref<10240x64xf32, #tpu.memory_space<vmem_shared>> -> memref<10240x64xf32, #tpu.memory_space<vmem_shared>>
    tpu.wait_indirect_dma semaphore(%arg21 : memref<!tpu.dma_semaphore, #tpu.memory_space<semaphore_mem>>) src(%arg10 : memref<128x64xf32, #tpu.memory_space<vmem>>) dst(%dma_wait3A_158 : memref<10240x64xf32, #tpu.memory_space<vmem_shared>>)
    %dma_wait3A_159 = arith.constant 157 : i32
    %dma_wait3A_160 = arith.constant 0 : i32
    %dma_wait3A_161 = tpu.memref_slice %arg8[%dma_wait3A_159, %dma_wait3A_160] : memref<160x128xi32, #tpu.memory_space<vmem>> -> memref<1x128xi32, #tpu.memory_space<vmem>>
    %dma_wait3A_162 = tpu.memref_squeeze %dma_wait3A_161 : memref<1x128xi32, #tpu.memory_space<vmem>> -> memref<128xi32, #tpu.memory_space<vmem>>
    %dma_wait3A_163 = arith.constant 0 : i32
    %dma_wait3A_164 = arith.constant 0 : i32
    %dma_wait3A_165 = tpu.memref_slice %arg14[%dma_wait3A_163, %dma_wait3A_164] : memref<10240x64xf32, #tpu.memory_space<vmem_shared>> -> memref<10240x64xf32, #tpu.memory_space<vmem_shared>>
    tpu.wait_indirect_dma semaphore(%arg22 : memref<!tpu.dma_semaphore, #tpu.memory_space<semaphore_mem>>) src(%arg11 : memref<128x64xf32, #tpu.memory_space<vmem>>) dst(%dma_wait3A_165 : memref<10240x64xf32, #tpu.memory_space<vmem_shared>>)
    %dma_wait3A_166 = arith.constant 158 : i32
    %dma_wait3A_167 = arith.constant 0 : i32
    %dma_wait3A_168 = tpu.memref_slice %arg8[%dma_wait3A_166, %dma_wait3A_167] : memref<160x128xi32, #tpu.memory_space<vmem>> -> memref<1x128xi32, #tpu.memory_space<vmem>>
    %dma_wait3A_169 = tpu.memref_squeeze %dma_wait3A_168 : memref<1x128xi32, #tpu.memory_space<vmem>> -> memref<128xi32, #tpu.memory_space<vmem>>
    %dma_wait3A_170 = arith.constant 0 : i32
    %dma_wait3A_171 = arith.constant 0 : i32
    %dma_wait3A_172 = tpu.memref_slice %arg14[%dma_wait3A_170, %dma_wait3A_171] : memref<10240x64xf32, #tpu.memory_space<vmem_shared>> -> memref<10240x64xf32, #tpu.memory_space<vmem_shared>>
    tpu.wait_indirect_dma semaphore(%arg23 : memref<!tpu.dma_semaphore, #tpu.memory_space<semaphore_mem>>) src(%arg12 : memref<128x64xf32, #tpu.memory_space<vmem>>) dst(%dma_wait3A_172 : memref<10240x64xf32, #tpu.memory_space<vmem_shared>>)
    %dma_wait3A_173 = arith.constant 159 : i32
    %dma_wait3A_174 = arith.constant 0 : i32
    %dma_wait3A_175 = tpu.memref_slice %arg8[%dma_wait3A_173, %dma_wait3A_174] : memref<160x128xi32, #tpu.memory_space<vmem>> -> memref<1x128xi32, #tpu.memory_space<vmem>>
    %dma_wait3A_176 = tpu.memref_squeeze %dma_wait3A_175 : memref<1x128xi32, #tpu.memory_space<vmem>> -> memref<128xi32, #tpu.memory_space<vmem>>
    %dma_wait3A_177 = arith.constant 0 : i32
    %dma_wait3A_178 = arith.constant 0 : i32
    %dma_wait3A_179 = tpu.memref_slice %arg14[%dma_wait3A_177, %dma_wait3A_178] : memref<10240x64xf32, #tpu.memory_space<vmem_shared>> -> memref<10240x64xf32, #tpu.memory_space<vmem_shared>>
    tpu.wait_indirect_dma semaphore(%arg24 : memref<!tpu.dma_semaphore, #tpu.memory_space<semaphore_mem>>) src(%arg13 : memref<128x64xf32, #tpu.memory_space<vmem>>) dst(%dma_wait3A_179 : memref<10240x64xf32, #tpu.memory_space<vmem_shared>>)
    %barrier3A_180 = arith.constant 0 : index
    tpu.barrier barrier_id(%barrier3A_180)
    %mul3A_181 = arith.constant 640 : i32
    %mul3A_182 = arith.muli %arg1, %mul3A_181 : i32
    %mul3A_183 = arith.constant 640 : i32
    %mul3A_184 = arith.muli %arg1, %mul3A_183 : i32
    "tpu.region"() ({
      %run_scoped3A = tpu.sem_alloc : memref<!tpu.dma_semaphore, #tpu.memory_space<semaphore_mem>>
      %dma_start3A_185 = arith.constant 0 : i32
      %dma_start3A_186 = tpu.memref_slice %arg6[%mul3A_184, %dma_start3A_185] : memref<10240x64xf32, #tpu.memory_space<hbm>> -> memref<640x64xf32, #tpu.memory_space<hbm>>
      %dma_start3A_187 = arith.constant 0 : i32
      %dma_start3A_188 = tpu.memref_slice %arg14[%mul3A_182, %dma_start3A_187] : memref<10240x64xf32, #tpu.memory_space<vmem_shared>> -> memref<640x64xf32, #tpu.memory_space<vmem_shared>>
      tpu.enqueue_dma source(%dma_start3A_188 : memref<640x64xf32, #tpu.memory_space<vmem_shared>>) target(%dma_start3A_186 : memref<640x64xf32, #tpu.memory_space<hbm>>) target_semaphore(%run_scoped3A : memref<!tpu.dma_semaphore, #tpu.memory_space<semaphore_mem>>)
      %dma_wait3A_189 = arith.constant 0 : i32
      %dma_wait3A_190 = tpu.memref_slice %arg6[%mul3A_184, %dma_wait3A_189] : memref<10240x64xf32, #tpu.memory_space<hbm>> -> memref<640x64xf32, #tpu.memory_space<hbm>>
      %dma_wait3A_191 = arith.constant 0 : i32
      %dma_wait3A_192 = tpu.memref_slice %arg14[%mul3A_182, %dma_wait3A_191] : memref<10240x64xf32, #tpu.memory_space<vmem_shared>> -> memref<640x64xf32, #tpu.memory_space<vmem_shared>>
      tpu.wait_dma2 semaphore(%run_scoped3A : memref<!tpu.dma_semaphore, #tpu.memory_space<semaphore_mem>>) src(%dma_wait3A_192 : memref<640x64xf32, #tpu.memory_space<vmem_shared>>) dst(%dma_wait3A_190 : memref<640x64xf32, #tpu.memory_space<hbm>>)
      tpu.yield
    }) : () -> ()
    return
  }
}

module attributes {stable_mosaic.version = 14 : i64} {
  func.func @_tc1_body(%arg0: i32, %arg1: memref<1024x128xf32, #tpu.memory_space<vmem>>, %arg2: memref<1024x1xf32, #tpu.memory_space<vmem>>, %arg3: memref<128x192xf32, #tpu.memory_space<vmem>>, %arg4: memref<1x64xf32, #tpu.memory_space<vmem>>, %arg5: memref<1024x64xf32, #tpu.memory_space<vmem>>, %arg6: memref<1024x64xf32, #tpu.memory_space<vmem>>, %arg7: memref<1024x64xf32, #tpu.memory_space<vmem>>, %arg8: memref<1024x1xf32, #tpu.memory_space<vmem>>) attributes {dimension_semantics = [#tpu.dimension_semantics<arbitrary>], iteration_bounds = array<i64: 10>, scalar_prefetch = 0 : i64, scratch_operands = 0 : i64, tpu.core_type = #tpu.core_type<tc>, window_params = [{transform_indices = @transform_0, window_bounds = array<i64: 1024, 128>}, {transform_indices = @transform_1, window_bounds = array<i64: 1024, 1>}, {pipeline_mode = #tpu.pipeline_mode<synchronous>, transform_indices = @transform_2, window_bounds = array<i64: 128, 192>}, {pipeline_mode = #tpu.pipeline_mode<synchronous>, transform_indices = @transform_3, window_bounds = array<i64: 1, 64>}, {transform_indices = @transform_4, window_bounds = array<i64: 1024, 64>}, {transform_indices = @transform_5, window_bounds = array<i64: 1024, 64>}, {transform_indices = @transform_6, window_bounds = array<i64: 1024, 64>}, {transform_indices = @transform_7, window_bounds = array<i64: 1024, 1>}]} {
    %get3A = arith.constant 0 : index
    %get3A_0 = arith.constant 0 : index
    %get3A_1 = vector.load %arg2[%get3A, %get3A_0] : memref<1024x1xf32, #tpu.memory_space<vmem>>, vector<1024x1xf32>
    %gt3A = arith.constant 0.000000e+00 : f32
    %gt3A_2 = vector.broadcast %gt3A : f32 to vector<1024x1xf32>
    %gt3A_3 = arith.cmpf ogt, %get3A_1, %gt3A_2 : vector<1024x1xf32>
    %max3A = arith.constant 9.99999996E-13 : f32
    %max3A_4 = vector.broadcast %max3A : f32 to vector<1024x1xf32>
    %max3A_5 = arith.maximumf %get3A_1, %max3A_4 : vector<1024x1xf32>
    %rsqrt3A = math.rsqrt %max3A_5 : vector<1024x1xf32>
    %jit3A = arith.constant 0.000000e+00 : f32
    %broadcast_in_dim3A = vector.broadcast %jit3A : f32 to vector<1024x1xf32>
    %select_n3A = arith.select %gt3A_3, %rsqrt3A, %broadcast_in_dim3A : vector<1024x1xi1>, vector<1024x1xf32>
    %get3A_6 = arith.constant 0 : index
    %get3A_7 = arith.constant 0 : index
    %get3A_8 = vector.load %arg1[%get3A_6, %get3A_7] : memref<1024x128xf32, #tpu.memory_space<vmem>>, vector<1024x128xf32>
    %get3A_9 = arith.constant 0 : index
    %get3A_10 = arith.constant 0 : index
    %get3A_11 = vector.load %arg3[%get3A_9, %get3A_10] : memref<128x192xf32, #tpu.memory_space<vmem>>, vector<128x192xf32>
    %dot_general3A = arith.constant dense<0.000000e+00> : vector<1024x192xf32>
    %dot_general3A_12 = tpu.matmul %get3A_8, %get3A_11, %dot_general3A {dimension_numbers = #tpu.dot_dimension_numbers<[1], [0], [0], [1], [0, 0, 1, 1], [], []>, transpose_lhs_hint = false} : vector<1024x128xf32>, vector<128x192xf32>, vector<1024x192xf32> -> vector<1024x192xf32>
    %slice3A = vector.extract_strided_slice %dot_general3A_12 {offsets = [0, 0], sizes = [1024, 64], strides = [1, 1]} : vector<1024x192xf32> to vector<1024x64xf32>
    %slice3A_13 = vector.extract_strided_slice %dot_general3A_12 {offsets = [0, 64], sizes = [1024, 64], strides = [1, 1]} : vector<1024x192xf32> to vector<1024x64xf32>
    %slice3A_14 = vector.extract_strided_slice %dot_general3A_12 {offsets = [0, 128], sizes = [1024, 64], strides = [1, 1]} : vector<1024x192xf32> to vector<1024x64xf32>
    %mul3A = vector.broadcast %select_n3A : vector<1024x1xf32> to vector<1024x64xf32>
    %mul3A_15 = arith.mulf %mul3A, %slice3A : vector<1024x64xf32>
    %swap3A = arith.constant 0 : index
    %swap3A_16 = arith.constant 0 : index
    %swap3A_17 = vector.load %arg5[%swap3A, %swap3A_16] : memref<1024x64xf32, #tpu.memory_space<vmem>>, vector<1024x64xf32>
    tpu.vector_store %arg5[%swap3A, %swap3A_16], %mul3A_15 {strides = array<i32>} : memref<1024x64xf32, #tpu.memory_space<vmem>>, vector<1024x64xf32>,
    %mul3A_18 = vector.broadcast %select_n3A : vector<1024x1xf32> to vector<1024x64xf32>
    %mul3A_19 = arith.mulf %mul3A_18, %slice3A_13 : vector<1024x64xf32>
    %swap3A_20 = arith.constant 0 : index
    %swap3A_21 = arith.constant 0 : index
    %swap3A_22 = vector.load %arg6[%swap3A_20, %swap3A_21] : memref<1024x64xf32, #tpu.memory_space<vmem>>, vector<1024x64xf32>
    tpu.vector_store %arg6[%swap3A_20, %swap3A_21], %mul3A_19 {strides = array<i32>} : memref<1024x64xf32, #tpu.memory_space<vmem>>, vector<1024x64xf32>,
    %get3A_23 = arith.constant 0 : index
    %get3A_24 = arith.constant 0 : index
    %get3A_25 = vector.load %arg4[%get3A_23, %get3A_24] : memref<1x64xf32, #tpu.memory_space<vmem>>, vector<1x64xf32>
    %add3A = vector.broadcast %get3A_25 : vector<1x64xf32> to vector<1024x64xf32>
    %add3A_26 = arith.addf %slice3A_14, %add3A : vector<1024x64xf32>
    %sub3A = arith.subf %add3A_26, %slice3A : vector<1024x64xf32>
    %swap3A_27 = arith.constant 0 : index
    %swap3A_28 = arith.constant 0 : index
    %swap3A_29 = vector.load %arg7[%swap3A_27, %swap3A_28] : memref<1024x64xf32, #tpu.memory_space<vmem>>, vector<1024x64xf32>
    tpu.vector_store %arg7[%swap3A_27, %swap3A_28], %sub3A {strides = array<i32>} : memref<1024x64xf32, #tpu.memory_space<vmem>>, vector<1024x64xf32>,
    %swap3A_30 = arith.constant 0 : index
    %swap3A_31 = arith.constant 0 : index
    %swap3A_32 = vector.load %arg8[%swap3A_30, %swap3A_31] : memref<1024x1xf32, #tpu.memory_space<vmem>>, vector<1024x1xf32>
    tpu.vector_store %arg8[%swap3A_30, %swap3A_31], %select_n3A {strides = array<i32>} : memref<1024x1xf32, #tpu.memory_space<vmem>>, vector<1024x1xf32>,
    return
  }
  func.func @transform_0(%arg0: i32) -> (i32, i32) {
    %c0_i32 = arith.constant 0 : i32
    %c0_i32_0 = arith.constant 0 : i32
    return %arg0, %c0_i32 : i32, i32
  }
  func.func @transform_1(%arg0: i32) -> (i32, i32) {
    %c0_i32 = arith.constant 0 : i32
    %c0_i32_0 = arith.constant 0 : i32
    return %arg0, %c0_i32 : i32, i32
  }
  func.func @transform_2(%arg0: i32) -> (i32, i32) {
    %c0_i32 = arith.constant 0 : i32
    %c0_i32_0 = arith.constant 0 : i32
    %c0_i32_1 = arith.constant 0 : i32
    return %c0_i32, %c0_i32_0 : i32, i32
  }
  func.func @transform_3(%arg0: i32) -> (i32, i32) {
    %c0_i32 = arith.constant 0 : i32
    %c0_i32_0 = arith.constant 0 : i32
    %c0_i32_1 = arith.constant 0 : i32
    return %c0_i32, %c0_i32_0 : i32, i32
  }
  func.func @transform_4(%arg0: i32) -> (i32, i32) {
    %c0_i32 = arith.constant 0 : i32
    %c0_i32_0 = arith.constant 0 : i32
    return %arg0, %c0_i32 : i32, i32
  }
  func.func @transform_5(%arg0: i32) -> (i32, i32) {
    %c0_i32 = arith.constant 0 : i32
    %c0_i32_0 = arith.constant 0 : i32
    return %arg0, %c0_i32 : i32, i32
  }
  func.func @transform_6(%arg0: i32) -> (i32, i32) {
    %c0_i32 = arith.constant 0 : i32
    %c0_i32_0 = arith.constant 0 : i32
    return %arg0, %c0_i32 : i32, i32
  }
  func.func @transform_7(%arg0: i32) -> (i32, i32) {
    %c0_i32 = arith.constant 0 : i32
    %c0_i32_0 = arith.constant 0 : i32
    return %arg0, %c0_i32 : i32, i32
  }
}

module attributes {stable_mosaic.version = 14 : i64} {
  func.func @_tcq_body(%arg0: i32, %arg1: memref<1024x64xf32, #tpu.memory_space<vmem>>, %arg2: memref<1024x64xf32, #tpu.memory_space<vmem>>, %arg3: memref<1024x1xf32, #tpu.memory_space<vmem>>, %arg4: memref<1024x64xf32, #tpu.memory_space<vmem>>) attributes {dimension_semantics = [#tpu.dimension_semantics<arbitrary>], iteration_bounds = array<i64: 10>, scalar_prefetch = 0 : i64, scratch_operands = 0 : i64, tpu.core_type = #tpu.core_type<tc>, window_params = [{transform_indices = @transform_0, window_bounds = array<i64: 1024, 64>}, {transform_indices = @transform_1, window_bounds = array<i64: 1024, 64>}, {transform_indices = @transform_2, window_bounds = array<i64: 1024, 1>}, {transform_indices = @transform_3, window_bounds = array<i64: 1024, 64>}]} {
    %get3A = arith.constant 0 : index
    %get3A_0 = arith.constant 0 : index
    %get3A_1 = vector.load %arg3[%get3A, %get3A_0] : memref<1024x1xf32, #tpu.memory_space<vmem>>, vector<1024x1xf32>
    %get3A_2 = arith.constant 0 : index
    %get3A_3 = arith.constant 0 : index
    %get3A_4 = vector.load %arg2[%get3A_2, %get3A_3] : memref<1024x64xf32, #tpu.memory_space<vmem>>, vector<1024x64xf32>
    %mul3A = arith.constant 2.000000e+00 : f32
    %mul3A_5 = vector.broadcast %mul3A : f32 to vector<1024x1xf32>
    %mul3A_6 = arith.mulf %mul3A_5, %get3A_1 : vector<1024x1xf32>
    %mul3A_7 = arith.mulf %mul3A_6, %get3A_1 : vector<1024x1xf32>
    %get3A_8 = arith.constant 0 : index
    %get3A_9 = arith.constant 0 : index
    %get3A_10 = vector.load %arg1[%get3A_8, %get3A_9] : memref<1024x64xf32, #tpu.memory_space<vmem>>, vector<1024x64xf32>
    %mul3A_11 = vector.broadcast %mul3A_7 : vector<1024x1xf32> to vector<1024x64xf32>
    %mul3A_12 = arith.mulf %mul3A_11, %get3A_10 : vector<1024x64xf32>
    %sub3A = arith.subf %get3A_4, %mul3A_12 : vector<1024x64xf32>
    %swap3A = arith.constant 0 : index
    %swap3A_13 = arith.constant 0 : index
    %swap3A_14 = vector.load %arg4[%swap3A, %swap3A_13] : memref<1024x64xf32, #tpu.memory_space<vmem>>, vector<1024x64xf32>
    tpu.vector_store %arg4[%swap3A, %swap3A_13], %sub3A {strides = array<i32>} : memref<1024x64xf32, #tpu.memory_space<vmem>>, vector<1024x64xf32>,
    return
  }
  func.func @transform_0(%arg0: i32) -> (i32, i32) {
    %c0_i32 = arith.constant 0 : i32
    %c0_i32_0 = arith.constant 0 : i32
    return %arg0, %c0_i32 : i32, i32
  }
  func.func @transform_1(%arg0: i32) -> (i32, i32) {
    %c0_i32 = arith.constant 0 : i32
    %c0_i32_0 = arith.constant 0 : i32
    return %arg0, %c0_i32 : i32, i32
  }
  func.func @transform_2(%arg0: i32) -> (i32, i32) {
    %c0_i32 = arith.constant 0 : i32
    %c0_i32_0 = arith.constant 0 : i32
    return %arg0, %c0_i32 : i32, i32
  }
  func.func @transform_3(%arg0: i32) -> (i32, i32) {
    %c0_i32 = arith.constant 0 : i32
    %c0_i32_0 = arith.constant 0 : i32
    return %arg0, %c0_i32 : i32, i32
  }
}

module attributes {stable_mosaic.version = 14 : i64} {
  func.func @_tc3_body(%arg0: i32, %arg1: memref<1024x64xf32, #tpu.memory_space<vmem>>, %arg2: memref<1024x64xf32, #tpu.memory_space<vmem>>, %arg3: memref<1024x1xf32, #tpu.memory_space<vmem>>, %arg4: memref<32x192xf32, #tpu.memory_space<vmem>>, %arg5: memref<1x64xf32, #tpu.memory_space<vmem>>, %arg6: memref<1024x64xf32, #tpu.memory_space<vmem>>, %arg7: memref<1024x64xf32, #tpu.memory_space<vmem>>, %arg8: memref<1024x64xf32, #tpu.memory_space<vmem>>) attributes {dimension_semantics = [#tpu.dimension_semantics<arbitrary>], iteration_bounds = array<i64: 10>, scalar_prefetch = 0 : i64, scratch_operands = 0 : i64, tpu.core_type = #tpu.core_type<tc>, window_params = [{transform_indices = @transform_0, window_bounds = array<i64: 1024, 64>}, {transform_indices = @transform_1, window_bounds = array<i64: 1024, 64>}, {transform_indices = @transform_2, window_bounds = array<i64: 1024, 1>}, {pipeline_mode = #tpu.pipeline_mode<synchronous>, transform_indices = @transform_3, window_bounds = array<i64: 32, 192>}, {pipeline_mode = #tpu.pipeline_mode<synchronous>, transform_indices = @transform_4, window_bounds = array<i64: 1, 64>}, {transform_indices = @transform_5, window_bounds = array<i64: 1024, 64>}, {transform_indices = @transform_6, window_bounds = array<i64: 1024, 64>}, {transform_indices = @transform_7, window_bounds = array<i64: 1024, 64>}]} {
    %get3A = arith.constant 0 : index
    %get3A_0 = arith.constant 0 : index
    %get3A_1 = vector.load %arg1[%get3A, %get3A_0] : memref<1024x64xf32, #tpu.memory_space<vmem>>, vector<1024x64xf32>
    %get3A_2 = arith.constant 0 : index
    %get3A_3 = arith.constant 0 : index
    %get3A_4 = vector.load %arg2[%get3A_2, %get3A_3] : memref<1024x64xf32, #tpu.memory_space<vmem>>, vector<1024x64xf32>
    %get3A_5 = arith.constant 0 : index
    %get3A_6 = arith.constant 0 : index
    %get3A_7 = vector.load %arg3[%get3A_5, %get3A_6] : memref<1024x1xf32, #tpu.memory_space<vmem>>, vector<1024x1xf32>
    %mul3A = vector.broadcast %get3A_7 : vector<1024x1xf32> to vector<1024x64xf32>
    %mul3A_8 = arith.mulf %mul3A, %get3A_4 : vector<1024x64xf32>
    %sub3A = arith.subf %get3A_1, %mul3A_8 : vector<1024x64xf32>
    %slice3A = vector.extract_strided_slice %sub3A {offsets = [0, 0], sizes = [1024, 32], strides = [1, 1]} : vector<1024x64xf32> to vector<1024x32xf32>
    %logistic3A = arith.negf %slice3A : vector<1024x32xf32>
    %logistic3A_9 = math.exp %logistic3A : vector<1024x32xf32>
    %logistic3A_10 = arith.constant 1.000000e+00 : f32
    %logistic3A_11 = vector.broadcast %logistic3A_10 : f32 to vector<1024x32xf32>
    %logistic3A_12 = arith.addf %logistic3A_11, %logistic3A_9 : vector<1024x32xf32>
    %logistic3A_13 = arith.divf %logistic3A_11, %logistic3A_12 : vector<1024x32xf32>
    %slice3A_14 = vector.extract_strided_slice %sub3A {offsets = [0, 32], sizes = [1024, 32], strides = [1, 1]} : vector<1024x64xf32> to vector<1024x32xf32>
    %tanh3A = math.tanh %slice3A_14 : vector<1024x32xf32>
    %sub3A_15 = arith.constant 1.000000e+00 : f32
    %sub3A_16 = vector.broadcast %sub3A_15 : f32 to vector<1024x32xf32>
    %sub3A_17 = arith.subf %sub3A_16, %logistic3A_13 : vector<1024x32xf32>
    %mul3A_18 = arith.mulf %sub3A_17, %tanh3A : vector<1024x32xf32>
    %max3A = arith.constant 0.000000e+00 : f32
    %max3A_19 = vector.broadcast %max3A : f32 to vector<1024x32xf32>
    %max3A_20 = arith.maximumf %mul3A_18, %max3A_19 : vector<1024x32xf32>
    %get3A_21 = arith.constant 0 : index
    %get3A_22 = arith.constant 0 : index
    %get3A_23 = vector.load %arg3[%get3A_21, %get3A_22] : memref<1024x1xf32, #tpu.memory_space<vmem>>, vector<1024x1xf32>
    %get3A_24 = arith.constant 0 : index
    %get3A_25 = arith.constant 0 : index
    %get3A_26 = vector.load %arg4[%get3A_24, %get3A_25] : memref<32x192xf32, #tpu.memory_space<vmem>>, vector<32x192xf32>
    %dot_general3A = arith.constant dense<0.000000e+00> : vector<1024x192xf32>
    %dot_general3A_27 = tpu.matmul %max3A_20, %get3A_26, %dot_general3A {dimension_numbers = #tpu.dot_dimension_numbers<[1], [0], [0], [1], [0, 0, 1, 1], [], []>, transpose_lhs_hint = false} : vector<1024x32xf32>, vector<32x192xf32>, vector<1024x192xf32> -> vector<1024x192xf32>
    %slice3A_28 = vector.extract_strided_slice %dot_general3A_27 {offsets = [0, 0], sizes = [1024, 64], strides = [1, 1]} : vector<1024x192xf32> to vector<1024x64xf32>
    %slice3A_29 = vector.extract_strided_slice %dot_general3A_27 {offsets = [0, 64], sizes = [1024, 64], strides = [1, 1]} : vector<1024x192xf32> to vector<1024x64xf32>
    %slice3A_30 = vector.extract_strided_slice %dot_general3A_27 {offsets = [0, 128], sizes = [1024, 64], strides = [1, 1]} : vector<1024x192xf32> to vector<1024x64xf32>
    %mul3A_31 = vector.broadcast %get3A_23 : vector<1024x1xf32> to vector<1024x64xf32>
    %mul3A_32 = arith.mulf %mul3A_31, %slice3A_28 : vector<1024x64xf32>
    %swap3A = arith.constant 0 : index
    %swap3A_33 = arith.constant 0 : index
    %swap3A_34 = vector.load %arg6[%swap3A, %swap3A_33] : memref<1024x64xf32, #tpu.memory_space<vmem>>, vector<1024x64xf32>
    tpu.vector_store %arg6[%swap3A, %swap3A_33], %mul3A_32 {strides = array<i32>} : memref<1024x64xf32, #tpu.memory_space<vmem>>, vector<1024x64xf32>,
    %mul3A_35 = vector.broadcast %get3A_23 : vector<1024x1xf32> to vector<1024x64xf32>
    %mul3A_36 = arith.mulf %mul3A_35, %slice3A_29 : vector<1024x64xf32>
    %swap3A_37 = arith.constant 0 : index
    %swap3A_38 = arith.constant 0 : index
    %swap3A_39 = vector.load %arg7[%swap3A_37, %swap3A_38] : memref<1024x64xf32, #tpu.memory_space<vmem>>, vector<1024x64xf32>
    tpu.vector_store %arg7[%swap3A_37, %swap3A_38], %mul3A_36 {strides = array<i32>} : memref<1024x64xf32, #tpu.memory_space<vmem>>, vector<1024x64xf32>,
    %get3A_40 = arith.constant 0 : index
    %get3A_41 = arith.constant 0 : index
    %get3A_42 = vector.load %arg5[%get3A_40, %get3A_41] : memref<1x64xf32, #tpu.memory_space<vmem>>, vector<1x64xf32>
    %add3A = vector.broadcast %get3A_42 : vector<1x64xf32> to vector<1024x64xf32>
    %add3A_43 = arith.addf %slice3A_30, %add3A : vector<1024x64xf32>
    %sub3A_44 = arith.subf %add3A_43, %slice3A_28 : vector<1024x64xf32>
    %swap3A_45 = arith.constant 0 : index
    %swap3A_46 = arith.constant 0 : index
    %swap3A_47 = vector.load %arg8[%swap3A_45, %swap3A_46] : memref<1024x64xf32, #tpu.memory_space<vmem>>, vector<1024x64xf32>
    tpu.vector_store %arg8[%swap3A_45, %swap3A_46], %sub3A_44 {strides = array<i32>} : memref<1024x64xf32, #tpu.memory_space<vmem>>, vector<1024x64xf32>,
    return
  }
  func.func @transform_0(%arg0: i32) -> (i32, i32) {
    %c0_i32 = arith.constant 0 : i32
    %c0_i32_0 = arith.constant 0 : i32
    return %arg0, %c0_i32 : i32, i32
  }
  func.func @transform_1(%arg0: i32) -> (i32, i32) {
    %c0_i32 = arith.constant 0 : i32
    %c0_i32_0 = arith.constant 0 : i32
    return %arg0, %c0_i32 : i32, i32
  }
  func.func @transform_2(%arg0: i32) -> (i32, i32) {
    %c0_i32 = arith.constant 0 : i32
    %c0_i32_0 = arith.constant 0 : i32
    return %arg0, %c0_i32 : i32, i32
  }
  func.func @transform_3(%arg0: i32) -> (i32, i32) {
    %c0_i32 = arith.constant 0 : i32
    %c0_i32_0 = arith.constant 0 : i32
    %c0_i32_1 = arith.constant 0 : i32
    return %c0_i32, %c0_i32_0 : i32, i32
  }
  func.func @transform_4(%arg0: i32) -> (i32, i32) {
    %c0_i32 = arith.constant 0 : i32
    %c0_i32_0 = arith.constant 0 : i32
    %c0_i32_1 = arith.constant 0 : i32
    return %c0_i32, %c0_i32_0 : i32, i32
  }
  func.func @transform_5(%arg0: i32) -> (i32, i32) {
    %c0_i32 = arith.constant 0 : i32
    %c0_i32_0 = arith.constant 0 : i32
    return %arg0, %c0_i32 : i32, i32
  }
  func.func @transform_6(%arg0: i32) -> (i32, i32) {
    %c0_i32 = arith.constant 0 : i32
    %c0_i32_0 = arith.constant 0 : i32
    return %arg0, %c0_i32 : i32, i32
  }
  func.func @transform_7(%arg0: i32) -> (i32, i32) {
    %c0_i32 = arith.constant 0 : i32
    %c0_i32_0 = arith.constant 0 : i32
    return %arg0, %c0_i32 : i32, i32
  }
}

module attributes {stable_mosaic.version = 14 : i64} {
  func.func @_tc5_body(%arg0: i32, %arg1: memref<1024x64xf32, #tpu.memory_space<vmem>>, %arg2: memref<1024x64xf32, #tpu.memory_space<vmem>>, %arg3: memref<1024x1xf32, #tpu.memory_space<vmem>>, %arg4: memref<32x11xf32, #tpu.memory_space<vmem>>, %arg5: memref<1x11xf32, #tpu.memory_space<vmem>>, %arg6: memref<1x32xf32, #tpu.memory_space<vmem>>, %arg7: memref<1x11xf32, #tpu.memory_space<vmem>>) attributes {dimension_semantics = [#tpu.dimension_semantics<arbitrary>], iteration_bounds = array<i64: 10>, scalar_prefetch = 0 : i64, scratch_operands = 0 : i64, tpu.core_type = #tpu.core_type<tc>, window_params = [{transform_indices = @transform_0, window_bounds = array<i64: 1024, 64>}, {transform_indices = @transform_1, window_bounds = array<i64: 1024, 64>}, {transform_indices = @transform_2, window_bounds = array<i64: 1024, 1>}, {pipeline_mode = #tpu.pipeline_mode<synchronous>, transform_indices = @transform_3, window_bounds = array<i64: 32, 11>}, {pipeline_mode = #tpu.pipeline_mode<synchronous>, transform_indices = @transform_4, window_bounds = array<i64: 1, 11>}, {pipeline_mode = #tpu.pipeline_mode<synchronous>, transform_indices = @transform_5, window_bounds = array<i64: 1, 32>}, {pipeline_mode = #tpu.pipeline_mode<synchronous>, transform_indices = @transform_6, window_bounds = array<i64: 1, 11>}]} {
    %get3A = arith.constant 0 : index
    %get3A_0 = arith.constant 0 : index
    %get3A_1 = vector.load %arg1[%get3A, %get3A_0] : memref<1024x64xf32, #tpu.memory_space<vmem>>, vector<1024x64xf32>
    %get3A_2 = arith.constant 0 : index
    %get3A_3 = arith.constant 0 : index
    %get3A_4 = vector.load %arg2[%get3A_2, %get3A_3] : memref<1024x64xf32, #tpu.memory_space<vmem>>, vector<1024x64xf32>
    %get3A_5 = arith.constant 0 : index
    %get3A_6 = arith.constant 0 : index
    %get3A_7 = vector.load %arg3[%get3A_5, %get3A_6] : memref<1024x1xf32, #tpu.memory_space<vmem>>, vector<1024x1xf32>
    %mul3A = vector.broadcast %get3A_7 : vector<1024x1xf32> to vector<1024x64xf32>
    %mul3A_8 = arith.mulf %mul3A, %get3A_4 : vector<1024x64xf32>
    %sub3A = arith.subf %get3A_1, %mul3A_8 : vector<1024x64xf32>
    %slice3A = vector.extract_strided_slice %sub3A {offsets = [0, 0], sizes = [1024, 32], strides = [1, 1]} : vector<1024x64xf32> to vector<1024x32xf32>
    %logistic3A = arith.negf %slice3A : vector<1024x32xf32>
    %logistic3A_9 = math.exp %logistic3A : vector<1024x32xf32>
    %logistic3A_10 = arith.constant 1.000000e+00 : f32
    %logistic3A_11 = vector.broadcast %logistic3A_10 : f32 to vector<1024x32xf32>
    %logistic3A_12 = arith.addf %logistic3A_11, %logistic3A_9 : vector<1024x32xf32>
    %logistic3A_13 = arith.divf %logistic3A_11, %logistic3A_12 : vector<1024x32xf32>
    %slice3A_14 = vector.extract_strided_slice %sub3A {offsets = [0, 32], sizes = [1024, 32], strides = [1, 1]} : vector<1024x64xf32> to vector<1024x32xf32>
    %tanh3A = math.tanh %slice3A_14 : vector<1024x32xf32>
    %sub3A_15 = arith.constant 1.000000e+00 : f32
    %sub3A_16 = vector.broadcast %sub3A_15 : f32 to vector<1024x32xf32>
    %sub3A_17 = arith.subf %sub3A_16, %logistic3A_13 : vector<1024x32xf32>
    %mul3A_18 = arith.mulf %sub3A_17, %tanh3A : vector<1024x32xf32>
    %max3A = arith.constant 0.000000e+00 : f32
    %max3A_19 = vector.broadcast %max3A : f32 to vector<1024x32xf32>
    %max3A_20 = arith.maximumf %mul3A_18, %max3A_19 : vector<1024x32xf32>
    %mul3A_21 = arith.constant 1024 : i32
    %mul3A_22 = arith.muli %arg0, %mul3A_21 : i32
    %iota3A = tpu.iota {dimensions = array<i32: 0>} : vector<1024x1xi32>
    %add3A = vector.broadcast %mul3A_22 : i32 to vector<1024x1xi32>
    %add3A_23 = arith.addi %add3A, %iota3A : vector<1024x1xi32>
    %lt3A = arith.constant 10000 : i32
    %lt3A_24 = vector.broadcast %lt3A : i32 to vector<1024x1xi32>
    %lt3A_25 = arith.cmpi slt, %add3A_23, %lt3A_24 : vector<1024x1xi32>
    %jit3A = arith.constant 0.000000e+00 : f32
    %broadcast_in_dim3A = vector.shape_cast %lt3A_25 : vector<1024x1xi1> to vector<1024x1xi1>
    %broadcast_in_dim3A_26 = vector.broadcast %broadcast_in_dim3A : vector<1024x1xi1> to vector<1024x32xi1>
    %broadcast_in_dim3A_27 = vector.broadcast %jit3A : f32 to vector<1024x32xf32>
    %select_n3A = arith.select %broadcast_in_dim3A_26, %max3A_20, %broadcast_in_dim3A_27 : vector<1024x32xi1>, vector<1024x32xf32>
    %reduce_sum3A = arith.constant dense<0.000000e+00> : vector<32xf32>
    %reduce_sum3A_28 = vector.multi_reduction <add>, %select_n3A, %reduce_sum3A [0] : vector<1024x32xf32> to vector<32xf32>
    %broadcast_in_dim3A_29 = vector.shape_cast %reduce_sum3A_28 : vector<32xf32> to vector<1x32xf32>
    %eq3A = arith.constant 0 : i32
    %eq3A_30 = arith.cmpi eq, %arg0, %eq3A : i32
    %convert_element_type3A = arith.extui %eq3A_30 : i1 to i32
    %cond3A = arith.constant 0 : i32
    %cond3A_31 = arith.cmpi ne, %convert_element_type3A, %cond3A : i32
    scf.if %cond3A_31 {
      %broadcast_in_dim3A_43 = arith.constant 0.000000e+00 : f32
      %broadcast_in_dim3A_44 = vector.broadcast %broadcast_in_dim3A_43 : f32 to vector<1x32xf32>
      %swap3A_45 = arith.constant 0 : index
      %swap3A_46 = arith.constant 0 : index
      %swap3A_47 = vector.load %arg6[%swap3A_45, %swap3A_46] : memref<1x32xf32, #tpu.memory_space<vmem>>, vector<1x32xf32>
      tpu.vector_store %arg6[%swap3A_45, %swap3A_46], %broadcast_in_dim3A_44 {strides = array<i32>} : memref<1x32xf32, #tpu.memory_space<vmem>>, vector<1x32xf32>,
      %broadcast_in_dim3A_48 = arith.constant 0.000000e+00 : f32
      %broadcast_in_dim3A_49 = vector.broadcast %broadcast_in_dim3A_48 : f32 to vector<1x11xf32>
      %swap3A_50 = arith.constant 0 : index
      %swap3A_51 = arith.constant 0 : index
      %swap3A_52 = vector.load %arg7[%swap3A_50, %swap3A_51] : memref<1x11xf32, #tpu.memory_space<vmem>>, vector<1x11xf32>
      tpu.vector_store %arg7[%swap3A_50, %swap3A_51], %broadcast_in_dim3A_49 {strides = array<i32>} : memref<1x11xf32, #tpu.memory_space<vmem>>, vector<1x11xf32>,
    } else {
    }
    %get3A_32 = arith.constant 0 : index
    %get3A_33 = arith.constant 0 : index
    %get3A_34 = vector.load %arg6[%get3A_32, %get3A_33] : memref<1x32xf32, #tpu.memory_space<vmem>>, vector<1x32xf32>
    %add3A_35 = arith.addf %get3A_34, %broadcast_in_dim3A_29 : vector<1x32xf32>
    %swap3A = arith.constant 0 : index
    %swap3A_36 = arith.constant 0 : index
    %swap3A_37 = vector.load %arg6[%swap3A, %swap3A_36] : memref<1x32xf32, #tpu.memory_space<vmem>>, vector<1x32xf32>
    tpu.vector_store %arg6[%swap3A, %swap3A_36], %add3A_35 {strides = array<i32>} : memref<1x32xf32, #tpu.memory_space<vmem>>, vector<1x32xf32>,
    %eq3A_38 = arith.constant 9 : i32
    %eq3A_39 = arith.cmpi eq, %arg0, %eq3A_38 : i32
    %convert_element_type3A_40 = arith.extui %eq3A_39 : i1 to i32
    %cond3A_41 = arith.constant 0 : i32
    %cond3A_42 = arith.cmpi ne, %convert_element_type3A_40, %cond3A_41 : i32
    scf.if %cond3A_42 {
      %get3A_43 = arith.constant 0 : index
      %get3A_44 = arith.constant 0 : index
      %get3A_45 = vector.load %arg6[%get3A_43, %get3A_44] : memref<1x32xf32, #tpu.memory_space<vmem>>, vector<1x32xf32>
      %mul3A_46 = arith.constant 9.99999974E-5 : f32
      %mul3A_47 = vector.broadcast %mul3A_46 : f32 to vector<1x32xf32>
      %mul3A_48 = arith.mulf %get3A_45, %mul3A_47 : vector<1x32xf32>
      %get3A_49 = arith.constant 0 : index
      %get3A_50 = arith.constant 0 : index
      %get3A_51 = vector.load %arg4[%get3A_49, %get3A_50] : memref<32x11xf32, #tpu.memory_space<vmem>>, vector<32x11xf32>
      %dot_general3A = arith.constant dense<0.000000e+00> : vector<1x11xf32>
      %dot_general3A_52 = tpu.matmul %mul3A_48, %get3A_51, %dot_general3A {dimension_numbers = #tpu.dot_dimension_numbers<[1], [0], [0], [1], [0, 0, 1, 1], [], []>, transpose_lhs_hint = false} : vector<1x32xf32>, vector<32x11xf32>, vector<1x11xf32> -> vector<1x11xf32>
      %get3A_53 = arith.constant 0 : index
      %get3A_54 = arith.constant 0 : index
      %get3A_55 = vector.load %arg5[%get3A_53, %get3A_54] : memref<1x11xf32, #tpu.memory_space<vmem>>, vector<1x11xf32>
      %add3A_56 = arith.addf %dot_general3A_52, %get3A_55 : vector<1x11xf32>
      %swap3A_57 = arith.constant 0 : index
      %swap3A_58 = arith.constant 0 : index
      %swap3A_59 = vector.load %arg7[%swap3A_57, %swap3A_58] : memref<1x11xf32, #tpu.memory_space<vmem>>, vector<1x11xf32>
      tpu.vector_store %arg7[%swap3A_57, %swap3A_58], %add3A_56 {strides = array<i32>} : memref<1x11xf32, #tpu.memory_space<vmem>>, vector<1x11xf32>,
    } else {
    }
    return
  }
  func.func @transform_0(%arg0: i32) -> (i32, i32) {
    %c0_i32 = arith.constant 0 : i32
    %c0_i32_0 = arith.constant 0 : i32
    return %arg0, %c0_i32 : i32, i32
  }
  func.func @transform_1(%arg0: i32) -> (i32, i32) {
    %c0_i32 = arith.constant 0 : i32
    %c0_i32_0 = arith.constant 0 : i32
    return %arg0, %c0_i32 : i32, i32
  }
  func.func @transform_2(%arg0: i32) -> (i32, i32) {
    %c0_i32 = arith.constant 0 : i32
    %c0_i32_0 = arith.constant 0 : i32
    return %arg0, %c0_i32 : i32, i32
  }
  func.func @transform_3(%arg0: i32) -> (i32, i32) {
    %c0_i32 = arith.constant 0 : i32
    %c0_i32_0 = arith.constant 0 : i32
    %c0_i32_1 = arith.constant 0 : i32
    return %c0_i32, %c0_i32_0 : i32, i32
  }
  func.func @transform_4(%arg0: i32) -> (i32, i32) {
    %c0_i32 = arith.constant 0 : i32
    %c0_i32_0 = arith.constant 0 : i32
    %c0_i32_1 = arith.constant 0 : i32
    return %c0_i32, %c0_i32_0 : i32, i32
  }
  func.func @transform_5(%arg0: i32) -> (i32, i32) {
    %c0_i32 = arith.constant 0 : i32
    %c0_i32_0 = arith.constant 0 : i32
    %c0_i32_1 = arith.constant 0 : i32
    return %c0_i32, %c0_i32_0 : i32, i32
  }
  func.func @transform_6(%arg0: i32) -> (i32, i32) {
    %c0_i32 = arith.constant 0 : i32
    %c0_i32_0 = arith.constant 0 : i32
    %c0_i32_1 = arith.constant 0 : i32
    return %c0_i32, %c0_i32_0 : i32, i32
  }
}

</mosaic_0001>

<sc_bundles>
// kernel: kernel.12.cloned.1.call-start
scs
__scs_entry_jumppad:
0x0: {  	(pc) =	sbr.rel $0x88, $3  }
0x1: {  	(tag) =	ssettag $0x0;
	lr =	simm.s32 $0x1  }
0x2: {  	[smem:$0x3F97] =	sst lr;
	_ =	strace $0xD0000000  }
0x3: {  	_ = 	snop  }
0x4: {  	_ = 	snop  }
0x5: {  	_ = 	snop  }
0x6: {  	_ = 	snop  }
0x7: {  	_ = 	snop  }
__scs_overlays_trampoline_lowered:
0x8: {  	[smem:$0x3FA6] =	sst s0  }
0x9: {  	[smem:$0x3FA7] =	sst s1  }
0xa: {  	[smem:$0x3FA8] =	sst s2  }
0xb: {  	[smem:$0x3FA9] =	sst s3  }
0xc: {  	[smem:$0x3FAA] =	sst s4  }
0xd: {  	[smem:$0x3FAB] =	sst s5  }
0xe: {  	[smem:$0x3FAC] =	sst s6  }
0xf: {  	[smem:$0x3FAD] =	sst s7  }
0x10: {  	[smem:$0x3FAE] =	sst s8  }
0x11: {  	[smem:$0x3FAF] =	sst s9;
	s0 =	simm.s32 @!p0 $0x0  }
0x12: {  	s1 =	sld [smem:$0x3F95];
	s0 =	simm.s32 @p0 $0x1  }
0x13: {  	[smem:$0x3FB0] =	sst s0;
	s0 =	simm.s32 @!p1 $0x0  }
0x14: {  	s2 =	sld [smem:$0x3F94];
	s0 =	simm.s32 @p1 $0x1  }
0x15: {  	[smem:$0x3FB1] =	sst s0;
	s0 =	simm.s32 @!p2 $0x0  }
0x16: {  	s3 =	sld [smem:$0x3FDB];
	s0 =	simm.s32 @p2 $0x1  }
0x17: {  	s4 =	simm.s32 $0x1BF5;
	[smem:$0x3FB3] =	sst s0  }
0x18: {  	s0 =	sld [smem:$0x3F96];
	_ =	swait.ge [sflag:s4], $0x0  }
0x19: {  	s7 =	sld [smem:$0x3F97]  }
0x1a: {  	s8 =	sadd.s32 $0xFFFFE003, lr  }
0x1b: {  	s9 =	sadd.s32 $0xFFFFFEF7, lr;
	s5 =	simm.s32 $0xFFFFFFFF;
	p2 =	slt.u32 s8, $0xFFFFF086  }
0x1c: {  	p1 =	slt.u32 s9, $0xF7A;
	s5 =	simm.s32 @!p2 $0x0  }
0x1d: {  	s5 =	simm.s32 @p1 $0x1;
	p0 =	seq.s32 s7, s2  }
0x1e: {  	s7 =	smul.u32 @!p0 $0xF7A, s2;
	p2 =	seq.s32 @!p0 s5, $0x0  }
0x1f: {  	s9 =	smul.u32 $0xF7A, s1;
	s8 =	simm.s32 @!p0 $0x1BF5;
	p2 =	por !p2, p0  }
0x20: {  	[sflag:s8] =	ssyncset.s32 @!p0 $0xFFFFF086;
	s6 =	sadd.s32 @!p0 s3, s7;
	s7 =	simm.s32 @!p0 $0x108  }
0x21: {  	s3 =	sadd.s32 s3, s9;
	s6 =	sadd.s32 @!p0 $0x88, s6;
	s7 =	simm.s32 @p2 $0x1082  }
0x22: {  	[simem:s7], [sflag:s8] =	dma.local @!p0 [hbm:s6], $0xF7A  }
0x23: {  	s9 =	sor.u32 $0xD0000000, s2;
	s6 =	simm.s32 $0x108;
	_ =	swait.ge @!p0 [sflag:s8], $0x0  }
0x24: {  	s3 =	sadd.s32 $0x88, s3;
	s6 =	simm.s32 @!p1 $0x1082;
	[sflag:s4] =	ssyncset.s32 $0xFFFFF086  }
0x25: {  	[simem:s6], [sflag:s4] =	dma.local [hbm:s3], $0xF7A  }
0x26: {  	[smem:$0x3F97] =	sst s1;
	(tag) =	ssettag s2;
	_ =	strace s9  }
0x27: {  	s1 =	sld [smem:$0x3FA7]  }
0x28: {  	s2 =	sld [smem:$0x3FA8]  }
0x29: {  	s4 =	sld [smem:$0x3FAA]  }
0x2a: {  	p0 =	seq.s32 s5, $0x0;
	s5 =	sld [smem:$0x3FAB]  }
0x2b: {  	s6 =	sld [smem:$0x3FAC]  }
0x2c: {  	s7 =	sld [smem:$0x3FAD]  }
0x2d: {  	s3 =	simm.s32 $0x108;
	s8 =	sld [smem:$0x3FAE]  }
0x2e: {  	s3 =	simm.s32 @!p0 $0x1082;
	s9 =	sld [smem:$0x3FAF]  }
0x2f: {  	lr =	sadd.s32 s0, s3;
	s0 =	sld [smem:$0x3FA6]  }
0x30: {  	s3 =	sld [smem:$0x3FA9]  }
0x31: {  	[smem:$0x3FB2] =	sst s10  }
0x32: {  	s10 =	sld [smem:$0x3FB0];
	_ =	sdelay $0x3  }
0x33: {  	p0 =	seq.s32 s10, $0x1;
	s10 =	sld [smem:$0x3FB2];
	_ =	sdelay $0x3  }
0x34: {  	[smem:$0x3FB2] =	sst s10  }
0x35: {  	s10 =	sld [smem:$0x3FB1];
	_ =	sdelay $0x3  }
0x36: {  	p1 =	seq.s32 s10, $0x1;
	s10 =	sld [smem:$0x3FB2];
	_ =	sdelay $0x3  }
0x37: {  	[smem:$0x3FB2] =	sst s10  }
0x38: {  	s10 =	sld [smem:$0x3FB3]  }
0x39: {  	_ = 	snop;
	(pc) =	sbr.ind lr, $3  }
0x3a: {  	_ = 	snop  }
0x3b: {  	_ = 	snop  }
0x3c: {  	p2 =	seq.s32 s10, $0x1;
	s10 =	sld [smem:$0x3FB2]  }
0x3d: {  	_ =	shalt  }
0x3e: {  	_ =	shalt  }
0x3f: {  	_ =	shalt  }
0x40: {  	_ =	shalt  }
0x41: {  	_ =	shalt  }
0x42: {  	_ =	shalt  }
0x43: {  	_ =	shalt  }
0x44: {  	_ =	shalt  }
0x45: {  	_ =	shalt  }
0x46: {  	_ =	shalt  }
0x47: {  	_ =	shalt  }
0x48: {  	_ =	shalt  }
0x49: {  	_ =	shalt  }
0x4a: {  	_ =	shalt  }
0x4b: {  	_ =	shalt  }
0x4c: {  	_ =	shalt  }
0x4d: {  	_ =	shalt  }
0x4e: {  	_ =	shalt  }
0x4f: {  	_ =	shalt  }
0x50: {  	_ =	shalt  }
0x51: {  	_ =	shalt  }
0x52: {  	_ =	shalt  }
0x53: {  	_ =	shalt  }
0x54: {  	_ =	shalt  }
0x55: {  	_ =	shalt  }
0x56: {  	_ =	shalt  }
0x57: {  	_ =	shalt  }
0x58: {  	_ =	shalt  }
0x59: {  	_ =	shalt  }
0x5a: {  	_ =	shalt  }
0x5b: {  	_ =	shalt  }
0x5c: {  	_ =	shalt  }
0x5d: {  	_ =	shalt  }
0x5e: {  	_ =	shalt  }
0x5f: {  	_ =	shalt  }
0x60: {  	_ =	shalt  }
0x61: {  	_ =	shalt  }
0x62: {  	_ =	shalt  }
0x63: {  	_ =	shalt  }
0x64: {  	_ =	shalt  }
0x65: {  	_ =	shalt  }
0x66: {  	_ =	shalt  }
0x67: {  	_ =	shalt  }
0x68: {  	_ =	shalt  }
0x69: {  	_ =	shalt  }
0x6a: {  	_ =	shalt  }
0x6b: {  	_ =	shalt  }
0x6c: {  	_ =	shalt  }
0x6d: {  	_ =	shalt  }
0x6e: {  	_ =	shalt  }
0x6f: {  	_ =	shalt  }
0x70: {  	_ =	shalt  }
0x71: {  	_ =	shalt  }
0x72: {  	_ =	shalt  }
0x73: {  	_ =	shalt  }
0x74: {  	_ =	shalt  }
0x75: {  	_ =	shalt  }
0x76: {  	_ =	shalt  }
0x77: {  	_ =	shalt  }
0x78: {  	_ =	shalt  }
0x79: {  	_ =	shalt  }
0x7a: {  	_ =	shalt  }
0x7b: {  	_ =	shalt  }
0x7c: {  	_ =	shalt  }
0x7d: {  	_ =	shalt  }
0x7e: {  	_ =	shalt  }
0x7f: {  	_ =	shalt  }
0x80: {  	_ =	shalt  }
0x81: {  	_ =	shalt  }
0x82: {  	_ =	shalt  }
0x83: {  	_ =	shalt  }
0x84: {  	_ =	shalt  }
0x85: {  	_ =	shalt  }
0x86: {  	_ =	shalt  }
0x87: {  	_ =	shalt  }
.Lfunc_end0:
.L_simem_size_0:
called_computation_lowered:
.L_overlay_start_0:
0x88: {  	s0 =	sld [smem:$0x3FD9]  }
0x89: {  	s1 =	sld [smem:$0x3FFE];
	_ =	sdelay $0x3  }
0x8a: {  	s0 =	sadd.s32 s1, s0  }
0x8b: {  	[smem:$0x3FBE] =	sst s0  }
0x8c: {  	_ = 	snop  }
0x8d: {  	s0 =	sld [smem:$0x3FD0];
	(tm) =	ssettm $0x1  }
0x8e: {  	s16 =	sld [smem:$0x3FFB];
	_ =	sdelay $0x3  }
0x8f: {  	_ =	strace s16  }
0x90: {  	s1 =	sld [smem:$0x3FFC];
	_ =	sdelay $0x3  }
0x91: {  	_ =	strace s1  }
0x92: {  	s1 =	sld [smem:$0x3FFD];
	_ =	sdelay $0x3  }
0x93: {  	_ =	strace s1  }
0x94: {  	_ =	strace $0x8FFFFFFF  }
0x95: {  	s17 =	sld [smem:$0x3FDB];
	_ =	sdelay $0x1  }
0x96: {  	s2 =	simm.s32 $_scs_section_size  }
0x97: {  	s3 =	simm.s32 $_size__tile_overlayer_lowered;
	s4 =	simm.s32 $_tile_overlayer_lowered  }
0x98: {  	s20 =	simm.s32 $0x1BFF;
	s19 =	sshll.u32 s4, $0x1;
	s1 =	sadd.s32 s2, s17  }
0x99: {  	s5 =	simm.s32 $0x0;
	s18 =	sshll.u32 s3, $0x1;
	s3 =	sadd.s32 s19, s1  }
0x9a: {  	[timem:s5], [sflag:s20] =	dma.local [hbm:s3], s18  }
0x9b: {  	_ =	swait.ge [sflag:s20], s18  }
0x9c: {  	s2 =	ssub.s32 $0x0, s18;
	[sflag:s20] =	ssyncset.done $0x0  }
0x9d: {  	[sflag:s20] =	ssyncadd.s32 s2;
	_ =	sdelay $0x1  }
0x9e: {  	s21 =	simm.s32 $0x1B8B  }
0x9f: {  	_ =	swait.ge [sflag:s21], $0x1  }
0xa0: {  	[sflag:s21] =	ssyncset.done $0x0  }
0xa1: {  	s23 =	simm.s32 $0x1B8E;
	s22 =	sld [smem:$0x3FFE];
	[sflag:s21] =	ssyncadd.s32 $0xFFFFFFFF  }
0xa2: {  	s24 =	simm.s32 $execute0_lowered;
	[smem:$0x3FD2] =	sst s23  }
0xa3: {  	s3 =	sshll.u32 s24, $0x1;
	_ =	strace $0x80000046;
	[dreg:$0x1] =	wrdreg $0xFFFFFFFF  }
0xa4: {  	s25 =	simm.s32 $_size_execute0_lowered;
	s1 =	sadd.s32 s1, s3;
	[dreg:$0x0] =	wrdreg $0x0  }
0xa5: {  	s3 =	sshll.u32 s25, $0x1;
	[dreg:$0x2] =	wrdreg s1  }
0xa6: {  	[dreg:$0x3] =	wrdreg s3  }
0xa7: {  	[dreg:$0x4] =	wrdreg $0xC0  }
0xa8: {  	_ =	task [dreg:s5], $0x5FFFF  }
0xa9: {  	[dreg:$0x1] =	wrdreg $0xFFFFFFFF  }
0xaa: {  	[dreg:$0x0] =	wrdreg $0x60  }
0xab: {  	[dreg:$0x2] =	wrdreg s22  }
0xac: {  	[dreg:$0x3] =	wrdreg s0  }
0xad: {  	[dreg:$0x4] =	wrdreg $0x50800  }
0xae: {  	[dreg:$0x5] =	wrdreg $0x9  }
0xaf: {  	_ =	task.clear_ibuf [dreg:s5], $0x6FFFF;
	_ =	strace $0x90000046  }
0xb0: {  	s26 =	simm.s32 $0x9;
	_ =	strace $0x80000048  }
0xb1: {  	_ =	swait.ge [sflag:s26], $0x1  }
0xb2: {  	[sflag:s26] =	ssyncadd.s32 $0xFFFFFFFF  }
0xb3: {  	_ =	strace $0x90000048  }
0xb4: {  	_ =	sfence  }
0xb5: {  	s28 =	sld [smem:$0x0];
	_ =	sdelay $0x1  }
0xb6: {  	s29 =	srdreg.scid  }
0xb7: {  	s30 =	sshll.u32 s29, $0xD;
	s31 =	sshrl.u32 s29, $0x2  }
0xb8: {  	s2 =	sand.u32 $0x4000, s30;
	s1 =	sand.u32 $0x1, s29;
	s0 =	sadd.s32 s31, s28  }
0xb9: {  	s1 =	sor.u32 s2, s1;
	s0 =	sshll.u32 s0, $0x11  }
0xba: {  	s0 =	sor.u32 s0, s1  }
0xbb: {  	s0 =	sadd.s32 $0x8F2B, s0  }
0xbc: {  	[sflag:s0] =	ssyncadd.remote.s32 $0x1  }
0xbd: {  	_ =	sfence.sel $0xFFFF  }
0xbe: {  	[dreg:$0x0] =	wrdreg $0xFFFFFFFF;
	(pc) =	sbr.abs _section_cstart, $3  }
0xbf: {  	[dreg:$0x1] =	wrdreg $0xFFFFFFFF  }
0xc0: {  	_ =	task.clear_ibuf [dreg:s5], $0x2FFFF;
	_ =	strace $0x9FFFFFFF  }
0xc1: {  	(tm) =	ssettm $0x7FFFFFFF  }
tec
execute0_lowered:
.L_overlay_start_1:
0x0: {  	(tag) =	ssettag $0x1  }
0x1: {  	s7 =	rddreg [dreg:$0x0]  }
0x2: {  	s9 =	rddreg [dreg:$0x1]  }
0x3: {  	s5 =	rddreg [dreg:$0x2];
	s1 =	stileid.u32  }
0x4: {  	s0 =	rddreg [dreg:$0x3];
	s6 =	simm.s32 $0x0;
	s2 =	smul.u32 $0x280, s1  }
0x5: {  	s10 =	simm.s32 $0x2;
	[smem:$0x7FF] =	sst s6  }
0x6: {  	s3 =	sshll.u32 s1, $0x6;
	s8 =	sadd.s32 $0x18C00, s7;
	s4 =	sadd.s32 s2, s5  }
0x7: {  	_ =	strace $0x80000047;
	s3 =	sor.u32 $0x1C02, s3;
	s4 =	sshrl.u32 s4, $0x3  }
0x8: {  	[spmem:s4], [sflag:s3] =	dma.local [hbm:s8], $0x50  }
0x9: {  	_ =	swait.ge [sflag:s10], $0x50  }
0xa: {  	[sflag:s10] =	ssyncset.done $0x0  }
0xb: {  	s11 =	smul.u32 $0xA00, s1;
	s8 =	simm.s32 $0x5000;
	[sflag:s10] =	ssyncadd.s32 $0xFFFFFFB0  }
0xc: {  	[tilespmem:s8], [sflag:$0x2] =	stream.linear.gather [hbm4b:s9+s6], $0x80, $0x38;
	[tilespmem:$0x5300] =	vst v63  }
0xd: {  	_ =	swait.ge [sflag:s10], $0x80  }
0xe: {  	s31 =	sadd.s32 s11, s7;
	[sflag:s10] =	ssyncset.done $0x0  }
0xf: {  	s9 =	sadd.s32 $0xEC00, s31;
	[sflag:s10] =	ssyncadd.s32 $0xFFFFFF80  }
0x10: {  	[tilespmem:s6], [sflag:$0x2] =	stream.linear.gather [hbm4b:s9+s6], $0x5000, $0x38;
	[tilespmem:$0x5300] =	vst v63  }
0x11: {  	_ =	swait.ge [sflag:s10], $0x5000  }
0x12: {  	[sflag:s10] =	ssyncset.done $0x0  }
0x13: {  	[sflag:s10] =	ssyncadd.s32 $0xFFFFB000  }
0x14: {  	s7 =	sadd.s32 $0x18E00, s7;
	s9 =	simm.s32 $0x80;
	[bflag:$0x0] =	sbarrier.arrive $0xFFFF  }
.LBB2_1:
0x15: {  	p0 =	sne.s32 s6, $0x13E00  }
.Ltmp0:
0x16: {  	_ = 	snop;
	(pc) =	sbr.rel @p0 .LBB2_1-.Ltmp0, $3  }
0x17: {  	_ =	sdelay $0x1  }
0x18: {  	s10 =	sshra.s32 s6, $0x2;
	s6 =	sadd.s32 $0x200, s6  }
0x19: {  	[spmem:s5] =	stream.indirect.scatter.add.f32 [tilespmem:s8], [sflag:$0x1], $0x1, s10, s9, $0xb8;
	[tilespmem:$0x5300] =	vst v63  }
0x1a: {  	s5 =	simm.s32 $0x1  }
0x1b: {  	_ =	swait.ge [sflag:s5], $0x80  }
0x1c: {  	s6 =	simm.s32 $0x9F;
	[sflag:s5] =	ssyncset.done $0x0  }
.LBB2_3:
0x1d: {  	p0 =	sne.s32 s6, $0x1;
	s6 =	sadd.s32 $0xFFFFFFFF, s6;
	[sflag:s5] =	ssyncadd.s32 $0xFFFFFF80  }
.Ltmp1:
0x1e: {  	(pc) =	sbr.rel @p0 .LBB2_3-.Ltmp1, $3  }
0x1f: {  	_ =	sdelay $0x1  }
0x20: {  	_ =	swait.ge [sflag:s5], $0x80  }
0x21: {  	[sflag:s5] =	ssyncset.done $0x0  }
0x22: {  	[sflag:s5] =	ssyncadd.s32 $0xFFFFFF80;
	s2 =	sshrl.u32 s2, $0x3  }
0x23: {  	s31 =	simm.s32 $0x2;
	s2 =	sadd.s32 s7, s2;
	[bflag:$0x0] =	sbarrier.arrive $0xFFFF  }
0x24: {  	[hbm:s2], [sflag:s3] =	dma.local [spmem:s4], $0x50  }
0x25: {  	_ =	swait.ge [sflag:s31], $0x50  }
0x26: {  	[sflag:s31] =	ssyncset.done $0x0  }
0x27: {  	[sflag:s31] =	ssyncadd.s32 $0xFFFFFFB0  }
0x28: {  	_ =	sfence.sel $0x180000  }
0x29: {  	[bflag:$0x0] =	sbarrier.arrive $0xFFFF  }
0x2a: {  	p0 =	sne.s32 s1, $0x0;
	_ =	strace $0x90000047  }
0x2b: {  	s0 =	sadd.s32 @!p0 $0x100000, s0;
	[bflag:$0x2] =	sbarrier.arrive $0xFFFF  }
0x2c: {  	[sflag:s0] =	ssyncadd.tile.s32 @!p0 $0x1;
	_ =	shalt  }
.Lfunc_end2:
_tile_overlayer_lowered:
.L_overlay_start_2:
0x2d: {  	(tag) =	ssettag $0x2  }
0x2e: {  	s0 =	rddreg [dreg:$0x0];
	s2 =	stileid.u32  }
0x2f: {  	s1 =	rddreg [dreg:$0x1];
	p0 =	sne.s32 s2, $0x0  }
0x30: {  	s3 =	rddreg [dreg:$0x2];
	[bflag:$0x3] =	sbarrier.arrive $0xFFFF;
	s2 =	simm.s32 @!p0 $0x1C02  }
0x31: {  	[timem:s3], [sflag:s2] =	dma.local @!p0 [hbm:s0], s1  }
0x32: {  	s0 =	simm.s32 @!p0 $0x2  }
0x33: {  	_ =	swait.ge @!p0 [sflag:s0], s1  }
0x34: {  	s1 =	ssub.s32 @!p0 $0x0, s1;
	[sflag:s0] =	ssyncset.done @!p0 $0x0  }
0x35: {  	[sflag:s0] =	ssyncadd.s32 @!p0 s1  }
0x36: {  	[bflag:$0x3] =	sbarrier.arrive $0xFFFF  }
0x37: {  	_ =	shalt  }

// kernel: kernel.15.cloned.1.call-start
scs
__scs_entry_jumppad:
0x0: {  	(pc) =	sbr.rel $0x88, $3  }
0x1: {  	(tag) =	ssettag $0x0;
	lr =	simm.s32 $0x1  }
0x2: {  	[smem:$0x3F97] =	sst lr;
	_ =	strace $0xD0000000  }
0x3: {  	_ = 	snop  }
0x4: {  	_ = 	snop  }
0x5: {  	_ = 	snop  }
0x6: {  	_ = 	snop  }
0x7: {  	_ = 	snop  }
__scs_overlays_trampoline_lowered:
0x8: {  	[smem:$0x3FA6] =	sst s0  }
0x9: {  	[smem:$0x3FA7] =	sst s1  }
0xa: {  	[smem:$0x3FA8] =	sst s2  }
0xb: {  	[smem:$0x3FA9] =	sst s3  }
0xc: {  	[smem:$0x3FAA] =	sst s4  }
0xd: {  	[smem:$0x3FAB] =	sst s5  }
0xe: {  	[smem:$0x3FAC] =	sst s6  }
0xf: {  	[smem:$0x3FAD] =	sst s7  }
0x10: {  	[smem:$0x3FAE] =	sst s8  }
0x11: {  	[smem:$0x3FAF] =	sst s9;
	s0 =	simm.s32 @!p0 $0x0  }
0x12: {  	s1 =	sld [smem:$0x3F95];
	s0 =	simm.s32 @p0 $0x1  }
0x13: {  	[smem:$0x3FB0] =	sst s0;
	s0 =	simm.s32 @!p1 $0x0  }
0x14: {  	s2 =	sld [smem:$0x3F94];
	s0 =	simm.s32 @p1 $0x1  }
0x15: {  	[smem:$0x3FB1] =	sst s0;
	s0 =	simm.s32 @!p2 $0x0  }
0x16: {  	s3 =	sld [smem:$0x3FDB];
	s0 =	simm.s32 @p2 $0x1  }
0x17: {  	s4 =	simm.s32 $0x1BF5;
	[smem:$0x3FB3] =	sst s0  }
0x18: {  	s0 =	sld [smem:$0x3F96];
	_ =	swait.ge [sflag:s4], $0x0  }
0x19: {  	s7 =	sld [smem:$0x3F97]  }
0x1a: {  	s8 =	sadd.s32 $0xFFFFE003, lr  }
0x1b: {  	s9 =	sadd.s32 $0xFFFFFEF7, lr;
	s5 =	simm.s32 $0xFFFFFFFF;
	p2 =	slt.u32 s8, $0xFFFFF086  }
0x1c: {  	p1 =	slt.u32 s9, $0xF7A;
	s5 =	simm.s32 @!p2 $0x0  }
0x1d: {  	s5 =	simm.s32 @p1 $0x1;
	p0 =	seq.s32 s7, s2  }
0x1e: {  	s7 =	smul.u32 @!p0 $0xF7A, s2;
	p2 =	seq.s32 @!p0 s5, $0x0  }
0x1f: {  	s9 =	smul.u32 $0xF7A, s1;
	s8 =	simm.s32 @!p0 $0x1BF5;
	p2 =	por !p2, p0  }
0x20: {  	[sflag:s8] =	ssyncset.s32 @!p0 $0xFFFFF086;
	s6 =	sadd.s32 @!p0 s3, s7;
	s7 =	simm.s32 @!p0 $0x108  }
0x21: {  	s3 =	sadd.s32 s3, s9;
	s6 =	sadd.s32 @!p0 $0x88, s6;
	s7 =	simm.s32 @p2 $0x1082  }
0x22: {  	[simem:s7], [sflag:s8] =	dma.local @!p0 [hbm:s6], $0xF7A  }
0x23: {  	s9 =	sor.u32 $0xD0000000, s2;
	s6 =	simm.s32 $0x108;
	_ =	swait.ge @!p0 [sflag:s8], $0x0  }
0x24: {  	s3 =	sadd.s32 $0x88, s3;
	s6 =	simm.s32 @!p1 $0x1082;
	[sflag:s4] =	ssyncset.s32 $0xFFFFF086  }
0x25: {  	[simem:s6], [sflag:s4] =	dma.local [hbm:s3], $0xF7A  }
0x26: {  	[smem:$0x3F97] =	sst s1;
	(tag) =	ssettag s2;
	_ =	strace s9  }
0x27: {  	s1 =	sld [smem:$0x3FA7]  }
0x28: {  	s2 =	sld [smem:$0x3FA8]  }
0x29: {  	s4 =	sld [smem:$0x3FAA]  }
0x2a: {  	p0 =	seq.s32 s5, $0x0;
	s5 =	sld [smem:$0x3FAB]  }
0x2b: {  	s6 =	sld [smem:$0x3FAC]  }
0x2c: {  	s7 =	sld [smem:$0x3FAD]  }
0x2d: {  	s3 =	simm.s32 $0x108;
	s8 =	sld [smem:$0x3FAE]  }
0x2e: {  	s3 =	simm.s32 @!p0 $0x1082;
	s9 =	sld [smem:$0x3FAF]  }
0x2f: {  	lr =	sadd.s32 s0, s3;
	s0 =	sld [smem:$0x3FA6]  }
0x30: {  	s3 =	sld [smem:$0x3FA9]  }
0x31: {  	[smem:$0x3FB2] =	sst s10  }
0x32: {  	s10 =	sld [smem:$0x3FB0];
	_ =	sdelay $0x3  }
0x33: {  	p0 =	seq.s32 s10, $0x1;
	s10 =	sld [smem:$0x3FB2];
	_ =	sdelay $0x3  }
0x34: {  	[smem:$0x3FB2] =	sst s10  }
0x35: {  	s10 =	sld [smem:$0x3FB1];
	_ =	sdelay $0x3  }
0x36: {  	p1 =	seq.s32 s10, $0x1;
	s10 =	sld [smem:$0x3FB2];
	_ =	sdelay $0x3  }
0x37: {  	[smem:$0x3FB2] =	sst s10  }
0x38: {  	s10 =	sld [smem:$0x3FB3]  }
0x39: {  	_ = 	snop;
	(pc) =	sbr.ind lr, $3  }
0x3a: {  	_ = 	snop  }
0x3b: {  	_ = 	snop  }
0x3c: {  	p2 =	seq.s32 s10, $0x1;
	s10 =	sld [smem:$0x3FB2]  }
0x3d: {  	_ =	shalt  }
0x3e: {  	_ =	shalt  }
0x3f: {  	_ =	shalt  }
0x40: {  	_ =	shalt  }
0x41: {  	_ =	shalt  }
0x42: {  	_ =	shalt  }
0x43: {  	_ =	shalt  }
0x44: {  	_ =	shalt  }
0x45: {  	_ =	shalt  }
0x46: {  	_ =	shalt  }
0x47: {  	_ =	shalt  }
0x48: {  	_ =	shalt  }
0x49: {  	_ =	shalt  }
0x4a: {  	_ =	shalt  }
0x4b: {  	_ =	shalt  }
0x4c: {  	_ =	shalt  }
0x4d: {  	_ =	shalt  }
0x4e: {  	_ =	shalt  }
0x4f: {  	_ =	shalt  }
0x50: {  	_ =	shalt  }
0x51: {  	_ =	shalt  }
0x52: {  	_ =	shalt  }
0x53: {  	_ =	shalt  }
0x54: {  	_ =	shalt  }
0x55: {  	_ =	shalt  }
0x56: {  	_ =	shalt  }
0x57: {  	_ =	shalt  }
0x58: {  	_ =	shalt  }
0x59: {  	_ =	shalt  }
0x5a: {  	_ =	shalt  }
0x5b: {  	_ =	shalt  }
0x5c: {  	_ =	shalt  }
0x5d: {  	_ =	shalt  }
0x5e: {  	_ =	shalt  }
0x5f: {  	_ =	shalt  }
0x60: {  	_ =	shalt  }
0x61: {  	_ =	shalt  }
0x62: {  	_ =	shalt  }
0x63: {  	_ =	shalt  }
0x64: {  	_ =	shalt  }
0x65: {  	_ =	shalt  }
0x66: {  	_ =	shalt  }
0x67: {  	_ =	shalt  }
0x68: {  	_ =	shalt  }
0x69: {  	_ =	shalt  }
0x6a: {  	_ =	shalt  }
0x6b: {  	_ =	shalt  }
0x6c: {  	_ =	shalt  }
0x6d: {  	_ =	shalt  }
0x6e: {  	_ =	shalt  }
0x6f: {  	_ =	shalt  }
0x70: {  	_ =	shalt  }
0x71: {  	_ =	shalt  }
0x72: {  	_ =	shalt  }
0x73: {  	_ =	shalt  }
0x74: {  	_ =	shalt  }
0x75: {  	_ =	shalt  }
0x76: {  	_ =	shalt  }
0x77: {  	_ =	shalt  }
0x78: {  	_ =	shalt  }
0x79: {  	_ =	shalt  }
0x7a: {  	_ =	shalt  }
0x7b: {  	_ =	shalt  }
0x7c: {  	_ =	shalt  }
0x7d: {  	_ =	shalt  }
0x7e: {  	_ =	shalt  }
0x7f: {  	_ =	shalt  }
0x80: {  	_ =	shalt  }
0x81: {  	_ =	shalt  }
0x82: {  	_ =	shalt  }
0x83: {  	_ =	shalt  }
0x84: {  	_ =	shalt  }
0x85: {  	_ =	shalt  }
0x86: {  	_ =	shalt  }
0x87: {  	_ =	shalt  }
.Lfunc_end0:
.L_simem_size_0:
called_computation.1_lowered:
.L_overlay_start_0:
0x88: {  	s0 =	sld [smem:$0x3FD9]  }
0x89: {  	s1 =	sld [smem:$0x3FFE];
	_ =	sdelay $0x3  }
0x8a: {  	s0 =	sadd.s32 s1, s0  }
0x8b: {  	[smem:$0x3FBE] =	sst s0  }
0x8c: {  	_ = 	snop  }
0x8d: {  	(tm) =	ssettm $0x1  }
0x8e: {  	s15 =	sld [smem:$0x3FFB];
	_ =	sdelay $0x3  }
0x8f: {  	_ =	strace s15  }
0x90: {  	s0 =	sld [smem:$0x3FFC];
	_ =	sdelay $0x3  }
0x91: {  	_ =	strace s0  }
0x92: {  	s0 =	sld [smem:$0x3FFD];
	_ =	sdelay $0x3  }
0x93: {  	_ =	strace s0  }
0x94: {  	_ =	strace $0x8FFFFFFF  }
0x95: {  	s16 =	sld [smem:$0x3FDB];
	_ =	sdelay $0x1  }
0x96: {  	s17 =	simm.s32 $_scs_section_size  }
0x97: {  	s2 =	simm.s32 $_size__tile_overlayer_lowered;
	s3 =	simm.s32 $_tile_overlayer_lowered  }
0x98: {  	s20 =	simm.s32 $0x1BFF;
	s19 =	sshll.u32 s3, $0x1;
	s0 =	sadd.s32 s17, s16  }
0x99: {  	s4 =	simm.s32 $0x0;
	s18 =	sshll.u32 s2, $0x1;
	s2 =	sadd.s32 s19, s0  }
0x9a: {  	[timem:s4], [sflag:s20] =	dma.local [hbm:s2], s18  }
0x9b: {  	_ =	swait.ge [sflag:s20], s18  }
0x9c: {  	s1 =	ssub.s32 $0x0, s18;
	[sflag:s20] =	ssyncset.done $0x0  }
0x9d: {  	[sflag:s20] =	ssyncadd.s32 s1;
	_ =	sdelay $0x1  }
0x9e: {  	s21 =	simm.s32 $0x1B8B  }
0x9f: {  	_ =	swait.ge [sflag:s21], $0x1  }
0xa0: {  	[sflag:s21] =	ssyncset.done $0x0  }
0xa1: {  	s23 =	simm.s32 $0x1B8E;
	s22 =	sld [smem:$0x3FFE];
	[sflag:s21] =	ssyncadd.s32 $0xFFFFFFFF  }
0xa2: {  	s24 =	simm.s32 $execute0_lowered;
	[smem:$0x3FD2] =	sst s23  }
0xa3: {  	s2 =	sshll.u32 s24, $0x1;
	_ =	strace $0x80000049;
	[dreg:$0x1] =	wrdreg $0xFFFFFFFF  }
0xa4: {  	s25 =	simm.s32 $_size_execute0_lowered;
	s0 =	sadd.s32 s0, s2;
	[dreg:$0x0] =	wrdreg $0x0  }
0xa5: {  	s2 =	sshll.u32 s25, $0x1;
	[dreg:$0x2] =	wrdreg s0  }
0xa6: {  	[dreg:$0x3] =	wrdreg s2  }
0xa7: {  	[dreg:$0x4] =	wrdreg $0xC0  }
0xa8: {  	_ =	task [dreg:s4], $0x5FFFF  }
0xa9: {  	[dreg:$0x1] =	wrdreg $0xFFFFFFFF  }
0xaa: {  	[dreg:$0x0] =	wrdreg $0x60  }
0xab: {  	[dreg:$0x2] =	wrdreg s22  }
0xac: {  	[dreg:$0x3] =	wrdreg $0x140000  }
0xad: {  	[dreg:$0x4] =	wrdreg $0x9  }
0xae: {  	_ =	task.clear_ibuf [dreg:s4], $0x5FFFF;
	_ =	strace $0x90000049  }
0xaf: {  	s26 =	simm.s32 $0x9;
	_ =	strace $0x8000004B  }
0xb0: {  	_ =	swait.ge [sflag:s26], $0x1  }
0xb1: {  	[sflag:s26] =	ssyncadd.s32 $0xFFFFFFFF  }
0xb2: {  	_ =	strace $0x9000004B  }
0xb3: {  	_ =	sfence  }
0xb4: {  	s28 =	sld [smem:$0x0];
	_ =	sdelay $0x1  }
0xb5: {  	s29 =	srdreg.scid  }
0xb6: {  	s30 =	sshll.u32 s29, $0xD;
	s31 =	sshrl.u32 s29, $0x2  }
0xb7: {  	s1 =	sand.u32 $0x1, s29;
	s2 =	sand.u32 $0x4000, s30;
	s0 =	sadd.s32 s31, s28  }
0xb8: {  	s1 =	sor.u32 s2, s1;
	s0 =	sshll.u32 s0, $0x11  }
0xb9: {  	s0 =	sor.u32 s0, s1  }
0xba: {  	s0 =	sadd.s32 $0x8F2B, s0  }
0xbb: {  	[sflag:s0] =	ssyncadd.remote.s32 $0x1  }
0xbc: {  	_ =	sfence.sel $0xFFFF  }
0xbd: {  	[dreg:$0x0] =	wrdreg $0xFFFFFFFF;
	(pc) =	sbr.abs _section_cstart, $3  }
0xbe: {  	[dreg:$0x1] =	wrdreg $0xFFFFFFFF  }
0xbf: {  	_ =	task.clear_ibuf [dreg:s4], $0x2FFFF;
	_ =	strace $0x9FFFFFFF  }
0xc0: {  	(tm) =	ssettm $0x7FFFFFFF  }
0xc1: {  	_ =	shalt  }
tec
execute0_lowered:
.L_overlay_start_1:
0x0: {  	(tag) =	ssettag $0x1  }
0x1: {  	s14 =	rddreg [dreg:$0x0];
	s1 =	stileid.u32  }
0x2: {  	s5 =	rddreg [dreg:$0x1];
	s12 =	simm.s32 $0x0;
	s3 =	smul.u32 $0xA00, s1  }
0x3: {  	[smem:$0x7FF] =	sst s12;
	s2 =	smul.u32 $0xA000, s1  }
0x4: {  	s0 =	rddreg [dreg:$0x2];
	s7 =	sadd.s32 $0x54C00, s14;
	_ =	strace $0x8000004A  }
0x5: {  	s6 =	sadd.s32 s3, s14;
	s4 =	sadd.s32 s2, s5;
	s3 =	sshll.u32 s1, $0x6  }
0x6: {  	s8 =	sor.u32 $0x1C01, s3;
	s9 =	sadd.s32 $0xEC00, s6;
	s4 =	sshrl.u32 s4, $0x3  }
0x7: {  	[spmem:s4], [sflag:s8] =	dma.local [hbm:s7], $0x1400  }
0x8: {  	[tilespmem:s12], [sflag:$0x2] =	stream.linear.gather [hbm4b:s9+s12], $0x5000, $0x38;
	[tilespmem:$0x1E000] =	vst v63  }
0x9: {  	s29 =	simm.s32 $0x5000;
	s6 =	sadd.s32 $0x4C00, s6  }
0xa: {  	[tilespmem:s29], [sflag:$0x3] =	stream.linear.gather [hbm4b:s6+s12], $0x5000, $0x38;
	[tilespmem:$0x1E000] =	vst v63  }
0xb: {  	s6 =	simm.s32 $0x1  }
0xc: {  	_ =	swait.ge [sflag:s6], $0x1400  }
0xd: {  	[sflag:s6] =	ssyncset.done $0x0  }
0xe: {  	s7 =	simm.s32 $0x2;
	[sflag:s6] =	ssyncadd.s32 $0xFFFFEC00  }
0xf: {  	_ =	swait.ge [sflag:s7], $0x5000  }
0x10: {  	[sflag:s7] =	ssyncset.done $0x0  }
0x11: {  	s8 =	simm.s32 $0x3;
	[sflag:s7] =	ssyncadd.s32 $0xFFFFB000  }
0x12: {  	_ =	swait.ge [sflag:s8], $0x5000  }
0x13: {  	[sflag:s8] =	ssyncset.done $0x0  }
0x14: {  	s10 =	simm.s32 $0x80;
	[sflag:s8] =	ssyncadd.s32 $0xFFFFB000  }
0x15: {  	s11 =	simm.s32 $0xA000;
	s9 =	sadd.s32 $0x40C00, s14;
	[bflag:$0x0] =	sbarrier.arrive $0xFFFF  }
0x16: {  	[tilespmem:s11], [sflag:$0x1] =	stream.indirect.gather [hbm4b:s9+s10], $0x40, s12, s10, $0xb8;
	[tilespmem:$0x1E000] =	vst v63  }
0x17: {  	s12 =	simm.s32 $0xC000  }
0x18: {  	[tilespmem:s12], [sflag:$0x2] =	stream.indirect.gather [hbm4b:s9+s10], $0x40, s10, s10, $0xb8;
	[tilespmem:$0x1E000] =	vst v63  }
0x19: {  	s15 =	simm.s32 $0x100;
	s13 =	simm.s32 $0xE000  }
0x1a: {  	[tilespmem:s13], [sflag:$0x3] =	stream.indirect.gather [hbm4b:s9+s10], $0x40, s15, s10, $0xb8;
	[tilespmem:$0x1E000] =	vst v63  }
0x1b: {  	s16 =	simm.s32 $0x180;
	s15 =	simm.s32 $0x10000  }
0x1c: {  	[tilespmem:s15], [sflag:$0x4] =	stream.indirect.gather [hbm4b:s9+s10], $0x40, s16, s10, $0xb8;
	[tilespmem:$0x1E000] =	vst v63  }
0x1d: {  	s17 =	simm.s32 $0x200;
	s16 =	simm.s32 $0x12000  }
0x1e: {  	[tilespmem:s16], [sflag:$0x5] =	stream.indirect.gather [hbm4b:s9+s10], $0x40, s17, s10, $0xb8;
	[tilespmem:$0x1E000] =	vst v63  }
0x1f: {  	_ =	swait.ge [sflag:s6], $0x2000  }
0x20: {  	[sflag:s6] =	ssyncset.done $0x0  }
0x21: {  	s30 =	simm.s32 $0x5000;
	[sflag:s6] =	ssyncadd.s32 $0xFFFFE000  }
0x22: {  	[spmem:s5] =	stream.indirect.scatter.add.f32 [tilespmem:s11], [sflag:$0x6], $0x40, s30, s10, $0xb8;
	[tilespmem:$0x1E000] =	vst v63  }
0x23: {  	_ =	swait.ge [sflag:s7], $0x2000  }
0x24: {  	[sflag:s7] =	ssyncset.done $0x0  }
0x25: {  	s31 =	simm.s32 $0x5080;
	[sflag:s7] =	ssyncadd.s32 $0xFFFFE000  }
0x26: {  	[spmem:s5] =	stream.indirect.scatter.add.f32 [tilespmem:s12], [sflag:$0x7], $0x40, s31, s10, $0xb8;
	[tilespmem:$0x1E000] =	vst v63  }
0x27: {  	_ =	swait.ge [sflag:s8], $0x2000  }
0x28: {  	[sflag:s8] =	ssyncset.done $0x0  }
0x29: {  	s18 =	simm.s32 $0x5100;
	s17 =	simm.s32 $0x4;
	[sflag:s8] =	ssyncadd.s32 $0xFFFFE000  }
0x2a: {  	[spmem:s5] =	stream.indirect.scatter.add.f32 [tilespmem:s13], [sflag:$0x8], $0x40, s18, s10, $0xb8;
	[tilespmem:$0x1E000] =	vst v63  }
0x2b: {  	_ =	swait.ge [sflag:s17], $0x2000  }
0x2c: {  	[sflag:s17] =	ssyncset.done $0x0  }
0x2d: {  	s19 =	simm.s32 $0x5180;
	s18 =	simm.s32 $0x5;
	[sflag:s17] =	ssyncadd.s32 $0xFFFFE000  }
0x2e: {  	[spmem:s5] =	stream.indirect.scatter.add.f32 [tilespmem:s15], [sflag:$0x9], $0x40, s19, s10, $0xb8;
	[tilespmem:$0x1E000] =	vst v63  }
0x2f: {  	_ =	swait.ge [sflag:s18], $0x2000  }
0x30: {  	[sflag:s18] =	ssyncset.done $0x0  }
0x31: {  	s20 =	simm.s32 $0x5200;
	s19 =	simm.s32 $0x6;
	[sflag:s18] =	ssyncadd.s32 $0xFFFFE000  }
0x32: {  	[spmem:s5] =	stream.indirect.scatter.add.f32 [tilespmem:s16], [sflag:$0xA], $0x40, s20, s10, $0xb8;
	[tilespmem:$0x1E000] =	vst v63  }
0x33: {  	_ =	swait.ge [sflag:s19], $0x2000  }
0x34: {  	[sflag:s19] =	ssyncset.done $0x0  }
0x35: {  	s21 =	simm.s32 $0x280;
	s20 =	simm.s32 $0x7;
	[sflag:s19] =	ssyncadd.s32 $0xFFFFE000  }
0x36: {  	[tilespmem:s11], [sflag:$0x1] =	stream.indirect.gather [hbm4b:s9+s10], $0x40, s21, s10, $0xb8;
	[tilespmem:$0x1E000] =	vst v63  }
0x37: {  	_ =	swait.ge [sflag:s20], $0x2000  }
0x38: {  	[sflag:s20] =	ssyncset.done $0x0  }
0x39: {  	s22 =	simm.s32 $0x300;
	s21 =	simm.s32 $0x8;
	[sflag:s20] =	ssyncadd.s32 $0xFFFFE000  }
0x3a: {  	[tilespmem:s12], [sflag:$0x2] =	stream.indirect.gather [hbm4b:s9+s10], $0x40, s22, s10, $0xb8;
	[tilespmem:$0x1E000] =	vst v63  }
0x3b: {  	_ =	swait.ge [sflag:s21], $0x2000  }
0x3c: {  	[sflag:s21] =	ssyncset.done $0x0  }
0x3d: {  	s23 =	simm.s32 $0x380;
	s22 =	simm.s32 $0x9;
	[sflag:s21] =	ssyncadd.s32 $0xFFFFE000  }
0x3e: {  	[tilespmem:s13], [sflag:$0x3] =	stream.indirect.gather [hbm4b:s9+s10], $0x40, s23, s10, $0xb8;
	[tilespmem:$0x1E000] =	vst v63  }
0x3f: {  	_ =	swait.ge [sflag:s22], $0x2000  }
0x40: {  	[sflag:s22] =	ssyncset.done $0x0  }
0x41: {  	s24 =	simm.s32 $0x400;
	s23 =	simm.s32 $0xA;
	[sflag:s22] =	ssyncadd.s32 $0xFFFFE000  }
0x42: {  	[tilespmem:s15], [sflag:$0x4] =	stream.indirect.gather [hbm4b:s9+s10], $0x40, s24, s10, $0xb8;
	[tilespmem:$0x1E000] =	vst v63  }
0x43: {  	_ =	swait.ge [sflag:s23], $0x2000  }
0x44: {  	s25 =	simm.s32 $0x480;
	[sflag:s23] =	ssyncset.done $0x0  }
0x45: {  	s14 =	sadd.s32 $0x56000, s14;
	s24 =	simm.s32 $0xA00;
	[sflag:s23] =	ssyncadd.s32 $0xFFFFE000  }
.LBB2_1:
0x46: {  	[tilespmem:s16], [sflag:$0x5] =	stream.indirect.gather [hbm4b:s9+s10], $0x40, s25, s10, $0xb8;
	[tilespmem:$0x1E000] =	vst v63  }
0x47: {  	s25 =	smov.u32 s24  }
0x48: {  	p0 =	sne.s32 s24, $0x12C00;
	s24 =	sadd.s32 $0xA00, s24;
	_ =	swait.ge [sflag:s6], $0x2000  }
0x49: {  	s25 =	sshra.s32 s25, $0x2;
	[sflag:s6] =	ssyncset.done $0x0  }
0x4a: {  	s26 =	sadd.s32 $0x5000, s25;
	[sflag:s6] =	ssyncadd.s32 $0xFFFFE000  }
0x4b: {  	[spmem:s5] =	stream.indirect.scatter.add.f32 [tilespmem:s11], [sflag:$0x6], $0x40, s26, s10, $0xb8;
	[tilespmem:$0x1E000] =	vst v63  }
0x4c: {  	_ =	swait.ge [sflag:s7], $0x2000  }
0x4d: {  	[sflag:s7] =	ssyncset.done $0x0  }
0x4e: {  	s26 =	sadd.s32 $0x5080, s25;
	[sflag:s7] =	ssyncadd.s32 $0xFFFFE000  }
0x4f: {  	[spmem:s5] =	stream.indirect.scatter.add.f32 [tilespmem:s12], [sflag:$0x7], $0x40, s26, s10, $0xb8;
	[tilespmem:$0x1E000] =	vst v63  }
0x50: {  	_ =	swait.ge [sflag:s8], $0x2000  }
0x51: {  	[sflag:s8] =	ssyncset.done $0x0  }
0x52: {  	s26 =	sadd.s32 $0x5100, s25;
	[sflag:s8] =	ssyncadd.s32 $0xFFFFE000  }
0x53: {  	[spmem:s5] =	stream.indirect.scatter.add.f32 [tilespmem:s13], [sflag:$0x8], $0x40, s26, s10, $0xb8;
	[tilespmem:$0x1E000] =	vst v63  }
0x54: {  	_ =	swait.ge [sflag:s17], $0x2000  }
0x55: {  	[sflag:s17] =	ssyncset.done $0x0  }
0x56: {  	s26 =	sadd.s32 $0x5180, s25;
	[sflag:s17] =	ssyncadd.s32 $0xFFFFE000  }
0x57: {  	[spmem:s5] =	stream.indirect.scatter.add.f32 [tilespmem:s15], [sflag:$0x9], $0x40, s26, s10, $0xb8;
	[tilespmem:$0x1E000] =	vst v63  }
0x58: {  	_ =	swait.ge [sflag:s18], $0x2000  }
0x59: {  	[sflag:s18] =	ssyncset.done $0x0  }
0x5a: {  	s26 =	sadd.s32 $0x5200, s25;
	[sflag:s18] =	ssyncadd.s32 $0xFFFFE000  }
0x5b: {  	[spmem:s5] =	stream.indirect.scatter.add.f32 [tilespmem:s16], [sflag:$0xA], $0x40, s26, s10, $0xb8;
	[tilespmem:$0x1E000] =	vst v63  }
0x5c: {  	_ =	swait.ge [sflag:s19], $0x2000  }
0x5d: {  	[sflag:s19] =	ssyncset.done $0x0  }
0x5e: {  	s26 =	sadd.s32 $0x280, s25;
	[sflag:s19] =	ssyncadd.s32 $0xFFFFE000  }
0x5f: {  	[tilespmem:s11], [sflag:$0x1] =	stream.indirect.gather [hbm4b:s9+s10], $0x40, s26, s10, $0xb8;
	[tilespmem:$0x1E000] =	vst v63  }
0x60: {  	_ =	swait.ge [sflag:s20], $0x2000  }
0x61: {  	[sflag:s20] =	ssyncset.done $0x0  }
0x62: {  	s26 =	sadd.s32 $0x300, s25;
	[sflag:s20] =	ssyncadd.s32 $0xFFFFE000  }
0x63: {  	[tilespmem:s12], [sflag:$0x2] =	stream.indirect.gather [hbm4b:s9+s10], $0x40, s26, s10, $0xb8;
	[tilespmem:$0x1E000] =	vst v63  }
0x64: {  	_ =	swait.ge [sflag:s21], $0x2000  }
0x65: {  	[sflag:s21] =	ssyncset.done $0x0  }
0x66: {  	s26 =	sadd.s32 $0x380, s25;
	[sflag:s21] =	ssyncadd.s32 $0xFFFFE000  }
0x67: {  	[tilespmem:s13], [sflag:$0x3] =	stream.indirect.gather [hbm4b:s9+s10], $0x40, s26, s10, $0xb8;
	[tilespmem:$0x1E000] =	vst v63  }
0x68: {  	_ =	swait.ge [sflag:s22], $0x2000  }
0x69: {  	[sflag:s22] =	ssyncset.done $0x0  }
.Ltmp0:
0x6a: {  	s26 =	sadd.s32 $0x400, s25;
	[sflag:s22] =	ssyncadd.s32 $0xFFFFE000;
	(pc) =	sbr.rel @p0 .LBB2_1-.Ltmp0, $4  }
0x6b: {  	[tilespmem:s15], [sflag:$0x4] =	stream.indirect.gather [hbm4b:s9+s10], $0x40, s26, s10, $0xb8;
	[tilespmem:$0x1E000] =	vst v63  }
0x6c: {  	_ =	swait.ge [sflag:s23], $0x2000  }
0x6d: {  	[sflag:s23] =	ssyncset.done $0x0  }
0x6e: {  	s25 =	sadd.s32 $0x480, s25;
	[sflag:s23] =	ssyncadd.s32 $0xFFFFE000  }
0x6f: {  	[tilespmem:s16], [sflag:$0x5] =	stream.indirect.gather [hbm4b:s9+s10], $0x40, s25, s10, $0xb8;
	[tilespmem:$0x1E000] =	vst v63  }
0x70: {  	s6 =	simm.s32 $0x1  }
0x71: {  	_ =	swait.ge [sflag:s6], $0x2000  }
0x72: {  	s11 =	simm.s32 $0x80;
	s7 =	simm.s32 $0x9D80;
	[sflag:s6] =	ssyncset.done $0x0  }
0x73: {  	s8 =	simm.s32 $0xA000;
	s12 =	simm.s32 $0x2;
	[sflag:s6] =	ssyncadd.s32 $0xFFFFE000  }
0x74: {  	[spmem:s5] =	stream.indirect.scatter.add.f32 [tilespmem:s8], [sflag:$0x6], $0x40, s7, s11, $0xb8;
	[tilespmem:$0x1E000] =	vst v63  }
0x75: {  	_ =	swait.ge [sflag:s12], $0x2000  }
0x76: {  	s13 =	simm.s32 $0x9E00;
	[sflag:s12] =	ssyncset.done $0x0  }
0x77: {  	s15 =	simm.s32 $0xC000;
	s16 =	simm.s32 $0x3;
	[sflag:s12] =	ssyncadd.s32 $0xFFFFE000  }
0x78: {  	[spmem:s5] =	stream.indirect.scatter.add.f32 [tilespmem:s15], [sflag:$0x7], $0x40, s13, s11, $0xb8;
	[tilespmem:$0x1E000] =	vst v63  }
0x79: {  	_ =	swait.ge [sflag:s16], $0x2000  }
0x7a: {  	s17 =	simm.s32 $0x9E80;
	[sflag:s16] =	ssyncset.done $0x0  }
0x7b: {  	s18 =	simm.s32 $0xE000;
	s19 =	simm.s32 $0x4;
	[sflag:s16] =	ssyncadd.s32 $0xFFFFE000  }
0x7c: {  	[spmem:s5] =	stream.indirect.scatter.add.f32 [tilespmem:s18], [sflag:$0x8], $0x40, s17, s11, $0xb8;
	[tilespmem:$0x1E000] =	vst v63  }
0x7d: {  	_ =	swait.ge [sflag:s19], $0x2000  }
0x7e: {  	s20 =	simm.s32 $0x9F00;
	[sflag:s19] =	ssyncset.done $0x0  }
0x7f: {  	s21 =	simm.s32 $0x10000;
	s22 =	simm.s32 $0x5;
	[sflag:s19] =	ssyncadd.s32 $0xFFFFE000  }
0x80: {  	[spmem:s5] =	stream.indirect.scatter.add.f32 [tilespmem:s21], [sflag:$0x9], $0x40, s20, s11, $0xb8;
	[tilespmem:$0x1E000] =	vst v63  }
0x81: {  	_ =	swait.ge [sflag:s22], $0x2000  }
0x82: {  	s23 =	simm.s32 $0x9F80;
	[sflag:s22] =	ssyncset.done $0x0  }
0x83: {  	s24 =	simm.s32 $0x12000;
	s25 =	simm.s32 $0x6;
	[sflag:s22] =	ssyncadd.s32 $0xFFFFE000  }
0x84: {  	[spmem:s5] =	stream.indirect.scatter.add.f32 [tilespmem:s24], [sflag:$0xA], $0x40, s23, s11, $0xb8;
	[tilespmem:$0x1E000] =	vst v63  }
0x85: {  	_ =	swait.ge [sflag:s25], $0x2000  }
0x86: {  	[sflag:s25] =	ssyncset.done $0x0  }
0x87: {  	s26 =	simm.s32 $0x7;
	[sflag:s25] =	ssyncadd.s32 $0xFFFFE000  }
0x88: {  	_ =	swait.ge [sflag:s26], $0x2000  }
0x89: {  	[sflag:s26] =	ssyncset.done $0x0  }
0x8a: {  	s28 =	simm.s32 $0x8;
	[sflag:s26] =	ssyncadd.s32 $0xFFFFE000  }
0x8b: {  	_ =	swait.ge [sflag:s28], $0x2000  }
0x8c: {  	[sflag:s28] =	ssyncset.done $0x0  }
0x8d: {  	s29 =	simm.s32 $0x9;
	[sflag:s28] =	ssyncadd.s32 $0xFFFFE000  }
0x8e: {  	_ =	swait.ge [sflag:s29], $0x2000  }
0x8f: {  	[sflag:s29] =	ssyncset.done $0x0  }
0x90: {  	s30 =	simm.s32 $0xA;
	[sflag:s29] =	ssyncadd.s32 $0xFFFFE000  }
0x91: {  	_ =	swait.ge [sflag:s30], $0x2000  }
0x92: {  	[sflag:s30] =	ssyncset.done $0x0  }
0x93: {  	s2 =	sshrl.u32 s2, $0x3;
	s3 =	sor.u32 $0x1C0B, s3;
	[sflag:s30] =	ssyncadd.s32 $0xFFFFE000  }
0x94: {  	s31 =	simm.s32 $0xB;
	s2 =	sadd.s32 s14, s2;
	[bflag:$0x0] =	sbarrier.arrive $0xFFFF  }
0x95: {  	[hbm:s2], [sflag:s3] =	dma.local [spmem:s4], $0x1400  }
0x96: {  	_ =	swait.ge [sflag:s31], $0x1400  }
0x97: {  	[sflag:s31] =	ssyncset.done $0x0  }
0x98: {  	[sflag:s31] =	ssyncadd.s32 $0xFFFFEC00  }
0x99: {  	_ =	sfence.sel $0x180000  }
0x9a: {  	[bflag:$0x0] =	sbarrier.arrive $0xFFFF  }
0x9b: {  	p0 =	sne.s32 s1, $0x0;
	_ =	strace $0x9000004A  }
0x9c: {  	s0 =	sadd.s32 @!p0 $0x100000, s0;
	[bflag:$0x2] =	sbarrier.arrive $0xFFFF  }
0x9d: {  	[sflag:s0] =	ssyncadd.tile.s32 @!p0 $0x1;
	_ =	shalt  }
.Lfunc_end2:
_tile_overlayer_lowered:
.L_overlay_start_2:
0x9e: {  	(tag) =	ssettag $0x2  }
0x9f: {  	s0 =	rddreg [dreg:$0x0];
	s2 =	stileid.u32  }
0xa0: {  	s1 =	rddreg [dreg:$0x1];
	p0 =	sne.s32 s2, $0x0  }
0xa1: {  	s3 =	rddreg [dreg:$0x2];
	[bflag:$0x3] =	sbarrier.arrive $0xFFFF;
	s2 =	simm.s32 @!p0 $0x1C0B  }
0xa2: {  	[timem:s3], [sflag:s2] =	dma.local @!p0 [hbm:s0], s1  }
0xa3: {  	s0 =	simm.s32 @!p0 $0xB  }
0xa4: {  	_ =	swait.ge @!p0 [sflag:s0], s1  }
0xa5: {  	s1 =	ssub.s32 @!p0 $0x0, s1;
	[sflag:s0] =	ssyncset.done @!p0 $0x0  }
0xa6: {  	[sflag:s0] =	ssyncadd.s32 @!p0 s1  }
0xa7: {  	[bflag:$0x3] =	sbarrier.arrive $0xFFFF  }
0xa8: {  	_ =	shalt  }

// kernel: kernel.18.cloned.1.call-start
scs
__scs_entry_jumppad:
0x0: {  	(pc) =	sbr.rel $0x88, $3  }
0x1: {  	(tag) =	ssettag $0x0;
	lr =	simm.s32 $0x1  }
0x2: {  	[smem:$0x3F97] =	sst lr;
	_ =	strace $0xD0000000  }
0x3: {  	_ = 	snop  }
0x4: {  	_ = 	snop  }
0x5: {  	_ = 	snop  }
0x6: {  	_ = 	snop  }
0x7: {  	_ = 	snop  }
__scs_overlays_trampoline_lowered:
0x8: {  	[smem:$0x3FA6] =	sst s0  }
0x9: {  	[smem:$0x3FA7] =	sst s1  }
0xa: {  	[smem:$0x3FA8] =	sst s2  }
0xb: {  	[smem:$0x3FA9] =	sst s3  }
0xc: {  	[smem:$0x3FAA] =	sst s4  }
0xd: {  	[smem:$0x3FAB] =	sst s5  }
0xe: {  	[smem:$0x3FAC] =	sst s6  }
0xf: {  	[smem:$0x3FAD] =	sst s7  }
0x10: {  	[smem:$0x3FAE] =	sst s8  }
0x11: {  	[smem:$0x3FAF] =	sst s9;
	s0 =	simm.s32 @!p0 $0x0  }
0x12: {  	s1 =	sld [smem:$0x3F95];
	s0 =	simm.s32 @p0 $0x1  }
0x13: {  	[smem:$0x3FB0] =	sst s0;
	s0 =	simm.s32 @!p1 $0x0  }
0x14: {  	s2 =	sld [smem:$0x3F94];
	s0 =	simm.s32 @p1 $0x1  }
0x15: {  	[smem:$0x3FB1] =	sst s0;
	s0 =	simm.s32 @!p2 $0x0  }
0x16: {  	s3 =	sld [smem:$0x3FDB];
	s0 =	simm.s32 @p2 $0x1  }
0x17: {  	s4 =	simm.s32 $0x1BF5;
	[smem:$0x3FB3] =	sst s0  }
0x18: {  	s0 =	sld [smem:$0x3F96];
	_ =	swait.ge [sflag:s4], $0x0  }
0x19: {  	s7 =	sld [smem:$0x3F97]  }
0x1a: {  	s8 =	sadd.s32 $0xFFFFE003, lr  }
0x1b: {  	s9 =	sadd.s32 $0xFFFFFEF7, lr;
	s5 =	simm.s32 $0xFFFFFFFF;
	p2 =	slt.u32 s8, $0xFFFFF086  }
0x1c: {  	p1 =	slt.u32 s9, $0xF7A;
	s5 =	simm.s32 @!p2 $0x0  }
0x1d: {  	s5 =	simm.s32 @p1 $0x1;
	p0 =	seq.s32 s7, s2  }
0x1e: {  	s7 =	smul.u32 @!p0 $0xF7A, s2;
	p2 =	seq.s32 @!p0 s5, $0x0  }
0x1f: {  	s9 =	smul.u32 $0xF7A, s1;
	s8 =	simm.s32 @!p0 $0x1BF5;
	p2 =	por !p2, p0  }
0x20: {  	[sflag:s8] =	ssyncset.s32 @!p0 $0xFFFFF086;
	s6 =	sadd.s32 @!p0 s3, s7;
	s7 =	simm.s32 @!p0 $0x108  }
0x21: {  	s3 =	sadd.s32 s3, s9;
	s6 =	sadd.s32 @!p0 $0x88, s6;
	s7 =	simm.s32 @p2 $0x1082  }
0x22: {  	[simem:s7], [sflag:s8] =	dma.local @!p0 [hbm:s6], $0xF7A  }
0x23: {  	s9 =	sor.u32 $0xD0000000, s2;
	s6 =	simm.s32 $0x108;
	_ =	swait.ge @!p0 [sflag:s8], $0x0  }
0x24: {  	s3 =	sadd.s32 $0x88, s3;
	s6 =	simm.s32 @!p1 $0x1082;
	[sflag:s4] =	ssyncset.s32 $0xFFFFF086  }
0x25: {  	[simem:s6], [sflag:s4] =	dma.local [hbm:s3], $0xF7A  }
0x26: {  	[smem:$0x3F97] =	sst s1;
	(tag) =	ssettag s2;
	_ =	strace s9  }
0x27: {  	s1 =	sld [smem:$0x3FA7]  }
0x28: {  	s2 =	sld [smem:$0x3FA8]  }
0x29: {  	s4 =	sld [smem:$0x3FAA]  }
0x2a: {  	p0 =	seq.s32 s5, $0x0;
	s5 =	sld [smem:$0x3FAB]  }
0x2b: {  	s6 =	sld [smem:$0x3FAC]  }
0x2c: {  	s7 =	sld [smem:$0x3FAD]  }
0x2d: {  	s3 =	simm.s32 $0x108;
	s8 =	sld [smem:$0x3FAE]  }
0x2e: {  	s3 =	simm.s32 @!p0 $0x1082;
	s9 =	sld [smem:$0x3FAF]  }
0x2f: {  	lr =	sadd.s32 s0, s3;
	s0 =	sld [smem:$0x3FA6]  }
0x30: {  	s3 =	sld [smem:$0x3FA9]  }
0x31: {  	[smem:$0x3FB2] =	sst s10  }
0x32: {  	s10 =	sld [smem:$0x3FB0];
	_ =	sdelay $0x3  }
0x33: {  	p0 =	seq.s32 s10, $0x1;
	s10 =	sld [smem:$0x3FB2];
	_ =	sdelay $0x3  }
0x34: {  	[smem:$0x3FB2] =	sst s10  }
0x35: {  	s10 =	sld [smem:$0x3FB1];
	_ =	sdelay $0x3  }
0x36: {  	p1 =	seq.s32 s10, $0x1;
	s10 =	sld [smem:$0x3FB2];
	_ =	sdelay $0x3  }
0x37: {  	[smem:$0x3FB2] =	sst s10  }
0x38: {  	s10 =	sld [smem:$0x3FB3]  }
0x39: {  	_ = 	snop;
	(pc) =	sbr.ind lr, $3  }
0x3a: {  	_ = 	snop  }
0x3b: {  	_ = 	snop  }
0x3c: {  	p2 =	seq.s32 s10, $0x1;
	s10 =	sld [smem:$0x3FB2]  }
0x3d: {  	_ =	shalt  }
0x3e: {  	_ =	shalt  }
0x3f: {  	_ =	shalt  }
0x40: {  	_ =	shalt  }
0x41: {  	_ =	shalt  }
0x42: {  	_ =	shalt  }
0x43: {  	_ =	shalt  }
0x44: {  	_ =	shalt  }
0x45: {  	_ =	shalt  }
0x46: {  	_ =	shalt  }
0x47: {  	_ =	shalt  }
0x48: {  	_ =	shalt  }
0x49: {  	_ =	shalt  }
0x4a: {  	_ =	shalt  }
0x4b: {  	_ =	shalt  }
0x4c: {  	_ =	shalt  }
0x4d: {  	_ =	shalt  }
0x4e: {  	_ =	shalt  }
0x4f: {  	_ =	shalt  }
0x50: {  	_ =	shalt  }
0x51: {  	_ =	shalt  }
0x52: {  	_ =	shalt  }
0x53: {  	_ =	shalt  }
0x54: {  	_ =	shalt  }
0x55: {  	_ =	shalt  }
0x56: {  	_ =	shalt  }
0x57: {  	_ =	shalt  }
0x58: {  	_ =	shalt  }
0x59: {  	_ =	shalt  }
0x5a: {  	_ =	shalt  }
0x5b: {  	_ =	shalt  }
0x5c: {  	_ =	shalt  }
0x5d: {  	_ =	shalt  }
0x5e: {  	_ =	shalt  }
0x5f: {  	_ =	shalt  }
0x60: {  	_ =	shalt  }
0x61: {  	_ =	shalt  }
0x62: {  	_ =	shalt  }
0x63: {  	_ =	shalt  }
0x64: {  	_ =	shalt  }
0x65: {  	_ =	shalt  }
0x66: {  	_ =	shalt  }
0x67: {  	_ =	shalt  }
0x68: {  	_ =	shalt  }
0x69: {  	_ =	shalt  }
0x6a: {  	_ =	shalt  }
0x6b: {  	_ =	shalt  }
0x6c: {  	_ =	shalt  }
0x6d: {  	_ =	shalt  }
0x6e: {  	_ =	shalt  }
0x6f: {  	_ =	shalt  }
0x70: {  	_ =	shalt  }
0x71: {  	_ =	shalt  }
0x72: {  	_ =	shalt  }
0x73: {  	_ =	shalt  }
0x74: {  	_ =	shalt  }
0x75: {  	_ =	shalt  }
0x76: {  	_ =	shalt  }
0x77: {  	_ =	shalt  }
0x78: {  	_ =	shalt  }
0x79: {  	_ =	shalt  }
0x7a: {  	_ =	shalt  }
0x7b: {  	_ =	shalt  }
0x7c: {  	_ =	shalt  }
0x7d: {  	_ =	shalt  }
0x7e: {  	_ =	shalt  }
0x7f: {  	_ =	shalt  }
0x80: {  	_ =	shalt  }
0x81: {  	_ =	shalt  }
0x82: {  	_ =	shalt  }
0x83: {  	_ =	shalt  }
0x84: {  	_ =	shalt  }
0x85: {  	_ =	shalt  }
0x86: {  	_ =	shalt  }
0x87: {  	_ =	shalt  }
.Lfunc_end0:
.L_simem_size_0:
called_computation.2_lowered:
.L_overlay_start_0:
0x88: {  	s0 =	sld [smem:$0x3FD9]  }
0x89: {  	s1 =	sld [smem:$0x3FFE];
	_ =	sdelay $0x3  }
0x8a: {  	s0 =	sadd.s32 s1, s0  }
0x8b: {  	[smem:$0x3FBE] =	sst s0  }
0x8c: {  	_ = 	snop  }
0x8d: {  	(tm) =	ssettm $0x1  }
0x8e: {  	s15 =	sld [smem:$0x3FFB];
	_ =	sdelay $0x3  }
0x8f: {  	_ =	strace s15  }
0x90: {  	s0 =	sld [smem:$0x3FFC];
	_ =	sdelay $0x3  }
0x91: {  	_ =	strace s0  }
0x92: {  	s0 =	sld [smem:$0x3FFD];
	_ =	sdelay $0x3  }
0x93: {  	_ =	strace s0  }
0x94: {  	_ =	strace $0x8FFFFFFF  }
0x95: {  	s16 =	sld [smem:$0x3FDB];
	_ =	sdelay $0x1  }
0x96: {  	s17 =	simm.s32 $_scs_section_size  }
0x97: {  	s2 =	simm.s32 $_size__tile_overlayer_lowered;
	s3 =	simm.s32 $_tile_overlayer_lowered  }
0x98: {  	s20 =	simm.s32 $0x1BFF;
	s19 =	sshll.u32 s3, $0x1;
	s0 =	sadd.s32 s17, s16  }
0x99: {  	s4 =	simm.s32 $0x0;
	s18 =	sshll.u32 s2, $0x1;
	s2 =	sadd.s32 s19, s0  }
0x9a: {  	[timem:s4], [sflag:s20] =	dma.local [hbm:s2], s18  }
0x9b: {  	_ =	swait.ge [sflag:s20], s18  }
0x9c: {  	s1 =	ssub.s32 $0x0, s18;
	[sflag:s20] =	ssyncset.done $0x0  }
0x9d: {  	[sflag:s20] =	ssyncadd.s32 s1;
	_ =	sdelay $0x1  }
0x9e: {  	s21 =	simm.s32 $0x1B8B  }
0x9f: {  	_ =	swait.ge [sflag:s21], $0x1  }
0xa0: {  	[sflag:s21] =	ssyncset.done $0x0  }
0xa1: {  	s23 =	simm.s32 $0x1B8E;
	s22 =	sld [smem:$0x3FFE];
	[sflag:s21] =	ssyncadd.s32 $0xFFFFFFFF  }
0xa2: {  	s24 =	simm.s32 $execute0_lowered;
	[smem:$0x3FD2] =	sst s23  }
0xa3: {  	s2 =	sshll.u32 s24, $0x1;
	_ =	strace $0x8000004C;
	[dreg:$0x1] =	wrdreg $0xFFFFFFFF  }
0xa4: {  	s25 =	simm.s32 $_size_execute0_lowered;
	s0 =	sadd.s32 s0, s2;
	[dreg:$0x0] =	wrdreg $0x0  }
0xa5: {  	s2 =	sshll.u32 s25, $0x1;
	[dreg:$0x2] =	wrdreg s0  }
0xa6: {  	[dreg:$0x3] =	wrdreg s2  }
0xa7: {  	[dreg:$0x4] =	wrdreg $0xC0  }
0xa8: {  	_ =	task [dreg:s4], $0x5FFFF  }
0xa9: {  	[dreg:$0x1] =	wrdreg $0xFFFFFFFF  }
0xaa: {  	[dreg:$0x0] =	wrdreg $0x60  }
0xab: {  	[dreg:$0x2] =	wrdreg s22  }
0xac: {  	[dreg:$0x3] =	wrdreg $0x140000  }
0xad: {  	[dreg:$0x4] =	wrdreg $0x9  }
0xae: {  	_ =	task.clear_ibuf [dreg:s4], $0x5FFFF;
	_ =	strace $0x9000004C  }
0xaf: {  	s26 =	simm.s32 $0x9;
	_ =	strace $0x8000004E  }
0xb0: {  	_ =	swait.ge [sflag:s26], $0x1  }
0xb1: {  	[sflag:s26] =	ssyncadd.s32 $0xFFFFFFFF  }
0xb2: {  	_ =	strace $0x9000004E  }
0xb3: {  	_ =	sfence  }
0xb4: {  	s28 =	sld [smem:$0x0];
	_ =	sdelay $0x1  }
0xb5: {  	s29 =	srdreg.scid  }
0xb6: {  	s30 =	sshll.u32 s29, $0xD;
	s31 =	sshrl.u32 s29, $0x2  }
0xb7: {  	s1 =	sand.u32 $0x1, s29;
	s2 =	sand.u32 $0x4000, s30;
	s0 =	sadd.s32 s31, s28  }
0xb8: {  	s1 =	sor.u32 s2, s1;
	s0 =	sshll.u32 s0, $0x11  }
0xb9: {  	s0 =	sor.u32 s0, s1  }
0xba: {  	s0 =	sadd.s32 $0x8F2B, s0  }
0xbb: {  	[sflag:s0] =	ssyncadd.remote.s32 $0x1  }
0xbc: {  	_ =	sfence.sel $0xFFFF  }
0xbd: {  	[dreg:$0x0] =	wrdreg $0xFFFFFFFF;
	(pc) =	sbr.abs _section_cstart, $3  }
0xbe: {  	[dreg:$0x1] =	wrdreg $0xFFFFFFFF  }
0xbf: {  	_ =	task.clear_ibuf [dreg:s4], $0x2FFFF;
	_ =	strace $0x9FFFFFFF  }
0xc0: {  	(tm) =	ssettm $0x7FFFFFFF  }
0xc1: {  	_ =	shalt  }
tec
execute0_lowered:
.L_overlay_start_1:
0x0: {  	(tag) =	ssettag $0x1  }
0x1: {  	s14 =	rddreg [dreg:$0x0];
	s1 =	stileid.u32  }
0x2: {  	s5 =	rddreg [dreg:$0x1];
	s12 =	simm.s32 $0x0;
	s3 =	smul.u32 $0xA00, s1  }
0x3: {  	[smem:$0x7FF] =	sst s12;
	s2 =	smul.u32 $0xA000, s1  }
0x4: {  	s0 =	rddreg [dreg:$0x2];
	s7 =	sadd.s32 $0x54C00, s14;
	_ =	strace $0x8000004D  }
0x5: {  	s6 =	sadd.s32 s3, s14;
	s4 =	sadd.s32 s2, s5;
	s3 =	sshll.u32 s1, $0x6  }
0x6: {  	s8 =	sor.u32 $0x1C01, s3;
	s9 =	sadd.s32 $0xEC00, s6;
	s4 =	sshrl.u32 s4, $0x3  }
0x7: {  	[spmem:s4], [sflag:s8] =	dma.local [hbm:s7], $0x1400  }
0x8: {  	[tilespmem:s12], [sflag:$0x2] =	stream.linear.gather [hbm4b:s9+s12], $0x5000, $0x38;
	[tilespmem:$0x1E000] =	vst v63  }
0x9: {  	s29 =	simm.s32 $0x5000;
	s6 =	sadd.s32 $0x4C00, s6  }
0xa: {  	[tilespmem:s29], [sflag:$0x3] =	stream.linear.gather [hbm4b:s6+s12], $0x5000, $0x38;
	[tilespmem:$0x1E000] =	vst v63  }
0xb: {  	s6 =	simm.s32 $0x1  }
0xc: {  	_ =	swait.ge [sflag:s6], $0x1400  }
0xd: {  	[sflag:s6] =	ssyncset.done $0x0  }
0xe: {  	s7 =	simm.s32 $0x2;
	[sflag:s6] =	ssyncadd.s32 $0xFFFFEC00  }
0xf: {  	_ =	swait.ge [sflag:s7], $0x5000  }
0x10: {  	[sflag:s7] =	ssyncset.done $0x0  }
0x11: {  	s8 =	simm.s32 $0x3;
	[sflag:s7] =	ssyncadd.s32 $0xFFFFB000  }
0x12: {  	_ =	swait.ge [sflag:s8], $0x5000  }
0x13: {  	[sflag:s8] =	ssyncset.done $0x0  }
0x14: {  	s10 =	simm.s32 $0x80;
	[sflag:s8] =	ssyncadd.s32 $0xFFFFB000  }
0x15: {  	s11 =	simm.s32 $0xA000;
	s9 =	sadd.s32 $0x40C00, s14;
	[bflag:$0x0] =	sbarrier.arrive $0xFFFF  }
0x16: {  	[tilespmem:s11], [sflag:$0x1] =	stream.indirect.gather [hbm4b:s9+s10], $0x40, s12, s10, $0xb8;
	[tilespmem:$0x1E000] =	vst v63  }
0x17: {  	s12 =	simm.s32 $0xC000  }
0x18: {  	[tilespmem:s12], [sflag:$0x2] =	stream.indirect.gather [hbm4b:s9+s10], $0x40, s10, s10, $0xb8;
	[tilespmem:$0x1E000] =	vst v63  }
0x19: {  	s15 =	simm.s32 $0x100;
	s13 =	simm.s32 $0xE000  }
0x1a: {  	[tilespmem:s13], [sflag:$0x3] =	stream.indirect.gather [hbm4b:s9+s10], $0x40, s15, s10, $0xb8;
	[tilespmem:$0x1E000] =	vst v63  }
0x1b: {  	s16 =	simm.s32 $0x180;
	s15 =	simm.s32 $0x10000  }
0x1c: {  	[tilespmem:s15], [sflag:$0x4] =	stream.indirect.gather [hbm4b:s9+s10], $0x40, s16, s10, $0xb8;
	[tilespmem:$0x1E000] =	vst v63  }
0x1d: {  	s17 =	simm.s32 $0x200;
	s16 =	simm.s32 $0x12000  }
0x1e: {  	[tilespmem:s16], [sflag:$0x5] =	stream.indirect.gather [hbm4b:s9+s10], $0x40, s17, s10, $0xb8;
	[tilespmem:$0x1E000] =	vst v63  }
0x1f: {  	_ =	swait.ge [sflag:s6], $0x2000  }
0x20: {  	[sflag:s6] =	ssyncset.done $0x0  }
0x21: {  	s30 =	simm.s32 $0x5000;
	[sflag:s6] =	ssyncadd.s32 $0xFFFFE000  }
0x22: {  	[spmem:s5] =	stream.indirect.scatter.add.f32 [tilespmem:s11], [sflag:$0x6], $0x40, s30, s10, $0xb8;
	[tilespmem:$0x1E000] =	vst v63  }
0x23: {  	_ =	swait.ge [sflag:s7], $0x2000  }
0x24: {  	[sflag:s7] =	ssyncset.done $0x0  }
0x25: {  	s31 =	simm.s32 $0x5080;
	[sflag:s7] =	ssyncadd.s32 $0xFFFFE000  }
0x26: {  	[spmem:s5] =	stream.indirect.scatter.add.f32 [tilespmem:s12], [sflag:$0x7], $0x40, s31, s10, $0xb8;
	[tilespmem:$0x1E000] =	vst v63  }
0x27: {  	_ =	swait.ge [sflag:s8], $0x2000  }
0x28: {  	[sflag:s8] =	ssyncset.done $0x0  }
0x29: {  	s18 =	simm.s32 $0x5100;
	s17 =	simm.s32 $0x4;
	[sflag:s8] =	ssyncadd.s32 $0xFFFFE000  }
0x2a: {  	[spmem:s5] =	stream.indirect.scatter.add.f32 [tilespmem:s13], [sflag:$0x8], $0x40, s18, s10, $0xb8;
	[tilespmem:$0x1E000] =	vst v63  }
0x2b: {  	_ =	swait.ge [sflag:s17], $0x2000  }
0x2c: {  	[sflag:s17] =	ssyncset.done $0x0  }
0x2d: {  	s19 =	simm.s32 $0x5180;
	s18 =	simm.s32 $0x5;
	[sflag:s17] =	ssyncadd.s32 $0xFFFFE000  }
0x2e: {  	[spmem:s5] =	stream.indirect.scatter.add.f32 [tilespmem:s15], [sflag:$0x9], $0x40, s19, s10, $0xb8;
	[tilespmem:$0x1E000] =	vst v63  }
0x2f: {  	_ =	swait.ge [sflag:s18], $0x2000  }
0x30: {  	[sflag:s18] =	ssyncset.done $0x0  }
0x31: {  	s20 =	simm.s32 $0x5200;
	s19 =	simm.s32 $0x6;
	[sflag:s18] =	ssyncadd.s32 $0xFFFFE000  }
0x32: {  	[spmem:s5] =	stream.indirect.scatter.add.f32 [tilespmem:s16], [sflag:$0xA], $0x40, s20, s10, $0xb8;
	[tilespmem:$0x1E000] =	vst v63  }
0x33: {  	_ =	swait.ge [sflag:s19], $0x2000  }
0x34: {  	[sflag:s19] =	ssyncset.done $0x0  }
0x35: {  	s21 =	simm.s32 $0x280;
	s20 =	simm.s32 $0x7;
	[sflag:s19] =	ssyncadd.s32 $0xFFFFE000  }
0x36: {  	[tilespmem:s11], [sflag:$0x1] =	stream.indirect.gather [hbm4b:s9+s10], $0x40, s21, s10, $0xb8;
	[tilespmem:$0x1E000] =	vst v63  }
0x37: {  	_ =	swait.ge [sflag:s20], $0x2000  }
0x38: {  	[sflag:s20] =	ssyncset.done $0x0  }
0x39: {  	s22 =	simm.s32 $0x300;
	s21 =	simm.s32 $0x8;
	[sflag:s20] =	ssyncadd.s32 $0xFFFFE000  }
0x3a: {  	[tilespmem:s12], [sflag:$0x2] =	stream.indirect.gather [hbm4b:s9+s10], $0x40, s22, s10, $0xb8;
	[tilespmem:$0x1E000] =	vst v63  }
0x3b: {  	_ =	swait.ge [sflag:s21], $0x2000  }
0x3c: {  	[sflag:s21] =	ssyncset.done $0x0  }
0x3d: {  	s23 =	simm.s32 $0x380;
	s22 =	simm.s32 $0x9;
	[sflag:s21] =	ssyncadd.s32 $0xFFFFE000  }
0x3e: {  	[tilespmem:s13], [sflag:$0x3] =	stream.indirect.gather [hbm4b:s9+s10], $0x40, s23, s10, $0xb8;
	[tilespmem:$0x1E000] =	vst v63  }
0x3f: {  	_ =	swait.ge [sflag:s22], $0x2000  }
0x40: {  	[sflag:s22] =	ssyncset.done $0x0  }
0x41: {  	s24 =	simm.s32 $0x400;
	s23 =	simm.s32 $0xA;
	[sflag:s22] =	ssyncadd.s32 $0xFFFFE000  }
0x42: {  	[tilespmem:s15], [sflag:$0x4] =	stream.indirect.gather [hbm4b:s9+s10], $0x40, s24, s10, $0xb8;
	[tilespmem:$0x1E000] =	vst v63  }
0x43: {  	_ =	swait.ge [sflag:s23], $0x2000  }
0x44: {  	s25 =	simm.s32 $0x480;
	[sflag:s23] =	ssyncset.done $0x0  }
0x45: {  	s14 =	sadd.s32 $0x56000, s14;
	s24 =	simm.s32 $0xA00;
	[sflag:s23] =	ssyncadd.s32 $0xFFFFE000  }
.LBB2_1:
0x46: {  	[tilespmem:s16], [sflag:$0x5] =	stream.indirect.gather [hbm4b:s9+s10], $0x40, s25, s10, $0xb8;
	[tilespmem:$0x1E000] =	vst v63  }
0x47: {  	s25 =	smov.u32 s24  }
0x48: {  	p0 =	sne.s32 s24, $0x12C00;
	s24 =	sadd.s32 $0xA00, s24;
	_ =	swait.ge [sflag:s6], $0x2000  }
0x49: {  	s25 =	sshra.s32 s25, $0x2;
	[sflag:s6] =	ssyncset.done $0x0  }
0x4a: {  	s26 =	sadd.s32 $0x5000, s25;
	[sflag:s6] =	ssyncadd.s32 $0xFFFFE000  }
0x4b: {  	[spmem:s5] =	stream.indirect.scatter.add.f32 [tilespmem:s11], [sflag:$0x6], $0x40, s26, s10, $0xb8;
	[tilespmem:$0x1E000] =	vst v63  }
0x4c: {  	_ =	swait.ge [sflag:s7], $0x2000  }
0x4d: {  	[sflag:s7] =	ssyncset.done $0x0  }
0x4e: {  	s26 =	sadd.s32 $0x5080, s25;
	[sflag:s7] =	ssyncadd.s32 $0xFFFFE000  }
0x4f: {  	[spmem:s5] =	stream.indirect.scatter.add.f32 [tilespmem:s12], [sflag:$0x7], $0x40, s26, s10, $0xb8;
	[tilespmem:$0x1E000] =	vst v63  }
0x50: {  	_ =	swait.ge [sflag:s8], $0x2000  }
0x51: {  	[sflag:s8] =	ssyncset.done $0x0  }
0x52: {  	s26 =	sadd.s32 $0x5100, s25;
	[sflag:s8] =	ssyncadd.s32 $0xFFFFE000  }
0x53: {  	[spmem:s5] =	stream.indirect.scatter.add.f32 [tilespmem:s13], [sflag:$0x8], $0x40, s26, s10, $0xb8;
	[tilespmem:$0x1E000] =	vst v63  }
0x54: {  	_ =	swait.ge [sflag:s17], $0x2000  }
0x55: {  	[sflag:s17] =	ssyncset.done $0x0  }
0x56: {  	s26 =	sadd.s32 $0x5180, s25;
	[sflag:s17] =	ssyncadd.s32 $0xFFFFE000  }
0x57: {  	[spmem:s5] =	stream.indirect.scatter.add.f32 [tilespmem:s15], [sflag:$0x9], $0x40, s26, s10, $0xb8;
	[tilespmem:$0x1E000] =	vst v63  }
0x58: {  	_ =	swait.ge [sflag:s18], $0x2000  }
0x59: {  	[sflag:s18] =	ssyncset.done $0x0  }
0x5a: {  	s26 =	sadd.s32 $0x5200, s25;
	[sflag:s18] =	ssyncadd.s32 $0xFFFFE000  }
0x5b: {  	[spmem:s5] =	stream.indirect.scatter.add.f32 [tilespmem:s16], [sflag:$0xA], $0x40, s26, s10, $0xb8;
	[tilespmem:$0x1E000] =	vst v63  }
0x5c: {  	_ =	swait.ge [sflag:s19], $0x2000  }
0x5d: {  	[sflag:s19] =	ssyncset.done $0x0  }
0x5e: {  	s26 =	sadd.s32 $0x280, s25;
	[sflag:s19] =	ssyncadd.s32 $0xFFFFE000  }
0x5f: {  	[tilespmem:s11], [sflag:$0x1] =	stream.indirect.gather [hbm4b:s9+s10], $0x40, s26, s10, $0xb8;
	[tilespmem:$0x1E000] =	vst v63  }
0x60: {  	_ =	swait.ge [sflag:s20], $0x2000  }
0x61: {  	[sflag:s20] =	ssyncset.done $0x0  }
0x62: {  	s26 =	sadd.s32 $0x300, s25;
	[sflag:s20] =	ssyncadd.s32 $0xFFFFE000  }
0x63: {  	[tilespmem:s12], [sflag:$0x2] =	stream.indirect.gather [hbm4b:s9+s10], $0x40, s26, s10, $0xb8;
	[tilespmem:$0x1E000] =	vst v63  }
0x64: {  	_ =	swait.ge [sflag:s21], $0x2000  }
0x65: {  	[sflag:s21] =	ssyncset.done $0x0  }
0x66: {  	s26 =	sadd.s32 $0x380, s25;
	[sflag:s21] =	ssyncadd.s32 $0xFFFFE000  }
0x67: {  	[tilespmem:s13], [sflag:$0x3] =	stream.indirect.gather [hbm4b:s9+s10], $0x40, s26, s10, $0xb8;
	[tilespmem:$0x1E000] =	vst v63  }
0x68: {  	_ =	swait.ge [sflag:s22], $0x2000  }
0x69: {  	[sflag:s22] =	ssyncset.done $0x0  }
.Ltmp0:
0x6a: {  	s26 =	sadd.s32 $0x400, s25;
	[sflag:s22] =	ssyncadd.s32 $0xFFFFE000;
	(pc) =	sbr.rel @p0 .LBB2_1-.Ltmp0, $4  }
0x6b: {  	[tilespmem:s15], [sflag:$0x4] =	stream.indirect.gather [hbm4b:s9+s10], $0x40, s26, s10, $0xb8;
	[tilespmem:$0x1E000] =	vst v63  }
0x6c: {  	_ =	swait.ge [sflag:s23], $0x2000  }
0x6d: {  	[sflag:s23] =	ssyncset.done $0x0  }
0x6e: {  	s25 =	sadd.s32 $0x480, s25;
	[sflag:s23] =	ssyncadd.s32 $0xFFFFE000  }
0x6f: {  	[tilespmem:s16], [sflag:$0x5] =	stream.indirect.gather [hbm4b:s9+s10], $0x40, s25, s10, $0xb8;
	[tilespmem:$0x1E000] =	vst v63  }
0x70: {  	s6 =	simm.s32 $0x1  }
0x71: {  	_ =	swait.ge [sflag:s6], $0x2000  }
0x72: {  	s11 =	simm.s32 $0x80;
	s7 =	simm.s32 $0x9D80;
	[sflag:s6] =	ssyncset.done $0x0  }
0x73: {  	s8 =	simm.s32 $0xA000;
	s12 =	simm.s32 $0x2;
	[sflag:s6] =	ssyncadd.s32 $0xFFFFE000  }
0x74: {  	[spmem:s5] =	stream.indirect.scatter.add.f32 [tilespmem:s8], [sflag:$0x6], $0x40, s7, s11, $0xb8;
	[tilespmem:$0x1E000] =	vst v63  }
0x75: {  	_ =	swait.ge [sflag:s12], $0x2000  }
0x76: {  	s13 =	simm.s32 $0x9E00;
	[sflag:s12] =	ssyncset.done $0x0  }
0x77: {  	s15 =	simm.s32 $0xC000;
	s16 =	simm.s32 $0x3;
	[sflag:s12] =	ssyncadd.s32 $0xFFFFE000  }
0x78: {  	[spmem:s5] =	stream.indirect.scatter.add.f32 [tilespmem:s15], [sflag:$0x7], $0x40, s13, s11, $0xb8;
	[tilespmem:$0x1E000] =	vst v63  }
0x79: {  	_ =	swait.ge [sflag:s16], $0x2000  }
0x7a: {  	s17 =	simm.s32 $0x9E80;
	[sflag:s16] =	ssyncset.done $0x0  }
0x7b: {  	s18 =	simm.s32 $0xE000;
	s19 =	simm.s32 $0x4;
	[sflag:s16] =	ssyncadd.s32 $0xFFFFE000  }
0x7c: {  	[spmem:s5] =	stream.indirect.scatter.add.f32 [tilespmem:s18], [sflag:$0x8], $0x40, s17, s11, $0xb8;
	[tilespmem:$0x1E000] =	vst v63  }
0x7d: {  	_ =	swait.ge [sflag:s19], $0x2000  }
0x7e: {  	s20 =	simm.s32 $0x9F00;
	[sflag:s19] =	ssyncset.done $0x0  }
0x7f: {  	s21 =	simm.s32 $0x10000;
	s22 =	simm.s32 $0x5;
	[sflag:s19] =	ssyncadd.s32 $0xFFFFE000  }
0x80: {  	[spmem:s5] =	stream.indirect.scatter.add.f32 [tilespmem:s21], [sflag:$0x9], $0x40, s20, s11, $0xb8;
	[tilespmem:$0x1E000] =	vst v63  }
0x81: {  	_ =	swait.ge [sflag:s22], $0x2000  }
0x82: {  	s23 =	simm.s32 $0x9F80;
	[sflag:s22] =	ssyncset.done $0x0  }
0x83: {  	s24 =	simm.s32 $0x12000;
	s25 =	simm.s32 $0x6;
	[sflag:s22] =	ssyncadd.s32 $0xFFFFE000  }
0x84: {  	[spmem:s5] =	stream.indirect.scatter.add.f32 [tilespmem:s24], [sflag:$0xA], $0x40, s23, s11, $0xb8;
	[tilespmem:$0x1E000] =	vst v63  }
0x85: {  	_ =	swait.ge [sflag:s25], $0x2000  }
0x86: {  	[sflag:s25] =	ssyncset.done $0x0  }
0x87: {  	s26 =	simm.s32 $0x7;
	[sflag:s25] =	ssyncadd.s32 $0xFFFFE000  }
0x88: {  	_ =	swait.ge [sflag:s26], $0x2000  }
0x89: {  	[sflag:s26] =	ssyncset.done $0x0  }
0x8a: {  	s28 =	simm.s32 $0x8;
	[sflag:s26] =	ssyncadd.s32 $0xFFFFE000  }
0x8b: {  	_ =	swait.ge [sflag:s28], $0x2000  }
0x8c: {  	[sflag:s28] =	ssyncset.done $0x0  }
0x8d: {  	s29 =	simm.s32 $0x9;
	[sflag:s28] =	ssyncadd.s32 $0xFFFFE000  }
0x8e: {  	_ =	swait.ge [sflag:s29], $0x2000  }
0x8f: {  	[sflag:s29] =	ssyncset.done $0x0  }
0x90: {  	s30 =	simm.s32 $0xA;
	[sflag:s29] =	ssyncadd.s32 $0xFFFFE000  }
0x91: {  	_ =	swait.ge [sflag:s30], $0x2000  }
0x92: {  	[sflag:s30] =	ssyncset.done $0x0  }
0x93: {  	s2 =	sshrl.u32 s2, $0x3;
	s3 =	sor.u32 $0x1C0B, s3;
	[sflag:s30] =	ssyncadd.s32 $0xFFFFE000  }
0x94: {  	s31 =	simm.s32 $0xB;
	s2 =	sadd.s32 s14, s2;
	[bflag:$0x0] =	sbarrier.arrive $0xFFFF  }
0x95: {  	[hbm:s2], [sflag:s3] =	dma.local [spmem:s4], $0x1400  }
0x96: {  	_ =	swait.ge [sflag:s31], $0x1400  }
0x97: {  	[sflag:s31] =	ssyncset.done $0x0  }
0x98: {  	[sflag:s31] =	ssyncadd.s32 $0xFFFFEC00  }
0x99: {  	_ =	sfence.sel $0x180000  }
0x9a: {  	[bflag:$0x0] =	sbarrier.arrive $0xFFFF  }
0x9b: {  	p0 =	sne.s32 s1, $0x0;
	_ =	strace $0x9000004D  }
0x9c: {  	s0 =	sadd.s32 @!p0 $0x100000, s0;
	[bflag:$0x2] =	sbarrier.arrive $0xFFFF  }
0x9d: {  	[sflag:s0] =	ssyncadd.tile.s32 @!p0 $0x1;
	_ =	shalt  }
.Lfunc_end2:
_tile_overlayer_lowered:
.L_overlay_start_2:
0x9e: {  	(tag) =	ssettag $0x2  }
0x9f: {  	s0 =	rddreg [dreg:$0x0];
	s2 =	stileid.u32  }
0xa0: {  	s1 =	rddreg [dreg:$0x1];
	p0 =	sne.s32 s2, $0x0  }
0xa1: {  	s3 =	rddreg [dreg:$0x2];
	[bflag:$0x3] =	sbarrier.arrive $0xFFFF;
	s2 =	simm.s32 @!p0 $0x1C0B  }
0xa2: {  	[timem:s3], [sflag:s2] =	dma.local @!p0 [hbm:s0], s1  }
0xa3: {  	s0 =	simm.s32 @!p0 $0xB  }
0xa4: {  	_ =	swait.ge @!p0 [sflag:s0], s1  }
0xa5: {  	s1 =	ssub.s32 @!p0 $0x0, s1;
	[sflag:s0] =	ssyncset.done @!p0 $0x0  }
0xa6: {  	[sflag:s0] =	ssyncadd.s32 @!p0 s1  }
0xa7: {  	[bflag:$0x3] =	sbarrier.arrive $0xFFFF  }
0xa8: {  	_ =	shalt  }

// kernel: kernel.21.cloned.1.call-start
scs
__scs_entry_jumppad:
0x0: {  	(pc) =	sbr.rel $0x88, $3  }
0x1: {  	(tag) =	ssettag $0x0;
	lr =	simm.s32 $0x1  }
0x2: {  	[smem:$0x3F97] =	sst lr;
	_ =	strace $0xD0000000  }
0x3: {  	_ = 	snop  }
0x4: {  	_ = 	snop  }
0x5: {  	_ = 	snop  }
0x6: {  	_ = 	snop  }
0x7: {  	_ = 	snop  }
__scs_overlays_trampoline_lowered:
0x8: {  	[smem:$0x3FA6] =	sst s0  }
0x9: {  	[smem:$0x3FA7] =	sst s1  }
0xa: {  	[smem:$0x3FA8] =	sst s2  }
0xb: {  	[smem:$0x3FA9] =	sst s3  }
0xc: {  	[smem:$0x3FAA] =	sst s4  }
0xd: {  	[smem:$0x3FAB] =	sst s5  }
0xe: {  	[smem:$0x3FAC] =	sst s6  }
0xf: {  	[smem:$0x3FAD] =	sst s7  }
0x10: {  	[smem:$0x3FAE] =	sst s8  }
0x11: {  	[smem:$0x3FAF] =	sst s9;
	s0 =	simm.s32 @!p0 $0x0  }
0x12: {  	s1 =	sld [smem:$0x3F95];
	s0 =	simm.s32 @p0 $0x1  }
0x13: {  	[smem:$0x3FB0] =	sst s0;
	s0 =	simm.s32 @!p1 $0x0  }
0x14: {  	s2 =	sld [smem:$0x3F94];
	s0 =	simm.s32 @p1 $0x1  }
0x15: {  	[smem:$0x3FB1] =	sst s0;
	s0 =	simm.s32 @!p2 $0x0  }
0x16: {  	s3 =	sld [smem:$0x3FDB];
	s0 =	simm.s32 @p2 $0x1  }
0x17: {  	s4 =	simm.s32 $0x1BF5;
	[smem:$0x3FB3] =	sst s0  }
0x18: {  	s0 =	sld [smem:$0x3F96];
	_ =	swait.ge [sflag:s4], $0x0  }
0x19: {  	s7 =	sld [smem:$0x3F97]  }
0x1a: {  	s8 =	sadd.s32 $0xFFFFE003, lr  }
0x1b: {  	s9 =	sadd.s32 $0xFFFFFEF7, lr;
	s5 =	simm.s32 $0xFFFFFFFF;
	p2 =	slt.u32 s8, $0xFFFFF086  }
0x1c: {  	p1 =	slt.u32 s9, $0xF7A;
	s5 =	simm.s32 @!p2 $0x0  }
0x1d: {  	s5 =	simm.s32 @p1 $0x1;
	p0 =	seq.s32 s7, s2  }
0x1e: {  	s7 =	smul.u32 @!p0 $0xF7A, s2;
	p2 =	seq.s32 @!p0 s5, $0x0  }
0x1f: {  	s9 =	smul.u32 $0xF7A, s1;
	s8 =	simm.s32 @!p0 $0x1BF5;
	p2 =	por !p2, p0  }
0x20: {  	[sflag:s8] =	ssyncset.s32 @!p0 $0xFFFFF086;
	s6 =	sadd.s32 @!p0 s3, s7;
	s7 =	simm.s32 @!p0 $0x108  }
0x21: {  	s3 =	sadd.s32 s3, s9;
	s6 =	sadd.s32 @!p0 $0x88, s6;
	s7 =	simm.s32 @p2 $0x1082  }
0x22: {  	[simem:s7], [sflag:s8] =	dma.local @!p0 [hbm:s6], $0xF7A  }
0x23: {  	s9 =	sor.u32 $0xD0000000, s2;
	s6 =	simm.s32 $0x108;
	_ =	swait.ge @!p0 [sflag:s8], $0x0  }
0x24: {  	s3 =	sadd.s32 $0x88, s3;
	s6 =	simm.s32 @!p1 $0x1082;
	[sflag:s4] =	ssyncset.s32 $0xFFFFF086  }
0x25: {  	[simem:s6], [sflag:s4] =	dma.local [hbm:s3], $0xF7A  }
0x26: {  	[smem:$0x3F97] =	sst s1;
	(tag) =	ssettag s2;
	_ =	strace s9  }
0x27: {  	s1 =	sld [smem:$0x3FA7]  }
0x28: {  	s2 =	sld [smem:$0x3FA8]  }
0x29: {  	s4 =	sld [smem:$0x3FAA]  }
0x2a: {  	p0 =	seq.s32 s5, $0x0;
	s5 =	sld [smem:$0x3FAB]  }
0x2b: {  	s6 =	sld [smem:$0x3FAC]  }
0x2c: {  	s7 =	sld [smem:$0x3FAD]  }
0x2d: {  	s3 =	simm.s32 $0x108;
	s8 =	sld [smem:$0x3FAE]  }
0x2e: {  	s3 =	simm.s32 @!p0 $0x1082;
	s9 =	sld [smem:$0x3FAF]  }
0x2f: {  	lr =	sadd.s32 s0, s3;
	s0 =	sld [smem:$0x3FA6]  }
0x30: {  	s3 =	sld [smem:$0x3FA9]  }
0x31: {  	[smem:$0x3FB2] =	sst s10  }
0x32: {  	s10 =	sld [smem:$0x3FB0];
	_ =	sdelay $0x3  }
0x33: {  	p0 =	seq.s32 s10, $0x1;
	s10 =	sld [smem:$0x3FB2];
	_ =	sdelay $0x3  }
0x34: {  	[smem:$0x3FB2] =	sst s10  }
0x35: {  	s10 =	sld [smem:$0x3FB1];
	_ =	sdelay $0x3  }
0x36: {  	p1 =	seq.s32 s10, $0x1;
	s10 =	sld [smem:$0x3FB2];
	_ =	sdelay $0x3  }
0x37: {  	[smem:$0x3FB2] =	sst s10  }
0x38: {  	s10 =	sld [smem:$0x3FB3]  }
0x39: {  	_ = 	snop;
	(pc) =	sbr.ind lr, $3  }
0x3a: {  	_ = 	snop  }
0x3b: {  	_ = 	snop  }
0x3c: {  	p2 =	seq.s32 s10, $0x1;
	s10 =	sld [smem:$0x3FB2]  }
0x3d: {  	_ =	shalt  }
0x3e: {  	_ =	shalt  }
0x3f: {  	_ =	shalt  }
0x40: {  	_ =	shalt  }
0x41: {  	_ =	shalt  }
0x42: {  	_ =	shalt  }
0x43: {  	_ =	shalt  }
0x44: {  	_ =	shalt  }
0x45: {  	_ =	shalt  }
0x46: {  	_ =	shalt  }
0x47: {  	_ =	shalt  }
0x48: {  	_ =	shalt  }
0x49: {  	_ =	shalt  }
0x4a: {  	_ =	shalt  }
0x4b: {  	_ =	shalt  }
0x4c: {  	_ =	shalt  }
0x4d: {  	_ =	shalt  }
0x4e: {  	_ =	shalt  }
0x4f: {  	_ =	shalt  }
0x50: {  	_ =	shalt  }
0x51: {  	_ =	shalt  }
0x52: {  	_ =	shalt  }
0x53: {  	_ =	shalt  }
0x54: {  	_ =	shalt  }
0x55: {  	_ =	shalt  }
0x56: {  	_ =	shalt  }
0x57: {  	_ =	shalt  }
0x58: {  	_ =	shalt  }
0x59: {  	_ =	shalt  }
0x5a: {  	_ =	shalt  }
0x5b: {  	_ =	shalt  }
0x5c: {  	_ =	shalt  }
0x5d: {  	_ =	shalt  }
0x5e: {  	_ =	shalt  }
0x5f: {  	_ =	shalt  }
0x60: {  	_ =	shalt  }
0x61: {  	_ =	shalt  }
0x62: {  	_ =	shalt  }
0x63: {  	_ =	shalt  }
0x64: {  	_ =	shalt  }
0x65: {  	_ =	shalt  }
0x66: {  	_ =	shalt  }
0x67: {  	_ =	shalt  }
0x68: {  	_ =	shalt  }
0x69: {  	_ =	shalt  }
0x6a: {  	_ =	shalt  }
0x6b: {  	_ =	shalt  }
0x6c: {  	_ =	shalt  }
0x6d: {  	_ =	shalt  }
0x6e: {  	_ =	shalt  }
0x6f: {  	_ =	shalt  }
0x70: {  	_ =	shalt  }
0x71: {  	_ =	shalt  }
0x72: {  	_ =	shalt  }
0x73: {  	_ =	shalt  }
0x74: {  	_ =	shalt  }
0x75: {  	_ =	shalt  }
0x76: {  	_ =	shalt  }
0x77: {  	_ =	shalt  }
0x78: {  	_ =	shalt  }
0x79: {  	_ =	shalt  }
0x7a: {  	_ =	shalt  }
0x7b: {  	_ =	shalt  }
0x7c: {  	_ =	shalt  }
0x7d: {  	_ =	shalt  }
0x7e: {  	_ =	shalt  }
0x7f: {  	_ =	shalt  }
0x80: {  	_ =	shalt  }
0x81: {  	_ =	shalt  }
0x82: {  	_ =	shalt  }
0x83: {  	_ =	shalt  }
0x84: {  	_ =	shalt  }
0x85: {  	_ =	shalt  }
0x86: {  	_ =	shalt  }
0x87: {  	_ =	shalt  }
.Lfunc_end0:
.L_simem_size_0:
called_computation.3_lowered:
.L_overlay_start_0:
0x88: {  	s0 =	sld [smem:$0x3FD9]  }
0x89: {  	s1 =	sld [smem:$0x3FFE];
	_ =	sdelay $0x3  }
0x8a: {  	s0 =	sadd.s32 s1, s0  }
0x8b: {  	[smem:$0x3FBE] =	sst s0  }
0x8c: {  	_ = 	snop  }
0x8d: {  	(tm) =	ssettm $0x1  }
0x8e: {  	s15 =	sld [smem:$0x3FFB];
	_ =	sdelay $0x3  }
0x8f: {  	_ =	strace s15  }
0x90: {  	s0 =	sld [smem:$0x3FFC];
	_ =	sdelay $0x3  }
0x91: {  	_ =	strace s0  }
0x92: {  	s0 =	sld [smem:$0x3FFD];
	_ =	sdelay $0x3  }
0x93: {  	_ =	strace s0  }
0x94: {  	_ =	strace $0x8FFFFFFF  }
0x95: {  	s16 =	sld [smem:$0x3FDB];
	_ =	sdelay $0x1  }
0x96: {  	s17 =	simm.s32 $_scs_section_size  }
0x97: {  	s2 =	simm.s32 $_size__tile_overlayer_lowered;
	s3 =	simm.s32 $_tile_overlayer_lowered  }
0x98: {  	s20 =	simm.s32 $0x1BFF;
	s19 =	sshll.u32 s3, $0x1;
	s0 =	sadd.s32 s17, s16  }
0x99: {  	s4 =	simm.s32 $0x0;
	s18 =	sshll.u32 s2, $0x1;
	s2 =	sadd.s32 s19, s0  }
0x9a: {  	[timem:s4], [sflag:s20] =	dma.local [hbm:s2], s18  }
0x9b: {  	_ =	swait.ge [sflag:s20], s18  }
0x9c: {  	s1 =	ssub.s32 $0x0, s18;
	[sflag:s20] =	ssyncset.done $0x0  }
0x9d: {  	[sflag:s20] =	ssyncadd.s32 s1;
	_ =	sdelay $0x1  }
0x9e: {  	s21 =	simm.s32 $0x1B8B  }
0x9f: {  	_ =	swait.ge [sflag:s21], $0x1  }
0xa0: {  	[sflag:s21] =	ssyncset.done $0x0  }
0xa1: {  	s23 =	simm.s32 $0x1B8E;
	s22 =	sld [smem:$0x3FFE];
	[sflag:s21] =	ssyncadd.s32 $0xFFFFFFFF  }
0xa2: {  	s24 =	simm.s32 $execute0_lowered;
	[smem:$0x3FD2] =	sst s23  }
0xa3: {  	s2 =	sshll.u32 s24, $0x1;
	_ =	strace $0x8000004F;
	[dreg:$0x1] =	wrdreg $0xFFFFFFFF  }
0xa4: {  	s25 =	simm.s32 $_size_execute0_lowered;
	s0 =	sadd.s32 s0, s2;
	[dreg:$0x0] =	wrdreg $0x0  }
0xa5: {  	s2 =	sshll.u32 s25, $0x1;
	[dreg:$0x2] =	wrdreg s0  }
0xa6: {  	[dreg:$0x3] =	wrdreg s2  }
0xa7: {  	[dreg:$0x4] =	wrdreg $0xC0  }
0xa8: {  	_ =	task [dreg:s4], $0x5FFFF  }
0xa9: {  	[dreg:$0x1] =	wrdreg $0xFFFFFFFF  }
0xaa: {  	[dreg:$0x0] =	wrdreg $0x60  }
0xab: {  	[dreg:$0x2] =	wrdreg s22  }
0xac: {  	[dreg:$0x3] =	wrdreg $0x140000  }
0xad: {  	[dreg:$0x4] =	wrdreg $0x9  }
0xae: {  	_ =	task.clear_ibuf [dreg:s4], $0x5FFFF;
	_ =	strace $0x9000004F  }
0xaf: {  	s26 =	simm.s32 $0x9;
	_ =	strace $0x80000051  }
0xb0: {  	_ =	swait.ge [sflag:s26], $0x1  }
0xb1: {  	[sflag:s26] =	ssyncadd.s32 $0xFFFFFFFF  }
0xb2: {  	_ =	strace $0x90000051  }
0xb3: {  	_ =	sfence  }
0xb4: {  	s28 =	sld [smem:$0x0];
	_ =	sdelay $0x1  }
0xb5: {  	s29 =	srdreg.scid  }
0xb6: {  	s30 =	sshll.u32 s29, $0xD;
	s31 =	sshrl.u32 s29, $0x2  }
0xb7: {  	s1 =	sand.u32 $0x1, s29;
	s2 =	sand.u32 $0x4000, s30;
	s0 =	sadd.s32 s31, s28  }
0xb8: {  	s1 =	sor.u32 s2, s1;
	s0 =	sshll.u32 s0, $0x11  }
0xb9: {  	s0 =	sor.u32 s0, s1  }
0xba: {  	s0 =	sadd.s32 $0x8F2B, s0  }
0xbb: {  	[sflag:s0] =	ssyncadd.remote.s32 $0x1  }
0xbc: {  	_ =	sfence.sel $0xFFFF  }
0xbd: {  	[dreg:$0x0] =	wrdreg $0xFFFFFFFF;
	(pc) =	sbr.abs _section_cstart, $3  }
0xbe: {  	[dreg:$0x1] =	wrdreg $0xFFFFFFFF  }
0xbf: {  	_ =	task.clear_ibuf [dreg:s4], $0x2FFFF;
	_ =	strace $0x9FFFFFFF  }
0xc0: {  	(tm) =	ssettm $0x7FFFFFFF  }
0xc1: {  	_ =	shalt  }
tec
execute0_lowered:
.L_overlay_start_1:
0x0: {  	(tag) =	ssettag $0x1  }
0x1: {  	s14 =	rddreg [dreg:$0x0];
	s1 =	stileid.u32  }
0x2: {  	s5 =	rddreg [dreg:$0x1];
	s12 =	simm.s32 $0x0;
	s3 =	smul.u32 $0xA00, s1  }
0x3: {  	[smem:$0x7FF] =	sst s12;
	s2 =	smul.u32 $0xA000, s1  }
0x4: {  	s0 =	rddreg [dreg:$0x2];
	s7 =	sadd.s32 $0x54C00, s14;
	_ =	strace $0x80000050  }
0x5: {  	s6 =	sadd.s32 s3, s14;
	s4 =	sadd.s32 s2, s5;
	s3 =	sshll.u32 s1, $0x6  }
0x6: {  	s8 =	sor.u32 $0x1C01, s3;
	s9 =	sadd.s32 $0xEC00, s6;
	s4 =	sshrl.u32 s4, $0x3  }
0x7: {  	[spmem:s4], [sflag:s8] =	dma.local [hbm:s7], $0x1400  }
0x8: {  	[tilespmem:s12], [sflag:$0x2] =	stream.linear.gather [hbm4b:s9+s12], $0x5000, $0x38;
	[tilespmem:$0x1E000] =	vst v63  }
0x9: {  	s29 =	simm.s32 $0x5000;
	s6 =	sadd.s32 $0x4C00, s6  }
0xa: {  	[tilespmem:s29], [sflag:$0x3] =	stream.linear.gather [hbm4b:s6+s12], $0x5000, $0x38;
	[tilespmem:$0x1E000] =	vst v63  }
0xb: {  	s6 =	simm.s32 $0x1  }
0xc: {  	_ =	swait.ge [sflag:s6], $0x1400  }
0xd: {  	[sflag:s6] =	ssyncset.done $0x0  }
0xe: {  	s7 =	simm.s32 $0x2;
	[sflag:s6] =	ssyncadd.s32 $0xFFFFEC00  }
0xf: {  	_ =	swait.ge [sflag:s7], $0x5000  }
0x10: {  	[sflag:s7] =	ssyncset.done $0x0  }
0x11: {  	s8 =	simm.s32 $0x3;
	[sflag:s7] =	ssyncadd.s32 $0xFFFFB000  }
0x12: {  	_ =	swait.ge [sflag:s8], $0x5000  }
0x13: {  	[sflag:s8] =	ssyncset.done $0x0  }
0x14: {  	s10 =	simm.s32 $0x80;
	[sflag:s8] =	ssyncadd.s32 $0xFFFFB000  }
0x15: {  	s11 =	simm.s32 $0xA000;
	s9 =	sadd.s32 $0x40C00, s14;
	[bflag:$0x0] =	sbarrier.arrive $0xFFFF  }
0x16: {  	[tilespmem:s11], [sflag:$0x1] =	stream.indirect.gather [hbm4b:s9+s10], $0x40, s12, s10, $0xb8;
	[tilespmem:$0x1E000] =	vst v63  }
0x17: {  	s12 =	simm.s32 $0xC000  }
0x18: {  	[tilespmem:s12], [sflag:$0x2] =	stream.indirect.gather [hbm4b:s9+s10], $0x40, s10, s10, $0xb8;
	[tilespmem:$0x1E000] =	vst v63  }
0x19: {  	s15 =	simm.s32 $0x100;
	s13 =	simm.s32 $0xE000  }
0x1a: {  	[tilespmem:s13], [sflag:$0x3] =	stream.indirect.gather [hbm4b:s9+s10], $0x40, s15, s10, $0xb8;
	[tilespmem:$0x1E000] =	vst v63  }
0x1b: {  	s16 =	simm.s32 $0x180;
	s15 =	simm.s32 $0x10000  }
0x1c: {  	[tilespmem:s15], [sflag:$0x4] =	stream.indirect.gather [hbm4b:s9+s10], $0x40, s16, s10, $0xb8;
	[tilespmem:$0x1E000] =	vst v63  }
0x1d: {  	s17 =	simm.s32 $0x200;
	s16 =	simm.s32 $0x12000  }
0x1e: {  	[tilespmem:s16], [sflag:$0x5] =	stream.indirect.gather [hbm4b:s9+s10], $0x40, s17, s10, $0xb8;
	[tilespmem:$0x1E000] =	vst v63  }
0x1f: {  	_ =	swait.ge [sflag:s6], $0x2000  }
0x20: {  	[sflag:s6] =	ssyncset.done $0x0  }
0x21: {  	s30 =	simm.s32 $0x5000;
	[sflag:s6] =	ssyncadd.s32 $0xFFFFE000  }
0x22: {  	[spmem:s5] =	stream.indirect.scatter.add.f32 [tilespmem:s11], [sflag:$0x6], $0x40, s30, s10, $0xb8;
	[tilespmem:$0x1E000] =	vst v63  }
0x23: {  	_ =	swait.ge [sflag:s7], $0x2000  }
0x24: {  	[sflag:s7] =	ssyncset.done $0x0  }
0x25: {  	s31 =	simm.s32 $0x5080;
	[sflag:s7] =	ssyncadd.s32 $0xFFFFE000  }
0x26: {  	[spmem:s5] =	stream.indirect.scatter.add.f32 [tilespmem:s12], [sflag:$0x7], $0x40, s31, s10, $0xb8;
	[tilespmem:$0x1E000] =	vst v63  }
0x27: {  	_ =	swait.ge [sflag:s8], $0x2000  }
0x28: {  	[sflag:s8] =	ssyncset.done $0x0  }
0x29: {  	s18 =	simm.s32 $0x5100;
	s17 =	simm.s32 $0x4;
	[sflag:s8] =	ssyncadd.s32 $0xFFFFE000  }
0x2a: {  	[spmem:s5] =	stream.indirect.scatter.add.f32 [tilespmem:s13], [sflag:$0x8], $0x40, s18, s10, $0xb8;
	[tilespmem:$0x1E000] =	vst v63  }
0x2b: {  	_ =	swait.ge [sflag:s17], $0x2000  }
0x2c: {  	[sflag:s17] =	ssyncset.done $0x0  }
0x2d: {  	s19 =	simm.s32 $0x5180;
	s18 =	simm.s32 $0x5;
	[sflag:s17] =	ssyncadd.s32 $0xFFFFE000  }
0x2e: {  	[spmem:s5] =	stream.indirect.scatter.add.f32 [tilespmem:s15], [sflag:$0x9], $0x40, s19, s10, $0xb8;
	[tilespmem:$0x1E000] =	vst v63  }
0x2f: {  	_ =	swait.ge [sflag:s18], $0x2000  }
0x30: {  	[sflag:s18] =	ssyncset.done $0x0  }
0x31: {  	s20 =	simm.s32 $0x5200;
	s19 =	simm.s32 $0x6;
	[sflag:s18] =	ssyncadd.s32 $0xFFFFE000  }
0x32: {  	[spmem:s5] =	stream.indirect.scatter.add.f32 [tilespmem:s16], [sflag:$0xA], $0x40, s20, s10, $0xb8;
	[tilespmem:$0x1E000] =	vst v63  }
0x33: {  	_ =	swait.ge [sflag:s19], $0x2000  }
0x34: {  	[sflag:s19] =	ssyncset.done $0x0  }
0x35: {  	s21 =	simm.s32 $0x280;
	s20 =	simm.s32 $0x7;
	[sflag:s19] =	ssyncadd.s32 $0xFFFFE000  }
0x36: {  	[tilespmem:s11], [sflag:$0x1] =	stream.indirect.gather [hbm4b:s9+s10], $0x40, s21, s10, $0xb8;
	[tilespmem:$0x1E000] =	vst v63  }
0x37: {  	_ =	swait.ge [sflag:s20], $0x2000  }
0x38: {  	[sflag:s20] =	ssyncset.done $0x0  }
0x39: {  	s22 =	simm.s32 $0x300;
	s21 =	simm.s32 $0x8;
	[sflag:s20] =	ssyncadd.s32 $0xFFFFE000  }
0x3a: {  	[tilespmem:s12], [sflag:$0x2] =	stream.indirect.gather [hbm4b:s9+s10], $0x40, s22, s10, $0xb8;
	[tilespmem:$0x1E000] =	vst v63  }
0x3b: {  	_ =	swait.ge [sflag:s21], $0x2000  }
0x3c: {  	[sflag:s21] =	ssyncset.done $0x0  }
0x3d: {  	s23 =	simm.s32 $0x380;
	s22 =	simm.s32 $0x9;
	[sflag:s21] =	ssyncadd.s32 $0xFFFFE000  }
0x3e: {  	[tilespmem:s13], [sflag:$0x3] =	stream.indirect.gather [hbm4b:s9+s10], $0x40, s23, s10, $0xb8;
	[tilespmem:$0x1E000] =	vst v63  }
0x3f: {  	_ =	swait.ge [sflag:s22], $0x2000  }
0x40: {  	[sflag:s22] =	ssyncset.done $0x0  }
0x41: {  	s24 =	simm.s32 $0x400;
	s23 =	simm.s32 $0xA;
	[sflag:s22] =	ssyncadd.s32 $0xFFFFE000  }
0x42: {  	[tilespmem:s15], [sflag:$0x4] =	stream.indirect.gather [hbm4b:s9+s10], $0x40, s24, s10, $0xb8;
	[tilespmem:$0x1E000] =	vst v63  }
0x43: {  	_ =	swait.ge [sflag:s23], $0x2000  }
0x44: {  	s25 =	simm.s32 $0x480;
	[sflag:s23] =	ssyncset.done $0x0  }
0x45: {  	s14 =	sadd.s32 $0xA6000, s14;
	s24 =	simm.s32 $0xA00;
	[sflag:s23] =	ssyncadd.s32 $0xFFFFE000  }
.LBB2_1:
0x46: {  	[tilespmem:s16], [sflag:$0x5] =	stream.indirect.gather [hbm4b:s9+s10], $0x40, s25, s10, $0xb8;
	[tilespmem:$0x1E000] =	vst v63  }
0x47: {  	s25 =	smov.u32 s24  }
0x48: {  	p0 =	sne.s32 s24, $0x12C00;
	s24 =	sadd.s32 $0xA00, s24;
	_ =	swait.ge [sflag:s6], $0x2000  }
0x49: {  	s25 =	sshra.s32 s25, $0x2;
	[sflag:s6] =	ssyncset.done $0x0  }
0x4a: {  	s26 =	sadd.s32 $0x5000, s25;
	[sflag:s6] =	ssyncadd.s32 $0xFFFFE000  }
0x4b: {  	[spmem:s5] =	stream.indirect.scatter.add.f32 [tilespmem:s11], [sflag:$0x6], $0x40, s26, s10, $0xb8;
	[tilespmem:$0x1E000] =	vst v63  }
0x4c: {  	_ =	swait.ge [sflag:s7], $0x2000  }
0x4d: {  	[sflag:s7] =	ssyncset.done $0x0  }
0x4e: {  	s26 =	sadd.s32 $0x5080, s25;
	[sflag:s7] =	ssyncadd.s32 $0xFFFFE000  }
0x4f: {  	[spmem:s5] =	stream.indirect.scatter.add.f32 [tilespmem:s12], [sflag:$0x7], $0x40, s26, s10, $0xb8;
	[tilespmem:$0x1E000] =	vst v63  }
0x50: {  	_ =	swait.ge [sflag:s8], $0x2000  }
0x51: {  	[sflag:s8] =	ssyncset.done $0x0  }
0x52: {  	s26 =	sadd.s32 $0x5100, s25;
	[sflag:s8] =	ssyncadd.s32 $0xFFFFE000  }
0x53: {  	[spmem:s5] =	stream.indirect.scatter.add.f32 [tilespmem:s13], [sflag:$0x8], $0x40, s26, s10, $0xb8;
	[tilespmem:$0x1E000] =	vst v63  }
0x54: {  	_ =	swait.ge [sflag:s17], $0x2000  }
0x55: {  	[sflag:s17] =	ssyncset.done $0x0  }
0x56: {  	s26 =	sadd.s32 $0x5180, s25;
	[sflag:s17] =	ssyncadd.s32 $0xFFFFE000  }
0x57: {  	[spmem:s5] =	stream.indirect.scatter.add.f32 [tilespmem:s15], [sflag:$0x9], $0x40, s26, s10, $0xb8;
	[tilespmem:$0x1E000] =	vst v63  }
0x58: {  	_ =	swait.ge [sflag:s18], $0x2000  }
0x59: {  	[sflag:s18] =	ssyncset.done $0x0  }
0x5a: {  	s26 =	sadd.s32 $0x5200, s25;
	[sflag:s18] =	ssyncadd.s32 $0xFFFFE000  }
0x5b: {  	[spmem:s5] =	stream.indirect.scatter.add.f32 [tilespmem:s16], [sflag:$0xA], $0x40, s26, s10, $0xb8;
	[tilespmem:$0x1E000] =	vst v63  }
0x5c: {  	_ =	swait.ge [sflag:s19], $0x2000  }
0x5d: {  	[sflag:s19] =	ssyncset.done $0x0  }
0x5e: {  	s26 =	sadd.s32 $0x280, s25;
	[sflag:s19] =	ssyncadd.s32 $0xFFFFE000  }
0x5f: {  	[tilespmem:s11], [sflag:$0x1] =	stream.indirect.gather [hbm4b:s9+s10], $0x40, s26, s10, $0xb8;
	[tilespmem:$0x1E000] =	vst v63  }
0x60: {  	_ =	swait.ge [sflag:s20], $0x2000  }
0x61: {  	[sflag:s20] =	ssyncset.done $0x0  }
0x62: {  	s26 =	sadd.s32 $0x300, s25;
	[sflag:s20] =	ssyncadd.s32 $0xFFFFE000  }
0x63: {  	[tilespmem:s12], [sflag:$0x2] =	stream.indirect.gather [hbm4b:s9+s10], $0x40, s26, s10, $0xb8;
	[tilespmem:$0x1E000] =	vst v63  }
0x64: {  	_ =	swait.ge [sflag:s21], $0x2000  }
0x65: {  	[sflag:s21] =	ssyncset.done $0x0  }
0x66: {  	s26 =	sadd.s32 $0x380, s25;
	[sflag:s21] =	ssyncadd.s32 $0xFFFFE000  }
0x67: {  	[tilespmem:s13], [sflag:$0x3] =	stream.indirect.gather [hbm4b:s9+s10], $0x40, s26, s10, $0xb8;
	[tilespmem:$0x1E000] =	vst v63  }
0x68: {  	_ =	swait.ge [sflag:s22], $0x2000  }
0x69: {  	[sflag:s22] =	ssyncset.done $0x0  }
.Ltmp0:
0x6a: {  	s26 =	sadd.s32 $0x400, s25;
	[sflag:s22] =	ssyncadd.s32 $0xFFFFE000;
	(pc) =	sbr.rel @p0 .LBB2_1-.Ltmp0, $4  }
0x6b: {  	[tilespmem:s15], [sflag:$0x4] =	stream.indirect.gather [hbm4b:s9+s10], $0x40, s26, s10, $0xb8;
	[tilespmem:$0x1E000] =	vst v63  }
0x6c: {  	_ =	swait.ge [sflag:s23], $0x2000  }
0x6d: {  	[sflag:s23] =	ssyncset.done $0x0  }
0x6e: {  	s25 =	sadd.s32 $0x480, s25;
	[sflag:s23] =	ssyncadd.s32 $0xFFFFE000  }
0x6f: {  	[tilespmem:s16], [sflag:$0x5] =	stream.indirect.gather [hbm4b:s9+s10], $0x40, s25, s10, $0xb8;
	[tilespmem:$0x1E000] =	vst v63  }
0x70: {  	s6 =	simm.s32 $0x1  }
0x71: {  	_ =	swait.ge [sflag:s6], $0x2000  }
0x72: {  	s11 =	simm.s32 $0x80;
	s7 =	simm.s32 $0x9D80;
	[sflag:s6] =	ssyncset.done $0x0  }
0x73: {  	s8 =	simm.s32 $0xA000;
	s12 =	simm.s32 $0x2;
	[sflag:s6] =	ssyncadd.s32 $0xFFFFE000  }
0x74: {  	[spmem:s5] =	stream.indirect.scatter.add.f32 [tilespmem:s8], [sflag:$0x6], $0x40, s7, s11, $0xb8;
	[tilespmem:$0x1E000] =	vst v63  }
0x75: {  	_ =	swait.ge [sflag:s12], $0x2000  }
0x76: {  	s13 =	simm.s32 $0x9E00;
	[sflag:s12] =	ssyncset.done $0x0  }
0x77: {  	s15 =	simm.s32 $0xC000;
	s16 =	simm.s32 $0x3;
	[sflag:s12] =	ssyncadd.s32 $0xFFFFE000  }
0x78: {  	[spmem:s5] =	stream.indirect.scatter.add.f32 [tilespmem:s15], [sflag:$0x7], $0x40, s13, s11, $0xb8;
	[tilespmem:$0x1E000] =	vst v63  }
0x79: {  	_ =	swait.ge [sflag:s16], $0x2000  }
0x7a: {  	s17 =	simm.s32 $0x9E80;
	[sflag:s16] =	ssyncset.done $0x0  }
0x7b: {  	s18 =	simm.s32 $0xE000;
	s19 =	simm.s32 $0x4;
	[sflag:s16] =	ssyncadd.s32 $0xFFFFE000  }
0x7c: {  	[spmem:s5] =	stream.indirect.scatter.add.f32 [tilespmem:s18], [sflag:$0x8], $0x40, s17, s11, $0xb8;
	[tilespmem:$0x1E000] =	vst v63  }
0x7d: {  	_ =	swait.ge [sflag:s19], $0x2000  }
0x7e: {  	s20 =	simm.s32 $0x9F00;
	[sflag:s19] =	ssyncset.done $0x0  }
0x7f: {  	s21 =	simm.s32 $0x10000;
	s22 =	simm.s32 $0x5;
	[sflag:s19] =	ssyncadd.s32 $0xFFFFE000  }
0x80: {  	[spmem:s5] =	stream.indirect.scatter.add.f32 [tilespmem:s21], [sflag:$0x9], $0x40, s20, s11, $0xb8;
	[tilespmem:$0x1E000] =	vst v63  }
0x81: {  	_ =	swait.ge [sflag:s22], $0x2000  }
0x82: {  	s23 =	simm.s32 $0x9F80;
	[sflag:s22] =	ssyncset.done $0x0  }
0x83: {  	s24 =	simm.s32 $0x12000;
	s25 =	simm.s32 $0x6;
	[sflag:s22] =	ssyncadd.s32 $0xFFFFE000  }
0x84: {  	[spmem:s5] =	stream.indirect.scatter.add.f32 [tilespmem:s24], [sflag:$0xA], $0x40, s23, s11, $0xb8;
	[tilespmem:$0x1E000] =	vst v63  }
0x85: {  	_ =	swait.ge [sflag:s25], $0x2000  }
0x86: {  	[sflag:s25] =	ssyncset.done $0x0  }
0x87: {  	s26 =	simm.s32 $0x7;
	[sflag:s25] =	ssyncadd.s32 $0xFFFFE000  }
0x88: {  	_ =	swait.ge [sflag:s26], $0x2000  }
0x89: {  	[sflag:s26] =	ssyncset.done $0x0  }
0x8a: {  	s28 =	simm.s32 $0x8;
	[sflag:s26] =	ssyncadd.s32 $0xFFFFE000  }
0x8b: {  	_ =	swait.ge [sflag:s28], $0x2000  }
0x8c: {  	[sflag:s28] =	ssyncset.done $0x0  }
0x8d: {  	s29 =	simm.s32 $0x9;
	[sflag:s28] =	ssyncadd.s32 $0xFFFFE000  }
0x8e: {  	_ =	swait.ge [sflag:s29], $0x2000  }
0x8f: {  	[sflag:s29] =	ssyncset.done $0x0  }
0x90: {  	s30 =	simm.s32 $0xA;
	[sflag:s29] =	ssyncadd.s32 $0xFFFFE000  }
0x91: {  	_ =	swait.ge [sflag:s30], $0x2000  }
0x92: {  	[sflag:s30] =	ssyncset.done $0x0  }
0x93: {  	s2 =	sshrl.u32 s2, $0x3;
	s3 =	sor.u32 $0x1C0B, s3;
	[sflag:s30] =	ssyncadd.s32 $0xFFFFE000  }
0x94: {  	s31 =	simm.s32 $0xB;
	s2 =	sadd.s32 s14, s2;
	[bflag:$0x0] =	sbarrier.arrive $0xFFFF  }
0x95: {  	[hbm:s2], [sflag:s3] =	dma.local [spmem:s4], $0x1400  }
0x96: {  	_ =	swait.ge [sflag:s31], $0x1400  }
0x97: {  	[sflag:s31] =	ssyncset.done $0x0  }
0x98: {  	[sflag:s31] =	ssyncadd.s32 $0xFFFFEC00  }
0x99: {  	_ =	sfence.sel $0x180000  }
0x9a: {  	[bflag:$0x0] =	sbarrier.arrive $0xFFFF  }
0x9b: {  	p0 =	sne.s32 s1, $0x0;
	_ =	strace $0x90000050  }
0x9c: {  	s0 =	sadd.s32 @!p0 $0x100000, s0;
	[bflag:$0x2] =	sbarrier.arrive $0xFFFF  }
0x9d: {  	[sflag:s0] =	ssyncadd.tile.s32 @!p0 $0x1;
	_ =	shalt  }
.Lfunc_end2:
_tile_overlayer_lowered:
.L_overlay_start_2:
0x9e: {  	(tag) =	ssettag $0x2  }
0x9f: {  	s0 =	rddreg [dreg:$0x0];
	s2 =	stileid.u32  }
0xa0: {  	s1 =	rddreg [dreg:$0x1];
	p0 =	sne.s32 s2, $0x0  }
0xa1: {  	s3 =	rddreg [dreg:$0x2];
	[bflag:$0x3] =	sbarrier.arrive $0xFFFF;
	s2 =	simm.s32 @!p0 $0x1C0B  }
0xa2: {  	[timem:s3], [sflag:s2] =	dma.local @!p0 [hbm:s0], s1  }
0xa3: {  	s0 =	simm.s32 @!p0 $0xB  }
0xa4: {  	_ =	swait.ge @!p0 [sflag:s0], s1  }
0xa5: {  	s1 =	ssub.s32 @!p0 $0x0, s1;
	[sflag:s0] =	ssyncset.done @!p0 $0x0  }
0xa6: {  	[sflag:s0] =	ssyncadd.s32 @!p0 s1  }
0xa7: {  	[bflag:$0x3] =	sbarrier.arrive $0xFFFF  }
0xa8: {  	_ =	shalt  }

// kernel: kernel.24.cloned.1.call-start
scs
__scs_entry_jumppad:
0x0: {  	(pc) =	sbr.rel $0x88, $3  }
0x1: {  	(tag) =	ssettag $0x0;
	lr =	simm.s32 $0x1  }
0x2: {  	[smem:$0x3F97] =	sst lr;
	_ =	strace $0xD0000000  }
0x3: {  	_ = 	snop  }
0x4: {  	_ = 	snop  }
0x5: {  	_ = 	snop  }
0x6: {  	_ = 	snop  }
0x7: {  	_ = 	snop  }
__scs_overlays_trampoline_lowered:
0x8: {  	[smem:$0x3FA6] =	sst s0  }
0x9: {  	[smem:$0x3FA7] =	sst s1  }
0xa: {  	[smem:$0x3FA8] =	sst s2  }
0xb: {  	[smem:$0x3FA9] =	sst s3  }
0xc: {  	[smem:$0x3FAA] =	sst s4  }
0xd: {  	[smem:$0x3FAB] =	sst s5  }
0xe: {  	[smem:$0x3FAC] =	sst s6  }
0xf: {  	[smem:$0x3FAD] =	sst s7  }
0x10: {  	[smem:$0x3FAE] =	sst s8  }
0x11: {  	[smem:$0x3FAF] =	sst s9;
	s0 =	simm.s32 @!p0 $0x0  }
0x12: {  	s1 =	sld [smem:$0x3F95];
	s0 =	simm.s32 @p0 $0x1  }
0x13: {  	[smem:$0x3FB0] =	sst s0;
	s0 =	simm.s32 @!p1 $0x0  }
0x14: {  	s2 =	sld [smem:$0x3F94];
	s0 =	simm.s32 @p1 $0x1  }
0x15: {  	[smem:$0x3FB1] =	sst s0;
	s0 =	simm.s32 @!p2 $0x0  }
0x16: {  	s3 =	sld [smem:$0x3FDB];
	s0 =	simm.s32 @p2 $0x1  }
0x17: {  	s4 =	simm.s32 $0x1BF5;
	[smem:$0x3FB3] =	sst s0  }
0x18: {  	s0 =	sld [smem:$0x3F96];
	_ =	swait.ge [sflag:s4], $0x0  }
0x19: {  	s7 =	sld [smem:$0x3F97]  }
0x1a: {  	s8 =	sadd.s32 $0xFFFFE003, lr  }
0x1b: {  	s9 =	sadd.s32 $0xFFFFFEF7, lr;
	s5 =	simm.s32 $0xFFFFFFFF;
	p2 =	slt.u32 s8, $0xFFFFF086  }
0x1c: {  	p1 =	slt.u32 s9, $0xF7A;
	s5 =	simm.s32 @!p2 $0x0  }
0x1d: {  	s5 =	simm.s32 @p1 $0x1;
	p0 =	seq.s32 s7, s2  }
0x1e: {  	s7 =	smul.u32 @!p0 $0xF7A, s2;
	p2 =	seq.s32 @!p0 s5, $0x0  }
0x1f: {  	s9 =	smul.u32 $0xF7A, s1;
	s8 =	simm.s32 @!p0 $0x1BF5;
	p2 =	por !p2, p0  }
0x20: {  	[sflag:s8] =	ssyncset.s32 @!p0 $0xFFFFF086;
	s6 =	sadd.s32 @!p0 s3, s7;
	s7 =	simm.s32 @!p0 $0x108  }
0x21: {  	s3 =	sadd.s32 s3, s9;
	s6 =	sadd.s32 @!p0 $0x88, s6;
	s7 =	simm.s32 @p2 $0x1082  }
0x22: {  	[simem:s7], [sflag:s8] =	dma.local @!p0 [hbm:s6], $0xF7A  }
0x23: {  	s9 =	sor.u32 $0xD0000000, s2;
	s6 =	simm.s32 $0x108;
	_ =	swait.ge @!p0 [sflag:s8], $0x0  }
0x24: {  	s3 =	sadd.s32 $0x88, s3;
	s6 =	simm.s32 @!p1 $0x1082;
	[sflag:s4] =	ssyncset.s32 $0xFFFFF086  }
0x25: {  	[simem:s6], [sflag:s4] =	dma.local [hbm:s3], $0xF7A  }
0x26: {  	[smem:$0x3F97] =	sst s1;
	(tag) =	ssettag s2;
	_ =	strace s9  }
0x27: {  	s1 =	sld [smem:$0x3FA7]  }
0x28: {  	s2 =	sld [smem:$0x3FA8]  }
0x29: {  	s4 =	sld [smem:$0x3FAA]  }
0x2a: {  	p0 =	seq.s32 s5, $0x0;
	s5 =	sld [smem:$0x3FAB]  }
0x2b: {  	s6 =	sld [smem:$0x3FAC]  }
0x2c: {  	s7 =	sld [smem:$0x3FAD]  }
0x2d: {  	s3 =	simm.s32 $0x108;
	s8 =	sld [smem:$0x3FAE]  }
0x2e: {  	s3 =	simm.s32 @!p0 $0x1082;
	s9 =	sld [smem:$0x3FAF]  }
0x2f: {  	lr =	sadd.s32 s0, s3;
	s0 =	sld [smem:$0x3FA6]  }
0x30: {  	s3 =	sld [smem:$0x3FA9]  }
0x31: {  	[smem:$0x3FB2] =	sst s10  }
0x32: {  	s10 =	sld [smem:$0x3FB0];
	_ =	sdelay $0x3  }
0x33: {  	p0 =	seq.s32 s10, $0x1;
	s10 =	sld [smem:$0x3FB2];
	_ =	sdelay $0x3  }
0x34: {  	[smem:$0x3FB2] =	sst s10  }
0x35: {  	s10 =	sld [smem:$0x3FB1];
	_ =	sdelay $0x3  }
0x36: {  	p1 =	seq.s32 s10, $0x1;
	s10 =	sld [smem:$0x3FB2];
	_ =	sdelay $0x3  }
0x37: {  	[smem:$0x3FB2] =	sst s10  }
0x38: {  	s10 =	sld [smem:$0x3FB3]  }
0x39: {  	_ = 	snop;
	(pc) =	sbr.ind lr, $3  }
0x3a: {  	_ = 	snop  }
0x3b: {  	_ = 	snop  }
0x3c: {  	p2 =	seq.s32 s10, $0x1;
	s10 =	sld [smem:$0x3FB2]  }
0x3d: {  	_ =	shalt  }
0x3e: {  	_ =	shalt  }
0x3f: {  	_ =	shalt  }
0x40: {  	_ =	shalt  }
0x41: {  	_ =	shalt  }
0x42: {  	_ =	shalt  }
0x43: {  	_ =	shalt  }
0x44: {  	_ =	shalt  }
0x45: {  	_ =	shalt  }
0x46: {  	_ =	shalt  }
0x47: {  	_ =	shalt  }
0x48: {  	_ =	shalt  }
0x49: {  	_ =	shalt  }
0x4a: {  	_ =	shalt  }
0x4b: {  	_ =	shalt  }
0x4c: {  	_ =	shalt  }
0x4d: {  	_ =	shalt  }
0x4e: {  	_ =	shalt  }
0x4f: {  	_ =	shalt  }
0x50: {  	_ =	shalt  }
0x51: {  	_ =	shalt  }
0x52: {  	_ =	shalt  }
0x53: {  	_ =	shalt  }
0x54: {  	_ =	shalt  }
0x55: {  	_ =	shalt  }
0x56: {  	_ =	shalt  }
0x57: {  	_ =	shalt  }
0x58: {  	_ =	shalt  }
0x59: {  	_ =	shalt  }
0x5a: {  	_ =	shalt  }
0x5b: {  	_ =	shalt  }
0x5c: {  	_ =	shalt  }
0x5d: {  	_ =	shalt  }
0x5e: {  	_ =	shalt  }
0x5f: {  	_ =	shalt  }
0x60: {  	_ =	shalt  }
0x61: {  	_ =	shalt  }
0x62: {  	_ =	shalt  }
0x63: {  	_ =	shalt  }
0x64: {  	_ =	shalt  }
0x65: {  	_ =	shalt  }
0x66: {  	_ =	shalt  }
0x67: {  	_ =	shalt  }
0x68: {  	_ =	shalt  }
0x69: {  	_ =	shalt  }
0x6a: {  	_ =	shalt  }
0x6b: {  	_ =	shalt  }
0x6c: {  	_ =	shalt  }
0x6d: {  	_ =	shalt  }
0x6e: {  	_ =	shalt  }
0x6f: {  	_ =	shalt  }
0x70: {  	_ =	shalt  }
0x71: {  	_ =	shalt  }
0x72: {  	_ =	shalt  }
0x73: {  	_ =	shalt  }
0x74: {  	_ =	shalt  }
0x75: {  	_ =	shalt  }
0x76: {  	_ =	shalt  }
0x77: {  	_ =	shalt  }
0x78: {  	_ =	shalt  }
0x79: {  	_ =	shalt  }
0x7a: {  	_ =	shalt  }
0x7b: {  	_ =	shalt  }
0x7c: {  	_ =	shalt  }
0x7d: {  	_ =	shalt  }
0x7e: {  	_ =	shalt  }
0x7f: {  	_ =	shalt  }
0x80: {  	_ =	shalt  }
0x81: {  	_ =	shalt  }
0x82: {  	_ =	shalt  }
0x83: {  	_ =	shalt  }
0x84: {  	_ =	shalt  }
0x85: {  	_ =	shalt  }
0x86: {  	_ =	shalt  }
0x87: {  	_ =	shalt  }
.Lfunc_end0:
.L_simem_size_0:
called_computation.4_lowered:
.L_overlay_start_0:
0x88: {  	s0 =	sld [smem:$0x3FD9]  }
0x89: {  	s1 =	sld [smem:$0x3FFE];
	_ =	sdelay $0x3  }
0x8a: {  	s0 =	sadd.s32 s1, s0  }
0x8b: {  	[smem:$0x3FBE] =	sst s0  }
0x8c: {  	_ = 	snop  }
0x8d: {  	(tm) =	ssettm $0x1  }
0x8e: {  	s15 =	sld [smem:$0x3FFB];
	_ =	sdelay $0x3  }
0x8f: {  	_ =	strace s15  }
0x90: {  	s0 =	sld [smem:$0x3FFC];
	_ =	sdelay $0x3  }
0x91: {  	_ =	strace s0  }
0x92: {  	s0 =	sld [smem:$0x3FFD];
	_ =	sdelay $0x3  }
0x93: {  	_ =	strace s0  }
0x94: {  	_ =	strace $0x8FFFFFFF  }
0x95: {  	s16 =	sld [smem:$0x3FDB];
	_ =	sdelay $0x1  }
0x96: {  	s17 =	simm.s32 $_scs_section_size  }
0x97: {  	s2 =	simm.s32 $_size__tile_overlayer_lowered;
	s3 =	simm.s32 $_tile_overlayer_lowered  }
0x98: {  	s20 =	simm.s32 $0x1BFF;
	s19 =	sshll.u32 s3, $0x1;
	s0 =	sadd.s32 s17, s16  }
0x99: {  	s4 =	simm.s32 $0x0;
	s18 =	sshll.u32 s2, $0x1;
	s2 =	sadd.s32 s19, s0  }
0x9a: {  	[timem:s4], [sflag:s20] =	dma.local [hbm:s2], s18  }
0x9b: {  	_ =	swait.ge [sflag:s20], s18  }
0x9c: {  	s1 =	ssub.s32 $0x0, s18;
	[sflag:s20] =	ssyncset.done $0x0  }
0x9d: {  	[sflag:s20] =	ssyncadd.s32 s1;
	_ =	sdelay $0x1  }
0x9e: {  	s21 =	simm.s32 $0x1B8B  }
0x9f: {  	_ =	swait.ge [sflag:s21], $0x1  }
0xa0: {  	[sflag:s21] =	ssyncset.done $0x0  }
0xa1: {  	s23 =	simm.s32 $0x1B8E;
	s22 =	sld [smem:$0x3FFE];
	[sflag:s21] =	ssyncadd.s32 $0xFFFFFFFF  }
0xa2: {  	s24 =	simm.s32 $execute0_lowered;
	[smem:$0x3FD2] =	sst s23  }
0xa3: {  	s2 =	sshll.u32 s24, $0x1;
	_ =	strace $0x80000052;
	[dreg:$0x1] =	wrdreg $0xFFFFFFFF  }
0xa4: {  	s25 =	simm.s32 $_size_execute0_lowered;
	s0 =	sadd.s32 s0, s2;
	[dreg:$0x0] =	wrdreg $0x0  }
0xa5: {  	s2 =	sshll.u32 s25, $0x1;
	[dreg:$0x2] =	wrdreg s0  }
0xa6: {  	[dreg:$0x3] =	wrdreg s2  }
0xa7: {  	[dreg:$0x4] =	wrdreg $0xC0  }
0xa8: {  	_ =	task [dreg:s4], $0x5FFFF  }
0xa9: {  	[dreg:$0x1] =	wrdreg $0xFFFFFFFF  }
0xaa: {  	[dreg:$0x0] =	wrdreg $0x60  }
0xab: {  	[dreg:$0x2] =	wrdreg s22  }
0xac: {  	[dreg:$0x3] =	wrdreg $0x140000  }
0xad: {  	[dreg:$0x4] =	wrdreg $0x9  }
0xae: {  	_ =	task.clear_ibuf [dreg:s4], $0x5FFFF;
	_ =	strace $0x90000052  }
0xaf: {  	s26 =	simm.s32 $0x9;
	_ =	strace $0x80000054  }
0xb0: {  	_ =	swait.ge [sflag:s26], $0x1  }
0xb1: {  	[sflag:s26] =	ssyncadd.s32 $0xFFFFFFFF  }
0xb2: {  	_ =	strace $0x90000054  }
0xb3: {  	_ =	sfence  }
0xb4: {  	s28 =	sld [smem:$0x0];
	_ =	sdelay $0x1  }
0xb5: {  	s29 =	srdreg.scid  }
0xb6: {  	s30 =	sshll.u32 s29, $0xD;
	s31 =	sshrl.u32 s29, $0x2  }
0xb7: {  	s1 =	sand.u32 $0x1, s29;
	s2 =	sand.u32 $0x4000, s30;
	s0 =	sadd.s32 s31, s28  }
0xb8: {  	s1 =	sor.u32 s2, s1;
	s0 =	sshll.u32 s0, $0x11  }
0xb9: {  	s0 =	sor.u32 s0, s1  }
0xba: {  	s0 =	sadd.s32 $0x8F2B, s0  }
0xbb: {  	[sflag:s0] =	ssyncadd.remote.s32 $0x1  }
0xbc: {  	_ =	sfence.sel $0xFFFF  }
0xbd: {  	[dreg:$0x0] =	wrdreg $0xFFFFFFFF;
	(pc) =	sbr.abs _section_cstart, $3  }
0xbe: {  	[dreg:$0x1] =	wrdreg $0xFFFFFFFF  }
0xbf: {  	_ =	task.clear_ibuf [dreg:s4], $0x2FFFF;
	_ =	strace $0x9FFFFFFF  }
0xc0: {  	(tm) =	ssettm $0x7FFFFFFF  }
0xc1: {  	_ =	shalt  }
tec
execute0_lowered:
.L_overlay_start_1:
0x0: {  	(tag) =	ssettag $0x1  }
0x1: {  	s14 =	rddreg [dreg:$0x0];
	s1 =	stileid.u32  }
0x2: {  	s5 =	rddreg [dreg:$0x1];
	s12 =	simm.s32 $0x0;
	s3 =	smul.u32 $0xA00, s1  }
0x3: {  	[smem:$0x7FF] =	sst s12;
	s2 =	smul.u32 $0xA000, s1  }
0x4: {  	s0 =	rddreg [dreg:$0x2];
	s7 =	sadd.s32 $0x54C00, s14;
	_ =	strace $0x80000053  }
0x5: {  	s6 =	sadd.s32 s3, s14;
	s4 =	sadd.s32 s2, s5;
	s3 =	sshll.u32 s1, $0x6  }
0x6: {  	s8 =	sor.u32 $0x1C01, s3;
	s9 =	sadd.s32 $0xEC00, s6;
	s4 =	sshrl.u32 s4, $0x3  }
0x7: {  	[spmem:s4], [sflag:s8] =	dma.local [hbm:s7], $0x1400  }
0x8: {  	[tilespmem:s12], [sflag:$0x2] =	stream.linear.gather [hbm4b:s9+s12], $0x5000, $0x38;
	[tilespmem:$0x1E000] =	vst v63  }
0x9: {  	s29 =	simm.s32 $0x5000;
	s6 =	sadd.s32 $0x4C00, s6  }
0xa: {  	[tilespmem:s29], [sflag:$0x3] =	stream.linear.gather [hbm4b:s6+s12], $0x5000, $0x38;
	[tilespmem:$0x1E000] =	vst v63  }
0xb: {  	s6 =	simm.s32 $0x1  }
0xc: {  	_ =	swait.ge [sflag:s6], $0x1400  }
0xd: {  	[sflag:s6] =	ssyncset.done $0x0  }
0xe: {  	s7 =	simm.s32 $0x2;
	[sflag:s6] =	ssyncadd.s32 $0xFFFFEC00  }
0xf: {  	_ =	swait.ge [sflag:s7], $0x5000  }
0x10: {  	[sflag:s7] =	ssyncset.done $0x0  }
0x11: {  	s8 =	simm.s32 $0x3;
	[sflag:s7] =	ssyncadd.s32 $0xFFFFB000  }
0x12: {  	_ =	swait.ge [sflag:s8], $0x5000  }
0x13: {  	[sflag:s8] =	ssyncset.done $0x0  }
0x14: {  	s10 =	simm.s32 $0x80;
	[sflag:s8] =	ssyncadd.s32 $0xFFFFB000  }
0x15: {  	s11 =	simm.s32 $0xA000;
	s9 =	sadd.s32 $0x18C00, s14;
	[bflag:$0x0] =	sbarrier.arrive $0xFFFF  }
0x16: {  	[tilespmem:s11], [sflag:$0x1] =	stream.indirect.gather [hbm4b:s9+s10], $0x40, s12, s10, $0xb8;
	[tilespmem:$0x1E000] =	vst v63  }
0x17: {  	s12 =	simm.s32 $0xC000  }
0x18: {  	[tilespmem:s12], [sflag:$0x2] =	stream.indirect.gather [hbm4b:s9+s10], $0x40, s10, s10, $0xb8;
	[tilespmem:$0x1E000] =	vst v63  }
0x19: {  	s15 =	simm.s32 $0x100;
	s13 =	simm.s32 $0xE000  }
0x1a: {  	[tilespmem:s13], [sflag:$0x3] =	stream.indirect.gather [hbm4b:s9+s10], $0x40, s15, s10, $0xb8;
	[tilespmem:$0x1E000] =	vst v63  }
0x1b: {  	s16 =	simm.s32 $0x180;
	s15 =	simm.s32 $0x10000  }
0x1c: {  	[tilespmem:s15], [sflag:$0x4] =	stream.indirect.gather [hbm4b:s9+s10], $0x40, s16, s10, $0xb8;
	[tilespmem:$0x1E000] =	vst v63  }
0x1d: {  	s17 =	simm.s32 $0x200;
	s16 =	simm.s32 $0x12000  }
0x1e: {  	[tilespmem:s16], [sflag:$0x5] =	stream.indirect.gather [hbm4b:s9+s10], $0x40, s17, s10, $0xb8;
	[tilespmem:$0x1E000] =	vst v63  }
0x1f: {  	_ =	swait.ge [sflag:s6], $0x2000  }
0x20: {  	[sflag:s6] =	ssyncset.done $0x0  }
0x21: {  	s30 =	simm.s32 $0x5000;
	[sflag:s6] =	ssyncadd.s32 $0xFFFFE000  }
0x22: {  	[spmem:s5] =	stream.indirect.scatter.add.f32 [tilespmem:s11], [sflag:$0x6], $0x40, s30, s10, $0xb8;
	[tilespmem:$0x1E000] =	vst v63  }
0x23: {  	_ =	swait.ge [sflag:s7], $0x2000  }
0x24: {  	[sflag:s7] =	ssyncset.done $0x0  }
0x25: {  	s31 =	simm.s32 $0x5080;
	[sflag:s7] =	ssyncadd.s32 $0xFFFFE000  }
0x26: {  	[spmem:s5] =	stream.indirect.scatter.add.f32 [tilespmem:s12], [sflag:$0x7], $0x40, s31, s10, $0xb8;
	[tilespmem:$0x1E000] =	vst v63  }
0x27: {  	_ =	swait.ge [sflag:s8], $0x2000  }
0x28: {  	[sflag:s8] =	ssyncset.done $0x0  }
0x29: {  	s18 =	simm.s32 $0x5100;
	s17 =	simm.s32 $0x4;
	[sflag:s8] =	ssyncadd.s32 $0xFFFFE000  }
0x2a: {  	[spmem:s5] =	stream.indirect.scatter.add.f32 [tilespmem:s13], [sflag:$0x8], $0x40, s18, s10, $0xb8;
	[tilespmem:$0x1E000] =	vst v63  }
0x2b: {  	_ =	swait.ge [sflag:s17], $0x2000  }
0x2c: {  	[sflag:s17] =	ssyncset.done $0x0  }
0x2d: {  	s19 =	simm.s32 $0x5180;
	s18 =	simm.s32 $0x5;
	[sflag:s17] =	ssyncadd.s32 $0xFFFFE000  }
0x2e: {  	[spmem:s5] =	stream.indirect.scatter.add.f32 [tilespmem:s15], [sflag:$0x9], $0x40, s19, s10, $0xb8;
	[tilespmem:$0x1E000] =	vst v63  }
0x2f: {  	_ =	swait.ge [sflag:s18], $0x2000  }
0x30: {  	[sflag:s18] =	ssyncset.done $0x0  }
0x31: {  	s20 =	simm.s32 $0x5200;
	s19 =	simm.s32 $0x6;
	[sflag:s18] =	ssyncadd.s32 $0xFFFFE000  }
0x32: {  	[spmem:s5] =	stream.indirect.scatter.add.f32 [tilespmem:s16], [sflag:$0xA], $0x40, s20, s10, $0xb8;
	[tilespmem:$0x1E000] =	vst v63  }
0x33: {  	_ =	swait.ge [sflag:s19], $0x2000  }
0x34: {  	[sflag:s19] =	ssyncset.done $0x0  }
0x35: {  	s21 =	simm.s32 $0x280;
	s20 =	simm.s32 $0x7;
	[sflag:s19] =	ssyncadd.s32 $0xFFFFE000  }
0x36: {  	[tilespmem:s11], [sflag:$0x1] =	stream.indirect.gather [hbm4b:s9+s10], $0x40, s21, s10, $0xb8;
	[tilespmem:$0x1E000] =	vst v63  }
0x37: {  	_ =	swait.ge [sflag:s20], $0x2000  }
0x38: {  	[sflag:s20] =	ssyncset.done $0x0  }
0x39: {  	s22 =	simm.s32 $0x300;
	s21 =	simm.s32 $0x8;
	[sflag:s20] =	ssyncadd.s32 $0xFFFFE000  }
0x3a: {  	[tilespmem:s12], [sflag:$0x2] =	stream.indirect.gather [hbm4b:s9+s10], $0x40, s22, s10, $0xb8;
	[tilespmem:$0x1E000] =	vst v63  }
0x3b: {  	_ =	swait.ge [sflag:s21], $0x2000  }
0x3c: {  	[sflag:s21] =	ssyncset.done $0x0  }
0x3d: {  	s23 =	simm.s32 $0x380;
	s22 =	simm.s32 $0x9;
	[sflag:s21] =	ssyncadd.s32 $0xFFFFE000  }
0x3e: {  	[tilespmem:s13], [sflag:$0x3] =	stream.indirect.gather [hbm4b:s9+s10], $0x40, s23, s10, $0xb8;
	[tilespmem:$0x1E000] =	vst v63  }
0x3f: {  	_ =	swait.ge [sflag:s22], $0x2000  }
0x40: {  	[sflag:s22] =	ssyncset.done $0x0  }
0x41: {  	s24 =	simm.s32 $0x400;
	s23 =	simm.s32 $0xA;
	[sflag:s22] =	ssyncadd.s32 $0xFFFFE000  }
0x42: {  	[tilespmem:s15], [sflag:$0x4] =	stream.indirect.gather [hbm4b:s9+s10], $0x40, s24, s10, $0xb8;
	[tilespmem:$0x1E000] =	vst v63  }
0x43: {  	_ =	swait.ge [sflag:s23], $0x2000  }
0x44: {  	s25 =	simm.s32 $0x480;
	[sflag:s23] =	ssyncset.done $0x0  }
0x45: {  	s14 =	sadd.s32 $0x2CC00, s14;
	s24 =	simm.s32 $0xA00;
	[sflag:s23] =	ssyncadd.s32 $0xFFFFE000  }
.LBB2_1:
0x46: {  	[tilespmem:s16], [sflag:$0x5] =	stream.indirect.gather [hbm4b:s9+s10], $0x40, s25, s10, $0xb8;
	[tilespmem:$0x1E000] =	vst v63  }
0x47: {  	s25 =	smov.u32 s24  }
0x48: {  	p0 =	sne.s32 s24, $0x12C00;
	s24 =	sadd.s32 $0xA00, s24;
	_ =	swait.ge [sflag:s6], $0x2000  }
0x49: {  	s25 =	sshra.s32 s25, $0x2;
	[sflag:s6] =	ssyncset.done $0x0  }
0x4a: {  	s26 =	sadd.s32 $0x5000, s25;
	[sflag:s6] =	ssyncadd.s32 $0xFFFFE000  }
0x4b: {  	[spmem:s5] =	stream.indirect.scatter.add.f32 [tilespmem:s11], [sflag:$0x6], $0x40, s26, s10, $0xb8;
	[tilespmem:$0x1E000] =	vst v63  }
0x4c: {  	_ =	swait.ge [sflag:s7], $0x2000  }
0x4d: {  	[sflag:s7] =	ssyncset.done $0x0  }
0x4e: {  	s26 =	sadd.s32 $0x5080, s25;
	[sflag:s7] =	ssyncadd.s32 $0xFFFFE000  }
0x4f: {  	[spmem:s5] =	stream.indirect.scatter.add.f32 [tilespmem:s12], [sflag:$0x7], $0x40, s26, s10, $0xb8;
	[tilespmem:$0x1E000] =	vst v63  }
0x50: {  	_ =	swait.ge [sflag:s8], $0x2000  }
0x51: {  	[sflag:s8] =	ssyncset.done $0x0  }
0x52: {  	s26 =	sadd.s32 $0x5100, s25;
	[sflag:s8] =	ssyncadd.s32 $0xFFFFE000  }
0x53: {  	[spmem:s5] =	stream.indirect.scatter.add.f32 [tilespmem:s13], [sflag:$0x8], $0x40, s26, s10, $0xb8;
	[tilespmem:$0x1E000] =	vst v63  }
0x54: {  	_ =	swait.ge [sflag:s17], $0x2000  }
0x55: {  	[sflag:s17] =	ssyncset.done $0x0  }
0x56: {  	s26 =	sadd.s32 $0x5180, s25;
	[sflag:s17] =	ssyncadd.s32 $0xFFFFE000  }
0x57: {  	[spmem:s5] =	stream.indirect.scatter.add.f32 [tilespmem:s15], [sflag:$0x9], $0x40, s26, s10, $0xb8;
	[tilespmem:$0x1E000] =	vst v63  }
0x58: {  	_ =	swait.ge [sflag:s18], $0x2000  }
0x59: {  	[sflag:s18] =	ssyncset.done $0x0  }
0x5a: {  	s26 =	sadd.s32 $0x5200, s25;
	[sflag:s18] =	ssyncadd.s32 $0xFFFFE000  }
0x5b: {  	[spmem:s5] =	stream.indirect.scatter.add.f32 [tilespmem:s16], [sflag:$0xA], $0x40, s26, s10, $0xb8;
	[tilespmem:$0x1E000] =	vst v63  }
0x5c: {  	_ =	swait.ge [sflag:s19], $0x2000  }
0x5d: {  	[sflag:s19] =	ssyncset.done $0x0  }
0x5e: {  	s26 =	sadd.s32 $0x280, s25;
	[sflag:s19] =	ssyncadd.s32 $0xFFFFE000  }
0x5f: {  	[tilespmem:s11], [sflag:$0x1] =	stream.indirect.gather [hbm4b:s9+s10], $0x40, s26, s10, $0xb8;
	[tilespmem:$0x1E000] =	vst v63  }
0x60: {  	_ =	swait.ge [sflag:s20], $0x2000  }
0x61: {  	[sflag:s20] =	ssyncset.done $0x0  }
0x62: {  	s26 =	sadd.s32 $0x300, s25;
	[sflag:s20] =	ssyncadd.s32 $0xFFFFE000  }
0x63: {  	[tilespmem:s12], [sflag:$0x2] =	stream.indirect.gather [hbm4b:s9+s10], $0x40, s26, s10, $0xb8;
	[tilespmem:$0x1E000] =	vst v63  }
0x64: {  	_ =	swait.ge [sflag:s21], $0x2000  }
0x65: {  	[sflag:s21] =	ssyncset.done $0x0  }
0x66: {  	s26 =	sadd.s32 $0x380, s25;
	[sflag:s21] =	ssyncadd.s32 $0xFFFFE000  }
0x67: {  	[tilespmem:s13], [sflag:$0x3] =	stream.indirect.gather [hbm4b:s9+s10], $0x40, s26, s10, $0xb8;
	[tilespmem:$0x1E000] =	vst v63  }
0x68: {  	_ =	swait.ge [sflag:s22], $0x2000  }
0x69: {  	[sflag:s22] =	ssyncset.done $0x0  }
.Ltmp0:
0x6a: {  	s26 =	sadd.s32 $0x400, s25;
	[sflag:s22] =	ssyncadd.s32 $0xFFFFE000;
	(pc) =	sbr.rel @p0 .LBB2_1-.Ltmp0, $4  }
0x6b: {  	[tilespmem:s15], [sflag:$0x4] =	stream.indirect.gather [hbm4b:s9+s10], $0x40, s26, s10, $0xb8;
	[tilespmem:$0x1E000] =	vst v63  }
0x6c: {  	_ =	swait.ge [sflag:s23], $0x2000  }
0x6d: {  	[sflag:s23] =	ssyncset.done $0x0  }
0x6e: {  	s25 =	sadd.s32 $0x480, s25;
	[sflag:s23] =	ssyncadd.s32 $0xFFFFE000  }
0x6f: {  	[tilespmem:s16], [sflag:$0x5] =	stream.indirect.gather [hbm4b:s9+s10], $0x40, s25, s10, $0xb8;
	[tilespmem:$0x1E000] =	vst v63  }
0x70: {  	s6 =	simm.s32 $0x1  }
0x71: {  	_ =	swait.ge [sflag:s6], $0x2000  }
0x72: {  	s11 =	simm.s32 $0x80;
	s7 =	simm.s32 $0x9D80;
	[sflag:s6] =	ssyncset.done $0x0  }
0x73: {  	s8 =	simm.s32 $0xA000;
	s12 =	simm.s32 $0x2;
	[sflag:s6] =	ssyncadd.s32 $0xFFFFE000  }
0x74: {  	[spmem:s5] =	stream.indirect.scatter.add.f32 [tilespmem:s8], [sflag:$0x6], $0x40, s7, s11, $0xb8;
	[tilespmem:$0x1E000] =	vst v63  }
0x75: {  	_ =	swait.ge [sflag:s12], $0x2000  }
0x76: {  	s13 =	simm.s32 $0x9E00;
	[sflag:s12] =	ssyncset.done $0x0  }
0x77: {  	s15 =	simm.s32 $0xC000;
	s16 =	simm.s32 $0x3;
	[sflag:s12] =	ssyncadd.s32 $0xFFFFE000  }
0x78: {  	[spmem:s5] =	stream.indirect.scatter.add.f32 [tilespmem:s15], [sflag:$0x7], $0x40, s13, s11, $0xb8;
	[tilespmem:$0x1E000] =	vst v63  }
0x79: {  	_ =	swait.ge [sflag:s16], $0x2000  }
0x7a: {  	s17 =	simm.s32 $0x9E80;
	[sflag:s16] =	ssyncset.done $0x0  }
0x7b: {  	s18 =	simm.s32 $0xE000;
	s19 =	simm.s32 $0x4;
	[sflag:s16] =	ssyncadd.s32 $0xFFFFE000  }
0x7c: {  	[spmem:s5] =	stream.indirect.scatter.add.f32 [tilespmem:s18], [sflag:$0x8], $0x40, s17, s11, $0xb8;
	[tilespmem:$0x1E000] =	vst v63  }
0x7d: {  	_ =	swait.ge [sflag:s19], $0x2000  }
0x7e: {  	s20 =	simm.s32 $0x9F00;
	[sflag:s19] =	ssyncset.done $0x0  }
0x7f: {  	s21 =	simm.s32 $0x10000;
	s22 =	simm.s32 $0x5;
	[sflag:s19] =	ssyncadd.s32 $0xFFFFE000  }
0x80: {  	[spmem:s5] =	stream.indirect.scatter.add.f32 [tilespmem:s21], [sflag:$0x9], $0x40, s20, s11, $0xb8;
	[tilespmem:$0x1E000] =	vst v63  }
0x81: {  	_ =	swait.ge [sflag:s22], $0x2000  }
0x82: {  	s23 =	simm.s32 $0x9F80;
	[sflag:s22] =	ssyncset.done $0x0  }
0x83: {  	s24 =	simm.s32 $0x12000;
	s25 =	simm.s32 $0x6;
	[sflag:s22] =	ssyncadd.s32 $0xFFFFE000  }
0x84: {  	[spmem:s5] =	stream.indirect.scatter.add.f32 [tilespmem:s24], [sflag:$0xA], $0x40, s23, s11, $0xb8;
	[tilespmem:$0x1E000] =	vst v63  }
0x85: {  	_ =	swait.ge [sflag:s25], $0x2000  }
0x86: {  	[sflag:s25] =	ssyncset.done $0x0  }
0x87: {  	s26 =	simm.s32 $0x7;
	[sflag:s25] =	ssyncadd.s32 $0xFFFFE000  }
0x88: {  	_ =	swait.ge [sflag:s26], $0x2000  }
0x89: {  	[sflag:s26] =	ssyncset.done $0x0  }
0x8a: {  	s28 =	simm.s32 $0x8;
	[sflag:s26] =	ssyncadd.s32 $0xFFFFE000  }
0x8b: {  	_ =	swait.ge [sflag:s28], $0x2000  }
0x8c: {  	[sflag:s28] =	ssyncset.done $0x0  }
0x8d: {  	s29 =	simm.s32 $0x9;
	[sflag:s28] =	ssyncadd.s32 $0xFFFFE000  }
0x8e: {  	_ =	swait.ge [sflag:s29], $0x2000  }
0x8f: {  	[sflag:s29] =	ssyncset.done $0x0  }
0x90: {  	s30 =	simm.s32 $0xA;
	[sflag:s29] =	ssyncadd.s32 $0xFFFFE000  }
0x91: {  	_ =	swait.ge [sflag:s30], $0x2000  }
0x92: {  	[sflag:s30] =	ssyncset.done $0x0  }
0x93: {  	s2 =	sshrl.u32 s2, $0x3;
	s3 =	sor.u32 $0x1C0B, s3;
	[sflag:s30] =	ssyncadd.s32 $0xFFFFE000  }
0x94: {  	s31 =	simm.s32 $0xB;
	s2 =	sadd.s32 s14, s2;
	[bflag:$0x0] =	sbarrier.arrive $0xFFFF  }
0x95: {  	[hbm:s2], [sflag:s3] =	dma.local [spmem:s4], $0x1400  }
0x96: {  	_ =	swait.ge [sflag:s31], $0x1400  }
0x97: {  	[sflag:s31] =	ssyncset.done $0x0  }
0x98: {  	[sflag:s31] =	ssyncadd.s32 $0xFFFFEC00  }
0x99: {  	_ =	sfence.sel $0x180000  }
0x9a: {  	[bflag:$0x0] =	sbarrier.arrive $0xFFFF  }
0x9b: {  	p0 =	sne.s32 s1, $0x0;
	_ =	strace $0x90000053  }
0x9c: {  	s0 =	sadd.s32 @!p0 $0x100000, s0;
	[bflag:$0x2] =	sbarrier.arrive $0xFFFF  }
0x9d: {  	[sflag:s0] =	ssyncadd.tile.s32 @!p0 $0x1;
	_ =	shalt  }
.Lfunc_end2:
_tile_overlayer_lowered:
.L_overlay_start_2:
0x9e: {  	(tag) =	ssettag $0x2  }
0x9f: {  	s0 =	rddreg [dreg:$0x0];
	s2 =	stileid.u32  }
0xa0: {  	s1 =	rddreg [dreg:$0x1];
	p0 =	sne.s32 s2, $0x0  }
0xa1: {  	s3 =	rddreg [dreg:$0x2];
	[bflag:$0x3] =	sbarrier.arrive $0xFFFF;
	s2 =	simm.s32 @!p0 $0x1C0B  }
0xa2: {  	[timem:s3], [sflag:s2] =	dma.local @!p0 [hbm:s0], s1  }
0xa3: {  	s0 =	simm.s32 @!p0 $0xB  }
0xa4: {  	_ =	swait.ge @!p0 [sflag:s0], s1  }
0xa5: {  	s1 =	ssub.s32 @!p0 $0x0, s1;
	[sflag:s0] =	ssyncset.done @!p0 $0x0  }
0xa6: {  	[sflag:s0] =	ssyncadd.s32 @!p0 s1  }
0xa7: {  	[bflag:$0x3] =	sbarrier.arrive $0xFFFF  }
0xa8: {  	_ =	shalt  }

</sc_bundles>
